<compile_context>
chip_gen: v7x
topology: tpu7x:2x2x1
jax: 0.10.2.dev20260603
libtpu: 0.0.44.dev20260713+nightly
codegen_flags: <defaults>
</compile_context>

<pallas_src>
import functools

import jax
import jax.numpy as jnp
import numpy as np
from jax import lax
from jax.experimental import pallas as pl
from jax.experimental.pallas import tpu as pltpu
from jax.experimental.pallas import tpu_sc as plsc

NC, NS = 2, 16
NW = NC * NS
BATCH = 2048
NPTS = 128
NSEG = NPTS - 1
HW = 28
NPIX = HW * HW
LANES = 16
NCHUNK = BATCH // LANES
CPW = NCHUNK // NW
CWORDS = NPTS * LANES
BWORDS = NPIX * LANES
MSHIFT = 20

_EPS = np.float32(1e-7)
_PSET = np.float32(np.float32(1.0) - _EPS)
_A = np.float32(np.log(_EPS))
_B = np.float32(np.log(_PSET))
_A2 = np.float32(np.log(np.float32(np.float32(1.0) - _PSET)))

_MAGIC = np.zeros(32, np.int32)
for _d in range(1, HW):
    _MAGIC[_d] = (2**MSHIFT + _d - 1) // _d


def _sc_body(pxr, pyr, txr, tyr, bmr, magic_hbm, out_hbm,
             pxv0, pxv1, pyv0, pyv1, txv0, txv1, tyv0, tyv1,
             bmv0, bmv1, canvas, outv, magic_v,
             sem0, sem1):
    wid = lax.axis_index("c") * NS + lax.axis_index("s")

    lane = lax.iota(jnp.int32, LANES)
    zeros = jnp.zeros((LANES,), jnp.float32)
    ones = jnp.ones((LANES,), jnp.float32)

    pltpu.sync_copy(magic_hbm, magic_v)

    def zb(p, _):
        canvas[pl.ds(p * LANES, LANES)] = zeros
        return 0
    lax.fori_loop(0, NPIX, zb, 0)

    bufs = ((pxv0, pyv0, txv0, tyv0, bmv0, sem0),
            (pxv1, pyv1, txv1, tyv1, bmv1, sem1))

    def issue(j, buf):
        pxv, pyv, txv, tyv, bmv, sem = buf
        c = wid * CPW + j
        return (
            pltpu.async_copy(pxr.at[c], pxv, sem),
            pltpu.async_copy(pyr.at[c], pyv, sem),
            pltpu.async_copy(txr.at[c], txv, sem),
            pltpu.async_copy(tyr.at[c], tyv, sem),
            pltpu.async_copy(bmr.at[c], bmv, sem),
        )

    n_acc = zeros
    t_acc = zeros
    ta_acc = zeros
    mse_acc = zeros

    pending = issue(0, bufs[0])
    for j in range(CPW):
        pxv, pyv, txv, tyv, bmv, sem = bufs[j % 2]
        for h in pending:
            h.wait()
        if j + 1 < CPW:
            pending = issue(j + 1, bufs[(j + 1) % 2])

        def seg_body(k, _):
            o = k * LANES
            x0f = pxv[pl.ds(o, LANES)]
            y0f = pyv[pl.ds(o, LANES)]
            x1f = pxv[pl.ds(o + LANES, LANES)]
            y1f = pyv[pl.ds(o + LANES, LANES)]
            s = jnp.float32(HW - 1)
            x0 = (x0f * s).astype(jnp.int32)
            y0 = (y0f * s).astype(jnp.int32)
            x1 = (x1f * s).astype(jnp.int32)
            y1 = (y1f * s).astype(jnp.int32)

            steep = jnp.abs(y1 - y0) > jnp.abs(x1 - x0)
            ax0 = jnp.where(steep, y0, x0)
            ay0 = jnp.where(steep, x0, y0)
            ax1 = jnp.where(steep, y1, x1)
            ay1 = jnp.where(steep, x1, y1)
            swap = ax0 > ax1
            bx0 = jnp.where(swap, ax1, ax0)
            bx1 = jnp.where(swap, ax0, ax1)
            by0 = jnp.where(swap, ay1, ay0)
            by1 = jnp.where(swap, ay0, ay1)
            dx = bx1 - bx0
            dy = jnp.abs(by1 - by0)
            den = jnp.maximum(dx, 1)
            up = by0 < by1

            dyM = dy * plsc.load_gather(magic_v, [den])

            rr0 = jnp.where(steep, bx0, by0)
            cc0 = jnp.where(steep, by0, bx0)
            idx0 = (rr0 * HW + cc0) * LANES + lane
            step_x = jnp.where(steep, jnp.int32(HW * LANES), jnp.int32(LANES))
            sy_mag = jnp.where(steep, jnp.int32(LANES), jnp.int32(HW * LANES))
            step_y = jnp.where(up, sy_mag, -sy_mag)

            plsc.store_scatter(canvas, [idx0], ones)
            xacc = idx0
            for i in range(1, HW):
                xacc = xacc + step_x
                q = (dyM * i) >> MSHIFT
                m = dx >= i
                plsc.store_scatter(canvas, [xacc + q * step_y], ones, mask=m)
            return 0

        lax.fori_loop(0, NSEG, seg_body, 0)

        def red_body(p, accs):
            na, ta, taa = accs
            for u in range(4):
                q = p * (4 * LANES) + u * LANES
                cv = canvas[pl.ds(q, LANES)]
                canvas[pl.ds(q, LANES)] = zeros
                t = bmv[pl.ds(q, LANES)]
                na = na + cv
                ta = ta + cv * t
                taa = taa + t
            return (na, ta, taa)

        n_acc, t_acc, ta_acc = lax.fori_loop(
            0, NPIX // 4, red_body, (n_acc, t_acc, ta_acc))

        def mse_body(k, acc):
            for u in range(2):
                o = (k * 2 + u) * LANES
                d0 = pxv[pl.ds(o, LANES)] - txv[pl.ds(o, LANES)]
                d1 = pyv[pl.ds(o, LANES)] - tyv[pl.ds(o, LANES)]
                acc = acc + d0 * d0 + d1 * d1
            return acc

        mse_acc = lax.fori_loop(0, NPTS // 2, mse_body, mse_acc)

    outv[pl.ds(0, LANES)] = n_acc
    outv[pl.ds(LANES, LANES)] = t_acc
    outv[pl.ds(2 * LANES, LANES)] = ta_acc
    outv[pl.ds(3 * LANES, LANES)] = mse_acc
    pltpu.sync_copy(outv, out_hbm.at[wid])


@functools.partial(jax.jit, static_argnames=())
def kernel(pred_coords, target_coords, target_bitmap):
    def chunked(a):
        return a.reshape(NCHUNK, LANES, NPTS).transpose(0, 2, 1).reshape(
            NCHUNK, CWORDS)

    pxr = chunked(pred_coords[:, :, 0])
    pyr = chunked(pred_coords[:, :, 1])
    txr = chunked(target_coords[:, :, 0])
    tyr = chunked(target_coords[:, :, 1])
    bmr = target_bitmap.reshape(NCHUNK, LANES, NPIX).transpose(0, 2, 1).reshape(
        NCHUNK, BWORDS)
    magic = jnp.asarray(_MAGIC)

    mesh = plsc.VectorSubcoreMesh(
        core_axis_name="c", subcore_axis_name="s",
        num_cores=NC, num_subcores=NS)

    run = pl.kernel(
        _sc_body,
        out_type=jax.ShapeDtypeStruct((NW, 4 * LANES), jnp.float32),
        mesh=mesh,
        compiler_params=pltpu.CompilerParams(needs_layout_passes=False),
        scratch_types=[
            pltpu.VMEM((CWORDS,), jnp.float32),
            pltpu.VMEM((CWORDS,), jnp.float32),
            pltpu.VMEM((CWORDS,), jnp.float32),
            pltpu.VMEM((CWORDS,), jnp.float32),
            pltpu.VMEM((CWORDS,), jnp.float32),
            pltpu.VMEM((CWORDS,), jnp.float32),
            pltpu.VMEM((CWORDS,), jnp.float32),
            pltpu.VMEM((CWORDS,), jnp.float32),
            pltpu.VMEM((BWORDS,), jnp.float32),
            pltpu.VMEM((BWORDS,), jnp.float32),
            pltpu.VMEM((BWORDS,), jnp.float32),
            pltpu.VMEM((4 * LANES,), jnp.float32),
            pltpu.VMEM((32,), jnp.int32),
            pltpu.SemaphoreType.DMA,
            pltpu.SemaphoreType.DMA,
        ],
    )

    parts = run(pxr, pyr, txr, tyr, bmr, magic)
    parts = parts.reshape(NW, 4, LANES).sum(axis=(0, 2))
    n_set, t_set, t_all, sse = parts[0], parts[1], parts[2], parts[3]

    n_pix = np.float32(BATCH * NPIX)
    n_coord = np.float32(BATCH * NPTS * 2)
    coord_loss = sse / n_coord
    bce_sum = ((-_B) * n_pix - (_A - _B) * t_all
               + (_B - _A2) * n_set + (_A2 + _A - 2.0 * _B) * t_set)
    raster_loss = bce_sum / n_pix
    total_loss = (np.float32(1.0) * coord_loss
                  + np.float32(0.5) * raster_loss)
    return (coord_loss, raster_loss, total_loss)

# --- scband reference (transcript-rebuilt; emitter-appended) ---
"""Pipeline reference for scband-nimble-loss-17772574671032 (READ-ONLY COPY).

The authoritative reference and input builder live on the scoring server;
editing this copy changes nothing except your own understanding.
"""

import jax, jax.numpy as jnp
import numpy as np
from jax import lax

CANVAS = (28, 28)
COORD_WEIGHT = 1.0
RASTER_WEIGHT = 0.5


def _rasterize_line(x0, y0, x1, y1, canvas):
    dx = jnp.abs(x1 - x0)
    dy = jnp.abs(y1 - y0)

    def swap_points(x0, y0, x1, y1):
        return (y0, x0, y1, x1)

    steep = dy > dx
    x0, y0, x1, y1 = lax.cond(steep, lambda args: swap_points(*args), lambda args: args, (x0, y0, x1, y1))
    swap = x0 > x1
    x0, x1 = lax.cond(swap, lambda x: (x[1], x[0]), lambda x: x, (x0, x1))
    y0, y1 = lax.cond(swap, lambda y: (y[1], y[0]), lambda y: y, (y0, y1))
    dx = x1 - x0
    dy = jnp.abs(y1 - y0)
    ystep = jnp.where(y0 < y1, 1, -1)

    def plot_point(args):
        x, y, cv = args
        plot_x = lax.cond(steep, lambda: y, lambda: x)
        plot_y = lax.cond(steep, lambda: x, lambda: y)
        valid = (plot_x >= 0) & (plot_x < cv.shape[1]) & (plot_y >= 0) & (plot_y < cv.shape[0])
        return lax.cond(valid, lambda: cv.at[plot_y, plot_x].set(1.0), lambda: cv)

    def body_fn(i, state):
        x = x0 + i
        y = y0 + (ystep * dy * i / dx).astype(jnp.int32)
        return plot_point((x, y, state))

    canvas = lax.fori_loop(0, dx.astype(jnp.int32) + 1, body_fn, canvas)
    return canvas


def rasterize_strokes(coords):
    batch_size, num_points, _ = coords.shape
    H, W = CANVAS
    coords = coords * jnp.array([W - 1, H - 1], dtype=coords.dtype)
    coords = lax.stop_gradient(coords).astype(jnp.int32)

    def rasterize_single(coords_single):
        canvas = jnp.zeros(CANVAS, dtype=jnp.float32)

        def draw_segment(i, canvas):
            x0 = coords_single[i, 0]
            y0 = coords_single[i, 1]
            x1 = coords_single[i + 1, 0]
            y1 = coords_single[i + 1, 1]
            return _rasterize_line(x0, y0, x1, y1, canvas)

        return lax.fori_loop(0, num_points - 1, draw_segment, canvas)

    return jax.vmap(rasterize_single)(coords)


def setup_inputs(seed: int = 0) -> dict:
    key = jax.random.key(seed)
    k1, k2, k3 = jax.random.split(key, 3)
    pred_coords = jax.random.uniform(k1, (2048, 128, 2), dtype=jnp.float32)
    target_coords = jax.random.uniform(k2, (2048, 128, 2), dtype=jnp.float32)
    target_bitmap = jax.random.uniform(k3, (2048, 28, 28), dtype=jnp.float32)
    return {"pred_coords": pred_coords, "target_coords": target_coords, "target_bitmap": target_bitmap}


def reference(pred_coords, target_coords, target_bitmap):
    coord_loss = jnp.mean((pred_coords - target_coords) ** 2)
    pred_raster = rasterize_strokes(pred_coords)
    epsilon = 1e-07
    pred_raster = jnp.clip(pred_raster, epsilon, 1.0 - epsilon)
    bce = -(target_bitmap * jnp.log(pred_raster) + (1 - target_bitmap) * jnp.log(1 - pred_raster))
    raster_loss = jnp.mean(bce)
    total_loss = COORD_WEIGHT * coord_loss + RASTER_WEIGHT * raster_loss
    return (coord_loss, raster_loss, total_loss)

if __name__ == "__main__":
    import jax
    _d = setup_inputs()
    print(jax.jit(kernel)(*tuple(_d.values())))

</pallas_src>

<mosaic_0001>
#map = affine_map<(d0, d1) -> (0, 0)>
#map1 = affine_map<(d0, d1) -> (0)>
module attributes {stable_mosaic.version = 14 : i64} {
  func.func @_sc_body(%arg0: i32, %arg1: i32, %arg2: memref<128x2048xf32, #tpu.memory_space<hbm>>, %arg3: memref<128x2048xf32, #tpu.memory_space<hbm>>, %arg4: memref<128x2048xf32, #tpu.memory_space<hbm>>, %arg5: memref<128x2048xf32, #tpu.memory_space<hbm>>, %arg6: memref<128x12544xf32, #tpu.memory_space<hbm>>, %arg7: memref<32xi32, #tpu.memory_space<hbm>>, %arg8: memref<32x64xf32, #tpu.memory_space<hbm>>, %arg9: memref<2048xf32, #tpu.memory_space<vmem>>, %arg10: memref<2048xf32, #tpu.memory_space<vmem>>, %arg11: memref<2048xf32, #tpu.memory_space<vmem>>, %arg12: memref<2048xf32, #tpu.memory_space<vmem>>, %arg13: memref<2048xf32, #tpu.memory_space<vmem>>, %arg14: memref<2048xf32, #tpu.memory_space<vmem>>, %arg15: memref<2048xf32, #tpu.memory_space<vmem>>, %arg16: memref<2048xf32, #tpu.memory_space<vmem>>, %arg17: memref<12544xf32, #tpu.memory_space<vmem>>, %arg18: memref<12544xf32, #tpu.memory_space<vmem>>, %arg19: memref<12544xf32, #tpu.memory_space<vmem>>, %arg20: memref<64xf32, #tpu.memory_space<vmem>>, %arg21: memref<32xi32, #tpu.memory_space<vmem>>, %arg22: memref<!tpu.dma_semaphore, #tpu.memory_space<semaphore_mem>>, %arg23: memref<!tpu.dma_semaphore, #tpu.memory_space<semaphore_mem>>) attributes {dimension_semantics = [#tpu.dimension_semantics<core_parallel>, #tpu.dimension_semantics<subcore_parallel>], iteration_bounds = array<i64: 2, 16>, scalar_prefetch = 0 : i64, scratch_operands = 15 : i64, tpu.core_type = #tpu.core_type<sc_vector_subcore>, window_params = [{transform_indices = #map}, {transform_indices = #map}, {transform_indices = #map}, {transform_indices = #map}, {transform_indices = #map}, {transform_indices = #map1}, {transform_indices = #map}]} {
    %mul3A = arith.constant 16 : i32
    %mul3A_0 = arith.muli %arg0, %mul3A : i32
    %add3A = arith.addi %mul3A_0, %arg1 : i32
    %iota3A = tpu.iota {dimensions = array<i32: 0>} : vector<16xi32>
    %broadcast_in_dim3A = arith.constant 0.000000e+00 : f32
    %broadcast_in_dim3A_1 = vector.broadcast %broadcast_in_dim3A : f32 to vector<16xf32>
    %broadcast_in_dim3A_2 = arith.constant 1.000000e+00 : f32
    %broadcast_in_dim3A_3 = vector.broadcast %broadcast_in_dim3A_2 : f32 to vector<16xf32>
    "tpu.region"() ({
      %run_scoped3A = tpu.sem_alloc : memref<!tpu.dma_semaphore, #tpu.memory_space<semaphore_mem>>
      tpu.enqueue_dma source(%arg7 : memref<32xi32, #tpu.memory_space<hbm>>) target(%arg21 : memref<32xi32, #tpu.memory_space<vmem>>) target_semaphore(%run_scoped3A : memref<!tpu.dma_semaphore, #tpu.memory_space<semaphore_mem>>)
      tpu.wait_dma2 semaphore(%run_scoped3A : memref<!tpu.dma_semaphore, #tpu.memory_space<semaphore_mem>>) src(%arg7 : memref<32xi32, #tpu.memory_space<hbm>>) dst(%arg21 : memref<32xi32, #tpu.memory_space<vmem>>)
      tpu.yield
    }) : () -> ()
    %scan3A = arith.constant 0 : i32
    %scan3A_4 = arith.constant 0 : i32
    %scan3A_5 = arith.constant 784 : i32
    %scan3A_6 = arith.addi %scan3A_4, %scan3A_5 : i32
    %scan3A_7 = arith.constant 1 : i32
    %scan3A_8 = scf.for %scan3A_347 = %scan3A_4 to %scan3A_6 step %scan3A_7 iter_args(%scan3A_348 = %scan3A) -> (i32)  : i32 {
      %mul3A_349 = arith.constant 16 : i32
      %mul3A_350 = arith.muli %scan3A_347, %mul3A_349 : i32
      %swap3A_351 = arith.index_cast %mul3A_350 : i32 to index
      %swap3A_352 = tpu.vector_load %arg19[%swap3A_351] {strides = array<i32>} : memref<12544xf32, #tpu.memory_space<vmem>>, vector<16xf32>,
      tpu.vector_store %arg19[%swap3A_351], %broadcast_in_dim3A_1 {strides = array<i32>} : memref<12544xf32, #tpu.memory_space<vmem>>, vector<16xf32>,
      %scan3A_353 = arith.constant 0 : i32
      scf.yield %scan3A_353 : i32
    }
    %scan3A_9 = arith.constant 784 : i32
    %mul3A_10 = arith.constant 4 : i32
    %mul3A_11 = arith.muli %add3A, %mul3A_10 : i32
    %add3A_12 = arith.constant 0 : i32
    %add3A_13 = arith.addi %mul3A_11, %add3A_12 : i32
    %dma_start3A = arith.constant 0 : i32
    %dma_start3A_14 = tpu.memref_slice %arg2[%add3A_13, %dma_start3A] : memref<128x2048xf32, #tpu.memory_space<hbm>> -> memref<1x2048xf32, #tpu.memory_space<hbm>>
    %dma_start3A_15 = tpu.memref_squeeze %dma_start3A_14 : memref<1x2048xf32, #tpu.memory_space<hbm>> -> memref<2048xf32, #tpu.memory_space<hbm>>
    %dma_start3A_16 = arith.constant 0 : i32
    %dma_start3A_17 = tpu.memref_slice %arg2[%add3A_13, %dma_start3A_16] : memref<128x2048xf32, #tpu.memory_space<hbm>> -> memref<1x2048xf32, #tpu.memory_space<hbm>>
    %dma_start3A_18 = tpu.memref_squeeze %dma_start3A_17 : memref<1x2048xf32, #tpu.memory_space<hbm>> -> memref<2048xf32, #tpu.memory_space<hbm>>
    tpu.enqueue_dma source(%dma_start3A_18 : memref<2048xf32, #tpu.memory_space<hbm>>) target(%arg9 : memref<2048xf32, #tpu.memory_space<vmem>>) target_semaphore(%arg22 : memref<!tpu.dma_semaphore, #tpu.memory_space<semaphore_mem>>)
    %dma_start3A_19 = arith.constant 0 : i32
    %dma_start3A_20 = tpu.memref_slice %arg3[%add3A_13, %dma_start3A_19] : memref<128x2048xf32, #tpu.memory_space<hbm>> -> memref<1x2048xf32, #tpu.memory_space<hbm>>
    %dma_start3A_21 = tpu.memref_squeeze %dma_start3A_20 : memref<1x2048xf32, #tpu.memory_space<hbm>> -> memref<2048xf32, #tpu.memory_space<hbm>>
    %dma_start3A_22 = arith.constant 0 : i32
    %dma_start3A_23 = tpu.memref_slice %arg3[%add3A_13, %dma_start3A_22] : memref<128x2048xf32, #tpu.memory_space<hbm>> -> memref<1x2048xf32, #tpu.memory_space<hbm>>
    %dma_start3A_24 = tpu.memref_squeeze %dma_start3A_23 : memref<1x2048xf32, #tpu.memory_space<hbm>> -> memref<2048xf32, #tpu.memory_space<hbm>>
    tpu.enqueue_dma source(%dma_start3A_24 : memref<2048xf32, #tpu.memory_space<hbm>>) target(%arg11 : memref<2048xf32, #tpu.memory_space<vmem>>) target_semaphore(%arg22 : memref<!tpu.dma_semaphore, #tpu.memory_space<semaphore_mem>>)
    %dma_start3A_25 = arith.constant 0 : i32
    %dma_start3A_26 = tpu.memref_slice %arg4[%add3A_13, %dma_start3A_25] : memref<128x2048xf32, #tpu.memory_space<hbm>> -> memref<1x2048xf32, #tpu.memory_space<hbm>>
    %dma_start3A_27 = tpu.memref_squeeze %dma_start3A_26 : memref<1x2048xf32, #tpu.memory_space<hbm>> -> memref<2048xf32, #tpu.memory_space<hbm>>
    %dma_start3A_28 = arith.constant 0 : i32
    %dma_start3A_29 = tpu.memref_slice %arg4[%add3A_13, %dma_start3A_28] : memref<128x2048xf32, #tpu.memory_space<hbm>> -> memref<1x2048xf32, #tpu.memory_space<hbm>>
    %dma_start3A_30 = tpu.memref_squeeze %dma_start3A_29 : memref<1x2048xf32, #tpu.memory_space<hbm>> -> memref<2048xf32, #tpu.memory_space<hbm>>
    tpu.enqueue_dma source(%dma_start3A_30 : memref<2048xf32, #tpu.memory_space<hbm>>) target(%arg13 : memref<2048xf32, #tpu.memory_space<vmem>>) target_semaphore(%arg22 : memref<!tpu.dma_semaphore, #tpu.memory_space<semaphore_mem>>)
    %dma_start3A_31 = arith.constant 0 : i32
    %dma_start3A_32 = tpu.memref_slice %arg5[%add3A_13, %dma_start3A_31] : memref<128x2048xf32, #tpu.memory_space<hbm>> -> memref<1x2048xf32, #tpu.memory_space<hbm>>
    %dma_start3A_33 = tpu.memref_squeeze %dma_start3A_32 : memref<1x2048xf32, #tpu.memory_space<hbm>> -> memref<2048xf32, #tpu.memory_space<hbm>>
    %dma_start3A_34 = arith.constant 0 : i32
    %dma_start3A_35 = tpu.memref_slice %arg5[%add3A_13, %dma_start3A_34] : memref<128x2048xf32, #tpu.memory_space<hbm>> -> memref<1x2048xf32, #tpu.memory_space<hbm>>
    %dma_start3A_36 = tpu.memref_squeeze %dma_start3A_35 : memref<1x2048xf32, #tpu.memory_space<hbm>> -> memref<2048xf32, #tpu.memory_space<hbm>>
    tpu.enqueue_dma source(%dma_start3A_36 : memref<2048xf32, #tpu.memory_space<hbm>>) target(%arg15 : memref<2048xf32, #tpu.memory_space<vmem>>) target_semaphore(%arg22 : memref<!tpu.dma_semaphore, #tpu.memory_space<semaphore_mem>>)
    %dma_start3A_37 = arith.constant 0 : i32
    %dma_start3A_38 = tpu.memref_slice %arg6[%add3A_13, %dma_start3A_37] : memref<128x12544xf32, #tpu.memory_space<hbm>> -> memref<1x12544xf32, #tpu.memory_space<hbm>>
    %dma_start3A_39 = tpu.memref_squeeze %dma_start3A_38 : memref<1x12544xf32, #tpu.memory_space<hbm>> -> memref<12544xf32, #tpu.memory_space<hbm>>
    %dma_start3A_40 = arith.constant 0 : i32
    %dma_start3A_41 = tpu.memref_slice %arg6[%add3A_13, %dma_start3A_40] : memref<128x12544xf32, #tpu.memory_space<hbm>> -> memref<1x12544xf32, #tpu.memory_space<hbm>>
    %dma_start3A_42 = tpu.memref_squeeze %dma_start3A_41 : memref<1x12544xf32, #tpu.memory_space<hbm>> -> memref<12544xf32, #tpu.memory_space<hbm>>
    tpu.enqueue_dma source(%dma_start3A_42 : memref<12544xf32, #tpu.memory_space<hbm>>) target(%arg17 : memref<12544xf32, #tpu.memory_space<vmem>>) target_semaphore(%arg22 : memref<!tpu.dma_semaphore, #tpu.memory_space<semaphore_mem>>)
    %dma_wait3A = arith.constant 0 : i32
    %dma_wait3A_43 = tpu.memref_slice %arg2[%add3A_13, %dma_wait3A] : memref<128x2048xf32, #tpu.memory_space<hbm>> -> memref<1x2048xf32, #tpu.memory_space<hbm>>
    %dma_wait3A_44 = tpu.memref_squeeze %dma_wait3A_43 : memref<1x2048xf32, #tpu.memory_space<hbm>> -> memref<2048xf32, #tpu.memory_space<hbm>>
    %dma_wait3A_45 = arith.constant 0 : i32
    %dma_wait3A_46 = tpu.memref_slice %arg2[%add3A_13, %dma_wait3A_45] : memref<128x2048xf32, #tpu.memory_space<hbm>> -> memref<1x2048xf32, #tpu.memory_space<hbm>>
    %dma_wait3A_47 = tpu.memref_squeeze %dma_wait3A_46 : memref<1x2048xf32, #tpu.memory_space<hbm>> -> memref<2048xf32, #tpu.memory_space<hbm>>
    tpu.wait_dma2 semaphore(%arg22 : memref<!tpu.dma_semaphore, #tpu.memory_space<semaphore_mem>>) src(%dma_wait3A_47 : memref<2048xf32, #tpu.memory_space<hbm>>) dst(%arg9 : memref<2048xf32, #tpu.memory_space<vmem>>)
    %dma_wait3A_48 = arith.constant 0 : i32
    %dma_wait3A_49 = tpu.memref_slice %arg3[%add3A_13, %dma_wait3A_48] : memref<128x2048xf32, #tpu.memory_space<hbm>> -> memref<1x2048xf32, #tpu.memory_space<hbm>>
    %dma_wait3A_50 = tpu.memref_squeeze %dma_wait3A_49 : memref<1x2048xf32, #tpu.memory_space<hbm>> -> memref<2048xf32, #tpu.memory_space<hbm>>
    %dma_wait3A_51 = arith.constant 0 : i32
    %dma_wait3A_52 = tpu.memref_slice %arg3[%add3A_13, %dma_wait3A_51] : memref<128x2048xf32, #tpu.memory_space<hbm>> -> memref<1x2048xf32, #tpu.memory_space<hbm>>
    %dma_wait3A_53 = tpu.memref_squeeze %dma_wait3A_52 : memref<1x2048xf32, #tpu.memory_space<hbm>> -> memref<2048xf32, #tpu.memory_space<hbm>>
    tpu.wait_dma2 semaphore(%arg22 : memref<!tpu.dma_semaphore, #tpu.memory_space<semaphore_mem>>) src(%dma_wait3A_53 : memref<2048xf32, #tpu.memory_space<hbm>>) dst(%arg11 : memref<2048xf32, #tpu.memory_space<vmem>>)
    %dma_wait3A_54 = arith.constant 0 : i32
    %dma_wait3A_55 = tpu.memref_slice %arg4[%add3A_13, %dma_wait3A_54] : memref<128x2048xf32, #tpu.memory_space<hbm>> -> memref<1x2048xf32, #tpu.memory_space<hbm>>
    %dma_wait3A_56 = tpu.memref_squeeze %dma_wait3A_55 : memref<1x2048xf32, #tpu.memory_space<hbm>> -> memref<2048xf32, #tpu.memory_space<hbm>>
    %dma_wait3A_57 = arith.constant 0 : i32
    %dma_wait3A_58 = tpu.memref_slice %arg4[%add3A_13, %dma_wait3A_57] : memref<128x2048xf32, #tpu.memory_space<hbm>> -> memref<1x2048xf32, #tpu.memory_space<hbm>>
    %dma_wait3A_59 = tpu.memref_squeeze %dma_wait3A_58 : memref<1x2048xf32, #tpu.memory_space<hbm>> -> memref<2048xf32, #tpu.memory_space<hbm>>
    tpu.wait_dma2 semaphore(%arg22 : memref<!tpu.dma_semaphore, #tpu.memory_space<semaphore_mem>>) src(%dma_wait3A_59 : memref<2048xf32, #tpu.memory_space<hbm>>) dst(%arg13 : memref<2048xf32, #tpu.memory_space<vmem>>)
    %dma_wait3A_60 = arith.constant 0 : i32
    %dma_wait3A_61 = tpu.memref_slice %arg5[%add3A_13, %dma_wait3A_60] : memref<128x2048xf32, #tpu.memory_space<hbm>> -> memref<1x2048xf32, #tpu.memory_space<hbm>>
    %dma_wait3A_62 = tpu.memref_squeeze %dma_wait3A_61 : memref<1x2048xf32, #tpu.memory_space<hbm>> -> memref<2048xf32, #tpu.memory_space<hbm>>
    %dma_wait3A_63 = arith.constant 0 : i32
    %dma_wait3A_64 = tpu.memref_slice %arg5[%add3A_13, %dma_wait3A_63] : memref<128x2048xf32, #tpu.memory_space<hbm>> -> memref<1x2048xf32, #tpu.memory_space<hbm>>
    %dma_wait3A_65 = tpu.memref_squeeze %dma_wait3A_64 : memref<1x2048xf32, #tpu.memory_space<hbm>> -> memref<2048xf32, #tpu.memory_space<hbm>>
    tpu.wait_dma2 semaphore(%arg22 : memref<!tpu.dma_semaphore, #tpu.memory_space<semaphore_mem>>) src(%dma_wait3A_65 : memref<2048xf32, #tpu.memory_space<hbm>>) dst(%arg15 : memref<2048xf32, #tpu.memory_space<vmem>>)
    %dma_wait3A_66 = arith.constant 0 : i32
    %dma_wait3A_67 = tpu.memref_slice %arg6[%add3A_13, %dma_wait3A_66] : memref<128x12544xf32, #tpu.memory_space<hbm>> -> memref<1x12544xf32, #tpu.memory_space<hbm>>
    %dma_wait3A_68 = tpu.memref_squeeze %dma_wait3A_67 : memref<1x12544xf32, #tpu.memory_space<hbm>> -> memref<12544xf32, #tpu.memory_space<hbm>>
    %dma_wait3A_69 = arith.constant 0 : i32
    %dma_wait3A_70 = tpu.memref_slice %arg6[%add3A_13, %dma_wait3A_69] : memref<128x12544xf32, #tpu.memory_space<hbm>> -> memref<1x12544xf32, #tpu.memory_space<hbm>>
    %dma_wait3A_71 = tpu.memref_squeeze %dma_wait3A_70 : memref<1x12544xf32, #tpu.memory_space<hbm>> -> memref<12544xf32, #tpu.memory_space<hbm>>
    tpu.wait_dma2 semaphore(%arg22 : memref<!tpu.dma_semaphore, #tpu.memory_space<semaphore_mem>>) src(%dma_wait3A_71 : memref<12544xf32, #tpu.memory_space<hbm>>) dst(%arg17 : memref<12544xf32, #tpu.memory_space<vmem>>)
    %mul3A_72 = arith.constant 4 : i32
    %mul3A_73 = arith.muli %add3A, %mul3A_72 : i32
    %add3A_74 = arith.constant 1 : i32
    %add3A_75 = arith.addi %mul3A_73, %add3A_74 : i32
    %dma_start3A_76 = arith.constant 0 : i32
    %dma_start3A_77 = tpu.memref_slice %arg2[%add3A_75, %dma_start3A_76] : memref<128x2048xf32, #tpu.memory_space<hbm>> -> memref<1x2048xf32, #tpu.memory_space<hbm>>
    %dma_start3A_78 = tpu.memref_squeeze %dma_start3A_77 : memref<1x2048xf32, #tpu.memory_space<hbm>> -> memref<2048xf32, #tpu.memory_space<hbm>>
    %dma_start3A_79 = arith.constant 0 : i32
    %dma_start3A_80 = tpu.memref_slice %arg2[%add3A_75, %dma_start3A_79] : memref<128x2048xf32, #tpu.memory_space<hbm>> -> memref<1x2048xf32, #tpu.memory_space<hbm>>
    %dma_start3A_81 = tpu.memref_squeeze %dma_start3A_80 : memref<1x2048xf32, #tpu.memory_space<hbm>> -> memref<2048xf32, #tpu.memory_space<hbm>>
    tpu.enqueue_dma source(%dma_start3A_81 : memref<2048xf32, #tpu.memory_space<hbm>>) target(%arg10 : memref<2048xf32, #tpu.memory_space<vmem>>) target_semaphore(%arg23 : memref<!tpu.dma_semaphore, #tpu.memory_space<semaphore_mem>>)
    %dma_start3A_82 = arith.constant 0 : i32
    %dma_start3A_83 = tpu.memref_slice %arg3[%add3A_75, %dma_start3A_82] : memref<128x2048xf32, #tpu.memory_space<hbm>> -> memref<1x2048xf32, #tpu.memory_space<hbm>>
    %dma_start3A_84 = tpu.memref_squeeze %dma_start3A_83 : memref<1x2048xf32, #tpu.memory_space<hbm>> -> memref<2048xf32, #tpu.memory_space<hbm>>
    %dma_start3A_85 = arith.constant 0 : i32
    %dma_start3A_86 = tpu.memref_slice %arg3[%add3A_75, %dma_start3A_85] : memref<128x2048xf32, #tpu.memory_space<hbm>> -> memref<1x2048xf32, #tpu.memory_space<hbm>>
    %dma_start3A_87 = tpu.memref_squeeze %dma_start3A_86 : memref<1x2048xf32, #tpu.memory_space<hbm>> -> memref<2048xf32, #tpu.memory_space<hbm>>
    tpu.enqueue_dma source(%dma_start3A_87 : memref<2048xf32, #tpu.memory_space<hbm>>) target(%arg12 : memref<2048xf32, #tpu.memory_space<vmem>>) target_semaphore(%arg23 : memref<!tpu.dma_semaphore, #tpu.memory_space<semaphore_mem>>)
    %dma_start3A_88 = arith.constant 0 : i32
    %dma_start3A_89 = tpu.memref_slice %arg4[%add3A_75, %dma_start3A_88] : memref<128x2048xf32, #tpu.memory_space<hbm>> -> memref<1x2048xf32, #tpu.memory_space<hbm>>
    %dma_start3A_90 = tpu.memref_squeeze %dma_start3A_89 : memref<1x2048xf32, #tpu.memory_space<hbm>> -> memref<2048xf32, #tpu.memory_space<hbm>>
    %dma_start3A_91 = arith.constant 0 : i32
    %dma_start3A_92 = tpu.memref_slice %arg4[%add3A_75, %dma_start3A_91] : memref<128x2048xf32, #tpu.memory_space<hbm>> -> memref<1x2048xf32, #tpu.memory_space<hbm>>
    %dma_start3A_93 = tpu.memref_squeeze %dma_start3A_92 : memref<1x2048xf32, #tpu.memory_space<hbm>> -> memref<2048xf32, #tpu.memory_space<hbm>>
    tpu.enqueue_dma source(%dma_start3A_93 : memref<2048xf32, #tpu.memory_space<hbm>>) target(%arg14 : memref<2048xf32, #tpu.memory_space<vmem>>) target_semaphore(%arg23 : memref<!tpu.dma_semaphore, #tpu.memory_space<semaphore_mem>>)
    %dma_start3A_94 = arith.constant 0 : i32
    %dma_start3A_95 = tpu.memref_slice %arg5[%add3A_75, %dma_start3A_94] : memref<128x2048xf32, #tpu.memory_space<hbm>> -> memref<1x2048xf32, #tpu.memory_space<hbm>>
    %dma_start3A_96 = tpu.memref_squeeze %dma_start3A_95 : memref<1x2048xf32, #tpu.memory_space<hbm>> -> memref<2048xf32, #tpu.memory_space<hbm>>
    %dma_start3A_97 = arith.constant 0 : i32
    %dma_start3A_98 = tpu.memref_slice %arg5[%add3A_75, %dma_start3A_97] : memref<128x2048xf32, #tpu.memory_space<hbm>> -> memref<1x2048xf32, #tpu.memory_space<hbm>>
    %dma_start3A_99 = tpu.memref_squeeze %dma_start3A_98 : memref<1x2048xf32, #tpu.memory_space<hbm>> -> memref<2048xf32, #tpu.memory_space<hbm>>
    tpu.enqueue_dma source(%dma_start3A_99 : memref<2048xf32, #tpu.memory_space<hbm>>) target(%arg16 : memref<2048xf32, #tpu.memory_space<vmem>>) target_semaphore(%arg23 : memref<!tpu.dma_semaphore, #tpu.memory_space<semaphore_mem>>)
    %dma_start3A_100 = arith.constant 0 : i32
    %dma_start3A_101 = tpu.memref_slice %arg6[%add3A_75, %dma_start3A_100] : memref<128x12544xf32, #tpu.memory_space<hbm>> -> memref<1x12544xf32, #tpu.memory_space<hbm>>
    %dma_start3A_102 = tpu.memref_squeeze %dma_start3A_101 : memref<1x12544xf32, #tpu.memory_space<hbm>> -> memref<12544xf32, #tpu.memory_space<hbm>>
    %dma_start3A_103 = arith.constant 0 : i32
    %dma_start3A_104 = tpu.memref_slice %arg6[%add3A_75, %dma_start3A_103] : memref<128x12544xf32, #tpu.memory_space<hbm>> -> memref<1x12544xf32, #tpu.memory_space<hbm>>
    %dma_start3A_105 = tpu.memref_squeeze %dma_start3A_104 : memref<1x12544xf32, #tpu.memory_space<hbm>> -> memref<12544xf32, #tpu.memory_space<hbm>>
    tpu.enqueue_dma source(%dma_start3A_105 : memref<12544xf32, #tpu.memory_space<hbm>>) target(%arg18 : memref<12544xf32, #tpu.memory_space<vmem>>) target_semaphore(%arg23 : memref<!tpu.dma_semaphore, #tpu.memory_space<semaphore_mem>>)
    %scan3A_106 = arith.constant 0 : i32
    %scan3A_107 = arith.constant 0 : i32
    %scan3A_108 = arith.constant 127 : i32
    %scan3A_109 = arith.addi %scan3A_107, %scan3A_108 : i32
    %scan3A_110 = arith.constant 1 : i32
    %scan3A_111 = scf.for %scan3A_347 = %scan3A_107 to %scan3A_109 step %scan3A_110 iter_args(%scan3A_348 = %scan3A_106) -> (i32)  : i32 {
      %mul3A_349 = arith.constant 16 : i32
      %mul3A_350 = arith.muli %scan3A_347, %mul3A_349 : i32
      %get3A = arith.index_cast %mul3A_350 : i32 to index
      %get3A_351 = tpu.vector_load %arg9[%get3A] {strides = array<i32>} : memref<2048xf32, #tpu.memory_space<vmem>>, vector<16xf32>,
      %get3A_352 = arith.index_cast %mul3A_350 : i32 to index
      %get3A_353 = tpu.vector_load %arg11[%get3A_352] {strides = array<i32>} : memref<2048xf32, #tpu.memory_space<vmem>>, vector<16xf32>,
      %add3A_354 = arith.constant 16 : i32
      %add3A_355 = arith.addi %mul3A_350, %add3A_354 : i32
      %get3A_356 = arith.index_cast %add3A_355 : i32 to index
      %get3A_357 = tpu.vector_load %arg9[%get3A_356] {strides = array<i32>} : memref<2048xf32, #tpu.memory_space<vmem>>, vector<16xf32>,
      %add3A_358 = arith.constant 16 : i32
      %add3A_359 = arith.addi %mul3A_350, %add3A_358 : i32
      %get3A_360 = arith.index_cast %add3A_359 : i32 to index
      %get3A_361 = tpu.vector_load %arg11[%get3A_360] {strides = array<i32>} : memref<2048xf32, #tpu.memory_space<vmem>>, vector<16xf32>,
      %mul3A_362 = arith.constant 2.700000e+01 : f32
      %mul3A_363 = vector.broadcast %mul3A_362 : f32 to vector<16xf32>
      %mul3A_364 = arith.mulf %get3A_351, %mul3A_363 : vector<16xf32>
      %convert_element_type3A = arith.fptosi %mul3A_364 : vector<16xf32> to vector<16xi32>
      %mul3A_365 = arith.constant 2.700000e+01 : f32
      %mul3A_366 = vector.broadcast %mul3A_365 : f32 to vector<16xf32>
      %mul3A_367 = arith.mulf %get3A_353, %mul3A_366 : vector<16xf32>
      %convert_element_type3A_368 = arith.fptosi %mul3A_367 : vector<16xf32> to vector<16xi32>
      %mul3A_369 = arith.constant 2.700000e+01 : f32
      %mul3A_370 = vector.broadcast %mul3A_369 : f32 to vector<16xf32>
      %mul3A_371 = arith.mulf %get3A_357, %mul3A_370 : vector<16xf32>
      %convert_element_type3A_372 = arith.fptosi %mul3A_371 : vector<16xf32> to vector<16xi32>
      %mul3A_373 = arith.constant 2.700000e+01 : f32
      %mul3A_374 = vector.broadcast %mul3A_373 : f32 to vector<16xf32>
      %mul3A_375 = arith.mulf %get3A_361, %mul3A_374 : vector<16xf32>
      %convert_element_type3A_376 = arith.fptosi %mul3A_375 : vector<16xf32> to vector<16xi32>
      %sub3A = arith.subi %convert_element_type3A_376, %convert_element_type3A_368 : vector<16xi32>
      %abs3A = math.absi %sub3A : vector<16xi32>
      %sub3A_377 = arith.subi %convert_element_type3A_372, %convert_element_type3A : vector<16xi32>
      %abs3A_378 = math.absi %sub3A_377 : vector<16xi32>
      %gt3A = arith.cmpi sgt, %abs3A, %abs3A_378 : vector<16xi32>
      %select_n3A = arith.select %gt3A, %convert_element_type3A_368, %convert_element_type3A : vector<16xi1>, vector<16xi32>
      %select_n3A_379 = arith.select %gt3A, %convert_element_type3A, %convert_element_type3A_368 : vector<16xi1>, vector<16xi32>
      %select_n3A_380 = arith.select %gt3A, %convert_element_type3A_376, %convert_element_type3A_372 : vector<16xi1>, vector<16xi32>
      %select_n3A_381 = arith.select %gt3A, %convert_element_type3A_372, %convert_element_type3A_376 : vector<16xi1>, vector<16xi32>
      %gt3A_382 = arith.cmpi sgt, %select_n3A, %select_n3A_380 : vector<16xi32>
      %select_n3A_383 = arith.select %gt3A_382, %select_n3A_380, %select_n3A : vector<16xi1>, vector<16xi32>
      %select_n3A_384 = arith.select %gt3A_382, %select_n3A, %select_n3A_380 : vector<16xi1>, vector<16xi32>
      %select_n3A_385 = arith.select %gt3A_382, %select_n3A_381, %select_n3A_379 : vector<16xi1>, vector<16xi32>
      %select_n3A_386 = arith.select %gt3A_382, %select_n3A_379, %select_n3A_381 : vector<16xi1>, vector<16xi32>
      %sub3A_387 = arith.subi %select_n3A_384, %select_n3A_383 : vector<16xi32>
      %sub3A_388 = arith.subi %select_n3A_386, %select_n3A_385 : vector<16xi32>
      %abs3A_389 = math.absi %sub3A_388 : vector<16xi32>
      %max3A = arith.constant 1 : i32
      %max3A_390 = vector.broadcast %max3A : i32 to vector<16xi32>
      %max3A_391 = arith.maxsi %sub3A_387, %max3A_390 : vector<16xi32>
      %lt3A = arith.cmpi slt, %select_n3A_385, %select_n3A_386 : vector<16xi32>
      %gather3A = tpu.vector_load_idx %arg21[%max3A_391] : memref<32xi32, #tpu.memory_space<vmem>>[vector<16xi32>], vector<16xi32>,
      %mul3A_392 = arith.muli %abs3A_389, %gather3A : vector<16xi32>
      %select_n3A_393 = arith.select %gt3A, %select_n3A_383, %select_n3A_385 : vector<16xi1>, vector<16xi32>
      %select_n3A_394 = arith.select %gt3A, %select_n3A_385, %select_n3A_383 : vector<16xi1>, vector<16xi32>
      %mul3A_395 = arith.constant 28 : i32
      %mul3A_396 = vector.broadcast %mul3A_395 : i32 to vector<16xi32>
      %mul3A_397 = arith.muli %select_n3A_393, %mul3A_396 : vector<16xi32>
      %add3A_398 = arith.addi %mul3A_397, %select_n3A_394 : vector<16xi32>
      %mul3A_399 = arith.constant 16 : i32
      %mul3A_400 = vector.broadcast %mul3A_399 : i32 to vector<16xi32>
      %mul3A_401 = arith.muli %add3A_398, %mul3A_400 : vector<16xi32>
      %add3A_402 = arith.addi %mul3A_401, %iota3A : vector<16xi32>
      %jit3A = arith.constant 448 : i32
      %jit3A_403 = arith.constant 16 : i32
      %broadcast_in_dim3A_404 = vector.broadcast %jit3A : i32 to vector<16xi32>
      %broadcast_in_dim3A_405 = vector.broadcast %jit3A_403 : i32 to vector<16xi32>
      %select_n3A_406 = arith.select %gt3A, %broadcast_in_dim3A_404, %broadcast_in_dim3A_405 : vector<16xi1>, vector<16xi32>
      %jit3A_407 = arith.constant 16 : i32
      %jit3A_408 = arith.constant 448 : i32
      %broadcast_in_dim3A_409 = vector.broadcast %jit3A_407 : i32 to vector<16xi32>
      %broadcast_in_dim3A_410 = vector.broadcast %jit3A_408 : i32 to vector<16xi32>
      %select_n3A_411 = arith.select %gt3A, %broadcast_in_dim3A_409, %broadcast_in_dim3A_410 : vector<16xi1>, vector<16xi32>
      %neg3A = arith.constant 0 : i32
      %neg3A_412 = vector.broadcast %neg3A : i32 to vector<16xi32>
      %neg3A_413 = arith.subi %neg3A_412, %select_n3A_411 : vector<16xi32>
      %select_n3A_414 = arith.select %lt3A, %select_n3A_411, %neg3A_413 : vector<16xi1>, vector<16xi32>
      tpu.vector_store_idx %arg19[%add3A_402], %broadcast_in_dim3A_3 : memref<12544xf32, #tpu.memory_space<vmem>>[vector<16xi32>], vector<16xf32>,
      %add3A_415 = arith.addi %add3A_402, %select_n3A_406 : vector<16xi32>
      %mul3A_416 = arith.constant 1 : i32
      %mul3A_417 = vector.broadcast %mul3A_416 : i32 to vector<16xi32>
      %mul3A_418 = arith.muli %mul3A_392, %mul3A_417 : vector<16xi32>
      %shift_right_arithmetic3A = arith.constant 20 : i32
      %shift_right_arithmetic3A_419 = vector.broadcast %shift_right_arithmetic3A : i32 to vector<16xi32>
      %shift_right_arithmetic3A_420 = arith.shrsi %mul3A_418, %shift_right_arithmetic3A_419 : vector<16xi32>
      %ge3A = arith.constant 1 : i32
      %ge3A_421 = vector.broadcast %ge3A : i32 to vector<16xi32>
      %ge3A_422 = arith.cmpi sge, %sub3A_387, %ge3A_421 : vector<16xi32>
      %mul3A_423 = arith.muli %shift_right_arithmetic3A_420, %select_n3A_414 : vector<16xi32>
      %add3A_424 = arith.addi %add3A_415, %mul3A_423 : vector<16xi32>
      tpu.vector_store_idx %arg19[%add3A_424], %broadcast_in_dim3A_3 masked %ge3A_422 : memref<12544xf32, #tpu.memory_space<vmem>>[vector<16xi32>], vector<16xf32>, vector<16xi1>
      %add3A_425 = arith.addi %add3A_415, %select_n3A_406 : vector<16xi32>
      %mul3A_426 = arith.constant 2 : i32
      %mul3A_427 = vector.broadcast %mul3A_426 : i32 to vector<16xi32>
      %mul3A_428 = arith.muli %mul3A_392, %mul3A_427 : vector<16xi32>
      %shift_right_arithmetic3A_429 = arith.constant 20 : i32
      %shift_right_arithmetic3A_430 = vector.broadcast %shift_right_arithmetic3A_429 : i32 to vector<16xi32>
      %shift_right_arithmetic3A_431 = arith.shrsi %mul3A_428, %shift_right_arithmetic3A_430 : vector<16xi32>
      %ge3A_432 = arith.constant 2 : i32
      %ge3A_433 = vector.broadcast %ge3A_432 : i32 to vector<16xi32>
      %ge3A_434 = arith.cmpi sge, %sub3A_387, %ge3A_433 : vector<16xi32>
      %mul3A_435 = arith.muli %shift_right_arithmetic3A_431, %select_n3A_414 : vector<16xi32>
      %add3A_436 = arith.addi %add3A_425, %mul3A_435 : vector<16xi32>
      tpu.vector_store_idx %arg19[%add3A_436], %broadcast_in_dim3A_3 masked %ge3A_434 : memref<12544xf32, #tpu.memory_space<vmem>>[vector<16xi32>], vector<16xf32>, vector<16xi1>
      %add3A_437 = arith.addi %add3A_425, %select_n3A_406 : vector<16xi32>
      %mul3A_438 = arith.constant 3 : i32
      %mul3A_439 = vector.broadcast %mul3A_438 : i32 to vector<16xi32>
      %mul3A_440 = arith.muli %mul3A_392, %mul3A_439 : vector<16xi32>
      %shift_right_arithmetic3A_441 = arith.constant 20 : i32
      %shift_right_arithmetic3A_442 = vector.broadcast %shift_right_arithmetic3A_441 : i32 to vector<16xi32>
      %shift_right_arithmetic3A_443 = arith.shrsi %mul3A_440, %shift_right_arithmetic3A_442 : vector<16xi32>
      %ge3A_444 = arith.constant 3 : i32
      %ge3A_445 = vector.broadcast %ge3A_444 : i32 to vector<16xi32>
      %ge3A_446 = arith.cmpi sge, %sub3A_387, %ge3A_445 : vector<16xi32>
      %mul3A_447 = arith.muli %shift_right_arithmetic3A_443, %select_n3A_414 : vector<16xi32>
      %add3A_448 = arith.addi %add3A_437, %mul3A_447 : vector<16xi32>
      tpu.vector_store_idx %arg19[%add3A_448], %broadcast_in_dim3A_3 masked %ge3A_446 : memref<12544xf32, #tpu.memory_space<vmem>>[vector<16xi32>], vector<16xf32>, vector<16xi1>
      %add3A_449 = arith.addi %add3A_437, %select_n3A_406 : vector<16xi32>
      %mul3A_450 = arith.constant 4 : i32
      %mul3A_451 = vector.broadcast %mul3A_450 : i32 to vector<16xi32>
      %mul3A_452 = arith.muli %mul3A_392, %mul3A_451 : vector<16xi32>
      %shift_right_arithmetic3A_453 = arith.constant 20 : i32
      %shift_right_arithmetic3A_454 = vector.broadcast %shift_right_arithmetic3A_453 : i32 to vector<16xi32>
      %shift_right_arithmetic3A_455 = arith.shrsi %mul3A_452, %shift_right_arithmetic3A_454 : vector<16xi32>
      %ge3A_456 = arith.constant 4 : i32
      %ge3A_457 = vector.broadcast %ge3A_456 : i32 to vector<16xi32>
      %ge3A_458 = arith.cmpi sge, %sub3A_387, %ge3A_457 : vector<16xi32>
      %mul3A_459 = arith.muli %shift_right_arithmetic3A_455, %select_n3A_414 : vector<16xi32>
      %add3A_460 = arith.addi %add3A_449, %mul3A_459 : vector<16xi32>
      tpu.vector_store_idx %arg19[%add3A_460], %broadcast_in_dim3A_3 masked %ge3A_458 : memref<12544xf32, #tpu.memory_space<vmem>>[vector<16xi32>], vector<16xf32>, vector<16xi1>
      %add3A_461 = arith.addi %add3A_449, %select_n3A_406 : vector<16xi32>
      %mul3A_462 = arith.constant 5 : i32
      %mul3A_463 = vector.broadcast %mul3A_462 : i32 to vector<16xi32>
      %mul3A_464 = arith.muli %mul3A_392, %mul3A_463 : vector<16xi32>
      %shift_right_arithmetic3A_465 = arith.constant 20 : i32
      %shift_right_arithmetic3A_466 = vector.broadcast %shift_right_arithmetic3A_465 : i32 to vector<16xi32>
      %shift_right_arithmetic3A_467 = arith.shrsi %mul3A_464, %shift_right_arithmetic3A_466 : vector<16xi32>
      %ge3A_468 = arith.constant 5 : i32
      %ge3A_469 = vector.broadcast %ge3A_468 : i32 to vector<16xi32>
      %ge3A_470 = arith.cmpi sge, %sub3A_387, %ge3A_469 : vector<16xi32>
      %mul3A_471 = arith.muli %shift_right_arithmetic3A_467, %select_n3A_414 : vector<16xi32>
      %add3A_472 = arith.addi %add3A_461, %mul3A_471 : vector<16xi32>
      tpu.vector_store_idx %arg19[%add3A_472], %broadcast_in_dim3A_3 masked %ge3A_470 : memref<12544xf32, #tpu.memory_space<vmem>>[vector<16xi32>], vector<16xf32>, vector<16xi1>
      %add3A_473 = arith.addi %add3A_461, %select_n3A_406 : vector<16xi32>
      %mul3A_474 = arith.constant 6 : i32
      %mul3A_475 = vector.broadcast %mul3A_474 : i32 to vector<16xi32>
      %mul3A_476 = arith.muli %mul3A_392, %mul3A_475 : vector<16xi32>
      %shift_right_arithmetic3A_477 = arith.constant 20 : i32
      %shift_right_arithmetic3A_478 = vector.broadcast %shift_right_arithmetic3A_477 : i32 to vector<16xi32>
      %shift_right_arithmetic3A_479 = arith.shrsi %mul3A_476, %shift_right_arithmetic3A_478 : vector<16xi32>
      %ge3A_480 = arith.constant 6 : i32
      %ge3A_481 = vector.broadcast %ge3A_480 : i32 to vector<16xi32>
      %ge3A_482 = arith.cmpi sge, %sub3A_387, %ge3A_481 : vector<16xi32>
      %mul3A_483 = arith.muli %shift_right_arithmetic3A_479, %select_n3A_414 : vector<16xi32>
      %add3A_484 = arith.addi %add3A_473, %mul3A_483 : vector<16xi32>
      tpu.vector_store_idx %arg19[%add3A_484], %broadcast_in_dim3A_3 masked %ge3A_482 : memref<12544xf32, #tpu.memory_space<vmem>>[vector<16xi32>], vector<16xf32>, vector<16xi1>
      %add3A_485 = arith.addi %add3A_473, %select_n3A_406 : vector<16xi32>
      %mul3A_486 = arith.constant 7 : i32
      %mul3A_487 = vector.broadcast %mul3A_486 : i32 to vector<16xi32>
      %mul3A_488 = arith.muli %mul3A_392, %mul3A_487 : vector<16xi32>
      %shift_right_arithmetic3A_489 = arith.constant 20 : i32
      %shift_right_arithmetic3A_490 = vector.broadcast %shift_right_arithmetic3A_489 : i32 to vector<16xi32>
      %shift_right_arithmetic3A_491 = arith.shrsi %mul3A_488, %shift_right_arithmetic3A_490 : vector<16xi32>
      %ge3A_492 = arith.constant 7 : i32
      %ge3A_493 = vector.broadcast %ge3A_492 : i32 to vector<16xi32>
      %ge3A_494 = arith.cmpi sge, %sub3A_387, %ge3A_493 : vector<16xi32>
      %mul3A_495 = arith.muli %shift_right_arithmetic3A_491, %select_n3A_414 : vector<16xi32>
      %add3A_496 = arith.addi %add3A_485, %mul3A_495 : vector<16xi32>
      tpu.vector_store_idx %arg19[%add3A_496], %broadcast_in_dim3A_3 masked %ge3A_494 : memref<12544xf32, #tpu.memory_space<vmem>>[vector<16xi32>], vector<16xf32>, vector<16xi1>
      %add3A_497 = arith.addi %add3A_485, %select_n3A_406 : vector<16xi32>
      %mul3A_498 = arith.constant 8 : i32
      %mul3A_499 = vector.broadcast %mul3A_498 : i32 to vector<16xi32>
      %mul3A_500 = arith.muli %mul3A_392, %mul3A_499 : vector<16xi32>
      %shift_right_arithmetic3A_501 = arith.constant 20 : i32
      %shift_right_arithmetic3A_502 = vector.broadcast %shift_right_arithmetic3A_501 : i32 to vector<16xi32>
      %shift_right_arithmetic3A_503 = arith.shrsi %mul3A_500, %shift_right_arithmetic3A_502 : vector<16xi32>
      %ge3A_504 = arith.constant 8 : i32
      %ge3A_505 = vector.broadcast %ge3A_504 : i32 to vector<16xi32>
      %ge3A_506 = arith.cmpi sge, %sub3A_387, %ge3A_505 : vector<16xi32>
      %mul3A_507 = arith.muli %shift_right_arithmetic3A_503, %select_n3A_414 : vector<16xi32>
      %add3A_508 = arith.addi %add3A_497, %mul3A_507 : vector<16xi32>
      tpu.vector_store_idx %arg19[%add3A_508], %broadcast_in_dim3A_3 masked %ge3A_506 : memref<12544xf32, #tpu.memory_space<vmem>>[vector<16xi32>], vector<16xf32>, vector<16xi1>
      %add3A_509 = arith.addi %add3A_497, %select_n3A_406 : vector<16xi32>
      %mul3A_510 = arith.constant 9 : i32
      %mul3A_511 = vector.broadcast %mul3A_510 : i32 to vector<16xi32>
      %mul3A_512 = arith.muli %mul3A_392, %mul3A_511 : vector<16xi32>
      %shift_right_arithmetic3A_513 = arith.constant 20 : i32
      %shift_right_arithmetic3A_514 = vector.broadcast %shift_right_arithmetic3A_513 : i32 to vector<16xi32>
      %shift_right_arithmetic3A_515 = arith.shrsi %mul3A_512, %shift_right_arithmetic3A_514 : vector<16xi32>
      %ge3A_516 = arith.constant 9 : i32
      %ge3A_517 = vector.broadcast %ge3A_516 : i32 to vector<16xi32>
      %ge3A_518 = arith.cmpi sge, %sub3A_387, %ge3A_517 : vector<16xi32>
      %mul3A_519 = arith.muli %shift_right_arithmetic3A_515, %select_n3A_414 : vector<16xi32>
      %add3A_520 = arith.addi %add3A_509, %mul3A_519 : vector<16xi32>
      tpu.vector_store_idx %arg19[%add3A_520], %broadcast_in_dim3A_3 masked %ge3A_518 : memref<12544xf32, #tpu.memory_space<vmem>>[vector<16xi32>], vector<16xf32>, vector<16xi1>
      %add3A_521 = arith.addi %add3A_509, %select_n3A_406 : vector<16xi32>
      %mul3A_522 = arith.constant 10 : i32
      %mul3A_523 = vector.broadcast %mul3A_522 : i32 to vector<16xi32>
      %mul3A_524 = arith.muli %mul3A_392, %mul3A_523 : vector<16xi32>
      %shift_right_arithmetic3A_525 = arith.constant 20 : i32
      %shift_right_arithmetic3A_526 = vector.broadcast %shift_right_arithmetic3A_525 : i32 to vector<16xi32>
      %shift_right_arithmetic3A_527 = arith.shrsi %mul3A_524, %shift_right_arithmetic3A_526 : vector<16xi32>
      %ge3A_528 = arith.constant 10 : i32
      %ge3A_529 = vector.broadcast %ge3A_528 : i32 to vector<16xi32>
      %ge3A_530 = arith.cmpi sge, %sub3A_387, %ge3A_529 : vector<16xi32>
      %mul3A_531 = arith.muli %shift_right_arithmetic3A_527, %select_n3A_414 : vector<16xi32>
      %add3A_532 = arith.addi %add3A_521, %mul3A_531 : vector<16xi32>
      tpu.vector_store_idx %arg19[%add3A_532], %broadcast_in_dim3A_3 masked %ge3A_530 : memref<12544xf32, #tpu.memory_space<vmem>>[vector<16xi32>], vector<16xf32>, vector<16xi1>
      %add3A_533 = arith.addi %add3A_521, %select_n3A_406 : vector<16xi32>
      %mul3A_534 = arith.constant 11 : i32
      %mul3A_535 = vector.broadcast %mul3A_534 : i32 to vector<16xi32>
      %mul3A_536 = arith.muli %mul3A_392, %mul3A_535 : vector<16xi32>
      %shift_right_arithmetic3A_537 = arith.constant 20 : i32
      %shift_right_arithmetic3A_538 = vector.broadcast %shift_right_arithmetic3A_537 : i32 to vector<16xi32>
      %shift_right_arithmetic3A_539 = arith.shrsi %mul3A_536, %shift_right_arithmetic3A_538 : vector<16xi32>
      %ge3A_540 = arith.constant 11 : i32
      %ge3A_541 = vector.broadcast %ge3A_540 : i32 to vector<16xi32>
      %ge3A_542 = arith.cmpi sge, %sub3A_387, %ge3A_541 : vector<16xi32>
      %mul3A_543 = arith.muli %shift_right_arithmetic3A_539, %select_n3A_414 : vector<16xi32>
      %add3A_544 = arith.addi %add3A_533, %mul3A_543 : vector<16xi32>
      tpu.vector_store_idx %arg19[%add3A_544], %broadcast_in_dim3A_3 masked %ge3A_542 : memref<12544xf32, #tpu.memory_space<vmem>>[vector<16xi32>], vector<16xf32>, vector<16xi1>
      %add3A_545 = arith.addi %add3A_533, %select_n3A_406 : vector<16xi32>
      %mul3A_546 = arith.constant 12 : i32
      %mul3A_547 = vector.broadcast %mul3A_546 : i32 to vector<16xi32>
      %mul3A_548 = arith.muli %mul3A_392, %mul3A_547 : vector<16xi32>
      %shift_right_arithmetic3A_549 = arith.constant 20 : i32
      %shift_right_arithmetic3A_550 = vector.broadcast %shift_right_arithmetic3A_549 : i32 to vector<16xi32>
      %shift_right_arithmetic3A_551 = arith.shrsi %mul3A_548, %shift_right_arithmetic3A_550 : vector<16xi32>
      %ge3A_552 = arith.constant 12 : i32
      %ge3A_553 = vector.broadcast %ge3A_552 : i32 to vector<16xi32>
      %ge3A_554 = arith.cmpi sge, %sub3A_387, %ge3A_553 : vector<16xi32>
      %mul3A_555 = arith.muli %shift_right_arithmetic3A_551, %select_n3A_414 : vector<16xi32>
      %add3A_556 = arith.addi %add3A_545, %mul3A_555 : vector<16xi32>
      tpu.vector_store_idx %arg19[%add3A_556], %broadcast_in_dim3A_3 masked %ge3A_554 : memref<12544xf32, #tpu.memory_space<vmem>>[vector<16xi32>], vector<16xf32>, vector<16xi1>
      %add3A_557 = arith.addi %add3A_545, %select_n3A_406 : vector<16xi32>
      %mul3A_558 = arith.constant 13 : i32
      %mul3A_559 = vector.broadcast %mul3A_558 : i32 to vector<16xi32>
      %mul3A_560 = arith.muli %mul3A_392, %mul3A_559 : vector<16xi32>
      %shift_right_arithmetic3A_561 = arith.constant 20 : i32
      %shift_right_arithmetic3A_562 = vector.broadcast %shift_right_arithmetic3A_561 : i32 to vector<16xi32>
      %shift_right_arithmetic3A_563 = arith.shrsi %mul3A_560, %shift_right_arithmetic3A_562 : vector<16xi32>
      %ge3A_564 = arith.constant 13 : i32
      %ge3A_565 = vector.broadcast %ge3A_564 : i32 to vector<16xi32>
      %ge3A_566 = arith.cmpi sge, %sub3A_387, %ge3A_565 : vector<16xi32>
      %mul3A_567 = arith.muli %shift_right_arithmetic3A_563, %select_n3A_414 : vector<16xi32>
      %add3A_568 = arith.addi %add3A_557, %mul3A_567 : vector<16xi32>
      tpu.vector_store_idx %arg19[%add3A_568], %broadcast_in_dim3A_3 masked %ge3A_566 : memref<12544xf32, #tpu.memory_space<vmem>>[vector<16xi32>], vector<16xf32>, vector<16xi1>
      %add3A_569 = arith.addi %add3A_557, %select_n3A_406 : vector<16xi32>
      %mul3A_570 = arith.constant 14 : i32
      %mul3A_571 = vector.broadcast %mul3A_570 : i32 to vector<16xi32>
      %mul3A_572 = arith.muli %mul3A_392, %mul3A_571 : vector<16xi32>
      %shift_right_arithmetic3A_573 = arith.constant 20 : i32
      %shift_right_arithmetic3A_574 = vector.broadcast %shift_right_arithmetic3A_573 : i32 to vector<16xi32>
      %shift_right_arithmetic3A_575 = arith.shrsi %mul3A_572, %shift_right_arithmetic3A_574 : vector<16xi32>
      %ge3A_576 = arith.constant 14 : i32
      %ge3A_577 = vector.broadcast %ge3A_576 : i32 to vector<16xi32>
      %ge3A_578 = arith.cmpi sge, %sub3A_387, %ge3A_577 : vector<16xi32>
      %mul3A_579 = arith.muli %shift_right_arithmetic3A_575, %select_n3A_414 : vector<16xi32>
      %add3A_580 = arith.addi %add3A_569, %mul3A_579 : vector<16xi32>
      tpu.vector_store_idx %arg19[%add3A_580], %broadcast_in_dim3A_3 masked %ge3A_578 : memref<12544xf32, #tpu.memory_space<vmem>>[vector<16xi32>], vector<16xf32>, vector<16xi1>
      %add3A_581 = arith.addi %add3A_569, %select_n3A_406 : vector<16xi32>
      %mul3A_582 = arith.constant 15 : i32
      %mul3A_583 = vector.broadcast %mul3A_582 : i32 to vector<16xi32>
      %mul3A_584 = arith.muli %mul3A_392, %mul3A_583 : vector<16xi32>
      %shift_right_arithmetic3A_585 = arith.constant 20 : i32
      %shift_right_arithmetic3A_586 = vector.broadcast %shift_right_arithmetic3A_585 : i32 to vector<16xi32>
      %shift_right_arithmetic3A_587 = arith.shrsi %mul3A_584, %shift_right_arithmetic3A_586 : vector<16xi32>
      %ge3A_588 = arith.constant 15 : i32
      %ge3A_589 = vector.broadcast %ge3A_588 : i32 to vector<16xi32>
      %ge3A_590 = arith.cmpi sge, %sub3A_387, %ge3A_589 : vector<16xi32>
      %mul3A_591 = arith.muli %shift_right_arithmetic3A_587, %select_n3A_414 : vector<16xi32>
      %add3A_592 = arith.addi %add3A_581, %mul3A_591 : vector<16xi32>
      tpu.vector_store_idx %arg19[%add3A_592], %broadcast_in_dim3A_3 masked %ge3A_590 : memref<12544xf32, #tpu.memory_space<vmem>>[vector<16xi32>], vector<16xf32>, vector<16xi1>
      %add3A_593 = arith.addi %add3A_581, %select_n3A_406 : vector<16xi32>
      %mul3A_594 = arith.constant 16 : i32
      %mul3A_595 = vector.broadcast %mul3A_594 : i32 to vector<16xi32>
      %mul3A_596 = arith.muli %mul3A_392, %mul3A_595 : vector<16xi32>
      %shift_right_arithmetic3A_597 = arith.constant 20 : i32
      %shift_right_arithmetic3A_598 = vector.broadcast %shift_right_arithmetic3A_597 : i32 to vector<16xi32>
      %shift_right_arithmetic3A_599 = arith.shrsi %mul3A_596, %shift_right_arithmetic3A_598 : vector<16xi32>
      %ge3A_600 = arith.constant 16 : i32
      %ge3A_601 = vector.broadcast %ge3A_600 : i32 to vector<16xi32>
      %ge3A_602 = arith.cmpi sge, %sub3A_387, %ge3A_601 : vector<16xi32>
      %mul3A_603 = arith.muli %shift_right_arithmetic3A_599, %select_n3A_414 : vector<16xi32>
      %add3A_604 = arith.addi %add3A_593, %mul3A_603 : vector<16xi32>
      tpu.vector_store_idx %arg19[%add3A_604], %broadcast_in_dim3A_3 masked %ge3A_602 : memref<12544xf32, #tpu.memory_space<vmem>>[vector<16xi32>], vector<16xf32>, vector<16xi1>
      %add3A_605 = arith.addi %add3A_593, %select_n3A_406 : vector<16xi32>
      %mul3A_606 = arith.constant 17 : i32
      %mul3A_607 = vector.broadcast %mul3A_606 : i32 to vector<16xi32>
      %mul3A_608 = arith.muli %mul3A_392, %mul3A_607 : vector<16xi32>
      %shift_right_arithmetic3A_609 = arith.constant 20 : i32
      %shift_right_arithmetic3A_610 = vector.broadcast %shift_right_arithmetic3A_609 : i32 to vector<16xi32>
      %shift_right_arithmetic3A_611 = arith.shrsi %mul3A_608, %shift_right_arithmetic3A_610 : vector<16xi32>
      %ge3A_612 = arith.constant 17 : i32
      %ge3A_613 = vector.broadcast %ge3A_612 : i32 to vector<16xi32>
      %ge3A_614 = arith.cmpi sge, %sub3A_387, %ge3A_613 : vector<16xi32>
      %mul3A_615 = arith.muli %shift_right_arithmetic3A_611, %select_n3A_414 : vector<16xi32>
      %add3A_616 = arith.addi %add3A_605, %mul3A_615 : vector<16xi32>
      tpu.vector_store_idx %arg19[%add3A_616], %broadcast_in_dim3A_3 masked %ge3A_614 : memref<12544xf32, #tpu.memory_space<vmem>>[vector<16xi32>], vector<16xf32>, vector<16xi1>
      %add3A_617 = arith.addi %add3A_605, %select_n3A_406 : vector<16xi32>
      %mul3A_618 = arith.constant 18 : i32
      %mul3A_619 = vector.broadcast %mul3A_618 : i32 to vector<16xi32>
      %mul3A_620 = arith.muli %mul3A_392, %mul3A_619 : vector<16xi32>
      %shift_right_arithmetic3A_621 = arith.constant 20 : i32
      %shift_right_arithmetic3A_622 = vector.broadcast %shift_right_arithmetic3A_621 : i32 to vector<16xi32>
      %shift_right_arithmetic3A_623 = arith.shrsi %mul3A_620, %shift_right_arithmetic3A_622 : vector<16xi32>
      %ge3A_624 = arith.constant 18 : i32
      %ge3A_625 = vector.broadcast %ge3A_624 : i32 to vector<16xi32>
      %ge3A_626 = arith.cmpi sge, %sub3A_387, %ge3A_625 : vector<16xi32>
      %mul3A_627 = arith.muli %shift_right_arithmetic3A_623, %select_n3A_414 : vector<16xi32>
      %add3A_628 = arith.addi %add3A_617, %mul3A_627 : vector<16xi32>
      tpu.vector_store_idx %arg19[%add3A_628], %broadcast_in_dim3A_3 masked %ge3A_626 : memref<12544xf32, #tpu.memory_space<vmem>>[vector<16xi32>], vector<16xf32>, vector<16xi1>
      %add3A_629 = arith.addi %add3A_617, %select_n3A_406 : vector<16xi32>
      %mul3A_630 = arith.constant 19 : i32
      %mul3A_631 = vector.broadcast %mul3A_630 : i32 to vector<16xi32>
      %mul3A_632 = arith.muli %mul3A_392, %mul3A_631 : vector<16xi32>
      %shift_right_arithmetic3A_633 = arith.constant 20 : i32
      %shift_right_arithmetic3A_634 = vector.broadcast %shift_right_arithmetic3A_633 : i32 to vector<16xi32>
      %shift_right_arithmetic3A_635 = arith.shrsi %mul3A_632, %shift_right_arithmetic3A_634 : vector<16xi32>
      %ge3A_636 = arith.constant 19 : i32
      %ge3A_637 = vector.broadcast %ge3A_636 : i32 to vector<16xi32>
      %ge3A_638 = arith.cmpi sge, %sub3A_387, %ge3A_637 : vector<16xi32>
      %mul3A_639 = arith.muli %shift_right_arithmetic3A_635, %select_n3A_414 : vector<16xi32>
      %add3A_640 = arith.addi %add3A_629, %mul3A_639 : vector<16xi32>
      tpu.vector_store_idx %arg19[%add3A_640], %broadcast_in_dim3A_3 masked %ge3A_638 : memref<12544xf32, #tpu.memory_space<vmem>>[vector<16xi32>], vector<16xf32>, vector<16xi1>
      %add3A_641 = arith.addi %add3A_629, %select_n3A_406 : vector<16xi32>
      %mul3A_642 = arith.constant 20 : i32
      %mul3A_643 = vector.broadcast %mul3A_642 : i32 to vector<16xi32>
      %mul3A_644 = arith.muli %mul3A_392, %mul3A_643 : vector<16xi32>
      %shift_right_arithmetic3A_645 = arith.constant 20 : i32
      %shift_right_arithmetic3A_646 = vector.broadcast %shift_right_arithmetic3A_645 : i32 to vector<16xi32>
      %shift_right_arithmetic3A_647 = arith.shrsi %mul3A_644, %shift_right_arithmetic3A_646 : vector<16xi32>
      %ge3A_648 = arith.constant 20 : i32
      %ge3A_649 = vector.broadcast %ge3A_648 : i32 to vector<16xi32>
      %ge3A_650 = arith.cmpi sge, %sub3A_387, %ge3A_649 : vector<16xi32>
      %mul3A_651 = arith.muli %shift_right_arithmetic3A_647, %select_n3A_414 : vector<16xi32>
      %add3A_652 = arith.addi %add3A_641, %mul3A_651 : vector<16xi32>
      tpu.vector_store_idx %arg19[%add3A_652], %broadcast_in_dim3A_3 masked %ge3A_650 : memref<12544xf32, #tpu.memory_space<vmem>>[vector<16xi32>], vector<16xf32>, vector<16xi1>
      %add3A_653 = arith.addi %add3A_641, %select_n3A_406 : vector<16xi32>
      %mul3A_654 = arith.constant 21 : i32
      %mul3A_655 = vector.broadcast %mul3A_654 : i32 to vector<16xi32>
      %mul3A_656 = arith.muli %mul3A_392, %mul3A_655 : vector<16xi32>
      %shift_right_arithmetic3A_657 = arith.constant 20 : i32
      %shift_right_arithmetic3A_658 = vector.broadcast %shift_right_arithmetic3A_657 : i32 to vector<16xi32>
      %shift_right_arithmetic3A_659 = arith.shrsi %mul3A_656, %shift_right_arithmetic3A_658 : vector<16xi32>
      %ge3A_660 = arith.constant 21 : i32
      %ge3A_661 = vector.broadcast %ge3A_660 : i32 to vector<16xi32>
      %ge3A_662 = arith.cmpi sge, %sub3A_387, %ge3A_661 : vector<16xi32>
      %mul3A_663 = arith.muli %shift_right_arithmetic3A_659, %select_n3A_414 : vector<16xi32>
      %add3A_664 = arith.addi %add3A_653, %mul3A_663 : vector<16xi32>
      tpu.vector_store_idx %arg19[%add3A_664], %broadcast_in_dim3A_3 masked %ge3A_662 : memref<12544xf32, #tpu.memory_space<vmem>>[vector<16xi32>], vector<16xf32>, vector<16xi1>
      %add3A_665 = arith.addi %add3A_653, %select_n3A_406 : vector<16xi32>
      %mul3A_666 = arith.constant 22 : i32
      %mul3A_667 = vector.broadcast %mul3A_666 : i32 to vector<16xi32>
      %mul3A_668 = arith.muli %mul3A_392, %mul3A_667 : vector<16xi32>
      %shift_right_arithmetic3A_669 = arith.constant 20 : i32
      %shift_right_arithmetic3A_670 = vector.broadcast %shift_right_arithmetic3A_669 : i32 to vector<16xi32>
      %shift_right_arithmetic3A_671 = arith.shrsi %mul3A_668, %shift_right_arithmetic3A_670 : vector<16xi32>
      %ge3A_672 = arith.constant 22 : i32
      %ge3A_673 = vector.broadcast %ge3A_672 : i32 to vector<16xi32>
      %ge3A_674 = arith.cmpi sge, %sub3A_387, %ge3A_673 : vector<16xi32>
      %mul3A_675 = arith.muli %shift_right_arithmetic3A_671, %select_n3A_414 : vector<16xi32>
      %add3A_676 = arith.addi %add3A_665, %mul3A_675 : vector<16xi32>
      tpu.vector_store_idx %arg19[%add3A_676], %broadcast_in_dim3A_3 masked %ge3A_674 : memref<12544xf32, #tpu.memory_space<vmem>>[vector<16xi32>], vector<16xf32>, vector<16xi1>
      %add3A_677 = arith.addi %add3A_665, %select_n3A_406 : vector<16xi32>
      %mul3A_678 = arith.constant 23 : i32
      %mul3A_679 = vector.broadcast %mul3A_678 : i32 to vector<16xi32>
      %mul3A_680 = arith.muli %mul3A_392, %mul3A_679 : vector<16xi32>
      %shift_right_arithmetic3A_681 = arith.constant 20 : i32
      %shift_right_arithmetic3A_682 = vector.broadcast %shift_right_arithmetic3A_681 : i32 to vector<16xi32>
      %shift_right_arithmetic3A_683 = arith.shrsi %mul3A_680, %shift_right_arithmetic3A_682 : vector<16xi32>
      %ge3A_684 = arith.constant 23 : i32
      %ge3A_685 = vector.broadcast %ge3A_684 : i32 to vector<16xi32>
      %ge3A_686 = arith.cmpi sge, %sub3A_387, %ge3A_685 : vector<16xi32>
      %mul3A_687 = arith.muli %shift_right_arithmetic3A_683, %select_n3A_414 : vector<16xi32>
      %add3A_688 = arith.addi %add3A_677, %mul3A_687 : vector<16xi32>
      tpu.vector_store_idx %arg19[%add3A_688], %broadcast_in_dim3A_3 masked %ge3A_686 : memref<12544xf32, #tpu.memory_space<vmem>>[vector<16xi32>], vector<16xf32>, vector<16xi1>
      %add3A_689 = arith.addi %add3A_677, %select_n3A_406 : vector<16xi32>
      %mul3A_690 = arith.constant 24 : i32
      %mul3A_691 = vector.broadcast %mul3A_690 : i32 to vector<16xi32>
      %mul3A_692 = arith.muli %mul3A_392, %mul3A_691 : vector<16xi32>
      %shift_right_arithmetic3A_693 = arith.constant 20 : i32
      %shift_right_arithmetic3A_694 = vector.broadcast %shift_right_arithmetic3A_693 : i32 to vector<16xi32>
      %shift_right_arithmetic3A_695 = arith.shrsi %mul3A_692, %shift_right_arithmetic3A_694 : vector<16xi32>
      %ge3A_696 = arith.constant 24 : i32
      %ge3A_697 = vector.broadcast %ge3A_696 : i32 to vector<16xi32>
      %ge3A_698 = arith.cmpi sge, %sub3A_387, %ge3A_697 : vector<16xi32>
      %mul3A_699 = arith.muli %shift_right_arithmetic3A_695, %select_n3A_414 : vector<16xi32>
      %add3A_700 = arith.addi %add3A_689, %mul3A_699 : vector<16xi32>
      tpu.vector_store_idx %arg19[%add3A_700], %broadcast_in_dim3A_3 masked %ge3A_698 : memref<12544xf32, #tpu.memory_space<vmem>>[vector<16xi32>], vector<16xf32>, vector<16xi1>
      %add3A_701 = arith.addi %add3A_689, %select_n3A_406 : vector<16xi32>
      %mul3A_702 = arith.constant 25 : i32
      %mul3A_703 = vector.broadcast %mul3A_702 : i32 to vector<16xi32>
      %mul3A_704 = arith.muli %mul3A_392, %mul3A_703 : vector<16xi32>
      %shift_right_arithmetic3A_705 = arith.constant 20 : i32
      %shift_right_arithmetic3A_706 = vector.broadcast %shift_right_arithmetic3A_705 : i32 to vector<16xi32>
      %shift_right_arithmetic3A_707 = arith.shrsi %mul3A_704, %shift_right_arithmetic3A_706 : vector<16xi32>
      %ge3A_708 = arith.constant 25 : i32
      %ge3A_709 = vector.broadcast %ge3A_708 : i32 to vector<16xi32>
      %ge3A_710 = arith.cmpi sge, %sub3A_387, %ge3A_709 : vector<16xi32>
      %mul3A_711 = arith.muli %shift_right_arithmetic3A_707, %select_n3A_414 : vector<16xi32>
      %add3A_712 = arith.addi %add3A_701, %mul3A_711 : vector<16xi32>
      tpu.vector_store_idx %arg19[%add3A_712], %broadcast_in_dim3A_3 masked %ge3A_710 : memref<12544xf32, #tpu.memory_space<vmem>>[vector<16xi32>], vector<16xf32>, vector<16xi1>
      %add3A_713 = arith.addi %add3A_701, %select_n3A_406 : vector<16xi32>
      %mul3A_714 = arith.constant 26 : i32
      %mul3A_715 = vector.broadcast %mul3A_714 : i32 to vector<16xi32>
      %mul3A_716 = arith.muli %mul3A_392, %mul3A_715 : vector<16xi32>
      %shift_right_arithmetic3A_717 = arith.constant 20 : i32
      %shift_right_arithmetic3A_718 = vector.broadcast %shift_right_arithmetic3A_717 : i32 to vector<16xi32>
      %shift_right_arithmetic3A_719 = arith.shrsi %mul3A_716, %shift_right_arithmetic3A_718 : vector<16xi32>
      %ge3A_720 = arith.constant 26 : i32
      %ge3A_721 = vector.broadcast %ge3A_720 : i32 to vector<16xi32>
      %ge3A_722 = arith.cmpi sge, %sub3A_387, %ge3A_721 : vector<16xi32>
      %mul3A_723 = arith.muli %shift_right_arithmetic3A_719, %select_n3A_414 : vector<16xi32>
      %add3A_724 = arith.addi %add3A_713, %mul3A_723 : vector<16xi32>
      tpu.vector_store_idx %arg19[%add3A_724], %broadcast_in_dim3A_3 masked %ge3A_722 : memref<12544xf32, #tpu.memory_space<vmem>>[vector<16xi32>], vector<16xf32>, vector<16xi1>
      %add3A_725 = arith.addi %add3A_713, %select_n3A_406 : vector<16xi32>
      %mul3A_726 = arith.constant 27 : i32
      %mul3A_727 = vector.broadcast %mul3A_726 : i32 to vector<16xi32>
      %mul3A_728 = arith.muli %mul3A_392, %mul3A_727 : vector<16xi32>
      %shift_right_arithmetic3A_729 = arith.constant 20 : i32
      %shift_right_arithmetic3A_730 = vector.broadcast %shift_right_arithmetic3A_729 : i32 to vector<16xi32>
      %shift_right_arithmetic3A_731 = arith.shrsi %mul3A_728, %shift_right_arithmetic3A_730 : vector<16xi32>
      %ge3A_732 = arith.constant 27 : i32
      %ge3A_733 = vector.broadcast %ge3A_732 : i32 to vector<16xi32>
      %ge3A_734 = arith.cmpi sge, %sub3A_387, %ge3A_733 : vector<16xi32>
      %mul3A_735 = arith.muli %shift_right_arithmetic3A_731, %select_n3A_414 : vector<16xi32>
      %add3A_736 = arith.addi %add3A_725, %mul3A_735 : vector<16xi32>
      tpu.vector_store_idx %arg19[%add3A_736], %broadcast_in_dim3A_3 masked %ge3A_734 : memref<12544xf32, #tpu.memory_space<vmem>>[vector<16xi32>], vector<16xf32>, vector<16xi1>
      %scan3A_737 = arith.constant 0 : i32
      scf.yield %scan3A_737 : i32
    }
    %scan3A_112 = arith.constant 127 : i32
    %scan3A_113 = arith.constant 0 : i32
    %scan3A_114 = arith.constant 196 : i32
    %scan3A_115 = arith.addi %scan3A_113, %scan3A_114 : i32
    %scan3A_116 = arith.constant 1 : i32
    %scan3A_117:3 = scf.for %scan3A_347 = %scan3A_113 to %scan3A_115 step %scan3A_116 iter_args(%scan3A_348 = %broadcast_in_dim3A_1, %scan3A_349 = %broadcast_in_dim3A_1, %scan3A_350 = %broadcast_in_dim3A_1) -> (vector<16xf32>, vector<16xf32>, vector<16xf32>)  : i32 {
      %mul3A_351 = arith.constant 64 : i32
      %mul3A_352 = arith.muli %scan3A_347, %mul3A_351 : i32
      %add3A_353 = arith.constant 0 : i32
      %add3A_354 = arith.addi %mul3A_352, %add3A_353 : i32
      %get3A = arith.index_cast %add3A_354 : i32 to index
      %get3A_355 = tpu.vector_load %arg19[%get3A] {strides = array<i32>} : memref<12544xf32, #tpu.memory_space<vmem>>, vector<16xf32>,
      %swap3A_356 = arith.index_cast %add3A_354 : i32 to index
      %swap3A_357 = tpu.vector_load %arg19[%swap3A_356] {strides = array<i32>} : memref<12544xf32, #tpu.memory_space<vmem>>, vector<16xf32>,
      tpu.vector_store %arg19[%swap3A_356], %broadcast_in_dim3A_1 {strides = array<i32>} : memref<12544xf32, #tpu.memory_space<vmem>>, vector<16xf32>,
      %get3A_358 = arith.index_cast %add3A_354 : i32 to index
      %get3A_359 = tpu.vector_load %arg17[%get3A_358] {strides = array<i32>} : memref<12544xf32, #tpu.memory_space<vmem>>, vector<16xf32>,
      %add3A_360 = arith.addf %scan3A_348, %get3A_355 : vector<16xf32>
      %mul3A_361 = arith.mulf %get3A_355, %get3A_359 : vector<16xf32>
      %add3A_362 = arith.addf %scan3A_349, %mul3A_361 : vector<16xf32>
      %add3A_363 = arith.addf %scan3A_350, %get3A_359 : vector<16xf32>
      %mul3A_364 = arith.constant 64 : i32
      %mul3A_365 = arith.muli %scan3A_347, %mul3A_364 : i32
      %add3A_366 = arith.constant 16 : i32
      %add3A_367 = arith.addi %mul3A_365, %add3A_366 : i32
      %get3A_368 = arith.index_cast %add3A_367 : i32 to index
      %get3A_369 = tpu.vector_load %arg19[%get3A_368] {strides = array<i32>} : memref<12544xf32, #tpu.memory_space<vmem>>, vector<16xf32>,
      %swap3A_370 = arith.index_cast %add3A_367 : i32 to index
      %swap3A_371 = tpu.vector_load %arg19[%swap3A_370] {strides = array<i32>} : memref<12544xf32, #tpu.memory_space<vmem>>, vector<16xf32>,
      tpu.vector_store %arg19[%swap3A_370], %broadcast_in_dim3A_1 {strides = array<i32>} : memref<12544xf32, #tpu.memory_space<vmem>>, vector<16xf32>,
      %get3A_372 = arith.index_cast %add3A_367 : i32 to index
      %get3A_373 = tpu.vector_load %arg17[%get3A_372] {strides = array<i32>} : memref<12544xf32, #tpu.memory_space<vmem>>, vector<16xf32>,
      %add3A_374 = arith.addf %add3A_360, %get3A_369 : vector<16xf32>
      %mul3A_375 = arith.mulf %get3A_369, %get3A_373 : vector<16xf32>
      %add3A_376 = arith.addf %add3A_362, %mul3A_375 : vector<16xf32>
      %add3A_377 = arith.addf %add3A_363, %get3A_373 : vector<16xf32>
      %mul3A_378 = arith.constant 64 : i32
      %mul3A_379 = arith.muli %scan3A_347, %mul3A_378 : i32
      %add3A_380 = arith.constant 32 : i32
      %add3A_381 = arith.addi %mul3A_379, %add3A_380 : i32
      %get3A_382 = arith.index_cast %add3A_381 : i32 to index
      %get3A_383 = tpu.vector_load %arg19[%get3A_382] {strides = array<i32>} : memref<12544xf32, #tpu.memory_space<vmem>>, vector<16xf32>,
      %swap3A_384 = arith.index_cast %add3A_381 : i32 to index
      %swap3A_385 = tpu.vector_load %arg19[%swap3A_384] {strides = array<i32>} : memref<12544xf32, #tpu.memory_space<vmem>>, vector<16xf32>,
      tpu.vector_store %arg19[%swap3A_384], %broadcast_in_dim3A_1 {strides = array<i32>} : memref<12544xf32, #tpu.memory_space<vmem>>, vector<16xf32>,
      %get3A_386 = arith.index_cast %add3A_381 : i32 to index
      %get3A_387 = tpu.vector_load %arg17[%get3A_386] {strides = array<i32>} : memref<12544xf32, #tpu.memory_space<vmem>>, vector<16xf32>,
      %add3A_388 = arith.addf %add3A_374, %get3A_383 : vector<16xf32>
      %mul3A_389 = arith.mulf %get3A_383, %get3A_387 : vector<16xf32>
      %add3A_390 = arith.addf %add3A_376, %mul3A_389 : vector<16xf32>
      %add3A_391 = arith.addf %add3A_377, %get3A_387 : vector<16xf32>
      %mul3A_392 = arith.constant 64 : i32
      %mul3A_393 = arith.muli %scan3A_347, %mul3A_392 : i32
      %add3A_394 = arith.constant 48 : i32
      %add3A_395 = arith.addi %mul3A_393, %add3A_394 : i32
      %get3A_396 = arith.index_cast %add3A_395 : i32 to index
      %get3A_397 = tpu.vector_load %arg19[%get3A_396] {strides = array<i32>} : memref<12544xf32, #tpu.memory_space<vmem>>, vector<16xf32>,
      %swap3A_398 = arith.index_cast %add3A_395 : i32 to index
      %swap3A_399 = tpu.vector_load %arg19[%swap3A_398] {strides = array<i32>} : memref<12544xf32, #tpu.memory_space<vmem>>, vector<16xf32>,
      tpu.vector_store %arg19[%swap3A_398], %broadcast_in_dim3A_1 {strides = array<i32>} : memref<12544xf32, #tpu.memory_space<vmem>>, vector<16xf32>,
      %get3A_400 = arith.index_cast %add3A_395 : i32 to index
      %get3A_401 = tpu.vector_load %arg17[%get3A_400] {strides = array<i32>} : memref<12544xf32, #tpu.memory_space<vmem>>, vector<16xf32>,
      %add3A_402 = arith.addf %add3A_388, %get3A_397 : vector<16xf32>
      %mul3A_403 = arith.mulf %get3A_397, %get3A_401 : vector<16xf32>
      %add3A_404 = arith.addf %add3A_390, %mul3A_403 : vector<16xf32>
      %add3A_405 = arith.addf %add3A_391, %get3A_401 : vector<16xf32>
      scf.yield %add3A_402, %add3A_404, %add3A_405 : vector<16xf32>, vector<16xf32>, vector<16xf32>
    }
    %scan3A_118 = arith.constant 196 : i32
    %scan3A_119 = arith.constant 0 : i32
    %scan3A_120 = arith.constant 64 : i32
    %scan3A_121 = arith.addi %scan3A_119, %scan3A_120 : i32
    %scan3A_122 = arith.constant 1 : i32
    %scan3A_123 = scf.for %scan3A_347 = %scan3A_119 to %scan3A_121 step %scan3A_122 iter_args(%scan3A_348 = %broadcast_in_dim3A_1) -> (vector<16xf32>)  : i32 {
      %mul3A_349 = arith.constant 2 : i32
      %mul3A_350 = arith.muli %scan3A_347, %mul3A_349 : i32
      %add3A_351 = arith.constant 0 : i32
      %add3A_352 = arith.addi %mul3A_350, %add3A_351 : i32
      %mul3A_353 = arith.constant 16 : i32
      %mul3A_354 = arith.muli %add3A_352, %mul3A_353 : i32
      %get3A = arith.index_cast %mul3A_354 : i32 to index
      %get3A_355 = tpu.vector_load %arg9[%get3A] {strides = array<i32>} : memref<2048xf32, #tpu.memory_space<vmem>>, vector<16xf32>,
      %get3A_356 = arith.index_cast %mul3A_354 : i32 to index
      %get3A_357 = tpu.vector_load %arg13[%get3A_356] {strides = array<i32>} : memref<2048xf32, #tpu.memory_space<vmem>>, vector<16xf32>,
      %sub3A = arith.subf %get3A_355, %get3A_357 : vector<16xf32>
      %get3A_358 = arith.index_cast %mul3A_354 : i32 to index
      %get3A_359 = tpu.vector_load %arg11[%get3A_358] {strides = array<i32>} : memref<2048xf32, #tpu.memory_space<vmem>>, vector<16xf32>,
      %get3A_360 = arith.index_cast %mul3A_354 : i32 to index
      %get3A_361 = tpu.vector_load %arg15[%get3A_360] {strides = array<i32>} : memref<2048xf32, #tpu.memory_space<vmem>>, vector<16xf32>,
      %sub3A_362 = arith.subf %get3A_359, %get3A_361 : vector<16xf32>
      %mul3A_363 = arith.mulf %sub3A, %sub3A : vector<16xf32>
      %add3A_364 = arith.addf %scan3A_348, %mul3A_363 : vector<16xf32>
      %mul3A_365 = arith.mulf %sub3A_362, %sub3A_362 : vector<16xf32>
      %add3A_366 = arith.addf %add3A_364, %mul3A_365 : vector<16xf32>
      %mul3A_367 = arith.constant 2 : i32
      %mul3A_368 = arith.muli %scan3A_347, %mul3A_367 : i32
      %add3A_369 = arith.constant 1 : i32
      %add3A_370 = arith.addi %mul3A_368, %add3A_369 : i32
      %mul3A_371 = arith.constant 16 : i32
      %mul3A_372 = arith.muli %add3A_370, %mul3A_371 : i32
      %get3A_373 = arith.index_cast %mul3A_372 : i32 to index
      %get3A_374 = tpu.vector_load %arg9[%get3A_373] {strides = array<i32>} : memref<2048xf32, #tpu.memory_space<vmem>>, vector<16xf32>,
      %get3A_375 = arith.index_cast %mul3A_372 : i32 to index
      %get3A_376 = tpu.vector_load %arg13[%get3A_375] {strides = array<i32>} : memref<2048xf32, #tpu.memory_space<vmem>>, vector<16xf32>,
      %sub3A_377 = arith.subf %get3A_374, %get3A_376 : vector<16xf32>
      %get3A_378 = arith.index_cast %mul3A_372 : i32 to index
      %get3A_379 = tpu.vector_load %arg11[%get3A_378] {strides = array<i32>} : memref<2048xf32, #tpu.memory_space<vmem>>, vector<16xf32>,
      %get3A_380 = arith.index_cast %mul3A_372 : i32 to index
      %get3A_381 = tpu.vector_load %arg15[%get3A_380] {strides = array<i32>} : memref<2048xf32, #tpu.memory_space<vmem>>, vector<16xf32>,
      %sub3A_382 = arith.subf %get3A_379, %get3A_381 : vector<16xf32>
      %mul3A_383 = arith.mulf %sub3A_377, %sub3A_377 : vector<16xf32>
      %add3A_384 = arith.addf %add3A_366, %mul3A_383 : vector<16xf32>
      %mul3A_385 = arith.mulf %sub3A_382, %sub3A_382 : vector<16xf32>
      %add3A_386 = arith.addf %add3A_384, %mul3A_385 : vector<16xf32>
      scf.yield %add3A_386 : vector<16xf32>
    }
    %scan3A_124 = arith.constant 64 : i32
    %dma_wait3A_125 = arith.constant 0 : i32
    %dma_wait3A_126 = tpu.memref_slice %arg2[%add3A_75, %dma_wait3A_125] : memref<128x2048xf32, #tpu.memory_space<hbm>> -> memref<1x2048xf32, #tpu.memory_space<hbm>>
    %dma_wait3A_127 = tpu.memref_squeeze %dma_wait3A_126 : memref<1x2048xf32, #tpu.memory_space<hbm>> -> memref<2048xf32, #tpu.memory_space<hbm>>
    %dma_wait3A_128 = arith.constant 0 : i32
    %dma_wait3A_129 = tpu.memref_slice %arg2[%add3A_75, %dma_wait3A_128] : memref<128x2048xf32, #tpu.memory_space<hbm>> -> memref<1x2048xf32, #tpu.memory_space<hbm>>
    %dma_wait3A_130 = tpu.memref_squeeze %dma_wait3A_129 : memref<1x2048xf32, #tpu.memory_space<hbm>> -> memref<2048xf32, #tpu.memory_space<hbm>>
    tpu.wait_dma2 semaphore(%arg23 : memref<!tpu.dma_semaphore, #tpu.memory_space<semaphore_mem>>) src(%dma_wait3A_130 : memref<2048xf32, #tpu.memory_space<hbm>>) dst(%arg10 : memref<2048xf32, #tpu.memory_space<vmem>>)
    %dma_wait3A_131 = arith.constant 0 : i32
    %dma_wait3A_132 = tpu.memref_slice %arg3[%add3A_75, %dma_wait3A_131] : memref<128x2048xf32, #tpu.memory_space<hbm>> -> memref<1x2048xf32, #tpu.memory_space<hbm>>
    %dma_wait3A_133 = tpu.memref_squeeze %dma_wait3A_132 : memref<1x2048xf32, #tpu.memory_space<hbm>> -> memref<2048xf32, #tpu.memory_space<hbm>>
    %dma_wait3A_134 = arith.constant 0 : i32
    %dma_wait3A_135 = tpu.memref_slice %arg3[%add3A_75, %dma_wait3A_134] : memref<128x2048xf32, #tpu.memory_space<hbm>> -> memref<1x2048xf32, #tpu.memory_space<hbm>>
    %dma_wait3A_136 = tpu.memref_squeeze %dma_wait3A_135 : memref<1x2048xf32, #tpu.memory_space<hbm>> -> memref<2048xf32, #tpu.memory_space<hbm>>
    tpu.wait_dma2 semaphore(%arg23 : memref<!tpu.dma_semaphore, #tpu.memory_space<semaphore_mem>>) src(%dma_wait3A_136 : memref<2048xf32, #tpu.memory_space<hbm>>) dst(%arg12 : memref<2048xf32, #tpu.memory_space<vmem>>)
    %dma_wait3A_137 = arith.constant 0 : i32
    %dma_wait3A_138 = tpu.memref_slice %arg4[%add3A_75, %dma_wait3A_137] : memref<128x2048xf32, #tpu.memory_space<hbm>> -> memref<1x2048xf32, #tpu.memory_space<hbm>>
    %dma_wait3A_139 = tpu.memref_squeeze %dma_wait3A_138 : memref<1x2048xf32, #tpu.memory_space<hbm>> -> memref<2048xf32, #tpu.memory_space<hbm>>
    %dma_wait3A_140 = arith.constant 0 : i32
    %dma_wait3A_141 = tpu.memref_slice %arg4[%add3A_75, %dma_wait3A_140] : memref<128x2048xf32, #tpu.memory_space<hbm>> -> memref<1x2048xf32, #tpu.memory_space<hbm>>
    %dma_wait3A_142 = tpu.memref_squeeze %dma_wait3A_141 : memref<1x2048xf32, #tpu.memory_space<hbm>> -> memref<2048xf32, #tpu.memory_space<hbm>>
    tpu.wait_dma2 semaphore(%arg23 : memref<!tpu.dma_semaphore, #tpu.memory_space<semaphore_mem>>) src(%dma_wait3A_142 : memref<2048xf32, #tpu.memory_space<hbm>>) dst(%arg14 : memref<2048xf32, #tpu.memory_space<vmem>>)
    %dma_wait3A_143 = arith.constant 0 : i32
    %dma_wait3A_144 = tpu.memref_slice %arg5[%add3A_75, %dma_wait3A_143] : memref<128x2048xf32, #tpu.memory_space<hbm>> -> memref<1x2048xf32, #tpu.memory_space<hbm>>
    %dma_wait3A_145 = tpu.memref_squeeze %dma_wait3A_144 : memref<1x2048xf32, #tpu.memory_space<hbm>> -> memref<2048xf32, #tpu.memory_space<hbm>>
    %dma_wait3A_146 = arith.constant 0 : i32
    %dma_wait3A_147 = tpu.memref_slice %arg5[%add3A_75, %dma_wait3A_146] : memref<128x2048xf32, #tpu.memory_space<hbm>> -> memref<1x2048xf32, #tpu.memory_space<hbm>>
    %dma_wait3A_148 = tpu.memref_squeeze %dma_wait3A_147 : memref<1x2048xf32, #tpu.memory_space<hbm>> -> memref<2048xf32, #tpu.memory_space<hbm>>
    tpu.wait_dma2 semaphore(%arg23 : memref<!tpu.dma_semaphore, #tpu.memory_space<semaphore_mem>>) src(%dma_wait3A_148 : memref<2048xf32, #tpu.memory_space<hbm>>) dst(%arg16 : memref<2048xf32, #tpu.memory_space<vmem>>)
    %dma_wait3A_149 = arith.constant 0 : i32
    %dma_wait3A_150 = tpu.memref_slice %arg6[%add3A_75, %dma_wait3A_149] : memref<128x12544xf32, #tpu.memory_space<hbm>> -> memref<1x12544xf32, #tpu.memory_space<hbm>>
    %dma_wait3A_151 = tpu.memref_squeeze %dma_wait3A_150 : memref<1x12544xf32, #tpu.memory_space<hbm>> -> memref<12544xf32, #tpu.memory_space<hbm>>
    %dma_wait3A_152 = arith.constant 0 : i32
    %dma_wait3A_153 = tpu.memref_slice %arg6[%add3A_75, %dma_wait3A_152] : memref<128x12544xf32, #tpu.memory_space<hbm>> -> memref<1x12544xf32, #tpu.memory_space<hbm>>
    %dma_wait3A_154 = tpu.memref_squeeze %dma_wait3A_153 : memref<1x12544xf32, #tpu.memory_space<hbm>> -> memref<12544xf32, #tpu.memory_space<hbm>>
    tpu.wait_dma2 semaphore(%arg23 : memref<!tpu.dma_semaphore, #tpu.memory_space<semaphore_mem>>) src(%dma_wait3A_154 : memref<12544xf32, #tpu.memory_space<hbm>>) dst(%arg18 : memref<12544xf32, #tpu.memory_space<vmem>>)
    %mul3A_155 = arith.constant 4 : i32
    %mul3A_156 = arith.muli %add3A, %mul3A_155 : i32
    %add3A_157 = arith.constant 2 : i32
    %add3A_158 = arith.addi %mul3A_156, %add3A_157 : i32
    %dma_start3A_159 = arith.constant 0 : i32
    %dma_start3A_160 = tpu.memref_slice %arg2[%add3A_158, %dma_start3A_159] : memref<128x2048xf32, #tpu.memory_space<hbm>> -> memref<1x2048xf32, #tpu.memory_space<hbm>>
    %dma_start3A_161 = tpu.memref_squeeze %dma_start3A_160 : memref<1x2048xf32, #tpu.memory_space<hbm>> -> memref<2048xf32, #tpu.memory_space<hbm>>
    %dma_start3A_162 = arith.constant 0 : i32
    %dma_start3A_163 = tpu.memref_slice %arg2[%add3A_158, %dma_start3A_162] : memref<128x2048xf32, #tpu.memory_space<hbm>> -> memref<1x2048xf32, #tpu.memory_space<hbm>>
    %dma_start3A_164 = tpu.memref_squeeze %dma_start3A_163 : memref<1x2048xf32, #tpu.memory_space<hbm>> -> memref<2048xf32, #tpu.memory_space<hbm>>
    tpu.enqueue_dma source(%dma_start3A_164 : memref<2048xf32, #tpu.memory_space<hbm>>) target(%arg9 : memref<2048xf32, #tpu.memory_space<vmem>>) target_semaphore(%arg22 : memref<!tpu.dma_semaphore, #tpu.memory_space<semaphore_mem>>)
    %dma_start3A_165 = arith.constant 0 : i32
    %dma_start3A_166 = tpu.memref_slice %arg3[%add3A_158, %dma_start3A_165] : memref<128x2048xf32, #tpu.memory_space<hbm>> -> memref<1x2048xf32, #tpu.memory_space<hbm>>
    %dma_start3A_167 = tpu.memref_squeeze %dma_start3A_166 : memref<1x2048xf32, #tpu.memory_space<hbm>> -> memref<2048xf32, #tpu.memory_space<hbm>>
    %dma_start3A_168 = arith.constant 0 : i32
    %dma_start3A_169 = tpu.memref_slice %arg3[%add3A_158, %dma_start3A_168] : memref<128x2048xf32, #tpu.memory_space<hbm>> -> memref<1x2048xf32, #tpu.memory_space<hbm>>
    %dma_start3A_170 = tpu.memref_squeeze %dma_start3A_169 : memref<1x2048xf32, #tpu.memory_space<hbm>> -> memref<2048xf32, #tpu.memory_space<hbm>>
    tpu.enqueue_dma source(%dma_start3A_170 : memref<2048xf32, #tpu.memory_space<hbm>>) target(%arg11 : memref<2048xf32, #tpu.memory_space<vmem>>) target_semaphore(%arg22 : memref<!tpu.dma_semaphore, #tpu.memory_space<semaphore_mem>>)
    %dma_start3A_171 = arith.constant 0 : i32
    %dma_start3A_172 = tpu.memref_slice %arg4[%add3A_158, %dma_start3A_171] : memref<128x2048xf32, #tpu.memory_space<hbm>> -> memref<1x2048xf32, #tpu.memory_space<hbm>>
    %dma_start3A_173 = tpu.memref_squeeze %dma_start3A_172 : memref<1x2048xf32, #tpu.memory_space<hbm>> -> memref<2048xf32, #tpu.memory_space<hbm>>
    %dma_start3A_174 = arith.constant 0 : i32
    %dma_start3A_175 = tpu.memref_slice %arg4[%add3A_158, %dma_start3A_174] : memref<128x2048xf32, #tpu.memory_space<hbm>> -> memref<1x2048xf32, #tpu.memory_space<hbm>>
    %dma_start3A_176 = tpu.memref_squeeze %dma_start3A_175 : memref<1x2048xf32, #tpu.memory_space<hbm>> -> memref<2048xf32, #tpu.memory_space<hbm>>
    tpu.enqueue_dma source(%dma_start3A_176 : memref<2048xf32, #tpu.memory_space<hbm>>) target(%arg13 : memref<2048xf32, #tpu.memory_space<vmem>>) target_semaphore(%arg22 : memref<!tpu.dma_semaphore, #tpu.memory_space<semaphore_mem>>)
    %dma_start3A_177 = arith.constant 0 : i32
    %dma_start3A_178 = tpu.memref_slice %arg5[%add3A_158, %dma_start3A_177] : memref<128x2048xf32, #tpu.memory_space<hbm>> -> memref<1x2048xf32, #tpu.memory_space<hbm>>
    %dma_start3A_179 = tpu.memref_squeeze %dma_start3A_178 : memref<1x2048xf32, #tpu.memory_space<hbm>> -> memref<2048xf32, #tpu.memory_space<hbm>>
    %dma_start3A_180 = arith.constant 0 : i32
    %dma_start3A_181 = tpu.memref_slice %arg5[%add3A_158, %dma_start3A_180] : memref<128x2048xf32, #tpu.memory_space<hbm>> -> memref<1x2048xf32, #tpu.memory_space<hbm>>
    %dma_start3A_182 = tpu.memref_squeeze %dma_start3A_181 : memref<1x2048xf32, #tpu.memory_space<hbm>> -> memref<2048xf32, #tpu.memory_space<hbm>>
    tpu.enqueue_dma source(%dma_start3A_182 : memref<2048xf32, #tpu.memory_space<hbm>>) target(%arg15 : memref<2048xf32, #tpu.memory_space<vmem>>) target_semaphore(%arg22 : memref<!tpu.dma_semaphore, #tpu.memory_space<semaphore_mem>>)
    %dma_start3A_183 = arith.constant 0 : i32
    %dma_start3A_184 = tpu.memref_slice %arg6[%add3A_158, %dma_start3A_183] : memref<128x12544xf32, #tpu.memory_space<hbm>> -> memref<1x12544xf32, #tpu.memory_space<hbm>>
    %dma_start3A_185 = tpu.memref_squeeze %dma_start3A_184 : memref<1x12544xf32, #tpu.memory_space<hbm>> -> memref<12544xf32, #tpu.memory_space<hbm>>
    %dma_start3A_186 = arith.constant 0 : i32
    %dma_start3A_187 = tpu.memref_slice %arg6[%add3A_158, %dma_start3A_186] : memref<128x12544xf32, #tpu.memory_space<hbm>> -> memref<1x12544xf32, #tpu.memory_space<hbm>>
    %dma_start3A_188 = tpu.memref_squeeze %dma_start3A_187 : memref<1x12544xf32, #tpu.memory_space<hbm>> -> memref<12544xf32, #tpu.memory_space<hbm>>
    tpu.enqueue_dma source(%dma_start3A_188 : memref<12544xf32, #tpu.memory_space<hbm>>) target(%arg17 : memref<12544xf32, #tpu.memory_space<vmem>>) target_semaphore(%arg22 : memref<!tpu.dma_semaphore, #tpu.memory_space<semaphore_mem>>)
    %scan3A_189 = arith.constant 0 : i32
    %scan3A_190 = arith.constant 0 : i32
    %scan3A_191 = arith.constant 127 : i32
    %scan3A_192 = arith.addi %scan3A_190, %scan3A_191 : i32
    %scan3A_193 = arith.constant 1 : i32
    %scan3A_194 = scf.for %scan3A_347 = %scan3A_190 to %scan3A_192 step %scan3A_193 iter_args(%scan3A_348 = %scan3A_189) -> (i32)  : i32 {
      %mul3A_349 = arith.constant 16 : i32
      %mul3A_350 = arith.muli %scan3A_347, %mul3A_349 : i32
      %get3A = arith.index_cast %mul3A_350 : i32 to index
      %get3A_351 = tpu.vector_load %arg10[%get3A] {strides = array<i32>} : memref<2048xf32, #tpu.memory_space<vmem>>, vector<16xf32>,
      %get3A_352 = arith.index_cast %mul3A_350 : i32 to index
      %get3A_353 = tpu.vector_load %arg12[%get3A_352] {strides = array<i32>} : memref<2048xf32, #tpu.memory_space<vmem>>, vector<16xf32>,
      %add3A_354 = arith.constant 16 : i32
      %add3A_355 = arith.addi %mul3A_350, %add3A_354 : i32
      %get3A_356 = arith.index_cast %add3A_355 : i32 to index
      %get3A_357 = tpu.vector_load %arg10[%get3A_356] {strides = array<i32>} : memref<2048xf32, #tpu.memory_space<vmem>>, vector<16xf32>,
      %add3A_358 = arith.constant 16 : i32
      %add3A_359 = arith.addi %mul3A_350, %add3A_358 : i32
      %get3A_360 = arith.index_cast %add3A_359 : i32 to index
      %get3A_361 = tpu.vector_load %arg12[%get3A_360] {strides = array<i32>} : memref<2048xf32, #tpu.memory_space<vmem>>, vector<16xf32>,
      %mul3A_362 = arith.constant 2.700000e+01 : f32
      %mul3A_363 = vector.broadcast %mul3A_362 : f32 to vector<16xf32>
      %mul3A_364 = arith.mulf %get3A_351, %mul3A_363 : vector<16xf32>
      %convert_element_type3A = arith.fptosi %mul3A_364 : vector<16xf32> to vector<16xi32>
      %mul3A_365 = arith.constant 2.700000e+01 : f32
      %mul3A_366 = vector.broadcast %mul3A_365 : f32 to vector<16xf32>
      %mul3A_367 = arith.mulf %get3A_353, %mul3A_366 : vector<16xf32>
      %convert_element_type3A_368 = arith.fptosi %mul3A_367 : vector<16xf32> to vector<16xi32>
      %mul3A_369 = arith.constant 2.700000e+01 : f32
      %mul3A_370 = vector.broadcast %mul3A_369 : f32 to vector<16xf32>
      %mul3A_371 = arith.mulf %get3A_357, %mul3A_370 : vector<16xf32>
      %convert_element_type3A_372 = arith.fptosi %mul3A_371 : vector<16xf32> to vector<16xi32>
      %mul3A_373 = arith.constant 2.700000e+01 : f32
      %mul3A_374 = vector.broadcast %mul3A_373 : f32 to vector<16xf32>
      %mul3A_375 = arith.mulf %get3A_361, %mul3A_374 : vector<16xf32>
      %convert_element_type3A_376 = arith.fptosi %mul3A_375 : vector<16xf32> to vector<16xi32>
      %sub3A = arith.subi %convert_element_type3A_376, %convert_element_type3A_368 : vector<16xi32>
      %abs3A = math.absi %sub3A : vector<16xi32>
      %sub3A_377 = arith.subi %convert_element_type3A_372, %convert_element_type3A : vector<16xi32>
      %abs3A_378 = math.absi %sub3A_377 : vector<16xi32>
      %gt3A = arith.cmpi sgt, %abs3A, %abs3A_378 : vector<16xi32>
      %select_n3A = arith.select %gt3A, %convert_element_type3A_368, %convert_element_type3A : vector<16xi1>, vector<16xi32>
      %select_n3A_379 = arith.select %gt3A, %convert_element_type3A, %convert_element_type3A_368 : vector<16xi1>, vector<16xi32>
      %select_n3A_380 = arith.select %gt3A, %convert_element_type3A_376, %convert_element_type3A_372 : vector<16xi1>, vector<16xi32>
      %select_n3A_381 = arith.select %gt3A, %convert_element_type3A_372, %convert_element_type3A_376 : vector<16xi1>, vector<16xi32>
      %gt3A_382 = arith.cmpi sgt, %select_n3A, %select_n3A_380 : vector<16xi32>
      %select_n3A_383 = arith.select %gt3A_382, %select_n3A_380, %select_n3A : vector<16xi1>, vector<16xi32>
      %select_n3A_384 = arith.select %gt3A_382, %select_n3A, %select_n3A_380 : vector<16xi1>, vector<16xi32>
      %select_n3A_385 = arith.select %gt3A_382, %select_n3A_381, %select_n3A_379 : vector<16xi1>, vector<16xi32>
      %select_n3A_386 = arith.select %gt3A_382, %select_n3A_379, %select_n3A_381 : vector<16xi1>, vector<16xi32>
      %sub3A_387 = arith.subi %select_n3A_384, %select_n3A_383 : vector<16xi32>
      %sub3A_388 = arith.subi %select_n3A_386, %select_n3A_385 : vector<16xi32>
      %abs3A_389 = math.absi %sub3A_388 : vector<16xi32>
      %max3A = arith.constant 1 : i32
      %max3A_390 = vector.broadcast %max3A : i32 to vector<16xi32>
      %max3A_391 = arith.maxsi %sub3A_387, %max3A_390 : vector<16xi32>
      %lt3A = arith.cmpi slt, %select_n3A_385, %select_n3A_386 : vector<16xi32>
      %gather3A = tpu.vector_load_idx %arg21[%max3A_391] : memref<32xi32, #tpu.memory_space<vmem>>[vector<16xi32>], vector<16xi32>,
      %mul3A_392 = arith.muli %abs3A_389, %gather3A : vector<16xi32>
      %select_n3A_393 = arith.select %gt3A, %select_n3A_383, %select_n3A_385 : vector<16xi1>, vector<16xi32>
      %select_n3A_394 = arith.select %gt3A, %select_n3A_385, %select_n3A_383 : vector<16xi1>, vector<16xi32>
      %mul3A_395 = arith.constant 28 : i32
      %mul3A_396 = vector.broadcast %mul3A_395 : i32 to vector<16xi32>
      %mul3A_397 = arith.muli %select_n3A_393, %mul3A_396 : vector<16xi32>
      %add3A_398 = arith.addi %mul3A_397, %select_n3A_394 : vector<16xi32>
      %mul3A_399 = arith.constant 16 : i32
      %mul3A_400 = vector.broadcast %mul3A_399 : i32 to vector<16xi32>
      %mul3A_401 = arith.muli %add3A_398, %mul3A_400 : vector<16xi32>
      %add3A_402 = arith.addi %mul3A_401, %iota3A : vector<16xi32>
      %jit3A = arith.constant 448 : i32
      %jit3A_403 = arith.constant 16 : i32
      %broadcast_in_dim3A_404 = vector.broadcast %jit3A : i32 to vector<16xi32>
      %broadcast_in_dim3A_405 = vector.broadcast %jit3A_403 : i32 to vector<16xi32>
      %select_n3A_406 = arith.select %gt3A, %broadcast_in_dim3A_404, %broadcast_in_dim3A_405 : vector<16xi1>, vector<16xi32>
      %jit3A_407 = arith.constant 16 : i32
      %jit3A_408 = arith.constant 448 : i32
      %broadcast_in_dim3A_409 = vector.broadcast %jit3A_407 : i32 to vector<16xi32>
      %broadcast_in_dim3A_410 = vector.broadcast %jit3A_408 : i32 to vector<16xi32>
      %select_n3A_411 = arith.select %gt3A, %broadcast_in_dim3A_409, %broadcast_in_dim3A_410 : vector<16xi1>, vector<16xi32>
      %neg3A = arith.constant 0 : i32
      %neg3A_412 = vector.broadcast %neg3A : i32 to vector<16xi32>
      %neg3A_413 = arith.subi %neg3A_412, %select_n3A_411 : vector<16xi32>
      %select_n3A_414 = arith.select %lt3A, %select_n3A_411, %neg3A_413 : vector<16xi1>, vector<16xi32>
      tpu.vector_store_idx %arg19[%add3A_402], %broadcast_in_dim3A_3 : memref<12544xf32, #tpu.memory_space<vmem>>[vector<16xi32>], vector<16xf32>,
      %add3A_415 = arith.addi %add3A_402, %select_n3A_406 : vector<16xi32>
      %mul3A_416 = arith.constant 1 : i32
      %mul3A_417 = vector.broadcast %mul3A_416 : i32 to vector<16xi32>
      %mul3A_418 = arith.muli %mul3A_392, %mul3A_417 : vector<16xi32>
      %shift_right_arithmetic3A = arith.constant 20 : i32
      %shift_right_arithmetic3A_419 = vector.broadcast %shift_right_arithmetic3A : i32 to vector<16xi32>
      %shift_right_arithmetic3A_420 = arith.shrsi %mul3A_418, %shift_right_arithmetic3A_419 : vector<16xi32>
      %ge3A = arith.constant 1 : i32
      %ge3A_421 = vector.broadcast %ge3A : i32 to vector<16xi32>
      %ge3A_422 = arith.cmpi sge, %sub3A_387, %ge3A_421 : vector<16xi32>
      %mul3A_423 = arith.muli %shift_right_arithmetic3A_420, %select_n3A_414 : vector<16xi32>
      %add3A_424 = arith.addi %add3A_415, %mul3A_423 : vector<16xi32>
      tpu.vector_store_idx %arg19[%add3A_424], %broadcast_in_dim3A_3 masked %ge3A_422 : memref<12544xf32, #tpu.memory_space<vmem>>[vector<16xi32>], vector<16xf32>, vector<16xi1>
      %add3A_425 = arith.addi %add3A_415, %select_n3A_406 : vector<16xi32>
      %mul3A_426 = arith.constant 2 : i32
      %mul3A_427 = vector.broadcast %mul3A_426 : i32 to vector<16xi32>
      %mul3A_428 = arith.muli %mul3A_392, %mul3A_427 : vector<16xi32>
      %shift_right_arithmetic3A_429 = arith.constant 20 : i32
      %shift_right_arithmetic3A_430 = vector.broadcast %shift_right_arithmetic3A_429 : i32 to vector<16xi32>
      %shift_right_arithmetic3A_431 = arith.shrsi %mul3A_428, %shift_right_arithmetic3A_430 : vector<16xi32>
      %ge3A_432 = arith.constant 2 : i32
      %ge3A_433 = vector.broadcast %ge3A_432 : i32 to vector<16xi32>
      %ge3A_434 = arith.cmpi sge, %sub3A_387, %ge3A_433 : vector<16xi32>
      %mul3A_435 = arith.muli %shift_right_arithmetic3A_431, %select_n3A_414 : vector<16xi32>
      %add3A_436 = arith.addi %add3A_425, %mul3A_435 : vector<16xi32>
      tpu.vector_store_idx %arg19[%add3A_436], %broadcast_in_dim3A_3 masked %ge3A_434 : memref<12544xf32, #tpu.memory_space<vmem>>[vector<16xi32>], vector<16xf32>, vector<16xi1>
      %add3A_437 = arith.addi %add3A_425, %select_n3A_406 : vector<16xi32>
      %mul3A_438 = arith.constant 3 : i32
      %mul3A_439 = vector.broadcast %mul3A_438 : i32 to vector<16xi32>
      %mul3A_440 = arith.muli %mul3A_392, %mul3A_439 : vector<16xi32>
      %shift_right_arithmetic3A_441 = arith.constant 20 : i32
      %shift_right_arithmetic3A_442 = vector.broadcast %shift_right_arithmetic3A_441 : i32 to vector<16xi32>
      %shift_right_arithmetic3A_443 = arith.shrsi %mul3A_440, %shift_right_arithmetic3A_442 : vector<16xi32>
      %ge3A_444 = arith.constant 3 : i32
      %ge3A_445 = vector.broadcast %ge3A_444 : i32 to vector<16xi32>
      %ge3A_446 = arith.cmpi sge, %sub3A_387, %ge3A_445 : vector<16xi32>
      %mul3A_447 = arith.muli %shift_right_arithmetic3A_443, %select_n3A_414 : vector<16xi32>
      %add3A_448 = arith.addi %add3A_437, %mul3A_447 : vector<16xi32>
      tpu.vector_store_idx %arg19[%add3A_448], %broadcast_in_dim3A_3 masked %ge3A_446 : memref<12544xf32, #tpu.memory_space<vmem>>[vector<16xi32>], vector<16xf32>, vector<16xi1>
      %add3A_449 = arith.addi %add3A_437, %select_n3A_406 : vector<16xi32>
      %mul3A_450 = arith.constant 4 : i32
      %mul3A_451 = vector.broadcast %mul3A_450 : i32 to vector<16xi32>
      %mul3A_452 = arith.muli %mul3A_392, %mul3A_451 : vector<16xi32>
      %shift_right_arithmetic3A_453 = arith.constant 20 : i32
      %shift_right_arithmetic3A_454 = vector.broadcast %shift_right_arithmetic3A_453 : i32 to vector<16xi32>
      %shift_right_arithmetic3A_455 = arith.shrsi %mul3A_452, %shift_right_arithmetic3A_454 : vector<16xi32>
      %ge3A_456 = arith.constant 4 : i32
      %ge3A_457 = vector.broadcast %ge3A_456 : i32 to vector<16xi32>
      %ge3A_458 = arith.cmpi sge, %sub3A_387, %ge3A_457 : vector<16xi32>
      %mul3A_459 = arith.muli %shift_right_arithmetic3A_455, %select_n3A_414 : vector<16xi32>
      %add3A_460 = arith.addi %add3A_449, %mul3A_459 : vector<16xi32>
      tpu.vector_store_idx %arg19[%add3A_460], %broadcast_in_dim3A_3 masked %ge3A_458 : memref<12544xf32, #tpu.memory_space<vmem>>[vector<16xi32>], vector<16xf32>, vector<16xi1>
      %add3A_461 = arith.addi %add3A_449, %select_n3A_406 : vector<16xi32>
      %mul3A_462 = arith.constant 5 : i32
      %mul3A_463 = vector.broadcast %mul3A_462 : i32 to vector<16xi32>
      %mul3A_464 = arith.muli %mul3A_392, %mul3A_463 : vector<16xi32>
      %shift_right_arithmetic3A_465 = arith.constant 20 : i32
      %shift_right_arithmetic3A_466 = vector.broadcast %shift_right_arithmetic3A_465 : i32 to vector<16xi32>
      %shift_right_arithmetic3A_467 = arith.shrsi %mul3A_464, %shift_right_arithmetic3A_466 : vector<16xi32>
      %ge3A_468 = arith.constant 5 : i32
      %ge3A_469 = vector.broadcast %ge3A_468 : i32 to vector<16xi32>
      %ge3A_470 = arith.cmpi sge, %sub3A_387, %ge3A_469 : vector<16xi32>
      %mul3A_471 = arith.muli %shift_right_arithmetic3A_467, %select_n3A_414 : vector<16xi32>
      %add3A_472 = arith.addi %add3A_461, %mul3A_471 : vector<16xi32>
      tpu.vector_store_idx %arg19[%add3A_472], %broadcast_in_dim3A_3 masked %ge3A_470 : memref<12544xf32, #tpu.memory_space<vmem>>[vector<16xi32>], vector<16xf32>, vector<16xi1>
      %add3A_473 = arith.addi %add3A_461, %select_n3A_406 : vector<16xi32>
      %mul3A_474 = arith.constant 6 : i32
      %mul3A_475 = vector.broadcast %mul3A_474 : i32 to vector<16xi32>
      %mul3A_476 = arith.muli %mul3A_392, %mul3A_475 : vector<16xi32>
      %shift_right_arithmetic3A_477 = arith.constant 20 : i32
      %shift_right_arithmetic3A_478 = vector.broadcast %shift_right_arithmetic3A_477 : i32 to vector<16xi32>
      %shift_right_arithmetic3A_479 = arith.shrsi %mul3A_476, %shift_right_arithmetic3A_478 : vector<16xi32>
      %ge3A_480 = arith.constant 6 : i32
      %ge3A_481 = vector.broadcast %ge3A_480 : i32 to vector<16xi32>
      %ge3A_482 = arith.cmpi sge, %sub3A_387, %ge3A_481 : vector<16xi32>
      %mul3A_483 = arith.muli %shift_right_arithmetic3A_479, %select_n3A_414 : vector<16xi32>
      %add3A_484 = arith.addi %add3A_473, %mul3A_483 : vector<16xi32>
      tpu.vector_store_idx %arg19[%add3A_484], %broadcast_in_dim3A_3 masked %ge3A_482 : memref<12544xf32, #tpu.memory_space<vmem>>[vector<16xi32>], vector<16xf32>, vector<16xi1>
      %add3A_485 = arith.addi %add3A_473, %select_n3A_406 : vector<16xi32>
      %mul3A_486 = arith.constant 7 : i32
      %mul3A_487 = vector.broadcast %mul3A_486 : i32 to vector<16xi32>
      %mul3A_488 = arith.muli %mul3A_392, %mul3A_487 : vector<16xi32>
      %shift_right_arithmetic3A_489 = arith.constant 20 : i32
      %shift_right_arithmetic3A_490 = vector.broadcast %shift_right_arithmetic3A_489 : i32 to vector<16xi32>
      %shift_right_arithmetic3A_491 = arith.shrsi %mul3A_488, %shift_right_arithmetic3A_490 : vector<16xi32>
      %ge3A_492 = arith.constant 7 : i32
      %ge3A_493 = vector.broadcast %ge3A_492 : i32 to vector<16xi32>
      %ge3A_494 = arith.cmpi sge, %sub3A_387, %ge3A_493 : vector<16xi32>
      %mul3A_495 = arith.muli %shift_right_arithmetic3A_491, %select_n3A_414 : vector<16xi32>
      %add3A_496 = arith.addi %add3A_485, %mul3A_495 : vector<16xi32>
      tpu.vector_store_idx %arg19[%add3A_496], %broadcast_in_dim3A_3 masked %ge3A_494 : memref<12544xf32, #tpu.memory_space<vmem>>[vector<16xi32>], vector<16xf32>, vector<16xi1>
      %add3A_497 = arith.addi %add3A_485, %select_n3A_406 : vector<16xi32>
      %mul3A_498 = arith.constant 8 : i32
      %mul3A_499 = vector.broadcast %mul3A_498 : i32 to vector<16xi32>
      %mul3A_500 = arith.muli %mul3A_392, %mul3A_499 : vector<16xi32>
      %shift_right_arithmetic3A_501 = arith.constant 20 : i32
      %shift_right_arithmetic3A_502 = vector.broadcast %shift_right_arithmetic3A_501 : i32 to vector<16xi32>
      %shift_right_arithmetic3A_503 = arith.shrsi %mul3A_500, %shift_right_arithmetic3A_502 : vector<16xi32>
      %ge3A_504 = arith.constant 8 : i32
      %ge3A_505 = vector.broadcast %ge3A_504 : i32 to vector<16xi32>
      %ge3A_506 = arith.cmpi sge, %sub3A_387, %ge3A_505 : vector<16xi32>
      %mul3A_507 = arith.muli %shift_right_arithmetic3A_503, %select_n3A_414 : vector<16xi32>
      %add3A_508 = arith.addi %add3A_497, %mul3A_507 : vector<16xi32>
      tpu.vector_store_idx %arg19[%add3A_508], %broadcast_in_dim3A_3 masked %ge3A_506 : memref<12544xf32, #tpu.memory_space<vmem>>[vector<16xi32>], vector<16xf32>, vector<16xi1>
      %add3A_509 = arith.addi %add3A_497, %select_n3A_406 : vector<16xi32>
      %mul3A_510 = arith.constant 9 : i32
      %mul3A_511 = vector.broadcast %mul3A_510 : i32 to vector<16xi32>
      %mul3A_512 = arith.muli %mul3A_392, %mul3A_511 : vector<16xi32>
      %shift_right_arithmetic3A_513 = arith.constant 20 : i32
      %shift_right_arithmetic3A_514 = vector.broadcast %shift_right_arithmetic3A_513 : i32 to vector<16xi32>
      %shift_right_arithmetic3A_515 = arith.shrsi %mul3A_512, %shift_right_arithmetic3A_514 : vector<16xi32>
      %ge3A_516 = arith.constant 9 : i32
      %ge3A_517 = vector.broadcast %ge3A_516 : i32 to vector<16xi32>
      %ge3A_518 = arith.cmpi sge, %sub3A_387, %ge3A_517 : vector<16xi32>
      %mul3A_519 = arith.muli %shift_right_arithmetic3A_515, %select_n3A_414 : vector<16xi32>
      %add3A_520 = arith.addi %add3A_509, %mul3A_519 : vector<16xi32>
      tpu.vector_store_idx %arg19[%add3A_520], %broadcast_in_dim3A_3 masked %ge3A_518 : memref<12544xf32, #tpu.memory_space<vmem>>[vector<16xi32>], vector<16xf32>, vector<16xi1>
      %add3A_521 = arith.addi %add3A_509, %select_n3A_406 : vector<16xi32>
      %mul3A_522 = arith.constant 10 : i32
      %mul3A_523 = vector.broadcast %mul3A_522 : i32 to vector<16xi32>
      %mul3A_524 = arith.muli %mul3A_392, %mul3A_523 : vector<16xi32>
      %shift_right_arithmetic3A_525 = arith.constant 20 : i32
      %shift_right_arithmetic3A_526 = vector.broadcast %shift_right_arithmetic3A_525 : i32 to vector<16xi32>
      %shift_right_arithmetic3A_527 = arith.shrsi %mul3A_524, %shift_right_arithmetic3A_526 : vector<16xi32>
      %ge3A_528 = arith.constant 10 : i32
      %ge3A_529 = vector.broadcast %ge3A_528 : i32 to vector<16xi32>
      %ge3A_530 = arith.cmpi sge, %sub3A_387, %ge3A_529 : vector<16xi32>
      %mul3A_531 = arith.muli %shift_right_arithmetic3A_527, %select_n3A_414 : vector<16xi32>
      %add3A_532 = arith.addi %add3A_521, %mul3A_531 : vector<16xi32>
      tpu.vector_store_idx %arg19[%add3A_532], %broadcast_in_dim3A_3 masked %ge3A_530 : memref<12544xf32, #tpu.memory_space<vmem>>[vector<16xi32>], vector<16xf32>, vector<16xi1>
      %add3A_533 = arith.addi %add3A_521, %select_n3A_406 : vector<16xi32>
      %mul3A_534 = arith.constant 11 : i32
      %mul3A_535 = vector.broadcast %mul3A_534 : i32 to vector<16xi32>
      %mul3A_536 = arith.muli %mul3A_392, %mul3A_535 : vector<16xi32>
      %shift_right_arithmetic3A_537 = arith.constant 20 : i32
      %shift_right_arithmetic3A_538 = vector.broadcast %shift_right_arithmetic3A_537 : i32 to vector<16xi32>
      %shift_right_arithmetic3A_539 = arith.shrsi %mul3A_536, %shift_right_arithmetic3A_538 : vector<16xi32>
      %ge3A_540 = arith.constant 11 : i32
      %ge3A_541 = vector.broadcast %ge3A_540 : i32 to vector<16xi32>
      %ge3A_542 = arith.cmpi sge, %sub3A_387, %ge3A_541 : vector<16xi32>
      %mul3A_543 = arith.muli %shift_right_arithmetic3A_539, %select_n3A_414 : vector<16xi32>
      %add3A_544 = arith.addi %add3A_533, %mul3A_543 : vector<16xi32>
      tpu.vector_store_idx %arg19[%add3A_544], %broadcast_in_dim3A_3 masked %ge3A_542 : memref<12544xf32, #tpu.memory_space<vmem>>[vector<16xi32>], vector<16xf32>, vector<16xi1>
      %add3A_545 = arith.addi %add3A_533, %select_n3A_406 : vector<16xi32>
      %mul3A_546 = arith.constant 12 : i32
      %mul3A_547 = vector.broadcast %mul3A_546 : i32 to vector<16xi32>
      %mul3A_548 = arith.muli %mul3A_392, %mul3A_547 : vector<16xi32>
      %shift_right_arithmetic3A_549 = arith.constant 20 : i32
      %shift_right_arithmetic3A_550 = vector.broadcast %shift_right_arithmetic3A_549 : i32 to vector<16xi32>
      %shift_right_arithmetic3A_551 = arith.shrsi %mul3A_548, %shift_right_arithmetic3A_550 : vector<16xi32>
      %ge3A_552 = arith.constant 12 : i32
      %ge3A_553 = vector.broadcast %ge3A_552 : i32 to vector<16xi32>
      %ge3A_554 = arith.cmpi sge, %sub3A_387, %ge3A_553 : vector<16xi32>
      %mul3A_555 = arith.muli %shift_right_arithmetic3A_551, %select_n3A_414 : vector<16xi32>
      %add3A_556 = arith.addi %add3A_545, %mul3A_555 : vector<16xi32>
      tpu.vector_store_idx %arg19[%add3A_556], %broadcast_in_dim3A_3 masked %ge3A_554 : memref<12544xf32, #tpu.memory_space<vmem>>[vector<16xi32>], vector<16xf32>, vector<16xi1>
      %add3A_557 = arith.addi %add3A_545, %select_n3A_406 : vector<16xi32>
      %mul3A_558 = arith.constant 13 : i32
      %mul3A_559 = vector.broadcast %mul3A_558 : i32 to vector<16xi32>
      %mul3A_560 = arith.muli %mul3A_392, %mul3A_559 : vector<16xi32>
      %shift_right_arithmetic3A_561 = arith.constant 20 : i32
      %shift_right_arithmetic3A_562 = vector.broadcast %shift_right_arithmetic3A_561 : i32 to vector<16xi32>
      %shift_right_arithmetic3A_563 = arith.shrsi %mul3A_560, %shift_right_arithmetic3A_562 : vector<16xi32>
      %ge3A_564 = arith.constant 13 : i32
      %ge3A_565 = vector.broadcast %ge3A_564 : i32 to vector<16xi32>
      %ge3A_566 = arith.cmpi sge, %sub3A_387, %ge3A_565 : vector<16xi32>
      %mul3A_567 = arith.muli %shift_right_arithmetic3A_563, %select_n3A_414 : vector<16xi32>
      %add3A_568 = arith.addi %add3A_557, %mul3A_567 : vector<16xi32>
      tpu.vector_store_idx %arg19[%add3A_568], %broadcast_in_dim3A_3 masked %ge3A_566 : memref<12544xf32, #tpu.memory_space<vmem>>[vector<16xi32>], vector<16xf32>, vector<16xi1>
      %add3A_569 = arith.addi %add3A_557, %select_n3A_406 : vector<16xi32>
      %mul3A_570 = arith.constant 14 : i32
      %mul3A_571 = vector.broadcast %mul3A_570 : i32 to vector<16xi32>
      %mul3A_572 = arith.muli %mul3A_392, %mul3A_571 : vector<16xi32>
      %shift_right_arithmetic3A_573 = arith.constant 20 : i32
      %shift_right_arithmetic3A_574 = vector.broadcast %shift_right_arithmetic3A_573 : i32 to vector<16xi32>
      %shift_right_arithmetic3A_575 = arith.shrsi %mul3A_572, %shift_right_arithmetic3A_574 : vector<16xi32>
      %ge3A_576 = arith.constant 14 : i32
      %ge3A_577 = vector.broadcast %ge3A_576 : i32 to vector<16xi32>
      %ge3A_578 = arith.cmpi sge, %sub3A_387, %ge3A_577 : vector<16xi32>
      %mul3A_579 = arith.muli %shift_right_arithmetic3A_575, %select_n3A_414 : vector<16xi32>
      %add3A_580 = arith.addi %add3A_569, %mul3A_579 : vector<16xi32>
      tpu.vector_store_idx %arg19[%add3A_580], %broadcast_in_dim3A_3 masked %ge3A_578 : memref<12544xf32, #tpu.memory_space<vmem>>[vector<16xi32>], vector<16xf32>, vector<16xi1>
      %add3A_581 = arith.addi %add3A_569, %select_n3A_406 : vector<16xi32>
      %mul3A_582 = arith.constant 15 : i32
      %mul3A_583 = vector.broadcast %mul3A_582 : i32 to vector<16xi32>
      %mul3A_584 = arith.muli %mul3A_392, %mul3A_583 : vector<16xi32>
      %shift_right_arithmetic3A_585 = arith.constant 20 : i32
      %shift_right_arithmetic3A_586 = vector.broadcast %shift_right_arithmetic3A_585 : i32 to vector<16xi32>
      %shift_right_arithmetic3A_587 = arith.shrsi %mul3A_584, %shift_right_arithmetic3A_586 : vector<16xi32>
      %ge3A_588 = arith.constant 15 : i32
      %ge3A_589 = vector.broadcast %ge3A_588 : i32 to vector<16xi32>
      %ge3A_590 = arith.cmpi sge, %sub3A_387, %ge3A_589 : vector<16xi32>
      %mul3A_591 = arith.muli %shift_right_arithmetic3A_587, %select_n3A_414 : vector<16xi32>
      %add3A_592 = arith.addi %add3A_581, %mul3A_591 : vector<16xi32>
      tpu.vector_store_idx %arg19[%add3A_592], %broadcast_in_dim3A_3 masked %ge3A_590 : memref<12544xf32, #tpu.memory_space<vmem>>[vector<16xi32>], vector<16xf32>, vector<16xi1>
      %add3A_593 = arith.addi %add3A_581, %select_n3A_406 : vector<16xi32>
      %mul3A_594 = arith.constant 16 : i32
      %mul3A_595 = vector.broadcast %mul3A_594 : i32 to vector<16xi32>
      %mul3A_596 = arith.muli %mul3A_392, %mul3A_595 : vector<16xi32>
      %shift_right_arithmetic3A_597 = arith.constant 20 : i32
      %shift_right_arithmetic3A_598 = vector.broadcast %shift_right_arithmetic3A_597 : i32 to vector<16xi32>
      %shift_right_arithmetic3A_599 = arith.shrsi %mul3A_596, %shift_right_arithmetic3A_598 : vector<16xi32>
      %ge3A_600 = arith.constant 16 : i32
      %ge3A_601 = vector.broadcast %ge3A_600 : i32 to vector<16xi32>
      %ge3A_602 = arith.cmpi sge, %sub3A_387, %ge3A_601 : vector<16xi32>
      %mul3A_603 = arith.muli %shift_right_arithmetic3A_599, %select_n3A_414 : vector<16xi32>
      %add3A_604 = arith.addi %add3A_593, %mul3A_603 : vector<16xi32>
      tpu.vector_store_idx %arg19[%add3A_604], %broadcast_in_dim3A_3 masked %ge3A_602 : memref<12544xf32, #tpu.memory_space<vmem>>[vector<16xi32>], vector<16xf32>, vector<16xi1>
      %add3A_605 = arith.addi %add3A_593, %select_n3A_406 : vector<16xi32>
      %mul3A_606 = arith.constant 17 : i32
      %mul3A_607 = vector.broadcast %mul3A_606 : i32 to vector<16xi32>
      %mul3A_608 = arith.muli %mul3A_392, %mul3A_607 : vector<16xi32>
      %shift_right_arithmetic3A_609 = arith.constant 20 : i32
      %shift_right_arithmetic3A_610 = vector.broadcast %shift_right_arithmetic3A_609 : i32 to vector<16xi32>
      %shift_right_arithmetic3A_611 = arith.shrsi %mul3A_608, %shift_right_arithmetic3A_610 : vector<16xi32>
      %ge3A_612 = arith.constant 17 : i32
      %ge3A_613 = vector.broadcast %ge3A_612 : i32 to vector<16xi32>
      %ge3A_614 = arith.cmpi sge, %sub3A_387, %ge3A_613 : vector<16xi32>
      %mul3A_615 = arith.muli %shift_right_arithmetic3A_611, %select_n3A_414 : vector<16xi32>
      %add3A_616 = arith.addi %add3A_605, %mul3A_615 : vector<16xi32>
      tpu.vector_store_idx %arg19[%add3A_616], %broadcast_in_dim3A_3 masked %ge3A_614 : memref<12544xf32, #tpu.memory_space<vmem>>[vector<16xi32>], vector<16xf32>, vector<16xi1>
      %add3A_617 = arith.addi %add3A_605, %select_n3A_406 : vector<16xi32>
      %mul3A_618 = arith.constant 18 : i32
      %mul3A_619 = vector.broadcast %mul3A_618 : i32 to vector<16xi32>
      %mul3A_620 = arith.muli %mul3A_392, %mul3A_619 : vector<16xi32>
      %shift_right_arithmetic3A_621 = arith.constant 20 : i32
      %shift_right_arithmetic3A_622 = vector.broadcast %shift_right_arithmetic3A_621 : i32 to vector<16xi32>
      %shift_right_arithmetic3A_623 = arith.shrsi %mul3A_620, %shift_right_arithmetic3A_622 : vector<16xi32>
      %ge3A_624 = arith.constant 18 : i32
      %ge3A_625 = vector.broadcast %ge3A_624 : i32 to vector<16xi32>
      %ge3A_626 = arith.cmpi sge, %sub3A_387, %ge3A_625 : vector<16xi32>
      %mul3A_627 = arith.muli %shift_right_arithmetic3A_623, %select_n3A_414 : vector<16xi32>
      %add3A_628 = arith.addi %add3A_617, %mul3A_627 : vector<16xi32>
      tpu.vector_store_idx %arg19[%add3A_628], %broadcast_in_dim3A_3 masked %ge3A_626 : memref<12544xf32, #tpu.memory_space<vmem>>[vector<16xi32>], vector<16xf32>, vector<16xi1>
      %add3A_629 = arith.addi %add3A_617, %select_n3A_406 : vector<16xi32>
      %mul3A_630 = arith.constant 19 : i32
      %mul3A_631 = vector.broadcast %mul3A_630 : i32 to vector<16xi32>
      %mul3A_632 = arith.muli %mul3A_392, %mul3A_631 : vector<16xi32>
      %shift_right_arithmetic3A_633 = arith.constant 20 : i32
      %shift_right_arithmetic3A_634 = vector.broadcast %shift_right_arithmetic3A_633 : i32 to vector<16xi32>
      %shift_right_arithmetic3A_635 = arith.shrsi %mul3A_632, %shift_right_arithmetic3A_634 : vector<16xi32>
      %ge3A_636 = arith.constant 19 : i32
      %ge3A_637 = vector.broadcast %ge3A_636 : i32 to vector<16xi32>
      %ge3A_638 = arith.cmpi sge, %sub3A_387, %ge3A_637 : vector<16xi32>
      %mul3A_639 = arith.muli %shift_right_arithmetic3A_635, %select_n3A_414 : vector<16xi32>
      %add3A_640 = arith.addi %add3A_629, %mul3A_639 : vector<16xi32>
      tpu.vector_store_idx %arg19[%add3A_640], %broadcast_in_dim3A_3 masked %ge3A_638 : memref<12544xf32, #tpu.memory_space<vmem>>[vector<16xi32>], vector<16xf32>, vector<16xi1>
      %add3A_641 = arith.addi %add3A_629, %select_n3A_406 : vector<16xi32>
      %mul3A_642 = arith.constant 20 : i32
      %mul3A_643 = vector.broadcast %mul3A_642 : i32 to vector<16xi32>
      %mul3A_644 = arith.muli %mul3A_392, %mul3A_643 : vector<16xi32>
      %shift_right_arithmetic3A_645 = arith.constant 20 : i32
      %shift_right_arithmetic3A_646 = vector.broadcast %shift_right_arithmetic3A_645 : i32 to vector<16xi32>
      %shift_right_arithmetic3A_647 = arith.shrsi %mul3A_644, %shift_right_arithmetic3A_646 : vector<16xi32>
      %ge3A_648 = arith.constant 20 : i32
      %ge3A_649 = vector.broadcast %ge3A_648 : i32 to vector<16xi32>
      %ge3A_650 = arith.cmpi sge, %sub3A_387, %ge3A_649 : vector<16xi32>
      %mul3A_651 = arith.muli %shift_right_arithmetic3A_647, %select_n3A_414 : vector<16xi32>
      %add3A_652 = arith.addi %add3A_641, %mul3A_651 : vector<16xi32>
      tpu.vector_store_idx %arg19[%add3A_652], %broadcast_in_dim3A_3 masked %ge3A_650 : memref<12544xf32, #tpu.memory_space<vmem>>[vector<16xi32>], vector<16xf32>, vector<16xi1>
      %add3A_653 = arith.addi %add3A_641, %select_n3A_406 : vector<16xi32>
      %mul3A_654 = arith.constant 21 : i32
      %mul3A_655 = vector.broadcast %mul3A_654 : i32 to vector<16xi32>
      %mul3A_656 = arith.muli %mul3A_392, %mul3A_655 : vector<16xi32>
      %shift_right_arithmetic3A_657 = arith.constant 20 : i32
      %shift_right_arithmetic3A_658 = vector.broadcast %shift_right_arithmetic3A_657 : i32 to vector<16xi32>
      %shift_right_arithmetic3A_659 = arith.shrsi %mul3A_656, %shift_right_arithmetic3A_658 : vector<16xi32>
      %ge3A_660 = arith.constant 21 : i32
      %ge3A_661 = vector.broadcast %ge3A_660 : i32 to vector<16xi32>
      %ge3A_662 = arith.cmpi sge, %sub3A_387, %ge3A_661 : vector<16xi32>
      %mul3A_663 = arith.muli %shift_right_arithmetic3A_659, %select_n3A_414 : vector<16xi32>
      %add3A_664 = arith.addi %add3A_653, %mul3A_663 : vector<16xi32>
      tpu.vector_store_idx %arg19[%add3A_664], %broadcast_in_dim3A_3 masked %ge3A_662 : memref<12544xf32, #tpu.memory_space<vmem>>[vector<16xi32>], vector<16xf32>, vector<16xi1>
      %add3A_665 = arith.addi %add3A_653, %select_n3A_406 : vector<16xi32>
      %mul3A_666 = arith.constant 22 : i32
      %mul3A_667 = vector.broadcast %mul3A_666 : i32 to vector<16xi32>
      %mul3A_668 = arith.muli %mul3A_392, %mul3A_667 : vector<16xi32>
      %shift_right_arithmetic3A_669 = arith.constant 20 : i32
      %shift_right_arithmetic3A_670 = vector.broadcast %shift_right_arithmetic3A_669 : i32 to vector<16xi32>
      %shift_right_arithmetic3A_671 = arith.shrsi %mul3A_668, %shift_right_arithmetic3A_670 : vector<16xi32>
      %ge3A_672 = arith.constant 22 : i32
      %ge3A_673 = vector.broadcast %ge3A_672 : i32 to vector<16xi32>
      %ge3A_674 = arith.cmpi sge, %sub3A_387, %ge3A_673 : vector<16xi32>
      %mul3A_675 = arith.muli %shift_right_arithmetic3A_671, %select_n3A_414 : vector<16xi32>
      %add3A_676 = arith.addi %add3A_665, %mul3A_675 : vector<16xi32>
      tpu.vector_store_idx %arg19[%add3A_676], %broadcast_in_dim3A_3 masked %ge3A_674 : memref<12544xf32, #tpu.memory_space<vmem>>[vector<16xi32>], vector<16xf32>, vector<16xi1>
      %add3A_677 = arith.addi %add3A_665, %select_n3A_406 : vector<16xi32>
      %mul3A_678 = arith.constant 23 : i32
      %mul3A_679 = vector.broadcast %mul3A_678 : i32 to vector<16xi32>
      %mul3A_680 = arith.muli %mul3A_392, %mul3A_679 : vector<16xi32>
      %shift_right_arithmetic3A_681 = arith.constant 20 : i32
      %shift_right_arithmetic3A_682 = vector.broadcast %shift_right_arithmetic3A_681 : i32 to vector<16xi32>
      %shift_right_arithmetic3A_683 = arith.shrsi %mul3A_680, %shift_right_arithmetic3A_682 : vector<16xi32>
      %ge3A_684 = arith.constant 23 : i32
      %ge3A_685 = vector.broadcast %ge3A_684 : i32 to vector<16xi32>
      %ge3A_686 = arith.cmpi sge, %sub3A_387, %ge3A_685 : vector<16xi32>
      %mul3A_687 = arith.muli %shift_right_arithmetic3A_683, %select_n3A_414 : vector<16xi32>
      %add3A_688 = arith.addi %add3A_677, %mul3A_687 : vector<16xi32>
      tpu.vector_store_idx %arg19[%add3A_688], %broadcast_in_dim3A_3 masked %ge3A_686 : memref<12544xf32, #tpu.memory_space<vmem>>[vector<16xi32>], vector<16xf32>, vector<16xi1>
      %add3A_689 = arith.addi %add3A_677, %select_n3A_406 : vector<16xi32>
      %mul3A_690 = arith.constant 24 : i32
      %mul3A_691 = vector.broadcast %mul3A_690 : i32 to vector<16xi32>
      %mul3A_692 = arith.muli %mul3A_392, %mul3A_691 : vector<16xi32>
      %shift_right_arithmetic3A_693 = arith.constant 20 : i32
      %shift_right_arithmetic3A_694 = vector.broadcast %shift_right_arithmetic3A_693 : i32 to vector<16xi32>
      %shift_right_arithmetic3A_695 = arith.shrsi %mul3A_692, %shift_right_arithmetic3A_694 : vector<16xi32>
      %ge3A_696 = arith.constant 24 : i32
      %ge3A_697 = vector.broadcast %ge3A_696 : i32 to vector<16xi32>
      %ge3A_698 = arith.cmpi sge, %sub3A_387, %ge3A_697 : vector<16xi32>
      %mul3A_699 = arith.muli %shift_right_arithmetic3A_695, %select_n3A_414 : vector<16xi32>
      %add3A_700 = arith.addi %add3A_689, %mul3A_699 : vector<16xi32>
      tpu.vector_store_idx %arg19[%add3A_700], %broadcast_in_dim3A_3 masked %ge3A_698 : memref<12544xf32, #tpu.memory_space<vmem>>[vector<16xi32>], vector<16xf32>, vector<16xi1>
      %add3A_701 = arith.addi %add3A_689, %select_n3A_406 : vector<16xi32>
      %mul3A_702 = arith.constant 25 : i32
      %mul3A_703 = vector.broadcast %mul3A_702 : i32 to vector<16xi32>
      %mul3A_704 = arith.muli %mul3A_392, %mul3A_703 : vector<16xi32>
      %shift_right_arithmetic3A_705 = arith.constant 20 : i32
      %shift_right_arithmetic3A_706 = vector.broadcast %shift_right_arithmetic3A_705 : i32 to vector<16xi32>
      %shift_right_arithmetic3A_707 = arith.shrsi %mul3A_704, %shift_right_arithmetic3A_706 : vector<16xi32>
      %ge3A_708 = arith.constant 25 : i32
      %ge3A_709 = vector.broadcast %ge3A_708 : i32 to vector<16xi32>
      %ge3A_710 = arith.cmpi sge, %sub3A_387, %ge3A_709 : vector<16xi32>
      %mul3A_711 = arith.muli %shift_right_arithmetic3A_707, %select_n3A_414 : vector<16xi32>
      %add3A_712 = arith.addi %add3A_701, %mul3A_711 : vector<16xi32>
      tpu.vector_store_idx %arg19[%add3A_712], %broadcast_in_dim3A_3 masked %ge3A_710 : memref<12544xf32, #tpu.memory_space<vmem>>[vector<16xi32>], vector<16xf32>, vector<16xi1>
      %add3A_713 = arith.addi %add3A_701, %select_n3A_406 : vector<16xi32>
      %mul3A_714 = arith.constant 26 : i32
      %mul3A_715 = vector.broadcast %mul3A_714 : i32 to vector<16xi32>
      %mul3A_716 = arith.muli %mul3A_392, %mul3A_715 : vector<16xi32>
      %shift_right_arithmetic3A_717 = arith.constant 20 : i32
      %shift_right_arithmetic3A_718 = vector.broadcast %shift_right_arithmetic3A_717 : i32 to vector<16xi32>
      %shift_right_arithmetic3A_719 = arith.shrsi %mul3A_716, %shift_right_arithmetic3A_718 : vector<16xi32>
      %ge3A_720 = arith.constant 26 : i32
      %ge3A_721 = vector.broadcast %ge3A_720 : i32 to vector<16xi32>
      %ge3A_722 = arith.cmpi sge, %sub3A_387, %ge3A_721 : vector<16xi32>
      %mul3A_723 = arith.muli %shift_right_arithmetic3A_719, %select_n3A_414 : vector<16xi32>
      %add3A_724 = arith.addi %add3A_713, %mul3A_723 : vector<16xi32>
      tpu.vector_store_idx %arg19[%add3A_724], %broadcast_in_dim3A_3 masked %ge3A_722 : memref<12544xf32, #tpu.memory_space<vmem>>[vector<16xi32>], vector<16xf32>, vector<16xi1>
      %add3A_725 = arith.addi %add3A_713, %select_n3A_406 : vector<16xi32>
      %mul3A_726 = arith.constant 27 : i32
      %mul3A_727 = vector.broadcast %mul3A_726 : i32 to vector<16xi32>
      %mul3A_728 = arith.muli %mul3A_392, %mul3A_727 : vector<16xi32>
      %shift_right_arithmetic3A_729 = arith.constant 20 : i32
      %shift_right_arithmetic3A_730 = vector.broadcast %shift_right_arithmetic3A_729 : i32 to vector<16xi32>
      %shift_right_arithmetic3A_731 = arith.shrsi %mul3A_728, %shift_right_arithmetic3A_730 : vector<16xi32>
      %ge3A_732 = arith.constant 27 : i32
      %ge3A_733 = vector.broadcast %ge3A_732 : i32 to vector<16xi32>
      %ge3A_734 = arith.cmpi sge, %sub3A_387, %ge3A_733 : vector<16xi32>
      %mul3A_735 = arith.muli %shift_right_arithmetic3A_731, %select_n3A_414 : vector<16xi32>
      %add3A_736 = arith.addi %add3A_725, %mul3A_735 : vector<16xi32>
      tpu.vector_store_idx %arg19[%add3A_736], %broadcast_in_dim3A_3 masked %ge3A_734 : memref<12544xf32, #tpu.memory_space<vmem>>[vector<16xi32>], vector<16xf32>, vector<16xi1>
      %scan3A_737 = arith.constant 0 : i32
      scf.yield %scan3A_737 : i32
    }
    %scan3A_195 = arith.constant 127 : i32
    %scan3A_196 = arith.constant 0 : i32
    %scan3A_197 = arith.constant 196 : i32
    %scan3A_198 = arith.addi %scan3A_196, %scan3A_197 : i32
    %scan3A_199 = arith.constant 1 : i32
    %scan3A_200:3 = scf.for %scan3A_347 = %scan3A_196 to %scan3A_198 step %scan3A_199 iter_args(%scan3A_348 = %scan3A_117#0, %scan3A_349 = %scan3A_117#1, %scan3A_350 = %scan3A_117#2) -> (vector<16xf32>, vector<16xf32>, vector<16xf32>)  : i32 {
      %mul3A_351 = arith.constant 64 : i32
      %mul3A_352 = arith.muli %scan3A_347, %mul3A_351 : i32
      %add3A_353 = arith.constant 0 : i32
      %add3A_354 = arith.addi %mul3A_352, %add3A_353 : i32
      %get3A = arith.index_cast %add3A_354 : i32 to index
      %get3A_355 = tpu.vector_load %arg19[%get3A] {strides = array<i32>} : memref<12544xf32, #tpu.memory_space<vmem>>, vector<16xf32>,
      %swap3A_356 = arith.index_cast %add3A_354 : i32 to index
      %swap3A_357 = tpu.vector_load %arg19[%swap3A_356] {strides = array<i32>} : memref<12544xf32, #tpu.memory_space<vmem>>, vector<16xf32>,
      tpu.vector_store %arg19[%swap3A_356], %broadcast_in_dim3A_1 {strides = array<i32>} : memref<12544xf32, #tpu.memory_space<vmem>>, vector<16xf32>,
      %get3A_358 = arith.index_cast %add3A_354 : i32 to index
      %get3A_359 = tpu.vector_load %arg18[%get3A_358] {strides = array<i32>} : memref<12544xf32, #tpu.memory_space<vmem>>, vector<16xf32>,
      %add3A_360 = arith.addf %scan3A_348, %get3A_355 : vector<16xf32>
      %mul3A_361 = arith.mulf %get3A_355, %get3A_359 : vector<16xf32>
      %add3A_362 = arith.addf %scan3A_349, %mul3A_361 : vector<16xf32>
      %add3A_363 = arith.addf %scan3A_350, %get3A_359 : vector<16xf32>
      %mul3A_364 = arith.constant 64 : i32
      %mul3A_365 = arith.muli %scan3A_347, %mul3A_364 : i32
      %add3A_366 = arith.constant 16 : i32
      %add3A_367 = arith.addi %mul3A_365, %add3A_366 : i32
      %get3A_368 = arith.index_cast %add3A_367 : i32 to index
      %get3A_369 = tpu.vector_load %arg19[%get3A_368] {strides = array<i32>} : memref<12544xf32, #tpu.memory_space<vmem>>, vector<16xf32>,
      %swap3A_370 = arith.index_cast %add3A_367 : i32 to index
      %swap3A_371 = tpu.vector_load %arg19[%swap3A_370] {strides = array<i32>} : memref<12544xf32, #tpu.memory_space<vmem>>, vector<16xf32>,
      tpu.vector_store %arg19[%swap3A_370], %broadcast_in_dim3A_1 {strides = array<i32>} : memref<12544xf32, #tpu.memory_space<vmem>>, vector<16xf32>,
      %get3A_372 = arith.index_cast %add3A_367 : i32 to index
      %get3A_373 = tpu.vector_load %arg18[%get3A_372] {strides = array<i32>} : memref<12544xf32, #tpu.memory_space<vmem>>, vector<16xf32>,
      %add3A_374 = arith.addf %add3A_360, %get3A_369 : vector<16xf32>
      %mul3A_375 = arith.mulf %get3A_369, %get3A_373 : vector<16xf32>
      %add3A_376 = arith.addf %add3A_362, %mul3A_375 : vector<16xf32>
      %add3A_377 = arith.addf %add3A_363, %get3A_373 : vector<16xf32>
      %mul3A_378 = arith.constant 64 : i32
      %mul3A_379 = arith.muli %scan3A_347, %mul3A_378 : i32
      %add3A_380 = arith.constant 32 : i32
      %add3A_381 = arith.addi %mul3A_379, %add3A_380 : i32
      %get3A_382 = arith.index_cast %add3A_381 : i32 to index
      %get3A_383 = tpu.vector_load %arg19[%get3A_382] {strides = array<i32>} : memref<12544xf32, #tpu.memory_space<vmem>>, vector<16xf32>,
      %swap3A_384 = arith.index_cast %add3A_381 : i32 to index
      %swap3A_385 = tpu.vector_load %arg19[%swap3A_384] {strides = array<i32>} : memref<12544xf32, #tpu.memory_space<vmem>>, vector<16xf32>,
      tpu.vector_store %arg19[%swap3A_384], %broadcast_in_dim3A_1 {strides = array<i32>} : memref<12544xf32, #tpu.memory_space<vmem>>, vector<16xf32>,
      %get3A_386 = arith.index_cast %add3A_381 : i32 to index
      %get3A_387 = tpu.vector_load %arg18[%get3A_386] {strides = array<i32>} : memref<12544xf32, #tpu.memory_space<vmem>>, vector<16xf32>,
      %add3A_388 = arith.addf %add3A_374, %get3A_383 : vector<16xf32>
      %mul3A_389 = arith.mulf %get3A_383, %get3A_387 : vector<16xf32>
      %add3A_390 = arith.addf %add3A_376, %mul3A_389 : vector<16xf32>
      %add3A_391 = arith.addf %add3A_377, %get3A_387 : vector<16xf32>
      %mul3A_392 = arith.constant 64 : i32
      %mul3A_393 = arith.muli %scan3A_347, %mul3A_392 : i32
      %add3A_394 = arith.constant 48 : i32
      %add3A_395 = arith.addi %mul3A_393, %add3A_394 : i32
      %get3A_396 = arith.index_cast %add3A_395 : i32 to index
      %get3A_397 = tpu.vector_load %arg19[%get3A_396] {strides = array<i32>} : memref<12544xf32, #tpu.memory_space<vmem>>, vector<16xf32>,
      %swap3A_398 = arith.index_cast %add3A_395 : i32 to index
      %swap3A_399 = tpu.vector_load %arg19[%swap3A_398] {strides = array<i32>} : memref<12544xf32, #tpu.memory_space<vmem>>, vector<16xf32>,
      tpu.vector_store %arg19[%swap3A_398], %broadcast_in_dim3A_1 {strides = array<i32>} : memref<12544xf32, #tpu.memory_space<vmem>>, vector<16xf32>,
      %get3A_400 = arith.index_cast %add3A_395 : i32 to index
      %get3A_401 = tpu.vector_load %arg18[%get3A_400] {strides = array<i32>} : memref<12544xf32, #tpu.memory_space<vmem>>, vector<16xf32>,
      %add3A_402 = arith.addf %add3A_388, %get3A_397 : vector<16xf32>
      %mul3A_403 = arith.mulf %get3A_397, %get3A_401 : vector<16xf32>
      %add3A_404 = arith.addf %add3A_390, %mul3A_403 : vector<16xf32>
      %add3A_405 = arith.addf %add3A_391, %get3A_401 : vector<16xf32>
      scf.yield %add3A_402, %add3A_404, %add3A_405 : vector<16xf32>, vector<16xf32>, vector<16xf32>
    }
    %scan3A_201 = arith.constant 196 : i32
    %scan3A_202 = arith.constant 0 : i32
    %scan3A_203 = arith.constant 64 : i32
    %scan3A_204 = arith.addi %scan3A_202, %scan3A_203 : i32
    %scan3A_205 = arith.constant 1 : i32
    %scan3A_206 = scf.for %scan3A_347 = %scan3A_202 to %scan3A_204 step %scan3A_205 iter_args(%scan3A_348 = %scan3A_123) -> (vector<16xf32>)  : i32 {
      %mul3A_349 = arith.constant 2 : i32
      %mul3A_350 = arith.muli %scan3A_347, %mul3A_349 : i32
      %add3A_351 = arith.constant 0 : i32
      %add3A_352 = arith.addi %mul3A_350, %add3A_351 : i32
      %mul3A_353 = arith.constant 16 : i32
      %mul3A_354 = arith.muli %add3A_352, %mul3A_353 : i32
      %get3A = arith.index_cast %mul3A_354 : i32 to index
      %get3A_355 = tpu.vector_load %arg10[%get3A] {strides = array<i32>} : memref<2048xf32, #tpu.memory_space<vmem>>, vector<16xf32>,
      %get3A_356 = arith.index_cast %mul3A_354 : i32 to index
      %get3A_357 = tpu.vector_load %arg14[%get3A_356] {strides = array<i32>} : memref<2048xf32, #tpu.memory_space<vmem>>, vector<16xf32>,
      %sub3A = arith.subf %get3A_355, %get3A_357 : vector<16xf32>
      %get3A_358 = arith.index_cast %mul3A_354 : i32 to index
      %get3A_359 = tpu.vector_load %arg12[%get3A_358] {strides = array<i32>} : memref<2048xf32, #tpu.memory_space<vmem>>, vector<16xf32>,
      %get3A_360 = arith.index_cast %mul3A_354 : i32 to index
      %get3A_361 = tpu.vector_load %arg16[%get3A_360] {strides = array<i32>} : memref<2048xf32, #tpu.memory_space<vmem>>, vector<16xf32>,
      %sub3A_362 = arith.subf %get3A_359, %get3A_361 : vector<16xf32>
      %mul3A_363 = arith.mulf %sub3A, %sub3A : vector<16xf32>
      %add3A_364 = arith.addf %scan3A_348, %mul3A_363 : vector<16xf32>
      %mul3A_365 = arith.mulf %sub3A_362, %sub3A_362 : vector<16xf32>
      %add3A_366 = arith.addf %add3A_364, %mul3A_365 : vector<16xf32>
      %mul3A_367 = arith.constant 2 : i32
      %mul3A_368 = arith.muli %scan3A_347, %mul3A_367 : i32
      %add3A_369 = arith.constant 1 : i32
      %add3A_370 = arith.addi %mul3A_368, %add3A_369 : i32
      %mul3A_371 = arith.constant 16 : i32
      %mul3A_372 = arith.muli %add3A_370, %mul3A_371 : i32
      %get3A_373 = arith.index_cast %mul3A_372 : i32 to index
      %get3A_374 = tpu.vector_load %arg10[%get3A_373] {strides = array<i32>} : memref<2048xf32, #tpu.memory_space<vmem>>, vector<16xf32>,
      %get3A_375 = arith.index_cast %mul3A_372 : i32 to index
      %get3A_376 = tpu.vector_load %arg14[%get3A_375] {strides = array<i32>} : memref<2048xf32, #tpu.memory_space<vmem>>, vector<16xf32>,
      %sub3A_377 = arith.subf %get3A_374, %get3A_376 : vector<16xf32>
      %get3A_378 = arith.index_cast %mul3A_372 : i32 to index
      %get3A_379 = tpu.vector_load %arg12[%get3A_378] {strides = array<i32>} : memref<2048xf32, #tpu.memory_space<vmem>>, vector<16xf32>,
      %get3A_380 = arith.index_cast %mul3A_372 : i32 to index
      %get3A_381 = tpu.vector_load %arg16[%get3A_380] {strides = array<i32>} : memref<2048xf32, #tpu.memory_space<vmem>>, vector<16xf32>,
      %sub3A_382 = arith.subf %get3A_379, %get3A_381 : vector<16xf32>
      %mul3A_383 = arith.mulf %sub3A_377, %sub3A_377 : vector<16xf32>
      %add3A_384 = arith.addf %add3A_366, %mul3A_383 : vector<16xf32>
      %mul3A_385 = arith.mulf %sub3A_382, %sub3A_382 : vector<16xf32>
      %add3A_386 = arith.addf %add3A_384, %mul3A_385 : vector<16xf32>
      scf.yield %add3A_386 : vector<16xf32>
    }
    %scan3A_207 = arith.constant 64 : i32
    %dma_wait3A_208 = arith.constant 0 : i32
    %dma_wait3A_209 = tpu.memref_slice %arg2[%add3A_158, %dma_wait3A_208] : memref<128x2048xf32, #tpu.memory_space<hbm>> -> memref<1x2048xf32, #tpu.memory_space<hbm>>
    %dma_wait3A_210 = tpu.memref_squeeze %dma_wait3A_209 : memref<1x2048xf32, #tpu.memory_space<hbm>> -> memref<2048xf32, #tpu.memory_space<hbm>>
    %dma_wait3A_211 = arith.constant 0 : i32
    %dma_wait3A_212 = tpu.memref_slice %arg2[%add3A_158, %dma_wait3A_211] : memref<128x2048xf32, #tpu.memory_space<hbm>> -> memref<1x2048xf32, #tpu.memory_space<hbm>>
    %dma_wait3A_213 = tpu.memref_squeeze %dma_wait3A_212 : memref<1x2048xf32, #tpu.memory_space<hbm>> -> memref<2048xf32, #tpu.memory_space<hbm>>
    tpu.wait_dma2 semaphore(%arg22 : memref<!tpu.dma_semaphore, #tpu.memory_space<semaphore_mem>>) src(%dma_wait3A_213 : memref<2048xf32, #tpu.memory_space<hbm>>) dst(%arg9 : memref<2048xf32, #tpu.memory_space<vmem>>)
    %dma_wait3A_214 = arith.constant 0 : i32
    %dma_wait3A_215 = tpu.memref_slice %arg3[%add3A_158, %dma_wait3A_214] : memref<128x2048xf32, #tpu.memory_space<hbm>> -> memref<1x2048xf32, #tpu.memory_space<hbm>>
    %dma_wait3A_216 = tpu.memref_squeeze %dma_wait3A_215 : memref<1x2048xf32, #tpu.memory_space<hbm>> -> memref<2048xf32, #tpu.memory_space<hbm>>
    %dma_wait3A_217 = arith.constant 0 : i32
    %dma_wait3A_218 = tpu.memref_slice %arg3[%add3A_158, %dma_wait3A_217] : memref<128x2048xf32, #tpu.memory_space<hbm>> -> memref<1x2048xf32, #tpu.memory_space<hbm>>
    %dma_wait3A_219 = tpu.memref_squeeze %dma_wait3A_218 : memref<1x2048xf32, #tpu.memory_space<hbm>> -> memref<2048xf32, #tpu.memory_space<hbm>>
    tpu.wait_dma2 semaphore(%arg22 : memref<!tpu.dma_semaphore, #tpu.memory_space<semaphore_mem>>) src(%dma_wait3A_219 : memref<2048xf32, #tpu.memory_space<hbm>>) dst(%arg11 : memref<2048xf32, #tpu.memory_space<vmem>>)
    %dma_wait3A_220 = arith.constant 0 : i32
    %dma_wait3A_221 = tpu.memref_slice %arg4[%add3A_158, %dma_wait3A_220] : memref<128x2048xf32, #tpu.memory_space<hbm>> -> memref<1x2048xf32, #tpu.memory_space<hbm>>
    %dma_wait3A_222 = tpu.memref_squeeze %dma_wait3A_221 : memref<1x2048xf32, #tpu.memory_space<hbm>> -> memref<2048xf32, #tpu.memory_space<hbm>>
    %dma_wait3A_223 = arith.constant 0 : i32
    %dma_wait3A_224 = tpu.memref_slice %arg4[%add3A_158, %dma_wait3A_223] : memref<128x2048xf32, #tpu.memory_space<hbm>> -> memref<1x2048xf32, #tpu.memory_space<hbm>>
    %dma_wait3A_225 = tpu.memref_squeeze %dma_wait3A_224 : memref<1x2048xf32, #tpu.memory_space<hbm>> -> memref<2048xf32, #tpu.memory_space<hbm>>
    tpu.wait_dma2 semaphore(%arg22 : memref<!tpu.dma_semaphore, #tpu.memory_space<semaphore_mem>>) src(%dma_wait3A_225 : memref<2048xf32, #tpu.memory_space<hbm>>) dst(%arg13 : memref<2048xf32, #tpu.memory_space<vmem>>)
    %dma_wait3A_226 = arith.constant 0 : i32
    %dma_wait3A_227 = tpu.memref_slice %arg5[%add3A_158, %dma_wait3A_226] : memref<128x2048xf32, #tpu.memory_space<hbm>> -> memref<1x2048xf32, #tpu.memory_space<hbm>>
    %dma_wait3A_228 = tpu.memref_squeeze %dma_wait3A_227 : memref<1x2048xf32, #tpu.memory_space<hbm>> -> memref<2048xf32, #tpu.memory_space<hbm>>
    %dma_wait3A_229 = arith.constant 0 : i32
    %dma_wait3A_230 = tpu.memref_slice %arg5[%add3A_158, %dma_wait3A_229] : memref<128x2048xf32, #tpu.memory_space<hbm>> -> memref<1x2048xf32, #tpu.memory_space<hbm>>
    %dma_wait3A_231 = tpu.memref_squeeze %dma_wait3A_230 : memref<1x2048xf32, #tpu.memory_space<hbm>> -> memref<2048xf32, #tpu.memory_space<hbm>>
    tpu.wait_dma2 semaphore(%arg22 : memref<!tpu.dma_semaphore, #tpu.memory_space<semaphore_mem>>) src(%dma_wait3A_231 : memref<2048xf32, #tpu.memory_space<hbm>>) dst(%arg15 : memref<2048xf32, #tpu.memory_space<vmem>>)
    %dma_wait3A_232 = arith.constant 0 : i32
    %dma_wait3A_233 = tpu.memref_slice %arg6[%add3A_158, %dma_wait3A_232] : memref<128x12544xf32, #tpu.memory_space<hbm>> -> memref<1x12544xf32, #tpu.memory_space<hbm>>
    %dma_wait3A_234 = tpu.memref_squeeze %dma_wait3A_233 : memref<1x12544xf32, #tpu.memory_space<hbm>> -> memref<12544xf32, #tpu.memory_space<hbm>>
    %dma_wait3A_235 = arith.constant 0 : i32
    %dma_wait3A_236 = tpu.memref_slice %arg6[%add3A_158, %dma_wait3A_235] : memref<128x12544xf32, #tpu.memory_space<hbm>> -> memref<1x12544xf32, #tpu.memory_space<hbm>>
    %dma_wait3A_237 = tpu.memref_squeeze %dma_wait3A_236 : memref<1x12544xf32, #tpu.memory_space<hbm>> -> memref<12544xf32, #tpu.memory_space<hbm>>
    tpu.wait_dma2 semaphore(%arg22 : memref<!tpu.dma_semaphore, #tpu.memory_space<semaphore_mem>>) src(%dma_wait3A_237 : memref<12544xf32, #tpu.memory_space<hbm>>) dst(%arg17 : memref<12544xf32, #tpu.memory_space<vmem>>)
    %mul3A_238 = arith.constant 4 : i32
    %mul3A_239 = arith.muli %add3A, %mul3A_238 : i32
    %add3A_240 = arith.constant 3 : i32
    %add3A_241 = arith.addi %mul3A_239, %add3A_240 : i32
    %dma_start3A_242 = arith.constant 0 : i32
    %dma_start3A_243 = tpu.memref_slice %arg2[%add3A_241, %dma_start3A_242] : memref<128x2048xf32, #tpu.memory_space<hbm>> -> memref<1x2048xf32, #tpu.memory_space<hbm>>
    %dma_start3A_244 = tpu.memref_squeeze %dma_start3A_243 : memref<1x2048xf32, #tpu.memory_space<hbm>> -> memref<2048xf32, #tpu.memory_space<hbm>>
    %dma_start3A_245 = arith.constant 0 : i32
    %dma_start3A_246 = tpu.memref_slice %arg2[%add3A_241, %dma_start3A_245] : memref<128x2048xf32, #tpu.memory_space<hbm>> -> memref<1x2048xf32, #tpu.memory_space<hbm>>
    %dma_start3A_247 = tpu.memref_squeeze %dma_start3A_246 : memref<1x2048xf32, #tpu.memory_space<hbm>> -> memref<2048xf32, #tpu.memory_space<hbm>>
    tpu.enqueue_dma source(%dma_start3A_247 : memref<2048xf32, #tpu.memory_space<hbm>>) target(%arg10 : memref<2048xf32, #tpu.memory_space<vmem>>) target_semaphore(%arg23 : memref<!tpu.dma_semaphore, #tpu.memory_space<semaphore_mem>>)
    %dma_start3A_248 = arith.constant 0 : i32
    %dma_start3A_249 = tpu.memref_slice %arg3[%add3A_241, %dma_start3A_248] : memref<128x2048xf32, #tpu.memory_space<hbm>> -> memref<1x2048xf32, #tpu.memory_space<hbm>>
    %dma_start3A_250 = tpu.memref_squeeze %dma_start3A_249 : memref<1x2048xf32, #tpu.memory_space<hbm>> -> memref<2048xf32, #tpu.memory_space<hbm>>
    %dma_start3A_251 = arith.constant 0 : i32
    %dma_start3A_252 = tpu.memref_slice %arg3[%add3A_241, %dma_start3A_251] : memref<128x2048xf32, #tpu.memory_space<hbm>> -> memref<1x2048xf32, #tpu.memory_space<hbm>>
    %dma_start3A_253 = tpu.memref_squeeze %dma_start3A_252 : memref<1x2048xf32, #tpu.memory_space<hbm>> -> memref<2048xf32, #tpu.memory_space<hbm>>
    tpu.enqueue_dma source(%dma_start3A_253 : memref<2048xf32, #tpu.memory_space<hbm>>) target(%arg12 : memref<2048xf32, #tpu.memory_space<vmem>>) target_semaphore(%arg23 : memref<!tpu.dma_semaphore, #tpu.memory_space<semaphore_mem>>)
    %dma_start3A_254 = arith.constant 0 : i32
    %dma_start3A_255 = tpu.memref_slice %arg4[%add3A_241, %dma_start3A_254] : memref<128x2048xf32, #tpu.memory_space<hbm>> -> memref<1x2048xf32, #tpu.memory_space<hbm>>
    %dma_start3A_256 = tpu.memref_squeeze %dma_start3A_255 : memref<1x2048xf32, #tpu.memory_space<hbm>> -> memref<2048xf32, #tpu.memory_space<hbm>>
    %dma_start3A_257 = arith.constant 0 : i32
    %dma_start3A_258 = tpu.memref_slice %arg4[%add3A_241, %dma_start3A_257] : memref<128x2048xf32, #tpu.memory_space<hbm>> -> memref<1x2048xf32, #tpu.memory_space<hbm>>
    %dma_start3A_259 = tpu.memref_squeeze %dma_start3A_258 : memref<1x2048xf32, #tpu.memory_space<hbm>> -> memref<2048xf32, #tpu.memory_space<hbm>>
    tpu.enqueue_dma source(%dma_start3A_259 : memref<2048xf32, #tpu.memory_space<hbm>>) target(%arg14 : memref<2048xf32, #tpu.memory_space<vmem>>) target_semaphore(%arg23 : memref<!tpu.dma_semaphore, #tpu.memory_space<semaphore_mem>>)
    %dma_start3A_260 = arith.constant 0 : i32
    %dma_start3A_261 = tpu.memref_slice %arg5[%add3A_241, %dma_start3A_260] : memref<128x2048xf32, #tpu.memory_space<hbm>> -> memref<1x2048xf32, #tpu.memory_space<hbm>>
    %dma_start3A_262 = tpu.memref_squeeze %dma_start3A_261 : memref<1x2048xf32, #tpu.memory_space<hbm>> -> memref<2048xf32, #tpu.memory_space<hbm>>
    %dma_start3A_263 = arith.constant 0 : i32
    %dma_start3A_264 = tpu.memref_slice %arg5[%add3A_241, %dma_start3A_263] : memref<128x2048xf32, #tpu.memory_space<hbm>> -> memref<1x2048xf32, #tpu.memory_space<hbm>>
    %dma_start3A_265 = tpu.memref_squeeze %dma_start3A_264 : memref<1x2048xf32, #tpu.memory_space<hbm>> -> memref<2048xf32, #tpu.memory_space<hbm>>
    tpu.enqueue_dma source(%dma_start3A_265 : memref<2048xf32, #tpu.memory_space<hbm>>) target(%arg16 : memref<2048xf32, #tpu.memory_space<vmem>>) target_semaphore(%arg23 : memref<!tpu.dma_semaphore, #tpu.memory_space<semaphore_mem>>)
    %dma_start3A_266 = arith.constant 0 : i32
    %dma_start3A_267 = tpu.memref_slice %arg6[%add3A_241, %dma_start3A_266] : memref<128x12544xf32, #tpu.memory_space<hbm>> -> memref<1x12544xf32, #tpu.memory_space<hbm>>
    %dma_start3A_268 = tpu.memref_squeeze %dma_start3A_267 : memref<1x12544xf32, #tpu.memory_space<hbm>> -> memref<12544xf32, #tpu.memory_space<hbm>>
    %dma_start3A_269 = arith.constant 0 : i32
    %dma_start3A_270 = tpu.memref_slice %arg6[%add3A_241, %dma_start3A_269] : memref<128x12544xf32, #tpu.memory_space<hbm>> -> memref<1x12544xf32, #tpu.memory_space<hbm>>
    %dma_start3A_271 = tpu.memref_squeeze %dma_start3A_270 : memref<1x12544xf32, #tpu.memory_space<hbm>> -> memref<12544xf32, #tpu.memory_space<hbm>>
    tpu.enqueue_dma source(%dma_start3A_271 : memref<12544xf32, #tpu.memory_space<hbm>>) target(%arg18 : memref<12544xf32, #tpu.memory_space<vmem>>) target_semaphore(%arg23 : memref<!tpu.dma_semaphore, #tpu.memory_space<semaphore_mem>>)
    %scan3A_272 = arith.constant 0 : i32
    %scan3A_273 = arith.constant 0 : i32
    %scan3A_274 = arith.constant 127 : i32
    %scan3A_275 = arith.addi %scan3A_273, %scan3A_274 : i32
    %scan3A_276 = arith.constant 1 : i32
    %scan3A_277 = scf.for %scan3A_347 = %scan3A_273 to %scan3A_275 step %scan3A_276 iter_args(%scan3A_348 = %scan3A_272) -> (i32)  : i32 {
      %mul3A_349 = arith.constant 16 : i32
      %mul3A_350 = arith.muli %scan3A_347, %mul3A_349 : i32
      %get3A = arith.index_cast %mul3A_350 : i32 to index
      %get3A_351 = tpu.vector_load %arg9[%get3A] {strides = array<i32>} : memref<2048xf32, #tpu.memory_space<vmem>>, vector<16xf32>,
      %get3A_352 = arith.index_cast %mul3A_350 : i32 to index
      %get3A_353 = tpu.vector_load %arg11[%get3A_352] {strides = array<i32>} : memref<2048xf32, #tpu.memory_space<vmem>>, vector<16xf32>,
      %add3A_354 = arith.constant 16 : i32
      %add3A_355 = arith.addi %mul3A_350, %add3A_354 : i32
      %get3A_356 = arith.index_cast %add3A_355 : i32 to index
      %get3A_357 = tpu.vector_load %arg9[%get3A_356] {strides = array<i32>} : memref<2048xf32, #tpu.memory_space<vmem>>, vector<16xf32>,
      %add3A_358 = arith.constant 16 : i32
      %add3A_359 = arith.addi %mul3A_350, %add3A_358 : i32
      %get3A_360 = arith.index_cast %add3A_359 : i32 to index
      %get3A_361 = tpu.vector_load %arg11[%get3A_360] {strides = array<i32>} : memref<2048xf32, #tpu.memory_space<vmem>>, vector<16xf32>,
      %mul3A_362 = arith.constant 2.700000e+01 : f32
      %mul3A_363 = vector.broadcast %mul3A_362 : f32 to vector<16xf32>
      %mul3A_364 = arith.mulf %get3A_351, %mul3A_363 : vector<16xf32>
      %convert_element_type3A = arith.fptosi %mul3A_364 : vector<16xf32> to vector<16xi32>
      %mul3A_365 = arith.constant 2.700000e+01 : f32
      %mul3A_366 = vector.broadcast %mul3A_365 : f32 to vector<16xf32>
      %mul3A_367 = arith.mulf %get3A_353, %mul3A_366 : vector<16xf32>
      %convert_element_type3A_368 = arith.fptosi %mul3A_367 : vector<16xf32> to vector<16xi32>
      %mul3A_369 = arith.constant 2.700000e+01 : f32
      %mul3A_370 = vector.broadcast %mul3A_369 : f32 to vector<16xf32>
      %mul3A_371 = arith.mulf %get3A_357, %mul3A_370 : vector<16xf32>
      %convert_element_type3A_372 = arith.fptosi %mul3A_371 : vector<16xf32> to vector<16xi32>
      %mul3A_373 = arith.constant 2.700000e+01 : f32
      %mul3A_374 = vector.broadcast %mul3A_373 : f32 to vector<16xf32>
      %mul3A_375 = arith.mulf %get3A_361, %mul3A_374 : vector<16xf32>
      %convert_element_type3A_376 = arith.fptosi %mul3A_375 : vector<16xf32> to vector<16xi32>
      %sub3A = arith.subi %convert_element_type3A_376, %convert_element_type3A_368 : vector<16xi32>
      %abs3A = math.absi %sub3A : vector<16xi32>
      %sub3A_377 = arith.subi %convert_element_type3A_372, %convert_element_type3A : vector<16xi32>
      %abs3A_378 = math.absi %sub3A_377 : vector<16xi32>
      %gt3A = arith.cmpi sgt, %abs3A, %abs3A_378 : vector<16xi32>
      %select_n3A = arith.select %gt3A, %convert_element_type3A_368, %convert_element_type3A : vector<16xi1>, vector<16xi32>
      %select_n3A_379 = arith.select %gt3A, %convert_element_type3A, %convert_element_type3A_368 : vector<16xi1>, vector<16xi32>
      %select_n3A_380 = arith.select %gt3A, %convert_element_type3A_376, %convert_element_type3A_372 : vector<16xi1>, vector<16xi32>
      %select_n3A_381 = arith.select %gt3A, %convert_element_type3A_372, %convert_element_type3A_376 : vector<16xi1>, vector<16xi32>
      %gt3A_382 = arith.cmpi sgt, %select_n3A, %select_n3A_380 : vector<16xi32>
      %select_n3A_383 = arith.select %gt3A_382, %select_n3A_380, %select_n3A : vector<16xi1>, vector<16xi32>
      %select_n3A_384 = arith.select %gt3A_382, %select_n3A, %select_n3A_380 : vector<16xi1>, vector<16xi32>
      %select_n3A_385 = arith.select %gt3A_382, %select_n3A_381, %select_n3A_379 : vector<16xi1>, vector<16xi32>
      %select_n3A_386 = arith.select %gt3A_382, %select_n3A_379, %select_n3A_381 : vector<16xi1>, vector<16xi32>
      %sub3A_387 = arith.subi %select_n3A_384, %select_n3A_383 : vector<16xi32>
      %sub3A_388 = arith.subi %select_n3A_386, %select_n3A_385 : vector<16xi32>
      %abs3A_389 = math.absi %sub3A_388 : vector<16xi32>
      %max3A = arith.constant 1 : i32
      %max3A_390 = vector.broadcast %max3A : i32 to vector<16xi32>
      %max3A_391 = arith.maxsi %sub3A_387, %max3A_390 : vector<16xi32>
      %lt3A = arith.cmpi slt, %select_n3A_385, %select_n3A_386 : vector<16xi32>
      %gather3A = tpu.vector_load_idx %arg21[%max3A_391] : memref<32xi32, #tpu.memory_space<vmem>>[vector<16xi32>], vector<16xi32>,
      %mul3A_392 = arith.muli %abs3A_389, %gather3A : vector<16xi32>
      %select_n3A_393 = arith.select %gt3A, %select_n3A_383, %select_n3A_385 : vector<16xi1>, vector<16xi32>
      %select_n3A_394 = arith.select %gt3A, %select_n3A_385, %select_n3A_383 : vector<16xi1>, vector<16xi32>
      %mul3A_395 = arith.constant 28 : i32
      %mul3A_396 = vector.broadcast %mul3A_395 : i32 to vector<16xi32>
      %mul3A_397 = arith.muli %select_n3A_393, %mul3A_396 : vector<16xi32>
      %add3A_398 = arith.addi %mul3A_397, %select_n3A_394 : vector<16xi32>
      %mul3A_399 = arith.constant 16 : i32
      %mul3A_400 = vector.broadcast %mul3A_399 : i32 to vector<16xi32>
      %mul3A_401 = arith.muli %add3A_398, %mul3A_400 : vector<16xi32>
      %add3A_402 = arith.addi %mul3A_401, %iota3A : vector<16xi32>
      %jit3A = arith.constant 448 : i32
      %jit3A_403 = arith.constant 16 : i32
      %broadcast_in_dim3A_404 = vector.broadcast %jit3A : i32 to vector<16xi32>
      %broadcast_in_dim3A_405 = vector.broadcast %jit3A_403 : i32 to vector<16xi32>
      %select_n3A_406 = arith.select %gt3A, %broadcast_in_dim3A_404, %broadcast_in_dim3A_405 : vector<16xi1>, vector<16xi32>
      %jit3A_407 = arith.constant 16 : i32
      %jit3A_408 = arith.constant 448 : i32
      %broadcast_in_dim3A_409 = vector.broadcast %jit3A_407 : i32 to vector<16xi32>
      %broadcast_in_dim3A_410 = vector.broadcast %jit3A_408 : i32 to vector<16xi32>
      %select_n3A_411 = arith.select %gt3A, %broadcast_in_dim3A_409, %broadcast_in_dim3A_410 : vector<16xi1>, vector<16xi32>
      %neg3A = arith.constant 0 : i32
      %neg3A_412 = vector.broadcast %neg3A : i32 to vector<16xi32>
      %neg3A_413 = arith.subi %neg3A_412, %select_n3A_411 : vector<16xi32>
      %select_n3A_414 = arith.select %lt3A, %select_n3A_411, %neg3A_413 : vector<16xi1>, vector<16xi32>
      tpu.vector_store_idx %arg19[%add3A_402], %broadcast_in_dim3A_3 : memref<12544xf32, #tpu.memory_space<vmem>>[vector<16xi32>], vector<16xf32>,
      %add3A_415 = arith.addi %add3A_402, %select_n3A_406 : vector<16xi32>
      %mul3A_416 = arith.constant 1 : i32
      %mul3A_417 = vector.broadcast %mul3A_416 : i32 to vector<16xi32>
      %mul3A_418 = arith.muli %mul3A_392, %mul3A_417 : vector<16xi32>
      %shift_right_arithmetic3A = arith.constant 20 : i32
      %shift_right_arithmetic3A_419 = vector.broadcast %shift_right_arithmetic3A : i32 to vector<16xi32>
      %shift_right_arithmetic3A_420 = arith.shrsi %mul3A_418, %shift_right_arithmetic3A_419 : vector<16xi32>
      %ge3A = arith.constant 1 : i32
      %ge3A_421 = vector.broadcast %ge3A : i32 to vector<16xi32>
      %ge3A_422 = arith.cmpi sge, %sub3A_387, %ge3A_421 : vector<16xi32>
      %mul3A_423 = arith.muli %shift_right_arithmetic3A_420, %select_n3A_414 : vector<16xi32>
      %add3A_424 = arith.addi %add3A_415, %mul3A_423 : vector<16xi32>
      tpu.vector_store_idx %arg19[%add3A_424], %broadcast_in_dim3A_3 masked %ge3A_422 : memref<12544xf32, #tpu.memory_space<vmem>>[vector<16xi32>], vector<16xf32>, vector<16xi1>
      %add3A_425 = arith.addi %add3A_415, %select_n3A_406 : vector<16xi32>
      %mul3A_426 = arith.constant 2 : i32
      %mul3A_427 = vector.broadcast %mul3A_426 : i32 to vector<16xi32>
      %mul3A_428 = arith.muli %mul3A_392, %mul3A_427 : vector<16xi32>
      %shift_right_arithmetic3A_429 = arith.constant 20 : i32
      %shift_right_arithmetic3A_430 = vector.broadcast %shift_right_arithmetic3A_429 : i32 to vector<16xi32>
      %shift_right_arithmetic3A_431 = arith.shrsi %mul3A_428, %shift_right_arithmetic3A_430 : vector<16xi32>
      %ge3A_432 = arith.constant 2 : i32
      %ge3A_433 = vector.broadcast %ge3A_432 : i32 to vector<16xi32>
      %ge3A_434 = arith.cmpi sge, %sub3A_387, %ge3A_433 : vector<16xi32>
      %mul3A_435 = arith.muli %shift_right_arithmetic3A_431, %select_n3A_414 : vector<16xi32>
      %add3A_436 = arith.addi %add3A_425, %mul3A_435 : vector<16xi32>
      tpu.vector_store_idx %arg19[%add3A_436], %broadcast_in_dim3A_3 masked %ge3A_434 : memref<12544xf32, #tpu.memory_space<vmem>>[vector<16xi32>], vector<16xf32>, vector<16xi1>
      %add3A_437 = arith.addi %add3A_425, %select_n3A_406 : vector<16xi32>
      %mul3A_438 = arith.constant 3 : i32
      %mul3A_439 = vector.broadcast %mul3A_438 : i32 to vector<16xi32>
      %mul3A_440 = arith.muli %mul3A_392, %mul3A_439 : vector<16xi32>
      %shift_right_arithmetic3A_441 = arith.constant 20 : i32
      %shift_right_arithmetic3A_442 = vector.broadcast %shift_right_arithmetic3A_441 : i32 to vector<16xi32>
      %shift_right_arithmetic3A_443 = arith.shrsi %mul3A_440, %shift_right_arithmetic3A_442 : vector<16xi32>
      %ge3A_444 = arith.constant 3 : i32
      %ge3A_445 = vector.broadcast %ge3A_444 : i32 to vector<16xi32>
      %ge3A_446 = arith.cmpi sge, %sub3A_387, %ge3A_445 : vector<16xi32>
      %mul3A_447 = arith.muli %shift_right_arithmetic3A_443, %select_n3A_414 : vector<16xi32>
      %add3A_448 = arith.addi %add3A_437, %mul3A_447 : vector<16xi32>
      tpu.vector_store_idx %arg19[%add3A_448], %broadcast_in_dim3A_3 masked %ge3A_446 : memref<12544xf32, #tpu.memory_space<vmem>>[vector<16xi32>], vector<16xf32>, vector<16xi1>
      %add3A_449 = arith.addi %add3A_437, %select_n3A_406 : vector<16xi32>
      %mul3A_450 = arith.constant 4 : i32
      %mul3A_451 = vector.broadcast %mul3A_450 : i32 to vector<16xi32>
      %mul3A_452 = arith.muli %mul3A_392, %mul3A_451 : vector<16xi32>
      %shift_right_arithmetic3A_453 = arith.constant 20 : i32
      %shift_right_arithmetic3A_454 = vector.broadcast %shift_right_arithmetic3A_453 : i32 to vector<16xi32>
      %shift_right_arithmetic3A_455 = arith.shrsi %mul3A_452, %shift_right_arithmetic3A_454 : vector<16xi32>
      %ge3A_456 = arith.constant 4 : i32
      %ge3A_457 = vector.broadcast %ge3A_456 : i32 to vector<16xi32>
      %ge3A_458 = arith.cmpi sge, %sub3A_387, %ge3A_457 : vector<16xi32>
      %mul3A_459 = arith.muli %shift_right_arithmetic3A_455, %select_n3A_414 : vector<16xi32>
      %add3A_460 = arith.addi %add3A_449, %mul3A_459 : vector<16xi32>
      tpu.vector_store_idx %arg19[%add3A_460], %broadcast_in_dim3A_3 masked %ge3A_458 : memref<12544xf32, #tpu.memory_space<vmem>>[vector<16xi32>], vector<16xf32>, vector<16xi1>
      %add3A_461 = arith.addi %add3A_449, %select_n3A_406 : vector<16xi32>
      %mul3A_462 = arith.constant 5 : i32
      %mul3A_463 = vector.broadcast %mul3A_462 : i32 to vector<16xi32>
      %mul3A_464 = arith.muli %mul3A_392, %mul3A_463 : vector<16xi32>
      %shift_right_arithmetic3A_465 = arith.constant 20 : i32
      %shift_right_arithmetic3A_466 = vector.broadcast %shift_right_arithmetic3A_465 : i32 to vector<16xi32>
      %shift_right_arithmetic3A_467 = arith.shrsi %mul3A_464, %shift_right_arithmetic3A_466 : vector<16xi32>
      %ge3A_468 = arith.constant 5 : i32
      %ge3A_469 = vector.broadcast %ge3A_468 : i32 to vector<16xi32>
      %ge3A_470 = arith.cmpi sge, %sub3A_387, %ge3A_469 : vector<16xi32>
      %mul3A_471 = arith.muli %shift_right_arithmetic3A_467, %select_n3A_414 : vector<16xi32>
      %add3A_472 = arith.addi %add3A_461, %mul3A_471 : vector<16xi32>
      tpu.vector_store_idx %arg19[%add3A_472], %broadcast_in_dim3A_3 masked %ge3A_470 : memref<12544xf32, #tpu.memory_space<vmem>>[vector<16xi32>], vector<16xf32>, vector<16xi1>
      %add3A_473 = arith.addi %add3A_461, %select_n3A_406 : vector<16xi32>
      %mul3A_474 = arith.constant 6 : i32
      %mul3A_475 = vector.broadcast %mul3A_474 : i32 to vector<16xi32>
      %mul3A_476 = arith.muli %mul3A_392, %mul3A_475 : vector<16xi32>
      %shift_right_arithmetic3A_477 = arith.constant 20 : i32
      %shift_right_arithmetic3A_478 = vector.broadcast %shift_right_arithmetic3A_477 : i32 to vector<16xi32>
      %shift_right_arithmetic3A_479 = arith.shrsi %mul3A_476, %shift_right_arithmetic3A_478 : vector<16xi32>
      %ge3A_480 = arith.constant 6 : i32
      %ge3A_481 = vector.broadcast %ge3A_480 : i32 to vector<16xi32>
      %ge3A_482 = arith.cmpi sge, %sub3A_387, %ge3A_481 : vector<16xi32>
      %mul3A_483 = arith.muli %shift_right_arithmetic3A_479, %select_n3A_414 : vector<16xi32>
      %add3A_484 = arith.addi %add3A_473, %mul3A_483 : vector<16xi32>
      tpu.vector_store_idx %arg19[%add3A_484], %broadcast_in_dim3A_3 masked %ge3A_482 : memref<12544xf32, #tpu.memory_space<vmem>>[vector<16xi32>], vector<16xf32>, vector<16xi1>
      %add3A_485 = arith.addi %add3A_473, %select_n3A_406 : vector<16xi32>
      %mul3A_486 = arith.constant 7 : i32
      %mul3A_487 = vector.broadcast %mul3A_486 : i32 to vector<16xi32>
      %mul3A_488 = arith.muli %mul3A_392, %mul3A_487 : vector<16xi32>
      %shift_right_arithmetic3A_489 = arith.constant 20 : i32
      %shift_right_arithmetic3A_490 = vector.broadcast %shift_right_arithmetic3A_489 : i32 to vector<16xi32>
      %shift_right_arithmetic3A_491 = arith.shrsi %mul3A_488, %shift_right_arithmetic3A_490 : vector<16xi32>
      %ge3A_492 = arith.constant 7 : i32
      %ge3A_493 = vector.broadcast %ge3A_492 : i32 to vector<16xi32>
      %ge3A_494 = arith.cmpi sge, %sub3A_387, %ge3A_493 : vector<16xi32>
      %mul3A_495 = arith.muli %shift_right_arithmetic3A_491, %select_n3A_414 : vector<16xi32>
      %add3A_496 = arith.addi %add3A_485, %mul3A_495 : vector<16xi32>
      tpu.vector_store_idx %arg19[%add3A_496], %broadcast_in_dim3A_3 masked %ge3A_494 : memref<12544xf32, #tpu.memory_space<vmem>>[vector<16xi32>], vector<16xf32>, vector<16xi1>
      %add3A_497 = arith.addi %add3A_485, %select_n3A_406 : vector<16xi32>
      %mul3A_498 = arith.constant 8 : i32
      %mul3A_499 = vector.broadcast %mul3A_498 : i32 to vector<16xi32>
      %mul3A_500 = arith.muli %mul3A_392, %mul3A_499 : vector<16xi32>
      %shift_right_arithmetic3A_501 = arith.constant 20 : i32
      %shift_right_arithmetic3A_502 = vector.broadcast %shift_right_arithmetic3A_501 : i32 to vector<16xi32>
      %shift_right_arithmetic3A_503 = arith.shrsi %mul3A_500, %shift_right_arithmetic3A_502 : vector<16xi32>
      %ge3A_504 = arith.constant 8 : i32
      %ge3A_505 = vector.broadcast %ge3A_504 : i32 to vector<16xi32>
      %ge3A_506 = arith.cmpi sge, %sub3A_387, %ge3A_505 : vector<16xi32>
      %mul3A_507 = arith.muli %shift_right_arithmetic3A_503, %select_n3A_414 : vector<16xi32>
      %add3A_508 = arith.addi %add3A_497, %mul3A_507 : vector<16xi32>
      tpu.vector_store_idx %arg19[%add3A_508], %broadcast_in_dim3A_3 masked %ge3A_506 : memref<12544xf32, #tpu.memory_space<vmem>>[vector<16xi32>], vector<16xf32>, vector<16xi1>
      %add3A_509 = arith.addi %add3A_497, %select_n3A_406 : vector<16xi32>
      %mul3A_510 = arith.constant 9 : i32
      %mul3A_511 = vector.broadcast %mul3A_510 : i32 to vector<16xi32>
      %mul3A_512 = arith.muli %mul3A_392, %mul3A_511 : vector<16xi32>
      %shift_right_arithmetic3A_513 = arith.constant 20 : i32
      %shift_right_arithmetic3A_514 = vector.broadcast %shift_right_arithmetic3A_513 : i32 to vector<16xi32>
      %shift_right_arithmetic3A_515 = arith.shrsi %mul3A_512, %shift_right_arithmetic3A_514 : vector<16xi32>
      %ge3A_516 = arith.constant 9 : i32
      %ge3A_517 = vector.broadcast %ge3A_516 : i32 to vector<16xi32>
      %ge3A_518 = arith.cmpi sge, %sub3A_387, %ge3A_517 : vector<16xi32>
      %mul3A_519 = arith.muli %shift_right_arithmetic3A_515, %select_n3A_414 : vector<16xi32>
      %add3A_520 = arith.addi %add3A_509, %mul3A_519 : vector<16xi32>
      tpu.vector_store_idx %arg19[%add3A_520], %broadcast_in_dim3A_3 masked %ge3A_518 : memref<12544xf32, #tpu.memory_space<vmem>>[vector<16xi32>], vector<16xf32>, vector<16xi1>
      %add3A_521 = arith.addi %add3A_509, %select_n3A_406 : vector<16xi32>
      %mul3A_522 = arith.constant 10 : i32
      %mul3A_523 = vector.broadcast %mul3A_522 : i32 to vector<16xi32>
      %mul3A_524 = arith.muli %mul3A_392, %mul3A_523 : vector<16xi32>
      %shift_right_arithmetic3A_525 = arith.constant 20 : i32
      %shift_right_arithmetic3A_526 = vector.broadcast %shift_right_arithmetic3A_525 : i32 to vector<16xi32>
      %shift_right_arithmetic3A_527 = arith.shrsi %mul3A_524, %shift_right_arithmetic3A_526 : vector<16xi32>
      %ge3A_528 = arith.constant 10 : i32
      %ge3A_529 = vector.broadcast %ge3A_528 : i32 to vector<16xi32>
      %ge3A_530 = arith.cmpi sge, %sub3A_387, %ge3A_529 : vector<16xi32>
      %mul3A_531 = arith.muli %shift_right_arithmetic3A_527, %select_n3A_414 : vector<16xi32>
      %add3A_532 = arith.addi %add3A_521, %mul3A_531 : vector<16xi32>
      tpu.vector_store_idx %arg19[%add3A_532], %broadcast_in_dim3A_3 masked %ge3A_530 : memref<12544xf32, #tpu.memory_space<vmem>>[vector<16xi32>], vector<16xf32>, vector<16xi1>
      %add3A_533 = arith.addi %add3A_521, %select_n3A_406 : vector<16xi32>
      %mul3A_534 = arith.constant 11 : i32
      %mul3A_535 = vector.broadcast %mul3A_534 : i32 to vector<16xi32>
      %mul3A_536 = arith.muli %mul3A_392, %mul3A_535 : vector<16xi32>
      %shift_right_arithmetic3A_537 = arith.constant 20 : i32
      %shift_right_arithmetic3A_538 = vector.broadcast %shift_right_arithmetic3A_537 : i32 to vector<16xi32>
      %shift_right_arithmetic3A_539 = arith.shrsi %mul3A_536, %shift_right_arithmetic3A_538 : vector<16xi32>
      %ge3A_540 = arith.constant 11 : i32
      %ge3A_541 = vector.broadcast %ge3A_540 : i32 to vector<16xi32>
      %ge3A_542 = arith.cmpi sge, %sub3A_387, %ge3A_541 : vector<16xi32>
      %mul3A_543 = arith.muli %shift_right_arithmetic3A_539, %select_n3A_414 : vector<16xi32>
      %add3A_544 = arith.addi %add3A_533, %mul3A_543 : vector<16xi32>
      tpu.vector_store_idx %arg19[%add3A_544], %broadcast_in_dim3A_3 masked %ge3A_542 : memref<12544xf32, #tpu.memory_space<vmem>>[vector<16xi32>], vector<16xf32>, vector<16xi1>
      %add3A_545 = arith.addi %add3A_533, %select_n3A_406 : vector<16xi32>
      %mul3A_546 = arith.constant 12 : i32
      %mul3A_547 = vector.broadcast %mul3A_546 : i32 to vector<16xi32>
      %mul3A_548 = arith.muli %mul3A_392, %mul3A_547 : vector<16xi32>
      %shift_right_arithmetic3A_549 = arith.constant 20 : i32
      %shift_right_arithmetic3A_550 = vector.broadcast %shift_right_arithmetic3A_549 : i32 to vector<16xi32>
      %shift_right_arithmetic3A_551 = arith.shrsi %mul3A_548, %shift_right_arithmetic3A_550 : vector<16xi32>
      %ge3A_552 = arith.constant 12 : i32
      %ge3A_553 = vector.broadcast %ge3A_552 : i32 to vector<16xi32>
      %ge3A_554 = arith.cmpi sge, %sub3A_387, %ge3A_553 : vector<16xi32>
      %mul3A_555 = arith.muli %shift_right_arithmetic3A_551, %select_n3A_414 : vector<16xi32>
      %add3A_556 = arith.addi %add3A_545, %mul3A_555 : vector<16xi32>
      tpu.vector_store_idx %arg19[%add3A_556], %broadcast_in_dim3A_3 masked %ge3A_554 : memref<12544xf32, #tpu.memory_space<vmem>>[vector<16xi32>], vector<16xf32>, vector<16xi1>
      %add3A_557 = arith.addi %add3A_545, %select_n3A_406 : vector<16xi32>
      %mul3A_558 = arith.constant 13 : i32
      %mul3A_559 = vector.broadcast %mul3A_558 : i32 to vector<16xi32>
      %mul3A_560 = arith.muli %mul3A_392, %mul3A_559 : vector<16xi32>
      %shift_right_arithmetic3A_561 = arith.constant 20 : i32
      %shift_right_arithmetic3A_562 = vector.broadcast %shift_right_arithmetic3A_561 : i32 to vector<16xi32>
      %shift_right_arithmetic3A_563 = arith.shrsi %mul3A_560, %shift_right_arithmetic3A_562 : vector<16xi32>
      %ge3A_564 = arith.constant 13 : i32
      %ge3A_565 = vector.broadcast %ge3A_564 : i32 to vector<16xi32>
      %ge3A_566 = arith.cmpi sge, %sub3A_387, %ge3A_565 : vector<16xi32>
      %mul3A_567 = arith.muli %shift_right_arithmetic3A_563, %select_n3A_414 : vector<16xi32>
      %add3A_568 = arith.addi %add3A_557, %mul3A_567 : vector<16xi32>
      tpu.vector_store_idx %arg19[%add3A_568], %broadcast_in_dim3A_3 masked %ge3A_566 : memref<12544xf32, #tpu.memory_space<vmem>>[vector<16xi32>], vector<16xf32>, vector<16xi1>
      %add3A_569 = arith.addi %add3A_557, %select_n3A_406 : vector<16xi32>
      %mul3A_570 = arith.constant 14 : i32
      %mul3A_571 = vector.broadcast %mul3A_570 : i32 to vector<16xi32>
      %mul3A_572 = arith.muli %mul3A_392, %mul3A_571 : vector<16xi32>
      %shift_right_arithmetic3A_573 = arith.constant 20 : i32
      %shift_right_arithmetic3A_574 = vector.broadcast %shift_right_arithmetic3A_573 : i32 to vector<16xi32>
      %shift_right_arithmetic3A_575 = arith.shrsi %mul3A_572, %shift_right_arithmetic3A_574 : vector<16xi32>
      %ge3A_576 = arith.constant 14 : i32
      %ge3A_577 = vector.broadcast %ge3A_576 : i32 to vector<16xi32>
      %ge3A_578 = arith.cmpi sge, %sub3A_387, %ge3A_577 : vector<16xi32>
      %mul3A_579 = arith.muli %shift_right_arithmetic3A_575, %select_n3A_414 : vector<16xi32>
      %add3A_580 = arith.addi %add3A_569, %mul3A_579 : vector<16xi32>
      tpu.vector_store_idx %arg19[%add3A_580], %broadcast_in_dim3A_3 masked %ge3A_578 : memref<12544xf32, #tpu.memory_space<vmem>>[vector<16xi32>], vector<16xf32>, vector<16xi1>
      %add3A_581 = arith.addi %add3A_569, %select_n3A_406 : vector<16xi32>
      %mul3A_582 = arith.constant 15 : i32
      %mul3A_583 = vector.broadcast %mul3A_582 : i32 to vector<16xi32>
      %mul3A_584 = arith.muli %mul3A_392, %mul3A_583 : vector<16xi32>
      %shift_right_arithmetic3A_585 = arith.constant 20 : i32
      %shift_right_arithmetic3A_586 = vector.broadcast %shift_right_arithmetic3A_585 : i32 to vector<16xi32>
      %shift_right_arithmetic3A_587 = arith.shrsi %mul3A_584, %shift_right_arithmetic3A_586 : vector<16xi32>
      %ge3A_588 = arith.constant 15 : i32
      %ge3A_589 = vector.broadcast %ge3A_588 : i32 to vector<16xi32>
      %ge3A_590 = arith.cmpi sge, %sub3A_387, %ge3A_589 : vector<16xi32>
      %mul3A_591 = arith.muli %shift_right_arithmetic3A_587, %select_n3A_414 : vector<16xi32>
      %add3A_592 = arith.addi %add3A_581, %mul3A_591 : vector<16xi32>
      tpu.vector_store_idx %arg19[%add3A_592], %broadcast_in_dim3A_3 masked %ge3A_590 : memref<12544xf32, #tpu.memory_space<vmem>>[vector<16xi32>], vector<16xf32>, vector<16xi1>
      %add3A_593 = arith.addi %add3A_581, %select_n3A_406 : vector<16xi32>
      %mul3A_594 = arith.constant 16 : i32
      %mul3A_595 = vector.broadcast %mul3A_594 : i32 to vector<16xi32>
      %mul3A_596 = arith.muli %mul3A_392, %mul3A_595 : vector<16xi32>
      %shift_right_arithmetic3A_597 = arith.constant 20 : i32
      %shift_right_arithmetic3A_598 = vector.broadcast %shift_right_arithmetic3A_597 : i32 to vector<16xi32>
      %shift_right_arithmetic3A_599 = arith.shrsi %mul3A_596, %shift_right_arithmetic3A_598 : vector<16xi32>
      %ge3A_600 = arith.constant 16 : i32
      %ge3A_601 = vector.broadcast %ge3A_600 : i32 to vector<16xi32>
      %ge3A_602 = arith.cmpi sge, %sub3A_387, %ge3A_601 : vector<16xi32>
      %mul3A_603 = arith.muli %shift_right_arithmetic3A_599, %select_n3A_414 : vector<16xi32>
      %add3A_604 = arith.addi %add3A_593, %mul3A_603 : vector<16xi32>
      tpu.vector_store_idx %arg19[%add3A_604], %broadcast_in_dim3A_3 masked %ge3A_602 : memref<12544xf32, #tpu.memory_space<vmem>>[vector<16xi32>], vector<16xf32>, vector<16xi1>
      %add3A_605 = arith.addi %add3A_593, %select_n3A_406 : vector<16xi32>
      %mul3A_606 = arith.constant 17 : i32
      %mul3A_607 = vector.broadcast %mul3A_606 : i32 to vector<16xi32>
      %mul3A_608 = arith.muli %mul3A_392, %mul3A_607 : vector<16xi32>
      %shift_right_arithmetic3A_609 = arith.constant 20 : i32
      %shift_right_arithmetic3A_610 = vector.broadcast %shift_right_arithmetic3A_609 : i32 to vector<16xi32>
      %shift_right_arithmetic3A_611 = arith.shrsi %mul3A_608, %shift_right_arithmetic3A_610 : vector<16xi32>
      %ge3A_612 = arith.constant 17 : i32
      %ge3A_613 = vector.broadcast %ge3A_612 : i32 to vector<16xi32>
      %ge3A_614 = arith.cmpi sge, %sub3A_387, %ge3A_613 : vector<16xi32>
      %mul3A_615 = arith.muli %shift_right_arithmetic3A_611, %select_n3A_414 : vector<16xi32>
      %add3A_616 = arith.addi %add3A_605, %mul3A_615 : vector<16xi32>
      tpu.vector_store_idx %arg19[%add3A_616], %broadcast_in_dim3A_3 masked %ge3A_614 : memref<12544xf32, #tpu.memory_space<vmem>>[vector<16xi32>], vector<16xf32>, vector<16xi1>
      %add3A_617 = arith.addi %add3A_605, %select_n3A_406 : vector<16xi32>
      %mul3A_618 = arith.constant 18 : i32
      %mul3A_619 = vector.broadcast %mul3A_618 : i32 to vector<16xi32>
      %mul3A_620 = arith.muli %mul3A_392, %mul3A_619 : vector<16xi32>
      %shift_right_arithmetic3A_621 = arith.constant 20 : i32
      %shift_right_arithmetic3A_622 = vector.broadcast %shift_right_arithmetic3A_621 : i32 to vector<16xi32>
      %shift_right_arithmetic3A_623 = arith.shrsi %mul3A_620, %shift_right_arithmetic3A_622 : vector<16xi32>
      %ge3A_624 = arith.constant 18 : i32
      %ge3A_625 = vector.broadcast %ge3A_624 : i32 to vector<16xi32>
      %ge3A_626 = arith.cmpi sge, %sub3A_387, %ge3A_625 : vector<16xi32>
      %mul3A_627 = arith.muli %shift_right_arithmetic3A_623, %select_n3A_414 : vector<16xi32>
      %add3A_628 = arith.addi %add3A_617, %mul3A_627 : vector<16xi32>
      tpu.vector_store_idx %arg19[%add3A_628], %broadcast_in_dim3A_3 masked %ge3A_626 : memref<12544xf32, #tpu.memory_space<vmem>>[vector<16xi32>], vector<16xf32>, vector<16xi1>
      %add3A_629 = arith.addi %add3A_617, %select_n3A_406 : vector<16xi32>
      %mul3A_630 = arith.constant 19 : i32
      %mul3A_631 = vector.broadcast %mul3A_630 : i32 to vector<16xi32>
      %mul3A_632 = arith.muli %mul3A_392, %mul3A_631 : vector<16xi32>
      %shift_right_arithmetic3A_633 = arith.constant 20 : i32
      %shift_right_arithmetic3A_634 = vector.broadcast %shift_right_arithmetic3A_633 : i32 to vector<16xi32>
      %shift_right_arithmetic3A_635 = arith.shrsi %mul3A_632, %shift_right_arithmetic3A_634 : vector<16xi32>
      %ge3A_636 = arith.constant 19 : i32
      %ge3A_637 = vector.broadcast %ge3A_636 : i32 to vector<16xi32>
      %ge3A_638 = arith.cmpi sge, %sub3A_387, %ge3A_637 : vector<16xi32>
      %mul3A_639 = arith.muli %shift_right_arithmetic3A_635, %select_n3A_414 : vector<16xi32>
      %add3A_640 = arith.addi %add3A_629, %mul3A_639 : vector<16xi32>
      tpu.vector_store_idx %arg19[%add3A_640], %broadcast_in_dim3A_3 masked %ge3A_638 : memref<12544xf32, #tpu.memory_space<vmem>>[vector<16xi32>], vector<16xf32>, vector<16xi1>
      %add3A_641 = arith.addi %add3A_629, %select_n3A_406 : vector<16xi32>
      %mul3A_642 = arith.constant 20 : i32
      %mul3A_643 = vector.broadcast %mul3A_642 : i32 to vector<16xi32>
      %mul3A_644 = arith.muli %mul3A_392, %mul3A_643 : vector<16xi32>
      %shift_right_arithmetic3A_645 = arith.constant 20 : i32
      %shift_right_arithmetic3A_646 = vector.broadcast %shift_right_arithmetic3A_645 : i32 to vector<16xi32>
      %shift_right_arithmetic3A_647 = arith.shrsi %mul3A_644, %shift_right_arithmetic3A_646 : vector<16xi32>
      %ge3A_648 = arith.constant 20 : i32
      %ge3A_649 = vector.broadcast %ge3A_648 : i32 to vector<16xi32>
      %ge3A_650 = arith.cmpi sge, %sub3A_387, %ge3A_649 : vector<16xi32>
      %mul3A_651 = arith.muli %shift_right_arithmetic3A_647, %select_n3A_414 : vector<16xi32>
      %add3A_652 = arith.addi %add3A_641, %mul3A_651 : vector<16xi32>
      tpu.vector_store_idx %arg19[%add3A_652], %broadcast_in_dim3A_3 masked %ge3A_650 : memref<12544xf32, #tpu.memory_space<vmem>>[vector<16xi32>], vector<16xf32>, vector<16xi1>
      %add3A_653 = arith.addi %add3A_641, %select_n3A_406 : vector<16xi32>
      %mul3A_654 = arith.constant 21 : i32
      %mul3A_655 = vector.broadcast %mul3A_654 : i32 to vector<16xi32>
      %mul3A_656 = arith.muli %mul3A_392, %mul3A_655 : vector<16xi32>
      %shift_right_arithmetic3A_657 = arith.constant 20 : i32
      %shift_right_arithmetic3A_658 = vector.broadcast %shift_right_arithmetic3A_657 : i32 to vector<16xi32>
      %shift_right_arithmetic3A_659 = arith.shrsi %mul3A_656, %shift_right_arithmetic3A_658 : vector<16xi32>
      %ge3A_660 = arith.constant 21 : i32
      %ge3A_661 = vector.broadcast %ge3A_660 : i32 to vector<16xi32>
      %ge3A_662 = arith.cmpi sge, %sub3A_387, %ge3A_661 : vector<16xi32>
      %mul3A_663 = arith.muli %shift_right_arithmetic3A_659, %select_n3A_414 : vector<16xi32>
      %add3A_664 = arith.addi %add3A_653, %mul3A_663 : vector<16xi32>
      tpu.vector_store_idx %arg19[%add3A_664], %broadcast_in_dim3A_3 masked %ge3A_662 : memref<12544xf32, #tpu.memory_space<vmem>>[vector<16xi32>], vector<16xf32>, vector<16xi1>
      %add3A_665 = arith.addi %add3A_653, %select_n3A_406 : vector<16xi32>
      %mul3A_666 = arith.constant 22 : i32
      %mul3A_667 = vector.broadcast %mul3A_666 : i32 to vector<16xi32>
      %mul3A_668 = arith.muli %mul3A_392, %mul3A_667 : vector<16xi32>
      %shift_right_arithmetic3A_669 = arith.constant 20 : i32
      %shift_right_arithmetic3A_670 = vector.broadcast %shift_right_arithmetic3A_669 : i32 to vector<16xi32>
      %shift_right_arithmetic3A_671 = arith.shrsi %mul3A_668, %shift_right_arithmetic3A_670 : vector<16xi32>
      %ge3A_672 = arith.constant 22 : i32
      %ge3A_673 = vector.broadcast %ge3A_672 : i32 to vector<16xi32>
      %ge3A_674 = arith.cmpi sge, %sub3A_387, %ge3A_673 : vector<16xi32>
      %mul3A_675 = arith.muli %shift_right_arithmetic3A_671, %select_n3A_414 : vector<16xi32>
      %add3A_676 = arith.addi %add3A_665, %mul3A_675 : vector<16xi32>
      tpu.vector_store_idx %arg19[%add3A_676], %broadcast_in_dim3A_3 masked %ge3A_674 : memref<12544xf32, #tpu.memory_space<vmem>>[vector<16xi32>], vector<16xf32>, vector<16xi1>
      %add3A_677 = arith.addi %add3A_665, %select_n3A_406 : vector<16xi32>
      %mul3A_678 = arith.constant 23 : i32
      %mul3A_679 = vector.broadcast %mul3A_678 : i32 to vector<16xi32>
      %mul3A_680 = arith.muli %mul3A_392, %mul3A_679 : vector<16xi32>
      %shift_right_arithmetic3A_681 = arith.constant 20 : i32
      %shift_right_arithmetic3A_682 = vector.broadcast %shift_right_arithmetic3A_681 : i32 to vector<16xi32>
      %shift_right_arithmetic3A_683 = arith.shrsi %mul3A_680, %shift_right_arithmetic3A_682 : vector<16xi32>
      %ge3A_684 = arith.constant 23 : i32
      %ge3A_685 = vector.broadcast %ge3A_684 : i32 to vector<16xi32>
      %ge3A_686 = arith.cmpi sge, %sub3A_387, %ge3A_685 : vector<16xi32>
      %mul3A_687 = arith.muli %shift_right_arithmetic3A_683, %select_n3A_414 : vector<16xi32>
      %add3A_688 = arith.addi %add3A_677, %mul3A_687 : vector<16xi32>
      tpu.vector_store_idx %arg19[%add3A_688], %broadcast_in_dim3A_3 masked %ge3A_686 : memref<12544xf32, #tpu.memory_space<vmem>>[vector<16xi32>], vector<16xf32>, vector<16xi1>
      %add3A_689 = arith.addi %add3A_677, %select_n3A_406 : vector<16xi32>
      %mul3A_690 = arith.constant 24 : i32
      %mul3A_691 = vector.broadcast %mul3A_690 : i32 to vector<16xi32>
      %mul3A_692 = arith.muli %mul3A_392, %mul3A_691 : vector<16xi32>
      %shift_right_arithmetic3A_693 = arith.constant 20 : i32
      %shift_right_arithmetic3A_694 = vector.broadcast %shift_right_arithmetic3A_693 : i32 to vector<16xi32>
      %shift_right_arithmetic3A_695 = arith.shrsi %mul3A_692, %shift_right_arithmetic3A_694 : vector<16xi32>
      %ge3A_696 = arith.constant 24 : i32
      %ge3A_697 = vector.broadcast %ge3A_696 : i32 to vector<16xi32>
      %ge3A_698 = arith.cmpi sge, %sub3A_387, %ge3A_697 : vector<16xi32>
      %mul3A_699 = arith.muli %shift_right_arithmetic3A_695, %select_n3A_414 : vector<16xi32>
      %add3A_700 = arith.addi %add3A_689, %mul3A_699 : vector<16xi32>
      tpu.vector_store_idx %arg19[%add3A_700], %broadcast_in_dim3A_3 masked %ge3A_698 : memref<12544xf32, #tpu.memory_space<vmem>>[vector<16xi32>], vector<16xf32>, vector<16xi1>
      %add3A_701 = arith.addi %add3A_689, %select_n3A_406 : vector<16xi32>
      %mul3A_702 = arith.constant 25 : i32
      %mul3A_703 = vector.broadcast %mul3A_702 : i32 to vector<16xi32>
      %mul3A_704 = arith.muli %mul3A_392, %mul3A_703 : vector<16xi32>
      %shift_right_arithmetic3A_705 = arith.constant 20 : i32
      %shift_right_arithmetic3A_706 = vector.broadcast %shift_right_arithmetic3A_705 : i32 to vector<16xi32>
      %shift_right_arithmetic3A_707 = arith.shrsi %mul3A_704, %shift_right_arithmetic3A_706 : vector<16xi32>
      %ge3A_708 = arith.constant 25 : i32
      %ge3A_709 = vector.broadcast %ge3A_708 : i32 to vector<16xi32>
      %ge3A_710 = arith.cmpi sge, %sub3A_387, %ge3A_709 : vector<16xi32>
      %mul3A_711 = arith.muli %shift_right_arithmetic3A_707, %select_n3A_414 : vector<16xi32>
      %add3A_712 = arith.addi %add3A_701, %mul3A_711 : vector<16xi32>
      tpu.vector_store_idx %arg19[%add3A_712], %broadcast_in_dim3A_3 masked %ge3A_710 : memref<12544xf32, #tpu.memory_space<vmem>>[vector<16xi32>], vector<16xf32>, vector<16xi1>
      %add3A_713 = arith.addi %add3A_701, %select_n3A_406 : vector<16xi32>
      %mul3A_714 = arith.constant 26 : i32
      %mul3A_715 = vector.broadcast %mul3A_714 : i32 to vector<16xi32>
      %mul3A_716 = arith.muli %mul3A_392, %mul3A_715 : vector<16xi32>
      %shift_right_arithmetic3A_717 = arith.constant 20 : i32
      %shift_right_arithmetic3A_718 = vector.broadcast %shift_right_arithmetic3A_717 : i32 to vector<16xi32>
      %shift_right_arithmetic3A_719 = arith.shrsi %mul3A_716, %shift_right_arithmetic3A_718 : vector<16xi32>
      %ge3A_720 = arith.constant 26 : i32
      %ge3A_721 = vector.broadcast %ge3A_720 : i32 to vector<16xi32>
      %ge3A_722 = arith.cmpi sge, %sub3A_387, %ge3A_721 : vector<16xi32>
      %mul3A_723 = arith.muli %shift_right_arithmetic3A_719, %select_n3A_414 : vector<16xi32>
      %add3A_724 = arith.addi %add3A_713, %mul3A_723 : vector<16xi32>
      tpu.vector_store_idx %arg19[%add3A_724], %broadcast_in_dim3A_3 masked %ge3A_722 : memref<12544xf32, #tpu.memory_space<vmem>>[vector<16xi32>], vector<16xf32>, vector<16xi1>
      %add3A_725 = arith.addi %add3A_713, %select_n3A_406 : vector<16xi32>
      %mul3A_726 = arith.constant 27 : i32
      %mul3A_727 = vector.broadcast %mul3A_726 : i32 to vector<16xi32>
      %mul3A_728 = arith.muli %mul3A_392, %mul3A_727 : vector<16xi32>
      %shift_right_arithmetic3A_729 = arith.constant 20 : i32
      %shift_right_arithmetic3A_730 = vector.broadcast %shift_right_arithmetic3A_729 : i32 to vector<16xi32>
      %shift_right_arithmetic3A_731 = arith.shrsi %mul3A_728, %shift_right_arithmetic3A_730 : vector<16xi32>
      %ge3A_732 = arith.constant 27 : i32
      %ge3A_733 = vector.broadcast %ge3A_732 : i32 to vector<16xi32>
      %ge3A_734 = arith.cmpi sge, %sub3A_387, %ge3A_733 : vector<16xi32>
      %mul3A_735 = arith.muli %shift_right_arithmetic3A_731, %select_n3A_414 : vector<16xi32>
      %add3A_736 = arith.addi %add3A_725, %mul3A_735 : vector<16xi32>
      tpu.vector_store_idx %arg19[%add3A_736], %broadcast_in_dim3A_3 masked %ge3A_734 : memref<12544xf32, #tpu.memory_space<vmem>>[vector<16xi32>], vector<16xf32>, vector<16xi1>
      %scan3A_737 = arith.constant 0 : i32
      scf.yield %scan3A_737 : i32
    }
    %scan3A_278 = arith.constant 127 : i32
    %scan3A_279 = arith.constant 0 : i32
    %scan3A_280 = arith.constant 196 : i32
    %scan3A_281 = arith.addi %scan3A_279, %scan3A_280 : i32
    %scan3A_282 = arith.constant 1 : i32
    %scan3A_283:3 = scf.for %scan3A_347 = %scan3A_279 to %scan3A_281 step %scan3A_282 iter_args(%scan3A_348 = %scan3A_200#0, %scan3A_349 = %scan3A_200#1, %scan3A_350 = %scan3A_200#2) -> (vector<16xf32>, vector<16xf32>, vector<16xf32>)  : i32 {
      %mul3A_351 = arith.constant 64 : i32
      %mul3A_352 = arith.muli %scan3A_347, %mul3A_351 : i32
      %add3A_353 = arith.constant 0 : i32
      %add3A_354 = arith.addi %mul3A_352, %add3A_353 : i32
      %get3A = arith.index_cast %add3A_354 : i32 to index
      %get3A_355 = tpu.vector_load %arg19[%get3A] {strides = array<i32>} : memref<12544xf32, #tpu.memory_space<vmem>>, vector<16xf32>,
      %swap3A_356 = arith.index_cast %add3A_354 : i32 to index
      %swap3A_357 = tpu.vector_load %arg19[%swap3A_356] {strides = array<i32>} : memref<12544xf32, #tpu.memory_space<vmem>>, vector<16xf32>,
      tpu.vector_store %arg19[%swap3A_356], %broadcast_in_dim3A_1 {strides = array<i32>} : memref<12544xf32, #tpu.memory_space<vmem>>, vector<16xf32>,
      %get3A_358 = arith.index_cast %add3A_354 : i32 to index
      %get3A_359 = tpu.vector_load %arg17[%get3A_358] {strides = array<i32>} : memref<12544xf32, #tpu.memory_space<vmem>>, vector<16xf32>,
      %add3A_360 = arith.addf %scan3A_348, %get3A_355 : vector<16xf32>
      %mul3A_361 = arith.mulf %get3A_355, %get3A_359 : vector<16xf32>
      %add3A_362 = arith.addf %scan3A_349, %mul3A_361 : vector<16xf32>
      %add3A_363 = arith.addf %scan3A_350, %get3A_359 : vector<16xf32>
      %mul3A_364 = arith.constant 64 : i32
      %mul3A_365 = arith.muli %scan3A_347, %mul3A_364 : i32
      %add3A_366 = arith.constant 16 : i32
      %add3A_367 = arith.addi %mul3A_365, %add3A_366 : i32
      %get3A_368 = arith.index_cast %add3A_367 : i32 to index
      %get3A_369 = tpu.vector_load %arg19[%get3A_368] {strides = array<i32>} : memref<12544xf32, #tpu.memory_space<vmem>>, vector<16xf32>,
      %swap3A_370 = arith.index_cast %add3A_367 : i32 to index
      %swap3A_371 = tpu.vector_load %arg19[%swap3A_370] {strides = array<i32>} : memref<12544xf32, #tpu.memory_space<vmem>>, vector<16xf32>,
      tpu.vector_store %arg19[%swap3A_370], %broadcast_in_dim3A_1 {strides = array<i32>} : memref<12544xf32, #tpu.memory_space<vmem>>, vector<16xf32>,
      %get3A_372 = arith.index_cast %add3A_367 : i32 to index
      %get3A_373 = tpu.vector_load %arg17[%get3A_372] {strides = array<i32>} : memref<12544xf32, #tpu.memory_space<vmem>>, vector<16xf32>,
      %add3A_374 = arith.addf %add3A_360, %get3A_369 : vector<16xf32>
      %mul3A_375 = arith.mulf %get3A_369, %get3A_373 : vector<16xf32>
      %add3A_376 = arith.addf %add3A_362, %mul3A_375 : vector<16xf32>
      %add3A_377 = arith.addf %add3A_363, %get3A_373 : vector<16xf32>
      %mul3A_378 = arith.constant 64 : i32
      %mul3A_379 = arith.muli %scan3A_347, %mul3A_378 : i32
      %add3A_380 = arith.constant 32 : i32
      %add3A_381 = arith.addi %mul3A_379, %add3A_380 : i32
      %get3A_382 = arith.index_cast %add3A_381 : i32 to index
      %get3A_383 = tpu.vector_load %arg19[%get3A_382] {strides = array<i32>} : memref<12544xf32, #tpu.memory_space<vmem>>, vector<16xf32>,
      %swap3A_384 = arith.index_cast %add3A_381 : i32 to index
      %swap3A_385 = tpu.vector_load %arg19[%swap3A_384] {strides = array<i32>} : memref<12544xf32, #tpu.memory_space<vmem>>, vector<16xf32>,
      tpu.vector_store %arg19[%swap3A_384], %broadcast_in_dim3A_1 {strides = array<i32>} : memref<12544xf32, #tpu.memory_space<vmem>>, vector<16xf32>,
      %get3A_386 = arith.index_cast %add3A_381 : i32 to index
      %get3A_387 = tpu.vector_load %arg17[%get3A_386] {strides = array<i32>} : memref<12544xf32, #tpu.memory_space<vmem>>, vector<16xf32>,
      %add3A_388 = arith.addf %add3A_374, %get3A_383 : vector<16xf32>
      %mul3A_389 = arith.mulf %get3A_383, %get3A_387 : vector<16xf32>
      %add3A_390 = arith.addf %add3A_376, %mul3A_389 : vector<16xf32>
      %add3A_391 = arith.addf %add3A_377, %get3A_387 : vector<16xf32>
      %mul3A_392 = arith.constant 64 : i32
      %mul3A_393 = arith.muli %scan3A_347, %mul3A_392 : i32
      %add3A_394 = arith.constant 48 : i32
      %add3A_395 = arith.addi %mul3A_393, %add3A_394 : i32
      %get3A_396 = arith.index_cast %add3A_395 : i32 to index
      %get3A_397 = tpu.vector_load %arg19[%get3A_396] {strides = array<i32>} : memref<12544xf32, #tpu.memory_space<vmem>>, vector<16xf32>,
      %swap3A_398 = arith.index_cast %add3A_395 : i32 to index
      %swap3A_399 = tpu.vector_load %arg19[%swap3A_398] {strides = array<i32>} : memref<12544xf32, #tpu.memory_space<vmem>>, vector<16xf32>,
      tpu.vector_store %arg19[%swap3A_398], %broadcast_in_dim3A_1 {strides = array<i32>} : memref<12544xf32, #tpu.memory_space<vmem>>, vector<16xf32>,
      %get3A_400 = arith.index_cast %add3A_395 : i32 to index
      %get3A_401 = tpu.vector_load %arg17[%get3A_400] {strides = array<i32>} : memref<12544xf32, #tpu.memory_space<vmem>>, vector<16xf32>,
      %add3A_402 = arith.addf %add3A_388, %get3A_397 : vector<16xf32>
      %mul3A_403 = arith.mulf %get3A_397, %get3A_401 : vector<16xf32>
      %add3A_404 = arith.addf %add3A_390, %mul3A_403 : vector<16xf32>
      %add3A_405 = arith.addf %add3A_391, %get3A_401 : vector<16xf32>
      scf.yield %add3A_402, %add3A_404, %add3A_405 : vector<16xf32>, vector<16xf32>, vector<16xf32>
    }
    %scan3A_284 = arith.constant 196 : i32
    %scan3A_285 = arith.constant 0 : i32
    %scan3A_286 = arith.constant 64 : i32
    %scan3A_287 = arith.addi %scan3A_285, %scan3A_286 : i32
    %scan3A_288 = arith.constant 1 : i32
    %scan3A_289 = scf.for %scan3A_347 = %scan3A_285 to %scan3A_287 step %scan3A_288 iter_args(%scan3A_348 = %scan3A_206) -> (vector<16xf32>)  : i32 {
      %mul3A_349 = arith.constant 2 : i32
      %mul3A_350 = arith.muli %scan3A_347, %mul3A_349 : i32
      %add3A_351 = arith.constant 0 : i32
      %add3A_352 = arith.addi %mul3A_350, %add3A_351 : i32
      %mul3A_353 = arith.constant 16 : i32
      %mul3A_354 = arith.muli %add3A_352, %mul3A_353 : i32
      %get3A = arith.index_cast %mul3A_354 : i32 to index
      %get3A_355 = tpu.vector_load %arg9[%get3A] {strides = array<i32>} : memref<2048xf32, #tpu.memory_space<vmem>>, vector<16xf32>,
      %get3A_356 = arith.index_cast %mul3A_354 : i32 to index
      %get3A_357 = tpu.vector_load %arg13[%get3A_356] {strides = array<i32>} : memref<2048xf32, #tpu.memory_space<vmem>>, vector<16xf32>,
      %sub3A = arith.subf %get3A_355, %get3A_357 : vector<16xf32>
      %get3A_358 = arith.index_cast %mul3A_354 : i32 to index
      %get3A_359 = tpu.vector_load %arg11[%get3A_358] {strides = array<i32>} : memref<2048xf32, #tpu.memory_space<vmem>>, vector<16xf32>,
      %get3A_360 = arith.index_cast %mul3A_354 : i32 to index
      %get3A_361 = tpu.vector_load %arg15[%get3A_360] {strides = array<i32>} : memref<2048xf32, #tpu.memory_space<vmem>>, vector<16xf32>,
      %sub3A_362 = arith.subf %get3A_359, %get3A_361 : vector<16xf32>
      %mul3A_363 = arith.mulf %sub3A, %sub3A : vector<16xf32>
      %add3A_364 = arith.addf %scan3A_348, %mul3A_363 : vector<16xf32>
      %mul3A_365 = arith.mulf %sub3A_362, %sub3A_362 : vector<16xf32>
      %add3A_366 = arith.addf %add3A_364, %mul3A_365 : vector<16xf32>
      %mul3A_367 = arith.constant 2 : i32
      %mul3A_368 = arith.muli %scan3A_347, %mul3A_367 : i32
      %add3A_369 = arith.constant 1 : i32
      %add3A_370 = arith.addi %mul3A_368, %add3A_369 : i32
      %mul3A_371 = arith.constant 16 : i32
      %mul3A_372 = arith.muli %add3A_370, %mul3A_371 : i32
      %get3A_373 = arith.index_cast %mul3A_372 : i32 to index
      %get3A_374 = tpu.vector_load %arg9[%get3A_373] {strides = array<i32>} : memref<2048xf32, #tpu.memory_space<vmem>>, vector<16xf32>,
      %get3A_375 = arith.index_cast %mul3A_372 : i32 to index
      %get3A_376 = tpu.vector_load %arg13[%get3A_375] {strides = array<i32>} : memref<2048xf32, #tpu.memory_space<vmem>>, vector<16xf32>,
      %sub3A_377 = arith.subf %get3A_374, %get3A_376 : vector<16xf32>
      %get3A_378 = arith.index_cast %mul3A_372 : i32 to index
      %get3A_379 = tpu.vector_load %arg11[%get3A_378] {strides = array<i32>} : memref<2048xf32, #tpu.memory_space<vmem>>, vector<16xf32>,
      %get3A_380 = arith.index_cast %mul3A_372 : i32 to index
      %get3A_381 = tpu.vector_load %arg15[%get3A_380] {strides = array<i32>} : memref<2048xf32, #tpu.memory_space<vmem>>, vector<16xf32>,
      %sub3A_382 = arith.subf %get3A_379, %get3A_381 : vector<16xf32>
      %mul3A_383 = arith.mulf %sub3A_377, %sub3A_377 : vector<16xf32>
      %add3A_384 = arith.addf %add3A_366, %mul3A_383 : vector<16xf32>
      %mul3A_385 = arith.mulf %sub3A_382, %sub3A_382 : vector<16xf32>
      %add3A_386 = arith.addf %add3A_384, %mul3A_385 : vector<16xf32>
      scf.yield %add3A_386 : vector<16xf32>
    }
    %scan3A_290 = arith.constant 64 : i32
    %dma_wait3A_291 = arith.constant 0 : i32
    %dma_wait3A_292 = tpu.memref_slice %arg2[%add3A_241, %dma_wait3A_291] : memref<128x2048xf32, #tpu.memory_space<hbm>> -> memref<1x2048xf32, #tpu.memory_space<hbm>>
    %dma_wait3A_293 = tpu.memref_squeeze %dma_wait3A_292 : memref<1x2048xf32, #tpu.memory_space<hbm>> -> memref<2048xf32, #tpu.memory_space<hbm>>
    %dma_wait3A_294 = arith.constant 0 : i32
    %dma_wait3A_295 = tpu.memref_slice %arg2[%add3A_241, %dma_wait3A_294] : memref<128x2048xf32, #tpu.memory_space<hbm>> -> memref<1x2048xf32, #tpu.memory_space<hbm>>
    %dma_wait3A_296 = tpu.memref_squeeze %dma_wait3A_295 : memref<1x2048xf32, #tpu.memory_space<hbm>> -> memref<2048xf32, #tpu.memory_space<hbm>>
    tpu.wait_dma2 semaphore(%arg23 : memref<!tpu.dma_semaphore, #tpu.memory_space<semaphore_mem>>) src(%dma_wait3A_296 : memref<2048xf32, #tpu.memory_space<hbm>>) dst(%arg10 : memref<2048xf32, #tpu.memory_space<vmem>>)
    %dma_wait3A_297 = arith.constant 0 : i32
    %dma_wait3A_298 = tpu.memref_slice %arg3[%add3A_241, %dma_wait3A_297] : memref<128x2048xf32, #tpu.memory_space<hbm>> -> memref<1x2048xf32, #tpu.memory_space<hbm>>
    %dma_wait3A_299 = tpu.memref_squeeze %dma_wait3A_298 : memref<1x2048xf32, #tpu.memory_space<hbm>> -> memref<2048xf32, #tpu.memory_space<hbm>>
    %dma_wait3A_300 = arith.constant 0 : i32
    %dma_wait3A_301 = tpu.memref_slice %arg3[%add3A_241, %dma_wait3A_300] : memref<128x2048xf32, #tpu.memory_space<hbm>> -> memref<1x2048xf32, #tpu.memory_space<hbm>>
    %dma_wait3A_302 = tpu.memref_squeeze %dma_wait3A_301 : memref<1x2048xf32, #tpu.memory_space<hbm>> -> memref<2048xf32, #tpu.memory_space<hbm>>
    tpu.wait_dma2 semaphore(%arg23 : memref<!tpu.dma_semaphore, #tpu.memory_space<semaphore_mem>>) src(%dma_wait3A_302 : memref<2048xf32, #tpu.memory_space<hbm>>) dst(%arg12 : memref<2048xf32, #tpu.memory_space<vmem>>)
    %dma_wait3A_303 = arith.constant 0 : i32
    %dma_wait3A_304 = tpu.memref_slice %arg4[%add3A_241, %dma_wait3A_303] : memref<128x2048xf32, #tpu.memory_space<hbm>> -> memref<1x2048xf32, #tpu.memory_space<hbm>>
    %dma_wait3A_305 = tpu.memref_squeeze %dma_wait3A_304 : memref<1x2048xf32, #tpu.memory_space<hbm>> -> memref<2048xf32, #tpu.memory_space<hbm>>
    %dma_wait3A_306 = arith.constant 0 : i32
    %dma_wait3A_307 = tpu.memref_slice %arg4[%add3A_241, %dma_wait3A_306] : memref<128x2048xf32, #tpu.memory_space<hbm>> -> memref<1x2048xf32, #tpu.memory_space<hbm>>
    %dma_wait3A_308 = tpu.memref_squeeze %dma_wait3A_307 : memref<1x2048xf32, #tpu.memory_space<hbm>> -> memref<2048xf32, #tpu.memory_space<hbm>>
    tpu.wait_dma2 semaphore(%arg23 : memref<!tpu.dma_semaphore, #tpu.memory_space<semaphore_mem>>) src(%dma_wait3A_308 : memref<2048xf32, #tpu.memory_space<hbm>>) dst(%arg14 : memref<2048xf32, #tpu.memory_space<vmem>>)
    %dma_wait3A_309 = arith.constant 0 : i32
    %dma_wait3A_310 = tpu.memref_slice %arg5[%add3A_241, %dma_wait3A_309] : memref<128x2048xf32, #tpu.memory_space<hbm>> -> memref<1x2048xf32, #tpu.memory_space<hbm>>
    %dma_wait3A_311 = tpu.memref_squeeze %dma_wait3A_310 : memref<1x2048xf32, #tpu.memory_space<hbm>> -> memref<2048xf32, #tpu.memory_space<hbm>>
    %dma_wait3A_312 = arith.constant 0 : i32
    %dma_wait3A_313 = tpu.memref_slice %arg5[%add3A_241, %dma_wait3A_312] : memref<128x2048xf32, #tpu.memory_space<hbm>> -> memref<1x2048xf32, #tpu.memory_space<hbm>>
    %dma_wait3A_314 = tpu.memref_squeeze %dma_wait3A_313 : memref<1x2048xf32, #tpu.memory_space<hbm>> -> memref<2048xf32, #tpu.memory_space<hbm>>
    tpu.wait_dma2 semaphore(%arg23 : memref<!tpu.dma_semaphore, #tpu.memory_space<semaphore_mem>>) src(%dma_wait3A_314 : memref<2048xf32, #tpu.memory_space<hbm>>) dst(%arg16 : memref<2048xf32, #tpu.memory_space<vmem>>)
    %dma_wait3A_315 = arith.constant 0 : i32
    %dma_wait3A_316 = tpu.memref_slice %arg6[%add3A_241, %dma_wait3A_315] : memref<128x12544xf32, #tpu.memory_space<hbm>> -> memref<1x12544xf32, #tpu.memory_space<hbm>>
    %dma_wait3A_317 = tpu.memref_squeeze %dma_wait3A_316 : memref<1x12544xf32, #tpu.memory_space<hbm>> -> memref<12544xf32, #tpu.memory_space<hbm>>
    %dma_wait3A_318 = arith.constant 0 : i32
    %dma_wait3A_319 = tpu.memref_slice %arg6[%add3A_241, %dma_wait3A_318] : memref<128x12544xf32, #tpu.memory_space<hbm>> -> memref<1x12544xf32, #tpu.memory_space<hbm>>
    %dma_wait3A_320 = tpu.memref_squeeze %dma_wait3A_319 : memref<1x12544xf32, #tpu.memory_space<hbm>> -> memref<12544xf32, #tpu.memory_space<hbm>>
    tpu.wait_dma2 semaphore(%arg23 : memref<!tpu.dma_semaphore, #tpu.memory_space<semaphore_mem>>) src(%dma_wait3A_320 : memref<12544xf32, #tpu.memory_space<hbm>>) dst(%arg18 : memref<12544xf32, #tpu.memory_space<vmem>>)
    %scan3A_321 = arith.constant 0 : i32
    %scan3A_322 = arith.constant 0 : i32
    %scan3A_323 = arith.constant 127 : i32
    %scan3A_324 = arith.addi %scan3A_322, %scan3A_323 : i32
    %scan3A_325 = arith.constant 1 : i32
    %scan3A_326 = scf.for %scan3A_347 = %scan3A_322 to %scan3A_324 step %scan3A_325 iter_args(%scan3A_348 = %scan3A_321) -> (i32)  : i32 {
      %mul3A_349 = arith.constant 16 : i32
      %mul3A_350 = arith.muli %scan3A_347, %mul3A_349 : i32
      %get3A = arith.index_cast %mul3A_350 : i32 to index
      %get3A_351 = tpu.vector_load %arg10[%get3A] {strides = array<i32>} : memref<2048xf32, #tpu.memory_space<vmem>>, vector<16xf32>,
      %get3A_352 = arith.index_cast %mul3A_350 : i32 to index
      %get3A_353 = tpu.vector_load %arg12[%get3A_352] {strides = array<i32>} : memref<2048xf32, #tpu.memory_space<vmem>>, vector<16xf32>,
      %add3A_354 = arith.constant 16 : i32
      %add3A_355 = arith.addi %mul3A_350, %add3A_354 : i32
      %get3A_356 = arith.index_cast %add3A_355 : i32 to index
      %get3A_357 = tpu.vector_load %arg10[%get3A_356] {strides = array<i32>} : memref<2048xf32, #tpu.memory_space<vmem>>, vector<16xf32>,
      %add3A_358 = arith.constant 16 : i32
      %add3A_359 = arith.addi %mul3A_350, %add3A_358 : i32
      %get3A_360 = arith.index_cast %add3A_359 : i32 to index
      %get3A_361 = tpu.vector_load %arg12[%get3A_360] {strides = array<i32>} : memref<2048xf32, #tpu.memory_space<vmem>>, vector<16xf32>,
      %mul3A_362 = arith.constant 2.700000e+01 : f32
      %mul3A_363 = vector.broadcast %mul3A_362 : f32 to vector<16xf32>
      %mul3A_364 = arith.mulf %get3A_351, %mul3A_363 : vector<16xf32>
      %convert_element_type3A = arith.fptosi %mul3A_364 : vector<16xf32> to vector<16xi32>
      %mul3A_365 = arith.constant 2.700000e+01 : f32
      %mul3A_366 = vector.broadcast %mul3A_365 : f32 to vector<16xf32>
      %mul3A_367 = arith.mulf %get3A_353, %mul3A_366 : vector<16xf32>
      %convert_element_type3A_368 = arith.fptosi %mul3A_367 : vector<16xf32> to vector<16xi32>
      %mul3A_369 = arith.constant 2.700000e+01 : f32
      %mul3A_370 = vector.broadcast %mul3A_369 : f32 to vector<16xf32>
      %mul3A_371 = arith.mulf %get3A_357, %mul3A_370 : vector<16xf32>
      %convert_element_type3A_372 = arith.fptosi %mul3A_371 : vector<16xf32> to vector<16xi32>
      %mul3A_373 = arith.constant 2.700000e+01 : f32
      %mul3A_374 = vector.broadcast %mul3A_373 : f32 to vector<16xf32>
      %mul3A_375 = arith.mulf %get3A_361, %mul3A_374 : vector<16xf32>
      %convert_element_type3A_376 = arith.fptosi %mul3A_375 : vector<16xf32> to vector<16xi32>
      %sub3A = arith.subi %convert_element_type3A_376, %convert_element_type3A_368 : vector<16xi32>
      %abs3A = math.absi %sub3A : vector<16xi32>
      %sub3A_377 = arith.subi %convert_element_type3A_372, %convert_element_type3A : vector<16xi32>
      %abs3A_378 = math.absi %sub3A_377 : vector<16xi32>
      %gt3A = arith.cmpi sgt, %abs3A, %abs3A_378 : vector<16xi32>
      %select_n3A = arith.select %gt3A, %convert_element_type3A_368, %convert_element_type3A : vector<16xi1>, vector<16xi32>
      %select_n3A_379 = arith.select %gt3A, %convert_element_type3A, %convert_element_type3A_368 : vector<16xi1>, vector<16xi32>
      %select_n3A_380 = arith.select %gt3A, %convert_element_type3A_376, %convert_element_type3A_372 : vector<16xi1>, vector<16xi32>
      %select_n3A_381 = arith.select %gt3A, %convert_element_type3A_372, %convert_element_type3A_376 : vector<16xi1>, vector<16xi32>
      %gt3A_382 = arith.cmpi sgt, %select_n3A, %select_n3A_380 : vector<16xi32>
      %select_n3A_383 = arith.select %gt3A_382, %select_n3A_380, %select_n3A : vector<16xi1>, vector<16xi32>
      %select_n3A_384 = arith.select %gt3A_382, %select_n3A, %select_n3A_380 : vector<16xi1>, vector<16xi32>
      %select_n3A_385 = arith.select %gt3A_382, %select_n3A_381, %select_n3A_379 : vector<16xi1>, vector<16xi32>
      %select_n3A_386 = arith.select %gt3A_382, %select_n3A_379, %select_n3A_381 : vector<16xi1>, vector<16xi32>
      %sub3A_387 = arith.subi %select_n3A_384, %select_n3A_383 : vector<16xi32>
      %sub3A_388 = arith.subi %select_n3A_386, %select_n3A_385 : vector<16xi32>
      %abs3A_389 = math.absi %sub3A_388 : vector<16xi32>
      %max3A = arith.constant 1 : i32
      %max3A_390 = vector.broadcast %max3A : i32 to vector<16xi32>
      %max3A_391 = arith.maxsi %sub3A_387, %max3A_390 : vector<16xi32>
      %lt3A = arith.cmpi slt, %select_n3A_385, %select_n3A_386 : vector<16xi32>
      %gather3A = tpu.vector_load_idx %arg21[%max3A_391] : memref<32xi32, #tpu.memory_space<vmem>>[vector<16xi32>], vector<16xi32>,
      %mul3A_392 = arith.muli %abs3A_389, %gather3A : vector<16xi32>
      %select_n3A_393 = arith.select %gt3A, %select_n3A_383, %select_n3A_385 : vector<16xi1>, vector<16xi32>
      %select_n3A_394 = arith.select %gt3A, %select_n3A_385, %select_n3A_383 : vector<16xi1>, vector<16xi32>
      %mul3A_395 = arith.constant 28 : i32
      %mul3A_396 = vector.broadcast %mul3A_395 : i32 to vector<16xi32>
      %mul3A_397 = arith.muli %select_n3A_393, %mul3A_396 : vector<16xi32>
      %add3A_398 = arith.addi %mul3A_397, %select_n3A_394 : vector<16xi32>
      %mul3A_399 = arith.constant 16 : i32
      %mul3A_400 = vector.broadcast %mul3A_399 : i32 to vector<16xi32>
      %mul3A_401 = arith.muli %add3A_398, %mul3A_400 : vector<16xi32>
      %add3A_402 = arith.addi %mul3A_401, %iota3A : vector<16xi32>
      %jit3A = arith.constant 448 : i32
      %jit3A_403 = arith.constant 16 : i32
      %broadcast_in_dim3A_404 = vector.broadcast %jit3A : i32 to vector<16xi32>
      %broadcast_in_dim3A_405 = vector.broadcast %jit3A_403 : i32 to vector<16xi32>
      %select_n3A_406 = arith.select %gt3A, %broadcast_in_dim3A_404, %broadcast_in_dim3A_405 : vector<16xi1>, vector<16xi32>
      %jit3A_407 = arith.constant 16 : i32
      %jit3A_408 = arith.constant 448 : i32
      %broadcast_in_dim3A_409 = vector.broadcast %jit3A_407 : i32 to vector<16xi32>
      %broadcast_in_dim3A_410 = vector.broadcast %jit3A_408 : i32 to vector<16xi32>
      %select_n3A_411 = arith.select %gt3A, %broadcast_in_dim3A_409, %broadcast_in_dim3A_410 : vector<16xi1>, vector<16xi32>
      %neg3A = arith.constant 0 : i32
      %neg3A_412 = vector.broadcast %neg3A : i32 to vector<16xi32>
      %neg3A_413 = arith.subi %neg3A_412, %select_n3A_411 : vector<16xi32>
      %select_n3A_414 = arith.select %lt3A, %select_n3A_411, %neg3A_413 : vector<16xi1>, vector<16xi32>
      tpu.vector_store_idx %arg19[%add3A_402], %broadcast_in_dim3A_3 : memref<12544xf32, #tpu.memory_space<vmem>>[vector<16xi32>], vector<16xf32>,
      %add3A_415 = arith.addi %add3A_402, %select_n3A_406 : vector<16xi32>
      %mul3A_416 = arith.constant 1 : i32
      %mul3A_417 = vector.broadcast %mul3A_416 : i32 to vector<16xi32>
      %mul3A_418 = arith.muli %mul3A_392, %mul3A_417 : vector<16xi32>
      %shift_right_arithmetic3A = arith.constant 20 : i32
      %shift_right_arithmetic3A_419 = vector.broadcast %shift_right_arithmetic3A : i32 to vector<16xi32>
      %shift_right_arithmetic3A_420 = arith.shrsi %mul3A_418, %shift_right_arithmetic3A_419 : vector<16xi32>
      %ge3A = arith.constant 1 : i32
      %ge3A_421 = vector.broadcast %ge3A : i32 to vector<16xi32>
      %ge3A_422 = arith.cmpi sge, %sub3A_387, %ge3A_421 : vector<16xi32>
      %mul3A_423 = arith.muli %shift_right_arithmetic3A_420, %select_n3A_414 : vector<16xi32>
      %add3A_424 = arith.addi %add3A_415, %mul3A_423 : vector<16xi32>
      tpu.vector_store_idx %arg19[%add3A_424], %broadcast_in_dim3A_3 masked %ge3A_422 : memref<12544xf32, #tpu.memory_space<vmem>>[vector<16xi32>], vector<16xf32>, vector<16xi1>
      %add3A_425 = arith.addi %add3A_415, %select_n3A_406 : vector<16xi32>
      %mul3A_426 = arith.constant 2 : i32
      %mul3A_427 = vector.broadcast %mul3A_426 : i32 to vector<16xi32>
      %mul3A_428 = arith.muli %mul3A_392, %mul3A_427 : vector<16xi32>
      %shift_right_arithmetic3A_429 = arith.constant 20 : i32
      %shift_right_arithmetic3A_430 = vector.broadcast %shift_right_arithmetic3A_429 : i32 to vector<16xi32>
      %shift_right_arithmetic3A_431 = arith.shrsi %mul3A_428, %shift_right_arithmetic3A_430 : vector<16xi32>
      %ge3A_432 = arith.constant 2 : i32
      %ge3A_433 = vector.broadcast %ge3A_432 : i32 to vector<16xi32>
      %ge3A_434 = arith.cmpi sge, %sub3A_387, %ge3A_433 : vector<16xi32>
      %mul3A_435 = arith.muli %shift_right_arithmetic3A_431, %select_n3A_414 : vector<16xi32>
      %add3A_436 = arith.addi %add3A_425, %mul3A_435 : vector<16xi32>
      tpu.vector_store_idx %arg19[%add3A_436], %broadcast_in_dim3A_3 masked %ge3A_434 : memref<12544xf32, #tpu.memory_space<vmem>>[vector<16xi32>], vector<16xf32>, vector<16xi1>
      %add3A_437 = arith.addi %add3A_425, %select_n3A_406 : vector<16xi32>
      %mul3A_438 = arith.constant 3 : i32
      %mul3A_439 = vector.broadcast %mul3A_438 : i32 to vector<16xi32>
      %mul3A_440 = arith.muli %mul3A_392, %mul3A_439 : vector<16xi32>
      %shift_right_arithmetic3A_441 = arith.constant 20 : i32
      %shift_right_arithmetic3A_442 = vector.broadcast %shift_right_arithmetic3A_441 : i32 to vector<16xi32>
      %shift_right_arithmetic3A_443 = arith.shrsi %mul3A_440, %shift_right_arithmetic3A_442 : vector<16xi32>
      %ge3A_444 = arith.constant 3 : i32
      %ge3A_445 = vector.broadcast %ge3A_444 : i32 to vector<16xi32>
      %ge3A_446 = arith.cmpi sge, %sub3A_387, %ge3A_445 : vector<16xi32>
      %mul3A_447 = arith.muli %shift_right_arithmetic3A_443, %select_n3A_414 : vector<16xi32>
      %add3A_448 = arith.addi %add3A_437, %mul3A_447 : vector<16xi32>
      tpu.vector_store_idx %arg19[%add3A_448], %broadcast_in_dim3A_3 masked %ge3A_446 : memref<12544xf32, #tpu.memory_space<vmem>>[vector<16xi32>], vector<16xf32>, vector<16xi1>
      %add3A_449 = arith.addi %add3A_437, %select_n3A_406 : vector<16xi32>
      %mul3A_450 = arith.constant 4 : i32
      %mul3A_451 = vector.broadcast %mul3A_450 : i32 to vector<16xi32>
      %mul3A_452 = arith.muli %mul3A_392, %mul3A_451 : vector<16xi32>
      %shift_right_arithmetic3A_453 = arith.constant 20 : i32
      %shift_right_arithmetic3A_454 = vector.broadcast %shift_right_arithmetic3A_453 : i32 to vector<16xi32>
      %shift_right_arithmetic3A_455 = arith.shrsi %mul3A_452, %shift_right_arithmetic3A_454 : vector<16xi32>
      %ge3A_456 = arith.constant 4 : i32
      %ge3A_457 = vector.broadcast %ge3A_456 : i32 to vector<16xi32>
      %ge3A_458 = arith.cmpi sge, %sub3A_387, %ge3A_457 : vector<16xi32>
      %mul3A_459 = arith.muli %shift_right_arithmetic3A_455, %select_n3A_414 : vector<16xi32>
      %add3A_460 = arith.addi %add3A_449, %mul3A_459 : vector<16xi32>
      tpu.vector_store_idx %arg19[%add3A_460], %broadcast_in_dim3A_3 masked %ge3A_458 : memref<12544xf32, #tpu.memory_space<vmem>>[vector<16xi32>], vector<16xf32>, vector<16xi1>
      %add3A_461 = arith.addi %add3A_449, %select_n3A_406 : vector<16xi32>
      %mul3A_462 = arith.constant 5 : i32
      %mul3A_463 = vector.broadcast %mul3A_462 : i32 to vector<16xi32>
      %mul3A_464 = arith.muli %mul3A_392, %mul3A_463 : vector<16xi32>
      %shift_right_arithmetic3A_465 = arith.constant 20 : i32
      %shift_right_arithmetic3A_466 = vector.broadcast %shift_right_arithmetic3A_465 : i32 to vector<16xi32>
      %shift_right_arithmetic3A_467 = arith.shrsi %mul3A_464, %shift_right_arithmetic3A_466 : vector<16xi32>
      %ge3A_468 = arith.constant 5 : i32
      %ge3A_469 = vector.broadcast %ge3A_468 : i32 to vector<16xi32>
      %ge3A_470 = arith.cmpi sge, %sub3A_387, %ge3A_469 : vector<16xi32>
      %mul3A_471 = arith.muli %shift_right_arithmetic3A_467, %select_n3A_414 : vector<16xi32>
      %add3A_472 = arith.addi %add3A_461, %mul3A_471 : vector<16xi32>
      tpu.vector_store_idx %arg19[%add3A_472], %broadcast_in_dim3A_3 masked %ge3A_470 : memref<12544xf32, #tpu.memory_space<vmem>>[vector<16xi32>], vector<16xf32>, vector<16xi1>
      %add3A_473 = arith.addi %add3A_461, %select_n3A_406 : vector<16xi32>
      %mul3A_474 = arith.constant 6 : i32
      %mul3A_475 = vector.broadcast %mul3A_474 : i32 to vector<16xi32>
      %mul3A_476 = arith.muli %mul3A_392, %mul3A_475 : vector<16xi32>
      %shift_right_arithmetic3A_477 = arith.constant 20 : i32
      %shift_right_arithmetic3A_478 = vector.broadcast %shift_right_arithmetic3A_477 : i32 to vector<16xi32>
      %shift_right_arithmetic3A_479 = arith.shrsi %mul3A_476, %shift_right_arithmetic3A_478 : vector<16xi32>
      %ge3A_480 = arith.constant 6 : i32
      %ge3A_481 = vector.broadcast %ge3A_480 : i32 to vector<16xi32>
      %ge3A_482 = arith.cmpi sge, %sub3A_387, %ge3A_481 : vector<16xi32>
      %mul3A_483 = arith.muli %shift_right_arithmetic3A_479, %select_n3A_414 : vector<16xi32>
      %add3A_484 = arith.addi %add3A_473, %mul3A_483 : vector<16xi32>
      tpu.vector_store_idx %arg19[%add3A_484], %broadcast_in_dim3A_3 masked %ge3A_482 : memref<12544xf32, #tpu.memory_space<vmem>>[vector<16xi32>], vector<16xf32>, vector<16xi1>
      %add3A_485 = arith.addi %add3A_473, %select_n3A_406 : vector<16xi32>
      %mul3A_486 = arith.constant 7 : i32
      %mul3A_487 = vector.broadcast %mul3A_486 : i32 to vector<16xi32>
      %mul3A_488 = arith.muli %mul3A_392, %mul3A_487 : vector<16xi32>
      %shift_right_arithmetic3A_489 = arith.constant 20 : i32
      %shift_right_arithmetic3A_490 = vector.broadcast %shift_right_arithmetic3A_489 : i32 to vector<16xi32>
      %shift_right_arithmetic3A_491 = arith.shrsi %mul3A_488, %shift_right_arithmetic3A_490 : vector<16xi32>
      %ge3A_492 = arith.constant 7 : i32
      %ge3A_493 = vector.broadcast %ge3A_492 : i32 to vector<16xi32>
      %ge3A_494 = arith.cmpi sge, %sub3A_387, %ge3A_493 : vector<16xi32>
      %mul3A_495 = arith.muli %shift_right_arithmetic3A_491, %select_n3A_414 : vector<16xi32>
      %add3A_496 = arith.addi %add3A_485, %mul3A_495 : vector<16xi32>
      tpu.vector_store_idx %arg19[%add3A_496], %broadcast_in_dim3A_3 masked %ge3A_494 : memref<12544xf32, #tpu.memory_space<vmem>>[vector<16xi32>], vector<16xf32>, vector<16xi1>
      %add3A_497 = arith.addi %add3A_485, %select_n3A_406 : vector<16xi32>
      %mul3A_498 = arith.constant 8 : i32
      %mul3A_499 = vector.broadcast %mul3A_498 : i32 to vector<16xi32>
      %mul3A_500 = arith.muli %mul3A_392, %mul3A_499 : vector<16xi32>
      %shift_right_arithmetic3A_501 = arith.constant 20 : i32
      %shift_right_arithmetic3A_502 = vector.broadcast %shift_right_arithmetic3A_501 : i32 to vector<16xi32>
      %shift_right_arithmetic3A_503 = arith.shrsi %mul3A_500, %shift_right_arithmetic3A_502 : vector<16xi32>
      %ge3A_504 = arith.constant 8 : i32
      %ge3A_505 = vector.broadcast %ge3A_504 : i32 to vector<16xi32>
      %ge3A_506 = arith.cmpi sge, %sub3A_387, %ge3A_505 : vector<16xi32>
      %mul3A_507 = arith.muli %shift_right_arithmetic3A_503, %select_n3A_414 : vector<16xi32>
      %add3A_508 = arith.addi %add3A_497, %mul3A_507 : vector<16xi32>
      tpu.vector_store_idx %arg19[%add3A_508], %broadcast_in_dim3A_3 masked %ge3A_506 : memref<12544xf32, #tpu.memory_space<vmem>>[vector<16xi32>], vector<16xf32>, vector<16xi1>
      %add3A_509 = arith.addi %add3A_497, %select_n3A_406 : vector<16xi32>
      %mul3A_510 = arith.constant 9 : i32
      %mul3A_511 = vector.broadcast %mul3A_510 : i32 to vector<16xi32>
      %mul3A_512 = arith.muli %mul3A_392, %mul3A_511 : vector<16xi32>
      %shift_right_arithmetic3A_513 = arith.constant 20 : i32
      %shift_right_arithmetic3A_514 = vector.broadcast %shift_right_arithmetic3A_513 : i32 to vector<16xi32>
      %shift_right_arithmetic3A_515 = arith.shrsi %mul3A_512, %shift_right_arithmetic3A_514 : vector<16xi32>
      %ge3A_516 = arith.constant 9 : i32
      %ge3A_517 = vector.broadcast %ge3A_516 : i32 to vector<16xi32>
      %ge3A_518 = arith.cmpi sge, %sub3A_387, %ge3A_517 : vector<16xi32>
      %mul3A_519 = arith.muli %shift_right_arithmetic3A_515, %select_n3A_414 : vector<16xi32>
      %add3A_520 = arith.addi %add3A_509, %mul3A_519 : vector<16xi32>
      tpu.vector_store_idx %arg19[%add3A_520], %broadcast_in_dim3A_3 masked %ge3A_518 : memref<12544xf32, #tpu.memory_space<vmem>>[vector<16xi32>], vector<16xf32>, vector<16xi1>
      %add3A_521 = arith.addi %add3A_509, %select_n3A_406 : vector<16xi32>
      %mul3A_522 = arith.constant 10 : i32
      %mul3A_523 = vector.broadcast %mul3A_522 : i32 to vector<16xi32>
      %mul3A_524 = arith.muli %mul3A_392, %mul3A_523 : vector<16xi32>
      %shift_right_arithmetic3A_525 = arith.constant 20 : i32
      %shift_right_arithmetic3A_526 = vector.broadcast %shift_right_arithmetic3A_525 : i32 to vector<16xi32>
      %shift_right_arithmetic3A_527 = arith.shrsi %mul3A_524, %shift_right_arithmetic3A_526 : vector<16xi32>
      %ge3A_528 = arith.constant 10 : i32
      %ge3A_529 = vector.broadcast %ge3A_528 : i32 to vector<16xi32>
      %ge3A_530 = arith.cmpi sge, %sub3A_387, %ge3A_529 : vector<16xi32>
      %mul3A_531 = arith.muli %shift_right_arithmetic3A_527, %select_n3A_414 : vector<16xi32>
      %add3A_532 = arith.addi %add3A_521, %mul3A_531 : vector<16xi32>
      tpu.vector_store_idx %arg19[%add3A_532], %broadcast_in_dim3A_3 masked %ge3A_530 : memref<12544xf32, #tpu.memory_space<vmem>>[vector<16xi32>], vector<16xf32>, vector<16xi1>
      %add3A_533 = arith.addi %add3A_521, %select_n3A_406 : vector<16xi32>
      %mul3A_534 = arith.constant 11 : i32
      %mul3A_535 = vector.broadcast %mul3A_534 : i32 to vector<16xi32>
      %mul3A_536 = arith.muli %mul3A_392, %mul3A_535 : vector<16xi32>
      %shift_right_arithmetic3A_537 = arith.constant 20 : i32
      %shift_right_arithmetic3A_538 = vector.broadcast %shift_right_arithmetic3A_537 : i32 to vector<16xi32>
      %shift_right_arithmetic3A_539 = arith.shrsi %mul3A_536, %shift_right_arithmetic3A_538 : vector<16xi32>
      %ge3A_540 = arith.constant 11 : i32
      %ge3A_541 = vector.broadcast %ge3A_540 : i32 to vector<16xi32>
      %ge3A_542 = arith.cmpi sge, %sub3A_387, %ge3A_541 : vector<16xi32>
      %mul3A_543 = arith.muli %shift_right_arithmetic3A_539, %select_n3A_414 : vector<16xi32>
      %add3A_544 = arith.addi %add3A_533, %mul3A_543 : vector<16xi32>
      tpu.vector_store_idx %arg19[%add3A_544], %broadcast_in_dim3A_3 masked %ge3A_542 : memref<12544xf32, #tpu.memory_space<vmem>>[vector<16xi32>], vector<16xf32>, vector<16xi1>
      %add3A_545 = arith.addi %add3A_533, %select_n3A_406 : vector<16xi32>
      %mul3A_546 = arith.constant 12 : i32
      %mul3A_547 = vector.broadcast %mul3A_546 : i32 to vector<16xi32>
      %mul3A_548 = arith.muli %mul3A_392, %mul3A_547 : vector<16xi32>
      %shift_right_arithmetic3A_549 = arith.constant 20 : i32
      %shift_right_arithmetic3A_550 = vector.broadcast %shift_right_arithmetic3A_549 : i32 to vector<16xi32>
      %shift_right_arithmetic3A_551 = arith.shrsi %mul3A_548, %shift_right_arithmetic3A_550 : vector<16xi32>
      %ge3A_552 = arith.constant 12 : i32
      %ge3A_553 = vector.broadcast %ge3A_552 : i32 to vector<16xi32>
      %ge3A_554 = arith.cmpi sge, %sub3A_387, %ge3A_553 : vector<16xi32>
      %mul3A_555 = arith.muli %shift_right_arithmetic3A_551, %select_n3A_414 : vector<16xi32>
      %add3A_556 = arith.addi %add3A_545, %mul3A_555 : vector<16xi32>
      tpu.vector_store_idx %arg19[%add3A_556], %broadcast_in_dim3A_3 masked %ge3A_554 : memref<12544xf32, #tpu.memory_space<vmem>>[vector<16xi32>], vector<16xf32>, vector<16xi1>
      %add3A_557 = arith.addi %add3A_545, %select_n3A_406 : vector<16xi32>
      %mul3A_558 = arith.constant 13 : i32
      %mul3A_559 = vector.broadcast %mul3A_558 : i32 to vector<16xi32>
      %mul3A_560 = arith.muli %mul3A_392, %mul3A_559 : vector<16xi32>
      %shift_right_arithmetic3A_561 = arith.constant 20 : i32
      %shift_right_arithmetic3A_562 = vector.broadcast %shift_right_arithmetic3A_561 : i32 to vector<16xi32>
      %shift_right_arithmetic3A_563 = arith.shrsi %mul3A_560, %shift_right_arithmetic3A_562 : vector<16xi32>
      %ge3A_564 = arith.constant 13 : i32
      %ge3A_565 = vector.broadcast %ge3A_564 : i32 to vector<16xi32>
      %ge3A_566 = arith.cmpi sge, %sub3A_387, %ge3A_565 : vector<16xi32>
      %mul3A_567 = arith.muli %shift_right_arithmetic3A_563, %select_n3A_414 : vector<16xi32>
      %add3A_568 = arith.addi %add3A_557, %mul3A_567 : vector<16xi32>
      tpu.vector_store_idx %arg19[%add3A_568], %broadcast_in_dim3A_3 masked %ge3A_566 : memref<12544xf32, #tpu.memory_space<vmem>>[vector<16xi32>], vector<16xf32>, vector<16xi1>
      %add3A_569 = arith.addi %add3A_557, %select_n3A_406 : vector<16xi32>
      %mul3A_570 = arith.constant 14 : i32
      %mul3A_571 = vector.broadcast %mul3A_570 : i32 to vector<16xi32>
      %mul3A_572 = arith.muli %mul3A_392, %mul3A_571 : vector<16xi32>
      %shift_right_arithmetic3A_573 = arith.constant 20 : i32
      %shift_right_arithmetic3A_574 = vector.broadcast %shift_right_arithmetic3A_573 : i32 to vector<16xi32>
      %shift_right_arithmetic3A_575 = arith.shrsi %mul3A_572, %shift_right_arithmetic3A_574 : vector<16xi32>
      %ge3A_576 = arith.constant 14 : i32
      %ge3A_577 = vector.broadcast %ge3A_576 : i32 to vector<16xi32>
      %ge3A_578 = arith.cmpi sge, %sub3A_387, %ge3A_577 : vector<16xi32>
      %mul3A_579 = arith.muli %shift_right_arithmetic3A_575, %select_n3A_414 : vector<16xi32>
      %add3A_580 = arith.addi %add3A_569, %mul3A_579 : vector<16xi32>
      tpu.vector_store_idx %arg19[%add3A_580], %broadcast_in_dim3A_3 masked %ge3A_578 : memref<12544xf32, #tpu.memory_space<vmem>>[vector<16xi32>], vector<16xf32>, vector<16xi1>
      %add3A_581 = arith.addi %add3A_569, %select_n3A_406 : vector<16xi32>
      %mul3A_582 = arith.constant 15 : i32
      %mul3A_583 = vector.broadcast %mul3A_582 : i32 to vector<16xi32>
      %mul3A_584 = arith.muli %mul3A_392, %mul3A_583 : vector<16xi32>
      %shift_right_arithmetic3A_585 = arith.constant 20 : i32
      %shift_right_arithmetic3A_586 = vector.broadcast %shift_right_arithmetic3A_585 : i32 to vector<16xi32>
      %shift_right_arithmetic3A_587 = arith.shrsi %mul3A_584, %shift_right_arithmetic3A_586 : vector<16xi32>
      %ge3A_588 = arith.constant 15 : i32
      %ge3A_589 = vector.broadcast %ge3A_588 : i32 to vector<16xi32>
      %ge3A_590 = arith.cmpi sge, %sub3A_387, %ge3A_589 : vector<16xi32>
      %mul3A_591 = arith.muli %shift_right_arithmetic3A_587, %select_n3A_414 : vector<16xi32>
      %add3A_592 = arith.addi %add3A_581, %mul3A_591 : vector<16xi32>
      tpu.vector_store_idx %arg19[%add3A_592], %broadcast_in_dim3A_3 masked %ge3A_590 : memref<12544xf32, #tpu.memory_space<vmem>>[vector<16xi32>], vector<16xf32>, vector<16xi1>
      %add3A_593 = arith.addi %add3A_581, %select_n3A_406 : vector<16xi32>
      %mul3A_594 = arith.constant 16 : i32
      %mul3A_595 = vector.broadcast %mul3A_594 : i32 to vector<16xi32>
      %mul3A_596 = arith.muli %mul3A_392, %mul3A_595 : vector<16xi32>
      %shift_right_arithmetic3A_597 = arith.constant 20 : i32
      %shift_right_arithmetic3A_598 = vector.broadcast %shift_right_arithmetic3A_597 : i32 to vector<16xi32>
      %shift_right_arithmetic3A_599 = arith.shrsi %mul3A_596, %shift_right_arithmetic3A_598 : vector<16xi32>
      %ge3A_600 = arith.constant 16 : i32
      %ge3A_601 = vector.broadcast %ge3A_600 : i32 to vector<16xi32>
      %ge3A_602 = arith.cmpi sge, %sub3A_387, %ge3A_601 : vector<16xi32>
      %mul3A_603 = arith.muli %shift_right_arithmetic3A_599, %select_n3A_414 : vector<16xi32>
      %add3A_604 = arith.addi %add3A_593, %mul3A_603 : vector<16xi32>
      tpu.vector_store_idx %arg19[%add3A_604], %broadcast_in_dim3A_3 masked %ge3A_602 : memref<12544xf32, #tpu.memory_space<vmem>>[vector<16xi32>], vector<16xf32>, vector<16xi1>
      %add3A_605 = arith.addi %add3A_593, %select_n3A_406 : vector<16xi32>
      %mul3A_606 = arith.constant 17 : i32
      %mul3A_607 = vector.broadcast %mul3A_606 : i32 to vector<16xi32>
      %mul3A_608 = arith.muli %mul3A_392, %mul3A_607 : vector<16xi32>
      %shift_right_arithmetic3A_609 = arith.constant 20 : i32
      %shift_right_arithmetic3A_610 = vector.broadcast %shift_right_arithmetic3A_609 : i32 to vector<16xi32>
      %shift_right_arithmetic3A_611 = arith.shrsi %mul3A_608, %shift_right_arithmetic3A_610 : vector<16xi32>
      %ge3A_612 = arith.constant 17 : i32
      %ge3A_613 = vector.broadcast %ge3A_612 : i32 to vector<16xi32>
      %ge3A_614 = arith.cmpi sge, %sub3A_387, %ge3A_613 : vector<16xi32>
      %mul3A_615 = arith.muli %shift_right_arithmetic3A_611, %select_n3A_414 : vector<16xi32>
      %add3A_616 = arith.addi %add3A_605, %mul3A_615 : vector<16xi32>
      tpu.vector_store_idx %arg19[%add3A_616], %broadcast_in_dim3A_3 masked %ge3A_614 : memref<12544xf32, #tpu.memory_space<vmem>>[vector<16xi32>], vector<16xf32>, vector<16xi1>
      %add3A_617 = arith.addi %add3A_605, %select_n3A_406 : vector<16xi32>
      %mul3A_618 = arith.constant 18 : i32
      %mul3A_619 = vector.broadcast %mul3A_618 : i32 to vector<16xi32>
      %mul3A_620 = arith.muli %mul3A_392, %mul3A_619 : vector<16xi32>
      %shift_right_arithmetic3A_621 = arith.constant 20 : i32
      %shift_right_arithmetic3A_622 = vector.broadcast %shift_right_arithmetic3A_621 : i32 to vector<16xi32>
      %shift_right_arithmetic3A_623 = arith.shrsi %mul3A_620, %shift_right_arithmetic3A_622 : vector<16xi32>
      %ge3A_624 = arith.constant 18 : i32
      %ge3A_625 = vector.broadcast %ge3A_624 : i32 to vector<16xi32>
      %ge3A_626 = arith.cmpi sge, %sub3A_387, %ge3A_625 : vector<16xi32>
      %mul3A_627 = arith.muli %shift_right_arithmetic3A_623, %select_n3A_414 : vector<16xi32>
      %add3A_628 = arith.addi %add3A_617, %mul3A_627 : vector<16xi32>
      tpu.vector_store_idx %arg19[%add3A_628], %broadcast_in_dim3A_3 masked %ge3A_626 : memref<12544xf32, #tpu.memory_space<vmem>>[vector<16xi32>], vector<16xf32>, vector<16xi1>
      %add3A_629 = arith.addi %add3A_617, %select_n3A_406 : vector<16xi32>
      %mul3A_630 = arith.constant 19 : i32
      %mul3A_631 = vector.broadcast %mul3A_630 : i32 to vector<16xi32>
      %mul3A_632 = arith.muli %mul3A_392, %mul3A_631 : vector<16xi32>
      %shift_right_arithmetic3A_633 = arith.constant 20 : i32
      %shift_right_arithmetic3A_634 = vector.broadcast %shift_right_arithmetic3A_633 : i32 to vector<16xi32>
      %shift_right_arithmetic3A_635 = arith.shrsi %mul3A_632, %shift_right_arithmetic3A_634 : vector<16xi32>
      %ge3A_636 = arith.constant 19 : i32
      %ge3A_637 = vector.broadcast %ge3A_636 : i32 to vector<16xi32>
      %ge3A_638 = arith.cmpi sge, %sub3A_387, %ge3A_637 : vector<16xi32>
      %mul3A_639 = arith.muli %shift_right_arithmetic3A_635, %select_n3A_414 : vector<16xi32>
      %add3A_640 = arith.addi %add3A_629, %mul3A_639 : vector<16xi32>
      tpu.vector_store_idx %arg19[%add3A_640], %broadcast_in_dim3A_3 masked %ge3A_638 : memref<12544xf32, #tpu.memory_space<vmem>>[vector<16xi32>], vector<16xf32>, vector<16xi1>
      %add3A_641 = arith.addi %add3A_629, %select_n3A_406 : vector<16xi32>
      %mul3A_642 = arith.constant 20 : i32
      %mul3A_643 = vector.broadcast %mul3A_642 : i32 to vector<16xi32>
      %mul3A_644 = arith.muli %mul3A_392, %mul3A_643 : vector<16xi32>
      %shift_right_arithmetic3A_645 = arith.constant 20 : i32
      %shift_right_arithmetic3A_646 = vector.broadcast %shift_right_arithmetic3A_645 : i32 to vector<16xi32>
      %shift_right_arithmetic3A_647 = arith.shrsi %mul3A_644, %shift_right_arithmetic3A_646 : vector<16xi32>
      %ge3A_648 = arith.constant 20 : i32
      %ge3A_649 = vector.broadcast %ge3A_648 : i32 to vector<16xi32>
      %ge3A_650 = arith.cmpi sge, %sub3A_387, %ge3A_649 : vector<16xi32>
      %mul3A_651 = arith.muli %shift_right_arithmetic3A_647, %select_n3A_414 : vector<16xi32>
      %add3A_652 = arith.addi %add3A_641, %mul3A_651 : vector<16xi32>
      tpu.vector_store_idx %arg19[%add3A_652], %broadcast_in_dim3A_3 masked %ge3A_650 : memref<12544xf32, #tpu.memory_space<vmem>>[vector<16xi32>], vector<16xf32>, vector<16xi1>
      %add3A_653 = arith.addi %add3A_641, %select_n3A_406 : vector<16xi32>
      %mul3A_654 = arith.constant 21 : i32
      %mul3A_655 = vector.broadcast %mul3A_654 : i32 to vector<16xi32>
      %mul3A_656 = arith.muli %mul3A_392, %mul3A_655 : vector<16xi32>
      %shift_right_arithmetic3A_657 = arith.constant 20 : i32
      %shift_right_arithmetic3A_658 = vector.broadcast %shift_right_arithmetic3A_657 : i32 to vector<16xi32>
      %shift_right_arithmetic3A_659 = arith.shrsi %mul3A_656, %shift_right_arithmetic3A_658 : vector<16xi32>
      %ge3A_660 = arith.constant 21 : i32
      %ge3A_661 = vector.broadcast %ge3A_660 : i32 to vector<16xi32>
      %ge3A_662 = arith.cmpi sge, %sub3A_387, %ge3A_661 : vector<16xi32>
      %mul3A_663 = arith.muli %shift_right_arithmetic3A_659, %select_n3A_414 : vector<16xi32>
      %add3A_664 = arith.addi %add3A_653, %mul3A_663 : vector<16xi32>
      tpu.vector_store_idx %arg19[%add3A_664], %broadcast_in_dim3A_3 masked %ge3A_662 : memref<12544xf32, #tpu.memory_space<vmem>>[vector<16xi32>], vector<16xf32>, vector<16xi1>
      %add3A_665 = arith.addi %add3A_653, %select_n3A_406 : vector<16xi32>
      %mul3A_666 = arith.constant 22 : i32
      %mul3A_667 = vector.broadcast %mul3A_666 : i32 to vector<16xi32>
      %mul3A_668 = arith.muli %mul3A_392, %mul3A_667 : vector<16xi32>
      %shift_right_arithmetic3A_669 = arith.constant 20 : i32
      %shift_right_arithmetic3A_670 = vector.broadcast %shift_right_arithmetic3A_669 : i32 to vector<16xi32>
      %shift_right_arithmetic3A_671 = arith.shrsi %mul3A_668, %shift_right_arithmetic3A_670 : vector<16xi32>
      %ge3A_672 = arith.constant 22 : i32
      %ge3A_673 = vector.broadcast %ge3A_672 : i32 to vector<16xi32>
      %ge3A_674 = arith.cmpi sge, %sub3A_387, %ge3A_673 : vector<16xi32>
      %mul3A_675 = arith.muli %shift_right_arithmetic3A_671, %select_n3A_414 : vector<16xi32>
      %add3A_676 = arith.addi %add3A_665, %mul3A_675 : vector<16xi32>
      tpu.vector_store_idx %arg19[%add3A_676], %broadcast_in_dim3A_3 masked %ge3A_674 : memref<12544xf32, #tpu.memory_space<vmem>>[vector<16xi32>], vector<16xf32>, vector<16xi1>
      %add3A_677 = arith.addi %add3A_665, %select_n3A_406 : vector<16xi32>
      %mul3A_678 = arith.constant 23 : i32
      %mul3A_679 = vector.broadcast %mul3A_678 : i32 to vector<16xi32>
      %mul3A_680 = arith.muli %mul3A_392, %mul3A_679 : vector<16xi32>
      %shift_right_arithmetic3A_681 = arith.constant 20 : i32
      %shift_right_arithmetic3A_682 = vector.broadcast %shift_right_arithmetic3A_681 : i32 to vector<16xi32>
      %shift_right_arithmetic3A_683 = arith.shrsi %mul3A_680, %shift_right_arithmetic3A_682 : vector<16xi32>
      %ge3A_684 = arith.constant 23 : i32
      %ge3A_685 = vector.broadcast %ge3A_684 : i32 to vector<16xi32>
      %ge3A_686 = arith.cmpi sge, %sub3A_387, %ge3A_685 : vector<16xi32>
      %mul3A_687 = arith.muli %shift_right_arithmetic3A_683, %select_n3A_414 : vector<16xi32>
      %add3A_688 = arith.addi %add3A_677, %mul3A_687 : vector<16xi32>
      tpu.vector_store_idx %arg19[%add3A_688], %broadcast_in_dim3A_3 masked %ge3A_686 : memref<12544xf32, #tpu.memory_space<vmem>>[vector<16xi32>], vector<16xf32>, vector<16xi1>
      %add3A_689 = arith.addi %add3A_677, %select_n3A_406 : vector<16xi32>
      %mul3A_690 = arith.constant 24 : i32
      %mul3A_691 = vector.broadcast %mul3A_690 : i32 to vector<16xi32>
      %mul3A_692 = arith.muli %mul3A_392, %mul3A_691 : vector<16xi32>
      %shift_right_arithmetic3A_693 = arith.constant 20 : i32
      %shift_right_arithmetic3A_694 = vector.broadcast %shift_right_arithmetic3A_693 : i32 to vector<16xi32>
      %shift_right_arithmetic3A_695 = arith.shrsi %mul3A_692, %shift_right_arithmetic3A_694 : vector<16xi32>
      %ge3A_696 = arith.constant 24 : i32
      %ge3A_697 = vector.broadcast %ge3A_696 : i32 to vector<16xi32>
      %ge3A_698 = arith.cmpi sge, %sub3A_387, %ge3A_697 : vector<16xi32>
      %mul3A_699 = arith.muli %shift_right_arithmetic3A_695, %select_n3A_414 : vector<16xi32>
      %add3A_700 = arith.addi %add3A_689, %mul3A_699 : vector<16xi32>
      tpu.vector_store_idx %arg19[%add3A_700], %broadcast_in_dim3A_3 masked %ge3A_698 : memref<12544xf32, #tpu.memory_space<vmem>>[vector<16xi32>], vector<16xf32>, vector<16xi1>
      %add3A_701 = arith.addi %add3A_689, %select_n3A_406 : vector<16xi32>
      %mul3A_702 = arith.constant 25 : i32
      %mul3A_703 = vector.broadcast %mul3A_702 : i32 to vector<16xi32>
      %mul3A_704 = arith.muli %mul3A_392, %mul3A_703 : vector<16xi32>
      %shift_right_arithmetic3A_705 = arith.constant 20 : i32
      %shift_right_arithmetic3A_706 = vector.broadcast %shift_right_arithmetic3A_705 : i32 to vector<16xi32>
      %shift_right_arithmetic3A_707 = arith.shrsi %mul3A_704, %shift_right_arithmetic3A_706 : vector<16xi32>
      %ge3A_708 = arith.constant 25 : i32
      %ge3A_709 = vector.broadcast %ge3A_708 : i32 to vector<16xi32>
      %ge3A_710 = arith.cmpi sge, %sub3A_387, %ge3A_709 : vector<16xi32>
      %mul3A_711 = arith.muli %shift_right_arithmetic3A_707, %select_n3A_414 : vector<16xi32>
      %add3A_712 = arith.addi %add3A_701, %mul3A_711 : vector<16xi32>
      tpu.vector_store_idx %arg19[%add3A_712], %broadcast_in_dim3A_3 masked %ge3A_710 : memref<12544xf32, #tpu.memory_space<vmem>>[vector<16xi32>], vector<16xf32>, vector<16xi1>
      %add3A_713 = arith.addi %add3A_701, %select_n3A_406 : vector<16xi32>
      %mul3A_714 = arith.constant 26 : i32
      %mul3A_715 = vector.broadcast %mul3A_714 : i32 to vector<16xi32>
      %mul3A_716 = arith.muli %mul3A_392, %mul3A_715 : vector<16xi32>
      %shift_right_arithmetic3A_717 = arith.constant 20 : i32
      %shift_right_arithmetic3A_718 = vector.broadcast %shift_right_arithmetic3A_717 : i32 to vector<16xi32>
      %shift_right_arithmetic3A_719 = arith.shrsi %mul3A_716, %shift_right_arithmetic3A_718 : vector<16xi32>
      %ge3A_720 = arith.constant 26 : i32
      %ge3A_721 = vector.broadcast %ge3A_720 : i32 to vector<16xi32>
      %ge3A_722 = arith.cmpi sge, %sub3A_387, %ge3A_721 : vector<16xi32>
      %mul3A_723 = arith.muli %shift_right_arithmetic3A_719, %select_n3A_414 : vector<16xi32>
      %add3A_724 = arith.addi %add3A_713, %mul3A_723 : vector<16xi32>
      tpu.vector_store_idx %arg19[%add3A_724], %broadcast_in_dim3A_3 masked %ge3A_722 : memref<12544xf32, #tpu.memory_space<vmem>>[vector<16xi32>], vector<16xf32>, vector<16xi1>
      %add3A_725 = arith.addi %add3A_713, %select_n3A_406 : vector<16xi32>
      %mul3A_726 = arith.constant 27 : i32
      %mul3A_727 = vector.broadcast %mul3A_726 : i32 to vector<16xi32>
      %mul3A_728 = arith.muli %mul3A_392, %mul3A_727 : vector<16xi32>
      %shift_right_arithmetic3A_729 = arith.constant 20 : i32
      %shift_right_arithmetic3A_730 = vector.broadcast %shift_right_arithmetic3A_729 : i32 to vector<16xi32>
      %shift_right_arithmetic3A_731 = arith.shrsi %mul3A_728, %shift_right_arithmetic3A_730 : vector<16xi32>
      %ge3A_732 = arith.constant 27 : i32
      %ge3A_733 = vector.broadcast %ge3A_732 : i32 to vector<16xi32>
      %ge3A_734 = arith.cmpi sge, %sub3A_387, %ge3A_733 : vector<16xi32>
      %mul3A_735 = arith.muli %shift_right_arithmetic3A_731, %select_n3A_414 : vector<16xi32>
      %add3A_736 = arith.addi %add3A_725, %mul3A_735 : vector<16xi32>
      tpu.vector_store_idx %arg19[%add3A_736], %broadcast_in_dim3A_3 masked %ge3A_734 : memref<12544xf32, #tpu.memory_space<vmem>>[vector<16xi32>], vector<16xf32>, vector<16xi1>
      %scan3A_737 = arith.constant 0 : i32
      scf.yield %scan3A_737 : i32
    }
    %scan3A_327 = arith.constant 127 : i32
    %scan3A_328 = arith.constant 0 : i32
    %scan3A_329 = arith.constant 196 : i32
    %scan3A_330 = arith.addi %scan3A_328, %scan3A_329 : i32
    %scan3A_331 = arith.constant 1 : i32
    %scan3A_332:3 = scf.for %scan3A_347 = %scan3A_328 to %scan3A_330 step %scan3A_331 iter_args(%scan3A_348 = %scan3A_283#0, %scan3A_349 = %scan3A_283#1, %scan3A_350 = %scan3A_283#2) -> (vector<16xf32>, vector<16xf32>, vector<16xf32>)  : i32 {
      %mul3A_351 = arith.constant 64 : i32
      %mul3A_352 = arith.muli %scan3A_347, %mul3A_351 : i32
      %add3A_353 = arith.constant 0 : i32
      %add3A_354 = arith.addi %mul3A_352, %add3A_353 : i32
      %get3A = arith.index_cast %add3A_354 : i32 to index
      %get3A_355 = tpu.vector_load %arg19[%get3A] {strides = array<i32>} : memref<12544xf32, #tpu.memory_space<vmem>>, vector<16xf32>,
      %swap3A_356 = arith.index_cast %add3A_354 : i32 to index
      %swap3A_357 = tpu.vector_load %arg19[%swap3A_356] {strides = array<i32>} : memref<12544xf32, #tpu.memory_space<vmem>>, vector<16xf32>,
      tpu.vector_store %arg19[%swap3A_356], %broadcast_in_dim3A_1 {strides = array<i32>} : memref<12544xf32, #tpu.memory_space<vmem>>, vector<16xf32>,
      %get3A_358 = arith.index_cast %add3A_354 : i32 to index
      %get3A_359 = tpu.vector_load %arg18[%get3A_358] {strides = array<i32>} : memref<12544xf32, #tpu.memory_space<vmem>>, vector<16xf32>,
      %add3A_360 = arith.addf %scan3A_348, %get3A_355 : vector<16xf32>
      %mul3A_361 = arith.mulf %get3A_355, %get3A_359 : vector<16xf32>
      %add3A_362 = arith.addf %scan3A_349, %mul3A_361 : vector<16xf32>
      %add3A_363 = arith.addf %scan3A_350, %get3A_359 : vector<16xf32>
      %mul3A_364 = arith.constant 64 : i32
      %mul3A_365 = arith.muli %scan3A_347, %mul3A_364 : i32
      %add3A_366 = arith.constant 16 : i32
      %add3A_367 = arith.addi %mul3A_365, %add3A_366 : i32
      %get3A_368 = arith.index_cast %add3A_367 : i32 to index
      %get3A_369 = tpu.vector_load %arg19[%get3A_368] {strides = array<i32>} : memref<12544xf32, #tpu.memory_space<vmem>>, vector<16xf32>,
      %swap3A_370 = arith.index_cast %add3A_367 : i32 to index
      %swap3A_371 = tpu.vector_load %arg19[%swap3A_370] {strides = array<i32>} : memref<12544xf32, #tpu.memory_space<vmem>>, vector<16xf32>,
      tpu.vector_store %arg19[%swap3A_370], %broadcast_in_dim3A_1 {strides = array<i32>} : memref<12544xf32, #tpu.memory_space<vmem>>, vector<16xf32>,
      %get3A_372 = arith.index_cast %add3A_367 : i32 to index
      %get3A_373 = tpu.vector_load %arg18[%get3A_372] {strides = array<i32>} : memref<12544xf32, #tpu.memory_space<vmem>>, vector<16xf32>,
      %add3A_374 = arith.addf %add3A_360, %get3A_369 : vector<16xf32>
      %mul3A_375 = arith.mulf %get3A_369, %get3A_373 : vector<16xf32>
      %add3A_376 = arith.addf %add3A_362, %mul3A_375 : vector<16xf32>
      %add3A_377 = arith.addf %add3A_363, %get3A_373 : vector<16xf32>
      %mul3A_378 = arith.constant 64 : i32
      %mul3A_379 = arith.muli %scan3A_347, %mul3A_378 : i32
      %add3A_380 = arith.constant 32 : i32
      %add3A_381 = arith.addi %mul3A_379, %add3A_380 : i32
      %get3A_382 = arith.index_cast %add3A_381 : i32 to index
      %get3A_383 = tpu.vector_load %arg19[%get3A_382] {strides = array<i32>} : memref<12544xf32, #tpu.memory_space<vmem>>, vector<16xf32>,
      %swap3A_384 = arith.index_cast %add3A_381 : i32 to index
      %swap3A_385 = tpu.vector_load %arg19[%swap3A_384] {strides = array<i32>} : memref<12544xf32, #tpu.memory_space<vmem>>, vector<16xf32>,
      tpu.vector_store %arg19[%swap3A_384], %broadcast_in_dim3A_1 {strides = array<i32>} : memref<12544xf32, #tpu.memory_space<vmem>>, vector<16xf32>,
      %get3A_386 = arith.index_cast %add3A_381 : i32 to index
      %get3A_387 = tpu.vector_load %arg18[%get3A_386] {strides = array<i32>} : memref<12544xf32, #tpu.memory_space<vmem>>, vector<16xf32>,
      %add3A_388 = arith.addf %add3A_374, %get3A_383 : vector<16xf32>
      %mul3A_389 = arith.mulf %get3A_383, %get3A_387 : vector<16xf32>
      %add3A_390 = arith.addf %add3A_376, %mul3A_389 : vector<16xf32>
      %add3A_391 = arith.addf %add3A_377, %get3A_387 : vector<16xf32>
      %mul3A_392 = arith.constant 64 : i32
      %mul3A_393 = arith.muli %scan3A_347, %mul3A_392 : i32
      %add3A_394 = arith.constant 48 : i32
      %add3A_395 = arith.addi %mul3A_393, %add3A_394 : i32
      %get3A_396 = arith.index_cast %add3A_395 : i32 to index
      %get3A_397 = tpu.vector_load %arg19[%get3A_396] {strides = array<i32>} : memref<12544xf32, #tpu.memory_space<vmem>>, vector<16xf32>,
      %swap3A_398 = arith.index_cast %add3A_395 : i32 to index
      %swap3A_399 = tpu.vector_load %arg19[%swap3A_398] {strides = array<i32>} : memref<12544xf32, #tpu.memory_space<vmem>>, vector<16xf32>,
      tpu.vector_store %arg19[%swap3A_398], %broadcast_in_dim3A_1 {strides = array<i32>} : memref<12544xf32, #tpu.memory_space<vmem>>, vector<16xf32>,
      %get3A_400 = arith.index_cast %add3A_395 : i32 to index
      %get3A_401 = tpu.vector_load %arg18[%get3A_400] {strides = array<i32>} : memref<12544xf32, #tpu.memory_space<vmem>>, vector<16xf32>,
      %add3A_402 = arith.addf %add3A_388, %get3A_397 : vector<16xf32>
      %mul3A_403 = arith.mulf %get3A_397, %get3A_401 : vector<16xf32>
      %add3A_404 = arith.addf %add3A_390, %mul3A_403 : vector<16xf32>
      %add3A_405 = arith.addf %add3A_391, %get3A_401 : vector<16xf32>
      scf.yield %add3A_402, %add3A_404, %add3A_405 : vector<16xf32>, vector<16xf32>, vector<16xf32>
    }
    %scan3A_333 = arith.constant 196 : i32
    %scan3A_334 = arith.constant 0 : i32
    %scan3A_335 = arith.constant 64 : i32
    %scan3A_336 = arith.addi %scan3A_334, %scan3A_335 : i32
    %scan3A_337 = arith.constant 1 : i32
    %scan3A_338 = scf.for %scan3A_347 = %scan3A_334 to %scan3A_336 step %scan3A_337 iter_args(%scan3A_348 = %scan3A_289) -> (vector<16xf32>)  : i32 {
      %mul3A_349 = arith.constant 2 : i32
      %mul3A_350 = arith.muli %scan3A_347, %mul3A_349 : i32
      %add3A_351 = arith.constant 0 : i32
      %add3A_352 = arith.addi %mul3A_350, %add3A_351 : i32
      %mul3A_353 = arith.constant 16 : i32
      %mul3A_354 = arith.muli %add3A_352, %mul3A_353 : i32
      %get3A = arith.index_cast %mul3A_354 : i32 to index
      %get3A_355 = tpu.vector_load %arg10[%get3A] {strides = array<i32>} : memref<2048xf32, #tpu.memory_space<vmem>>, vector<16xf32>,
      %get3A_356 = arith.index_cast %mul3A_354 : i32 to index
      %get3A_357 = tpu.vector_load %arg14[%get3A_356] {strides = array<i32>} : memref<2048xf32, #tpu.memory_space<vmem>>, vector<16xf32>,
      %sub3A = arith.subf %get3A_355, %get3A_357 : vector<16xf32>
      %get3A_358 = arith.index_cast %mul3A_354 : i32 to index
      %get3A_359 = tpu.vector_load %arg12[%get3A_358] {strides = array<i32>} : memref<2048xf32, #tpu.memory_space<vmem>>, vector<16xf32>,
      %get3A_360 = arith.index_cast %mul3A_354 : i32 to index
      %get3A_361 = tpu.vector_load %arg16[%get3A_360] {strides = array<i32>} : memref<2048xf32, #tpu.memory_space<vmem>>, vector<16xf32>,
      %sub3A_362 = arith.subf %get3A_359, %get3A_361 : vector<16xf32>
      %mul3A_363 = arith.mulf %sub3A, %sub3A : vector<16xf32>
      %add3A_364 = arith.addf %scan3A_348, %mul3A_363 : vector<16xf32>
      %mul3A_365 = arith.mulf %sub3A_362, %sub3A_362 : vector<16xf32>
      %add3A_366 = arith.addf %add3A_364, %mul3A_365 : vector<16xf32>
      %mul3A_367 = arith.constant 2 : i32
      %mul3A_368 = arith.muli %scan3A_347, %mul3A_367 : i32
      %add3A_369 = arith.constant 1 : i32
      %add3A_370 = arith.addi %mul3A_368, %add3A_369 : i32
      %mul3A_371 = arith.constant 16 : i32
      %mul3A_372 = arith.muli %add3A_370, %mul3A_371 : i32
      %get3A_373 = arith.index_cast %mul3A_372 : i32 to index
      %get3A_374 = tpu.vector_load %arg10[%get3A_373] {strides = array<i32>} : memref<2048xf32, #tpu.memory_space<vmem>>, vector<16xf32>,
      %get3A_375 = arith.index_cast %mul3A_372 : i32 to index
      %get3A_376 = tpu.vector_load %arg14[%get3A_375] {strides = array<i32>} : memref<2048xf32, #tpu.memory_space<vmem>>, vector<16xf32>,
      %sub3A_377 = arith.subf %get3A_374, %get3A_376 : vector<16xf32>
      %get3A_378 = arith.index_cast %mul3A_372 : i32 to index
      %get3A_379 = tpu.vector_load %arg12[%get3A_378] {strides = array<i32>} : memref<2048xf32, #tpu.memory_space<vmem>>, vector<16xf32>,
      %get3A_380 = arith.index_cast %mul3A_372 : i32 to index
      %get3A_381 = tpu.vector_load %arg16[%get3A_380] {strides = array<i32>} : memref<2048xf32, #tpu.memory_space<vmem>>, vector<16xf32>,
      %sub3A_382 = arith.subf %get3A_379, %get3A_381 : vector<16xf32>
      %mul3A_383 = arith.mulf %sub3A_377, %sub3A_377 : vector<16xf32>
      %add3A_384 = arith.addf %add3A_366, %mul3A_383 : vector<16xf32>
      %mul3A_385 = arith.mulf %sub3A_382, %sub3A_382 : vector<16xf32>
      %add3A_386 = arith.addf %add3A_384, %mul3A_385 : vector<16xf32>
      scf.yield %add3A_386 : vector<16xf32>
    }
    %scan3A_339 = arith.constant 64 : i32
    %swap3A = arith.constant 0 : index
    %swap3A_340 = tpu.vector_load %arg20[%swap3A] {strides = array<i32>} : memref<64xf32, #tpu.memory_space<vmem>>, vector<16xf32>,
    tpu.vector_store %arg20[%swap3A], %scan3A_332#0 {strides = array<i32>} : memref<64xf32, #tpu.memory_space<vmem>>, vector<16xf32>,
    %swap3A_341 = arith.constant 16 : index
    %swap3A_342 = tpu.vector_load %arg20[%swap3A_341] {strides = array<i32>} : memref<64xf32, #tpu.memory_space<vmem>>, vector<16xf32>,
    tpu.vector_store %arg20[%swap3A_341], %scan3A_332#1 {strides = array<i32>} : memref<64xf32, #tpu.memory_space<vmem>>, vector<16xf32>,
    %swap3A_343 = arith.constant 32 : index
    %swap3A_344 = tpu.vector_load %arg20[%swap3A_343] {strides = array<i32>} : memref<64xf32, #tpu.memory_space<vmem>>, vector<16xf32>,
    tpu.vector_store %arg20[%swap3A_343], %scan3A_332#2 {strides = array<i32>} : memref<64xf32, #tpu.memory_space<vmem>>, vector<16xf32>,
    %swap3A_345 = arith.constant 48 : index
    %swap3A_346 = tpu.vector_load %arg20[%swap3A_345] {strides = array<i32>} : memref<64xf32, #tpu.memory_space<vmem>>, vector<16xf32>,
    tpu.vector_store %arg20[%swap3A_345], %scan3A_338 {strides = array<i32>} : memref<64xf32, #tpu.memory_space<vmem>>, vector<16xf32>,
    "tpu.region"() ({
      %run_scoped3A = tpu.sem_alloc : memref<!tpu.dma_semaphore, #tpu.memory_space<semaphore_mem>>
      %dma_start3A_347 = arith.constant 0 : i32
      %dma_start3A_348 = tpu.memref_slice %arg8[%add3A, %dma_start3A_347] : memref<32x64xf32, #tpu.memory_space<hbm>> -> memref<1x64xf32, #tpu.memory_space<hbm>>
      %dma_start3A_349 = tpu.memref_squeeze %dma_start3A_348 : memref<1x64xf32, #tpu.memory_space<hbm>> -> memref<64xf32, #tpu.memory_space<hbm>>
      %dma_start3A_350 = arith.constant 0 : i32
      %dma_start3A_351 = tpu.memref_slice %arg8[%add3A, %dma_start3A_350] : memref<32x64xf32, #tpu.memory_space<hbm>> -> memref<1x64xf32, #tpu.memory_space<hbm>>
      %dma_start3A_352 = tpu.memref_squeeze %dma_start3A_351 : memref<1x64xf32, #tpu.memory_space<hbm>> -> memref<64xf32, #tpu.memory_space<hbm>>
      tpu.enqueue_dma source(%arg20 : memref<64xf32, #tpu.memory_space<vmem>>) target(%dma_start3A_352 : memref<64xf32, #tpu.memory_space<hbm>>) target_semaphore(%run_scoped3A : memref<!tpu.dma_semaphore, #tpu.memory_space<semaphore_mem>>)
      %dma_wait3A_353 = arith.constant 0 : i32
      %dma_wait3A_354 = tpu.memref_slice %arg8[%add3A, %dma_wait3A_353] : memref<32x64xf32, #tpu.memory_space<hbm>> -> memref<1x64xf32, #tpu.memory_space<hbm>>
      %dma_wait3A_355 = tpu.memref_squeeze %dma_wait3A_354 : memref<1x64xf32, #tpu.memory_space<hbm>> -> memref<64xf32, #tpu.memory_space<hbm>>
      %dma_wait3A_356 = arith.constant 0 : i32
      %dma_wait3A_357 = tpu.memref_slice %arg8[%add3A, %dma_wait3A_356] : memref<32x64xf32, #tpu.memory_space<hbm>> -> memref<1x64xf32, #tpu.memory_space<hbm>>
      %dma_wait3A_358 = tpu.memref_squeeze %dma_wait3A_357 : memref<1x64xf32, #tpu.memory_space<hbm>> -> memref<64xf32, #tpu.memory_space<hbm>>
      tpu.wait_dma2 semaphore(%run_scoped3A : memref<!tpu.dma_semaphore, #tpu.memory_space<semaphore_mem>>) src(%arg20 : memref<64xf32, #tpu.memory_space<vmem>>) dst(%dma_wait3A_358 : memref<64xf32, #tpu.memory_space<hbm>>)
      tpu.yield
    }) : () -> ()
    return
  }
}

</mosaic_0001>

<sc_bundles>
// kernel: kernel.3.cloned.1.call-start
scs
__scs_entry_jumppad:
0x0: {  	(pc) =	sbr.rel $0x88, $3  }
0x1: {  	(tag) =	ssettag $0x0;
	lr =	simm.s32 $0x1  }
0x2: {  	[smem:$0x3F9E] =	sst lr;
	_ =	strace $0xD0000000  }
0x3: {  	_ = 	snop  }
0x4: {  	_ = 	snop  }
0x5: {  	_ = 	snop  }
0x6: {  	_ = 	snop  }
0x7: {  	_ = 	snop  }
__scs_overlays_trampoline_lowered:
0x8: {  	[smem:$0x3FAD] =	sst s0  }
0x9: {  	[smem:$0x3FAE] =	sst s1  }
0xa: {  	[smem:$0x3FAF] =	sst s2  }
0xb: {  	[smem:$0x3FB0] =	sst s3  }
0xc: {  	[smem:$0x3FB1] =	sst s4  }
0xd: {  	[smem:$0x3FB2] =	sst s5  }
0xe: {  	[smem:$0x3FB3] =	sst s6  }
0xf: {  	[smem:$0x3FB4] =	sst s7  }
0x10: {  	[smem:$0x3FB5] =	sst s8  }
0x11: {  	[smem:$0x3FB6] =	sst s9;
	s0 =	simm.s32 @!p0 $0x0  }
0x12: {  	s1 =	sld [smem:$0x3F9C];
	s0 =	simm.s32 @p0 $0x1  }
0x13: {  	[smem:$0x3FB7] =	sst s0;
	s0 =	simm.s32 @!p1 $0x0  }
0x14: {  	s2 =	sld [smem:$0x3F9B];
	s0 =	simm.s32 @p1 $0x1  }
0x15: {  	[smem:$0x3FB8] =	sst s0;
	s0 =	simm.s32 @!p2 $0x0  }
0x16: {  	s3 =	sld [smem:$0x3FDB];
	s0 =	simm.s32 @p2 $0x1  }
0x17: {  	s4 =	simm.s32 $0x1BF5;
	[smem:$0x3FBA] =	sst s0  }
0x18: {  	s0 =	sld [smem:$0x3F9D];
	_ =	swait.ge [sflag:s4], $0x0  }
0x19: {  	s7 =	sld [smem:$0x3F9E]  }
0x1a: {  	s8 =	sadd.s32 $0xFFFFE003, lr  }
0x1b: {  	s9 =	sadd.s32 $0xFFFFFEF7, lr;
	s5 =	simm.s32 $0xFFFFFFFF;
	p2 =	slt.u32 s8, $0xFFFFF086  }
0x1c: {  	p1 =	slt.u32 s9, $0xF7A;
	s5 =	simm.s32 @!p2 $0x0  }
0x1d: {  	s5 =	simm.s32 @p1 $0x1;
	p0 =	seq.s32 s7, s2  }
0x1e: {  	s7 =	smul.u32 @!p0 $0xF7A, s2;
	p2 =	seq.s32 @!p0 s5, $0x0  }
0x1f: {  	s9 =	smul.u32 $0xF7A, s1;
	s8 =	simm.s32 @!p0 $0x1BF5;
	p2 =	por !p2, p0  }
0x20: {  	[sflag:s8] =	ssyncset.s32 @!p0 $0xFFFFF086;
	s6 =	sadd.s32 @!p0 s3, s7;
	s7 =	simm.s32 @!p0 $0x108  }
0x21: {  	s3 =	sadd.s32 s3, s9;
	s6 =	sadd.s32 @!p0 $0x88, s6;
	s7 =	simm.s32 @p2 $0x1082  }
0x22: {  	[simem:s7], [sflag:s8] =	dma.local @!p0 [hbm:s6], $0xF7A  }
0x23: {  	s9 =	sor.u32 $0xD0000000, s2;
	s6 =	simm.s32 $0x108;
	_ =	swait.ge @!p0 [sflag:s8], $0x0  }
0x24: {  	s3 =	sadd.s32 $0x88, s3;
	s6 =	simm.s32 @!p1 $0x1082;
	[sflag:s4] =	ssyncset.s32 $0xFFFFF086  }
0x25: {  	[simem:s6], [sflag:s4] =	dma.local [hbm:s3], $0xF7A  }
0x26: {  	[smem:$0x3F9E] =	sst s1;
	(tag) =	ssettag s2;
	_ =	strace s9  }
0x27: {  	s1 =	sld [smem:$0x3FAE]  }
0x28: {  	s2 =	sld [smem:$0x3FAF]  }
0x29: {  	s4 =	sld [smem:$0x3FB1]  }
0x2a: {  	p0 =	seq.s32 s5, $0x0;
	s5 =	sld [smem:$0x3FB2]  }
0x2b: {  	s6 =	sld [smem:$0x3FB3]  }
0x2c: {  	s7 =	sld [smem:$0x3FB4]  }
0x2d: {  	s3 =	simm.s32 $0x108;
	s8 =	sld [smem:$0x3FB5]  }
0x2e: {  	s3 =	simm.s32 @!p0 $0x1082;
	s9 =	sld [smem:$0x3FB6]  }
0x2f: {  	lr =	sadd.s32 s0, s3;
	s0 =	sld [smem:$0x3FAD]  }
0x30: {  	s3 =	sld [smem:$0x3FB0]  }
0x31: {  	[smem:$0x3FB9] =	sst s10  }
0x32: {  	s10 =	sld [smem:$0x3FB7];
	_ =	sdelay $0x3  }
0x33: {  	p0 =	seq.s32 s10, $0x1;
	s10 =	sld [smem:$0x3FB9];
	_ =	sdelay $0x3  }
0x34: {  	[smem:$0x3FB9] =	sst s10  }
0x35: {  	s10 =	sld [smem:$0x3FB8];
	_ =	sdelay $0x3  }
0x36: {  	p1 =	seq.s32 s10, $0x1;
	s10 =	sld [smem:$0x3FB9];
	_ =	sdelay $0x3  }
0x37: {  	[smem:$0x3FB9] =	sst s10  }
0x38: {  	s10 =	sld [smem:$0x3FBA]  }
0x39: {  	_ = 	snop;
	(pc) =	sbr.ind lr, $3  }
0x3a: {  	_ = 	snop  }
0x3b: {  	_ = 	snop  }
0x3c: {  	p2 =	seq.s32 s10, $0x1;
	s10 =	sld [smem:$0x3FB9]  }
0x3d: {  	_ =	shalt  }
0x3e: {  	_ =	shalt  }
0x3f: {  	_ =	shalt  }
0x40: {  	_ =	shalt  }
0x41: {  	_ =	shalt  }
0x42: {  	_ =	shalt  }
0x43: {  	_ =	shalt  }
0x44: {  	_ =	shalt  }
0x45: {  	_ =	shalt  }
0x46: {  	_ =	shalt  }
0x47: {  	_ =	shalt  }
0x48: {  	_ =	shalt  }
0x49: {  	_ =	shalt  }
0x4a: {  	_ =	shalt  }
0x4b: {  	_ =	shalt  }
0x4c: {  	_ =	shalt  }
0x4d: {  	_ =	shalt  }
0x4e: {  	_ =	shalt  }
0x4f: {  	_ =	shalt  }
0x50: {  	_ =	shalt  }
0x51: {  	_ =	shalt  }
0x52: {  	_ =	shalt  }
0x53: {  	_ =	shalt  }
0x54: {  	_ =	shalt  }
0x55: {  	_ =	shalt  }
0x56: {  	_ =	shalt  }
0x57: {  	_ =	shalt  }
0x58: {  	_ =	shalt  }
0x59: {  	_ =	shalt  }
0x5a: {  	_ =	shalt  }
0x5b: {  	_ =	shalt  }
0x5c: {  	_ =	shalt  }
0x5d: {  	_ =	shalt  }
0x5e: {  	_ =	shalt  }
0x5f: {  	_ =	shalt  }
0x60: {  	_ =	shalt  }
0x61: {  	_ =	shalt  }
0x62: {  	_ =	shalt  }
0x63: {  	_ =	shalt  }
0x64: {  	_ =	shalt  }
0x65: {  	_ =	shalt  }
0x66: {  	_ =	shalt  }
0x67: {  	_ =	shalt  }
0x68: {  	_ =	shalt  }
0x69: {  	_ =	shalt  }
0x6a: {  	_ =	shalt  }
0x6b: {  	_ =	shalt  }
0x6c: {  	_ =	shalt  }
0x6d: {  	_ =	shalt  }
0x6e: {  	_ =	shalt  }
0x6f: {  	_ =	shalt  }
0x70: {  	_ =	shalt  }
0x71: {  	_ =	shalt  }
0x72: {  	_ =	shalt  }
0x73: {  	_ =	shalt  }
0x74: {  	_ =	shalt  }
0x75: {  	_ =	shalt  }
0x76: {  	_ =	shalt  }
0x77: {  	_ =	shalt  }
0x78: {  	_ =	shalt  }
0x79: {  	_ =	shalt  }
0x7a: {  	_ =	shalt  }
0x7b: {  	_ =	shalt  }
0x7c: {  	_ =	shalt  }
0x7d: {  	_ =	shalt  }
0x7e: {  	_ =	shalt  }
0x7f: {  	_ =	shalt  }
0x80: {  	_ =	shalt  }
0x81: {  	_ =	shalt  }
0x82: {  	_ =	shalt  }
0x83: {  	_ =	shalt  }
0x84: {  	_ =	shalt  }
0x85: {  	_ =	shalt  }
0x86: {  	_ =	shalt  }
0x87: {  	_ =	shalt  }
.Lfunc_end0:
.L_simem_size_0:
called_computation_lowered:
.L_overlay_start_0:
0x88: {  	s2 =	sld [smem:$0x3FD9]  }
0x89: {  	s3 =	sld [smem:$0x3FFE];
	_ =	sdelay $0x1  }
0x8a: {  	s1 =	srdreg.scid  }
0x8b: {  	s0 =	sand.u32 $0x1, s1  }
0x8c: {  	s14 =	sshll.u32 s0, $0xA;
	s2 =	sadd.s32 s3, s2  }
0x8d: {  	s2 =	sadd.s32 s2, s14  }
0x8e: {  	[smem:$0x3FC5] =	sst s2  }
0x8f: {  	_ = 	snop  }
0x90: {  	s2 =	sld [smem:$0x3FD0];
	_ =	sdelay $0x2  }
0x91: {  	s15 =	simm.s32 $0xA;
	s4 =	simm.s32 $0x10  }
0x92: {  	[smem:s4], [sflag:s15] =	dma.local [hbm:s2], $0x1  }
0x93: {  	_ =	swait.eq [sflag:s15], $0x1  }
0x94: {  	[sflag:s15] =	ssyncset.done $0x0  }
0x95: {  	[sflag:s15] =	ssyncadd.s32 $0xFFFFFFFF  }
0x96: {  	s16 =	sld [smem:$0x12];
	(tm) =	ssettm $0x1  }
0x97: {  	s17 =	sld [smem:$0x3FFB];
	_ =	sdelay $0x3  }
0x98: {  	_ =	strace s17  }
0x99: {  	s3 =	sld [smem:$0x3FFC];
	_ =	sdelay $0x3  }
0x9a: {  	_ =	strace s3  }
0x9b: {  	s3 =	sld [smem:$0x3FFD];
	_ =	sdelay $0x3  }
0x9c: {  	_ =	strace s3  }
0x9d: {  	_ =	strace $0x8FFFFFFF  }
0x9e: {  	s18 =	sld [smem:$0x3FDB];
	_ =	sdelay $0x1  }
0x9f: {  	s19 =	simm.s32 $_scs_section_size  }
0xa0: {  	s5 =	simm.s32 $_size__tile_overlayer_lowered;
	s6 =	simm.s32 $_tile_overlayer_lowered  }
0xa1: {  	s22 =	simm.s32 $0x1BFF;
	s21 =	sshll.u32 s6, $0x1;
	s3 =	sadd.s32 s19, s18  }
0xa2: {  	s7 =	simm.s32 $0x0;
	s20 =	sshll.u32 s5, $0x1;
	s5 =	sadd.s32 s21, s3  }
0xa3: {  	[timem:s7], [sflag:s22] =	dma.local [hbm:s5], s20  }
0xa4: {  	_ =	swait.ge [sflag:s22], s20  }
0xa5: {  	s4 =	ssub.s32 $0x0, s20;
	[sflag:s22] =	ssyncset.done $0x0  }
0xa6: {  	[sflag:s22] =	ssyncadd.s32 s4;
	_ =	sdelay $0x1  }
0xa7: {  	s23 =	simm.s32 $0x1B8B  }
0xa8: {  	_ =	swait.ge [sflag:s23], $0x1  }
0xa9: {  	[sflag:s23] =	ssyncset.done $0x0  }
0xaa: {  	s25 =	simm.s32 $0x1B8E;
	s24 =	sld [smem:$0x3FFE];
	[sflag:s23] =	ssyncadd.s32 $0xFFFFFFFF  }
0xab: {  	s26 =	simm.s32 $execute0_lowered;
	[smem:$0x3FD2] =	sst s25  }
0xac: {  	s5 =	sshll.u32 s26, $0x1;
	_ =	strace $0x80000046;
	[dreg:$0x1] =	wrdreg $0xFFFFFFFF  }
0xad: {  	s28 =	simm.s32 $_size_execute0_lowered;
	s3 =	sadd.s32 s3, s5;
	[dreg:$0x0] =	wrdreg $0x0  }
0xae: {  	s5 =	sshll.u32 s28, $0x1;
	[dreg:$0x2] =	wrdreg s3  }
0xaf: {  	[dreg:$0x3] =	wrdreg s5  }
0xb0: {  	[dreg:$0x4] =	wrdreg $0xC0  }
0xb1: {  	_ =	task [dreg:s7], $0x5FFFF  }
0xb2: {  	[dreg:$0x1] =	wrdreg $0xFFFFFFFF  }
0xb3: {  	[dreg:$0x0] =	wrdreg $0x60  }
0xb4: {  	[dreg:$0x2] =	wrdreg s24  }
0xb5: {  	[dreg:$0x3] =	wrdreg s16  }
0xb6: {  	[dreg:$0x4] =	wrdreg $0x9  }
0xb7: {  	_ =	task.clear_ibuf [dreg:s7], $0x5FFFF;
	_ =	strace $0x90000046  }
0xb8: {  	s29 =	simm.s32 $0x9;
	_ =	strace $0x80000048  }
0xb9: {  	_ =	swait.ge [sflag:s29], $0x1  }
0xba: {  	[sflag:s29] =	ssyncadd.s32 $0xFFFFFFFF  }
0xbb: {  	_ =	strace $0x90000048  }
0xbc: {  	_ =	sfence  }
0xbd: {  	s30 =	sld [smem:$0x0];
	_ =	sdelay $0x2  }
0xbe: {  	s31 =	sshll.u32 s1, $0xD;
	s1 =	sshrl.u32 s1, $0x2  }
0xbf: {  	s3 =	sand.u32 $0x4000, s31;
	s1 =	sadd.s32 s1, s30  }
0xc0: {  	s0 =	sor.u32 s3, s0;
	s1 =	sshll.u32 s1, $0x11  }
0xc1: {  	s0 =	sor.u32 s1, s0  }
0xc2: {  	s0 =	sadd.s32 $0x8F2B, s0  }
0xc3: {  	[sflag:s0] =	ssyncadd.remote.s32 $0x1  }
0xc4: {  	_ =	sfence.sel $0xFFFF  }
0xc5: {  	[dreg:$0x0] =	wrdreg $0xFFFFFFFF;
	(pc) =	sbr.abs _section_cstart, $3  }
0xc6: {  	[dreg:$0x1] =	wrdreg $0xFFFFFFFF  }
0xc7: {  	_ =	task.clear_ibuf [dreg:s7], $0x2FFFF;
	_ =	strace $0x9FFFFFFF  }
0xc8: {  	(tm) =	ssettm $0x7FFFFFFF  }
0xc9: {  	_ =	shalt  }
tec
execute0_lowered:
.L_overlay_start_1:
0x0: {  	(tag) =	ssettag $0x1  }
0x1: {  	s0 =	srdreg.scid  }
0x2: {  	s1 =	rddreg [dreg:$0x0];
	s15 =	stileid.u32  }
0x3: {  	s28 =	simm.s32 $0x3;
	s29 =	simm.s32 $0x80;
	s30 =	simm.s32 $0x400  }
0x4: {  	s31 =	simm.s32 $0x7100;
	s0 =	sand.u32 $0x1, s0;
	s3 =	sadd.s32 $0x8C00, s1  }
0x5: {  	s4 =	sadd.s32 $0xC00, s1;
	s5 =	sadd.s32 $0x18C00, s1;
	s7 =	sshll.u32 s15, $0x9  }
0x6: {  	s16 =	sadd.s32 $0x10C00, s1;
	s2 =	sshll.u32 s0, $0x4;
	s0 =	ssub.s32 $0x2, s0  }
0x7: {  	s7 =	sand.u32 $0x200, s7;
	s2 =	sor.u32 s15, s2;
	s8 =	sshrl.u32 s0, $0x1  }
0x8: {  	s17 =	sor.u32 $0x80, s7;
	s18 =	sor.u32 $0x100, s7;
	s6 =	sshrl.u32 s2, $0x1  }
0x9: {  	s19 =	sor.u32 $0x180, s7;
	s0 =	ssub.s32 s0, s8;
	s11 =	sshll.u32 s6, $0xE  }
0xa: {  	s2 =	sshll.u32 s2, $0x4;
	s6 =	smul.u32 $0x18800, s6;
	s9 =	sor.u32 s7, s11  }
0xb: {  	s2 =	sand.u32 $0x180, s2;
	s22 =	sor.u32 s17, s11;
	s20 =	sshrl.u32 s9, $0x3  }
0xc: {  	s26 =	sor.u32 s18, s11;
	s13 =	sor.u32 s19, s11;
	s9 =	sadd.s32 s3, s20  }
0xd: {  	s23 =	sshrl.u32 s22, $0x3;
	s21 =	sadd.s32 s4, s20;
	[dreg:$0x3] =	wrdreg s9  }
0xe: {  	s12 =	sshrl.u32 s26, $0x3;
	s10 =	sadd.s32 s5, s20;
	[dreg:$0x4] =	wrdreg s21  }
0xf: {  	s22 =	sor.u32 s17, s6;
	s8 =	sadd.s32 s16, s20;
	[dreg:$0x5] =	wrdreg s10  }
0x10: {  	s24 =	sadd.s32 s4, s23;
	s25 =	sadd.s32 s5, s23;
	[dreg:$0x6] =	wrdreg s8  }
0x11: {  	s11 =	sadd.s32 s5, s12;
	s20 =	sshrl.u32 s13, $0x3;
	[dreg:$0x8] =	wrdreg s24  }
0x12: {  	s9 =	sadd.s32 s3, s23;
	[dreg:$0x9] =	wrdreg s25;
	s8 =	sadd.s32 s16, s23  }
0x13: {  	s10 =	sadd.s32 s4, s12;
	s13 =	sadd.s32 s3, s20;
	s14 =	sadd.s32 s4, s20  }
0x14: {  	s21 =	sor.u32 s7, s6;
	s23 =	sor.u32 s18, s6;
	[dreg:$0x7] =	wrdreg s9  }
0x15: {  	s6 =	sor.u32 s19, s6;
	s19 =	simm.s32 $0xA200;
	[dreg:$0xa] =	wrdreg s8  }
0x16: {  	s9 =	sadd.s32 s3, s12;
	s12 =	sadd.s32 s16, s12;
	s8 =	sshll.u32 s15, $0x4  }
0x17: {  	s15 =	sadd.s32 s5, s20;
	s16 =	sadd.s32 s16, s20;
	s4 =	sshrl.u32 s21, $0x3  }
0x18: {  	s5 =	sshrl.u32 s22, $0x3;
	s24 =	sshrl.u32 s23, $0x3;
	s25 =	sshrl.u32 s6, $0x3  }
0x19: {  	s22 =	simm.s32 $0x0;
	s6 =	simm.s32 $0x2;
	s3 =	sand.u32 $0x70, s8  }
0x1a: {  	[smem:$0x7FF] =	sst s22;
	s3 =	sadd.s32 s3, s1;
	s1 =	sadd.s32 $0x20C00, s1  }
0x1b: {  	_ =	strace $0x80000047;
	s18 =	sadd.s32 s1, s4;
	s20 =	sadd.s32 s1, s5  }
0x1c: {  	s21 =	sadd.s32 s1, s24;
	s23 =	sadd.s32 s1, s25;
	s26 =	sadd.s32 s2, s3  }
0x1d: {  	s25 =	smax.u32 s0, $0x1;
	s1 =	simm.s32 $0x1;
	s2 =	simm.s32 $0x800  }
0x1e: {  	v0 =	vimm.f32 $0.0e+00;
	v1 =	vlaneseq.u32;
	s3 =	simm.s32 $0x1800;
	s4 =	simm.s32 $0x2800;
	s5 =	simm.s32 $0x3800  }
0x1f: {  	v2 =	vimm.s32 $0x10;
	v3 =	vimm.s32 $0x1C0;
	v4 =	vimm.f32 $1.000000000e+00;
	s0 =	simm.s32 $0x0;
	s24 =	sadd.s32 $0x51C00, s26;
	s26 =	simm.s32 $0xD380  }
.LBB2_1:
0x20: {  	s7 =	rddreg [dreg:$0x1]  }
0x21: {  	[tilespmem:s26], [sflag:$0x3] =	stream.linear.gather [hbm4b:s7+s22], $0x80, $0x38;
	[tilespmem:$0xD400] =	vst v63  }
0x22: {  	_ =	swait.ge [sflag:s28], $0x80  }
0x23: {  	[sflag:s28] =	ssyncset.done $0x0  }
0x24: {  	s17 =	simm.s32 $0x0;
	s7 =	simm.s32 $0x40;
	[sflag:s28] =	ssyncadd.s32 $0xFFFFFF80  }
.LBB2_2:
0x25: {  	p0 =	sne.s32 s7, $0xC3C0;
	[tilespmem:s17+$0xA200] =	vst v0;
	s17 =	smov.u32 s7;
	s7 =	sadd.s32 $0x40, s7  }
.Ltmp0:
0x26: {  	(pc) =	sbr.rel @p0 .LBB2_2-.Ltmp0, $2  }
0x27: {  	_ =	sdelay $0x2  }
0x28: {  	s17 =	sshra.s32 s17, $0x2  }
0x29: {  	[tilespmem:s17+$0xA200] =	vst v0;
	s7 =	simm.s32 $0x0;
	s8 =	rddreg [dreg:$0x3]  }
0x2a: {  	[tilespmem:s7], [sflag:$0x1] =	stream.strided.gather [hbm4b:s8+s29], $0x800, s30, s29, $0x38;
	[tilespmem:$0xD400] =	vst v63  }
0x2b: {  	s17 =	simm.s32 $0x1000;
	s8 =	rddreg [dreg:$0x4]  }
0x2c: {  	[tilespmem:s17], [sflag:$0x1] =	stream.strided.gather [hbm4b:s8+s29], $0x800, s30, s29, $0x38;
	[tilespmem:$0xD400] =	vst v63  }
0x2d: {  	s8 =	rddreg [dreg:$0x5];
	s17 =	simm.s32 $0x2000  }
0x2e: {  	[tilespmem:s17], [sflag:$0x1] =	stream.strided.gather [hbm4b:s8+s29], $0x800, s30, s29, $0x38;
	[tilespmem:$0xD400] =	vst v63  }
0x2f: {  	s8 =	rddreg [dreg:$0x6];
	s17 =	simm.s32 $0x3000  }
0x30: {  	[tilespmem:s17], [sflag:$0x1] =	stream.strided.gather [hbm4b:s8+s29], $0x800, s30, s29, $0x38;
	[tilespmem:$0xD400] =	vst v63  }
0x31: {  	s8 =	simm.s32 $0x4000  }
0x32: {  	[tilespmem:s8], [sflag:$0x1] =	stream.strided.gather [hbm4b:s18+s29], $0x3100, s30, s29, $0x38;
	[tilespmem:$0xD400] =	vst v63  }
0x33: {  	_ =	swait.ge [sflag:s1], $0x800  }
0x34: {  	[sflag:s1] =	ssyncset.done $0x0  }
0x35: {  	[sflag:s1] =	ssyncadd.s32 $0xFFFFF800  }
0x36: {  	_ =	swait.ge [sflag:s1], $0x800  }
0x37: {  	[sflag:s1] =	ssyncset.done $0x0  }
0x38: {  	[sflag:s1] =	ssyncadd.s32 $0xFFFFF800  }
0x39: {  	_ =	swait.ge [sflag:s1], $0x800  }
0x3a: {  	[sflag:s1] =	ssyncset.done $0x0  }
0x3b: {  	[sflag:s1] =	ssyncadd.s32 $0xFFFFF800  }
0x3c: {  	_ =	swait.ge [sflag:s1], $0x800  }
0x3d: {  	[sflag:s1] =	ssyncset.done $0x0  }
0x3e: {  	[sflag:s1] =	ssyncadd.s32 $0xFFFFF800  }
0x3f: {  	_ =	swait.ge [sflag:s1], $0x3100  }
0x40: {  	[sflag:s1] =	ssyncset.done $0x0  }
0x41: {  	s17 =	rddreg [dreg:$0x7];
	[sflag:s1] =	ssyncadd.s32 $0xFFFFCF00  }
0x42: {  	[tilespmem:s2], [sflag:$0x2] =	stream.strided.gather [hbm4b:s17+s29], $0x800, s30, s29, $0x38;
	[tilespmem:$0xD400] =	vst v63  }
0x43: {  	s8 =	rddreg [dreg:$0x8]  }
0x44: {  	[tilespmem:s3], [sflag:$0x2] =	stream.strided.gather [hbm4b:s8+s29], $0x800, s30, s29, $0x38;
	[tilespmem:$0xD400] =	vst v63  }
0x45: {  	s17 =	rddreg [dreg:$0x9]  }
0x46: {  	[tilespmem:s4], [sflag:$0x2] =	stream.strided.gather [hbm4b:s17+s29], $0x800, s30, s29, $0x38;
	[tilespmem:$0xD400] =	vst v63  }
0x47: {  	s8 =	rddreg [dreg:$0xa]  }
0x48: {  	[tilespmem:s5], [sflag:$0x2] =	stream.strided.gather [hbm4b:s8+s29], $0x800, s30, s29, $0x38;
	[tilespmem:$0xD400] =	vst v63  }
0x49: {  	s17 =	simm.s32 $0x0  }
0x4a: {  	[tilespmem:s31], [sflag:$0x2] =	stream.strided.gather [hbm4b:s20+s29], $0x3100, s30, s29, $0x38;
	[tilespmem:$0xD400] =	vst v63  }
0x4b: {  	v5 =	vld [tilespmem:s17+$0x1010]  }
0x4c: {  	v6 =	vld [tilespmem:s17+$0x10]  }
0x4d: {  	v7 =	vld [tilespmem:s17+$0x1000]  }
0x4e: {  	v8 =	vld [tilespmem:s17+$0x0];
	_ =	sdelay $0x3  }
0x4f: {  	v5 =	vmul.f32 $2.700000000e+01, v5;
	v6 =	vmul.f32 $2.700000000e+01, v6  }
0x50: {  	v7 =	vmul.f32 $2.700000000e+01, v7;
	v8 =	vmul.f32 $2.700000000e+01, v8  }
0x51: {  	v5 =	vtrunc.f32 v5;
	v6 =	vtrunc.f32 v6  }
0x52: {  	v8 =	vtrunc.f32 v8;
	v7 =	vtrunc.f32 v7  }
0x53: {  	v6 =	vcvt.f32.s32 v6;
	v5 =	vcvt.f32.s32 v5  }
0x54: {  	v8 =	vcvt.f32.s32 v8;
	v7 =	vcvt.f32.s32 v7;
	_ =	sdelay $0x1  }
0x55: {  	v9 =	vsub.s32 v5, v7;
	v10 =	vsub.s32 v6, v8  }
0x56: {  	v11 =	vsub.s32 $0x0, v9;
	v12 =	vsub.s32 $0x0, v10  }
0x57: {  	v9 =	vmin.u32 v9, v11;
	v10 =	vmin.u32 v10, v12  }
0x58: {  	vm1 =	vgt.s32 v9, v10  }
0x59: {  	v9 =	vsel vm1, v7, v8;
	v10 =	vsel vm1, v5, v6  }
0x5a: {  	vm0 =	vgt.s32 v9, v10;
	v11 =	vsub.s32 v10, v9;
	v12 =	vsub.s32 v9, v10  }
0x5b: {  	v6 =	vsel vm1, v6, v5;
	v5 =	vsel vm0, v12, v11  }
0x5c: {  	v7 =	vsel vm1, v8, v7;
	v8 =	vsel vm0, v10, v9;
	vm11 =	vgt.s32 v5, $0x1  }
0x5d: {  	v9 =	vsel vm0, v6, v7;
	v6 =	vsel vm0, v7, v6;
	v7 =	vnsel vm11, $0x1, v5  }
0x5e: {  	v10 =	vsel vm1, v8, v9;
	v11 =	vsub.s32 v6, v9;
	v8 =	vsel vm1, v9, v8  }
0x5f: {  	vm2 =	vgt.s32 v6, v9;
	vm13 =	vgt.s32 v5, $0x16;
	vm14 =	vgt.s32 v5, $0x14  }
0x60: {  	vm4 =	vgt.s32 v5, $0x15;
	vm8 =	vgt.s32 v5, $0xE;
	vm15 =	vgt.s32 v5, $0xF  }
0x61: {  	vm7 =	vgt.s32 v5, $0x10;
	vm6 =	vgt.s32 v5, $0xB;
	v10 =	vmul.u32 $0x1C, v10  }
0x62: {  	vm5 =	vgt.s32 v5, $0xC;
	vm0 =	vgt.s32 v5, $0xD;
	vm10 =	vgt.s32 v5, $0x8;
	v7 =	vld.idx.msk [tilespmem:v7+s26+$0x0], $0xffff  }
0x63: {  	vm9 =	vgt.s32 v5, $0x9;
	vm12 =	vgt.s32 v5, $0x2;
	v8 =	vadd.s32 v8, v10  }
0x64: {  	vm3 =	vgt.s32 v5, $0x5;
	v12 =	vsub.s32 $0x0, v11;
	v6 =	vshll.u32 v8, $0x4  }
0x65: {  	v11 =	vmin.u32 v11, v12;
	v8 =	vor.u32 v1, v6;
	v6 =	vimm.s32 $0x0  }
0x66: {  	v10 =	vsel vm1, $0x10, v3;
	v6 =	vsel vm0, $0xFFFFFFFF, v6;
	vm0 =	vgt.s32 v5, $0x4  }
0x67: {  	[tilespmem:$0x1FFF0] =	vst v6;
	v6 =	vsel vm1, $0x1C0, v2;
	v9 =	vmul.u32 v7, v11;
	v7 =	vsub.s32 $0x0, v10  }
0x68: {  	vm1 =	vgt.s32 v5, $0x3;
	v7 =	vsel vm2, v10, v7;
	v10 =	vadd.s32 v6, v8  }
0x69: {  	vm2 =	vgt.s32 v5, $0x0;
	v11 =	vshra.s32 v9, $0x14;
	v12 =	vshll.u32 v9, $0x1  }
0x6a: {  	v13 =	vmul.u32 $0xD, v9;
	v14 =	vmul.u32 $0x11, v9;
	v15 =	vmul.u32 $0x7, v9  }
0x6b: {  	v16 =	vmul.u32 $0xB, v9;
	v17 =	vmul.u32 $0x3, v9;
	v18 =	vmul.u32 $0x6, v9  }
0x6c: {  	v19 =	vshll.u32 v9, $0x2;
	v20 =	vshll.u32 v9, $0x3;
	v21 =	vmul.u32 $0x5, v9  }
0x6d: {  	v22 =	vmul.u32 $0x9, v9;
	v23 =	vmul.u32 $0xC, v9;
	v24 =	vmul.u32 $0xA, v9  }
0x6e: {  	v11 =	vmul.u32 v7, v11;
	v12 =	vshra.s32 v12, $0x14;
	v19 =	vshra.s32 v19, $0x14  }
0x6f: {  	v20 =	vshra.s32 v20, $0x14;
	v12 =	vmul.u32 v7, v12;
	v16 =	vshra.s32 v16, $0x14  }
0x70: {  	v15 =	vshra.s32 v15, $0x14;
	v18 =	vshra.s32 v18, $0x14;
	v17 =	vshra.s32 v17, $0x14  }
0x71: {  	v19 =	vmul.u32 v7, v19;
	v21 =	vshra.s32 v21, $0x14;
	v22 =	vshra.s32 v22, $0x14  }
0x72: {  	v20 =	vmul.u32 v7, v20;
	v24 =	vshra.s32 v24, $0x14;
	v23 =	vshra.s32 v23, $0x14  }
0x73: {  	[tilespmem:v8+s19+$0x0] =	vst.idx.msk $0xffff, v4;
	v13 =	vshra.s32 v13, $0x14;
	v14 =	vshra.s32 v14, $0x14;
	v11 =	vadd.s32 v11, v10  }
0x74: {  	v10 =	vadd.s32 v6, v10;
	v16 =	vmul.u32 v7, v16;
	v18 =	vmul.u32 v7, v18  }
0x75: {  	v17 =	vmul.u32 v7, v17;
	v21 =	vmul.u32 v7, v21;
	v15 =	vmul.u32 v7, v15  }
0x76: {  	v22 =	vmul.u32 v7, v22;
	v12 =	vadd.s32 v12, v10;
	v10 =	vadd.s32 v6, v10  }
0x77: {  	v24 =	vmul.u32 v7, v24;
	v17 =	vadd.s32 v17, v10;
	v10 =	vadd.s32 v6, v10  }
0x78: {  	v23 =	vmul.u32 v7, v23;
	v19 =	vadd.s32 v19, v10;
	v10 =	vadd.s32 v6, v10  }
0x79: {  	v8 =	vmul.u32 v7, v13;
	v21 =	vadd.s32 v21, v10;
	v10 =	vadd.s32 v6, v10  }
0x7a: {  	v13 =	vmul.u32 $0xF, v9;
	v63 =	vmul.u32 v7, v14;
	v25 =	vadd.s32 v6, v10  }
0x7b: {  	v10 =	vadd.s32 v18, v10;
	v18 =	vmul.u32 $0xE, v9;
	[tilespmem:v11+s19+$0x0] =	vst.idx.msk vm2, v4;
	vm2 =	vgt.s32 v5, $0x6  }
0x7c: {  	v11 =	vadd.s32 v15, v25;
	v15 =	vadd.s32 v6, v25;
	[tilespmem:v12+s19+$0x0] =	vst.idx.msk vm11, v4;
	vm11 =	vgt.s32 v5, $0x7  }
0x7d: {  	v12 =	vshra.s32 v18, $0x14;
	v18 =	vadd.s32 v20, v15;
	[tilespmem:v17+s19+$0x0] =	vst.idx.msk vm12, v4;
	v15 =	vadd.s32 v6, v15  }
0x7e: {  	v14 =	vmul.u32 $0x12, v9;
	[tilespmem:v19+s19+$0x0] =	vst.idx.msk vm1, v4;
	v17 =	vadd.s32 v22, v15;
	v15 =	vadd.s32 v6, v15  }
0x7f: {  	vm12 =	vgt.s32 v5, $0xA;
	[tilespmem:v21+s19+$0x0] =	vst.idx.msk vm0, v4;
	v19 =	vadd.s32 v24, v15;
	v15 =	vadd.s32 v6, v15  }
0x80: {  	v13 =	vshra.s32 v13, $0x14;
	[tilespmem:v10+s19+$0x0] =	vst.idx.msk vm3, v4;
	v10 =	vadd.s32 v16, v15;
	v15 =	vadd.s32 v6, v15  }
0x81: {  	v13 =	vmul.u32 v7, v13;
	v20 =	vshll.u32 v9, $0x4;
	[tilespmem:v11+s19+$0x0] =	vst.idx.msk vm2, v4;
	v11 =	vadd.s32 v23, v15  }
0x82: {  	v12 =	vmul.u32 v7, v12;
	v16 =	vmul.u32 $0x13, v9;
	v15 =	vadd.s32 v6, v15;
	[tilespmem:v18+s19+$0x0] =	vst.idx.msk vm11, v4  }
0x83: {  	v18 =	vmul.u32 $0x14, v9;
	v8 =	vadd.s32 v8, v15;
	v15 =	vadd.s32 v6, v15;
	[tilespmem:v17+s19+$0x0] =	vst.idx.msk vm10, v4  }
0x84: {  	v17 =	vshra.s32 v20, $0x14;
	v20 =	vshra.s32 v14, $0x14;
	v14 =	vadd.s32 v12, v15;
	[tilespmem:v19+s19+$0x0] =	vst.idx.msk vm9, v4  }
0x85: {  	v16 =	vshra.s32 v16, $0x14;
	v19 =	vmul.u32 v7, v17;
	[tilespmem:v10+s19+$0x0] =	vst.idx.msk vm12, v4;
	v10 =	vadd.s32 v6, v15  }
0x86: {  	v17 =	vshra.s32 v18, $0x14;
	[tilespmem:v11+s19+$0x0] =	vst.idx.msk vm6, v4;
	v15 =	vadd.s32 v13, v10;
	v10 =	vadd.s32 v6, v10  }
0x87: {  	v12 =	vadd.s32 v19, v10;
	v11 =	vadd.s32 v6, v10;
	v10 =	vmul.u32 v7, v20  }
0x88: {  	s7 =	simm.s32 $0x40;
	v18 =	vmul.u32 $0x15, v9;
	[tilespmem:v8+s19+$0x0] =	vst.idx.msk vm5, v4;
	v13 =	vadd.s32 v63, v11;
	v11 =	vadd.s32 v6, v11  }
.LBB2_4:
0x89: {  	v19 =	vld [tilespmem:$0x1FFF0];
	_ =	sdelay $0x4  }
0x8a: {  	vm0 =	vnez.u8 v19;
	_ =	sdelay $0x1  }
0x8b: {  	v8 =	vmul.u32 v7, v16  }
0x8c: {  	v16 =	vmul.u32 v7, v17;
	v10 =	vadd.s32 v10, v11;
	v11 =	vadd.s32 v6, v11  }
0x8d: {  	v8 =	vadd.s32 v8, v11;
	v11 =	vadd.s32 v6, v11  }
0x8e: {  	v17 =	vmul.u32 $0x16, v9;
	vm1 =	vgt.s32 v5, $0x12;
	v16 =	vadd.s32 v16, v11  }
0x8f: {  	v11 =	vadd.s32 v6, v11;
	[tilespmem:v14+s19+$0x0] =	vst.idx.msk vm0, v4;
	v14 =	vshra.s32 v18, $0x14;
	v18 =	vmul.u32 $0x17, v9  }
0x90: {  	v19 =	vmul.u32 $0x18, v9;
	vm0 =	vgt.s32 v5, $0x11;
	[tilespmem:v15+s19+$0x0] =	vst.idx.msk vm8, v4;
	v15 =	vshra.s32 v17, $0x14  }
0x91: {  	v14 =	vmul.u32 v7, v14;
	[tilespmem:v12+s19+$0x0] =	vst.idx.msk vm15, v4;
	v12 =	vmul.u32 v7, v15;
	v15 =	vshra.s32 v18, $0x14  }
0x92: {  	v17 =	vmul.u32 $0x19, v9;
	v18 =	vshra.s32 v19, $0x14;
	[tilespmem:v13+s19+$0x0] =	vst.idx.msk vm7, v4;
	v13 =	vmul.u32 v7, v15  }
0x93: {  	v15 =	vmul.u32 v7, v18;
	v18 =	vmul.u32 $0x1A, v9;
	v9 =	vmul.u32 $0x1B, v9  }
0x94: {  	vm2 =	vgt.s32 v5, $0x13;
	v17 =	vshra.s32 v17, $0x14;
	v14 =	vadd.s32 v14, v11  }
0x95: {  	v11 =	vadd.s32 v6, v11;
	v17 =	vmul.u32 v7, v17;
	v9 =	vshra.s32 v9, $0x14  }
0x96: {  	v12 =	vadd.s32 v12, v11;
	v11 =	vadd.s32 v6, v11;
	v9 =	vmul.u32 v7, v9  }
0x97: {  	v18 =	vshra.s32 v18, $0x14;
	[tilespmem:v10+s19+$0x0] =	vst.idx.msk vm0, v4;
	v10 =	vadd.s32 v13, v11;
	v11 =	vadd.s32 v6, v11  }
0x98: {  	v7 =	vmul.u32 v7, v18;
	vm0 =	vgt.s32 v5, $0x17;
	[tilespmem:v8+s19+$0x0] =	vst.idx.msk vm1, v4;
	v8 =	vadd.s32 v15, v11  }
0x99: {  	v11 =	vadd.s32 v6, v11;
	vm1 =	vgt.s32 v5, $0x18;
	v9 =	vadd.s32 v6, v9  }
0x9a: {  	[tilespmem:v16+s19+$0x0] =	vst.idx.msk vm2, v4;
	v13 =	vadd.s32 v17, v11;
	v6 =	vadd.s32 v6, v11;
	vm2 =	vgt.s32 v5, $0x19  }
0x9b: {  	vm3 =	vgt.s32 v5, $0x1A;
	[tilespmem:v14+s19+$0x0] =	vst.idx.msk vm14, v4;
	v7 =	vadd.s32 v7, v6  }
0x9c: {  	v5 =	vadd.s32 v6, v9;
	[tilespmem:v12+s19+$0x0] =	vst.idx.msk vm4, v4  }
0x9d: {  	[tilespmem:v10+s19+$0x0] =	vst.idx.msk vm13, v4  }
0x9e: {  	[tilespmem:v8+s19+$0x0] =	vst.idx.msk vm0, v4  }
0x9f: {  	[tilespmem:v13+s19+$0x0] =	vst.idx.msk vm1, v4  }
0xa0: {  	s17 =	smov.u32 s7;
	[tilespmem:v7+s19+$0x0] =	vst.idx.msk vm2, v4  }
0xa1: {  	s17 =	sshra.s32 s17, $0x2;
	[tilespmem:v5+s19+$0x0] =	vst.idx.msk vm3, v4  }
0xa2: {  	v5 =	vld [tilespmem:s17+$0x1010]  }
0xa3: {  	v6 =	vld [tilespmem:s17+$0x10]  }
0xa4: {  	v7 =	vld [tilespmem:s17+$0x1000]  }
0xa5: {  	v8 =	vld [tilespmem:s17+$0x0];
	_ =	sdelay $0x3  }
0xa6: {  	v5 =	vmul.f32 $2.700000000e+01, v5;
	v6 =	vmul.f32 $2.700000000e+01, v6  }
0xa7: {  	v7 =	vmul.f32 $2.700000000e+01, v7;
	v8 =	vmul.f32 $2.700000000e+01, v8  }
0xa8: {  	v5 =	vtrunc.f32 v5;
	v6 =	vtrunc.f32 v6  }
0xa9: {  	v8 =	vtrunc.f32 v8;
	v7 =	vtrunc.f32 v7  }
0xaa: {  	v6 =	vcvt.f32.s32 v6;
	v5 =	vcvt.f32.s32 v5  }
0xab: {  	v8 =	vcvt.f32.s32 v8;
	v7 =	vcvt.f32.s32 v7;
	_ =	sdelay $0x1  }
0xac: {  	v9 =	vsub.s32 v5, v7;
	v10 =	vsub.s32 v6, v8  }
0xad: {  	v11 =	vsub.s32 $0x0, v9;
	v12 =	vsub.s32 $0x0, v10  }
0xae: {  	v9 =	vmin.u32 v9, v11;
	v10 =	vmin.u32 v10, v12  }
0xaf: {  	vm2 =	vgt.s32 v9, v10  }
0xb0: {  	v9 =	vsel vm2, v7, v8;
	v7 =	vsel vm2, v8, v7;
	v8 =	vsel vm2, v5, v6  }
0xb1: {  	vm0 =	vgt.s32 v9, v8;
	v10 =	vsub.s32 v8, v9;
	v11 =	vsub.s32 v9, v8  }
0xb2: {  	v6 =	vsel vm2, v6, v5;
	v5 =	vsel vm0, v11, v10  }
0xb3: {  	v8 =	vsel vm0, v8, v9;
	v9 =	vsel vm0, v6, v7;
	vm14 =	vgt.s32 v5, $0x1  }
0xb4: {  	v11 =	vsel vm2, v8, v9;
	v10 =	vnsel vm14, $0x1, v5  }
0xb5: {  	v11 =	vmul.u32 $0x1C, v11  }
0xb6: {  	v6 =	vsel vm0, v7, v6;
	v8 =	vsel vm2, v9, v8  }
0xb7: {  	v7 =	vsub.s32 v6, v9;
	vm3 =	vgt.s32 v6, v9;
	v6 =	vadd.s32 v8, v11  }
0xb8: {  	v6 =	vshll.u32 v6, $0x4  }
0xb9: {  	vm0 =	vgt.s32 v5, $0xB;
	v9 =	vld.idx.msk [tilespmem:v10+s26+$0x0], $0xffff;
	v10 =	vor.u32 v1, v6;
	v6 =	vimm.s32 $0x0  }
0xba: {  	vm11 =	vgt.s32 v5, $0x8;
	vm15 =	vgt.s32 v5, $0x4;
	v6 =	vsel vm0, $0xFFFFFFFF, v6  }
0xbb: {  	vm13 =	vgt.s32 v5, $0x6;
	vm0 =	vgt.s32 v5, $0xC;
	[tilespmem:$0x1FFD0] =	vst v6;
	v6 =	vimm.s32 $0x0  }
0xbc: {  	vm12 =	vgt.s32 v5, $0x7;
	v12 =	vsub.s32 $0x0, v7;
	v6 =	vsel vm0, $0xFFFFFFFF, v6  }
0xbd: {  	v7 =	vmin.u32 v7, v12;
	vm0 =	vgt.s32 v5, $0xD;
	[tilespmem:$0x1FFE0] =	vst v6;
	v6 =	vimm.s32 $0x0  }
0xbe: {  	v11 =	vsel vm2, $0x10, v3;
	v6 =	vsel vm0, $0xFFFFFFFF, v6;
	vm0 =	vgt.s32 v5, $0xA  }
0xbf: {  	v9 =	vmul.u32 v9, v7;
	v7 =	vsub.s32 $0x0, v11;
	[tilespmem:$0x1FFF0] =	vst v6;
	v6 =	vimm.s32 $0x0  }
0xc0: {  	vm1 =	vgt.s32 v5, $0x2;
	v7 =	vsel vm3, v11, v7;
	v6 =	vsel vm0, $0xFFFFFFFF, v6  }
0xc1: {  	vm0 =	vgt.s32 v5, $0x3;
	v12 =	vshra.s32 v9, $0x14;
	v13 =	vshll.u32 v9, $0x1  }
0xc2: {  	v14 =	vmul.u32 $0xD, v9;
	[tilespmem:$0x1FFC0] =	vst v6;
	v6 =	vsel vm2, $0x1C0, v2;
	v12 =	vmul.u32 v7, v12  }
0xc3: {  	v16 =	vmul.u32 $0x7, v9;
	vm2 =	vgt.s32 v5, $0x0;
	v11 =	vadd.s32 v6, v10  }
0xc4: {  	v17 =	vmul.u32 $0xB, v9;
	v18 =	vmul.u32 $0x3, v9;
	v12 =	vadd.s32 v12, v11  }
0xc5: {  	v19 =	vmul.u32 $0x6, v9;
	v20 =	vshll.u32 v9, $0x2;
	v21 =	vshll.u32 v9, $0x3  }
0xc6: {  	v59 =	vmul.u32 $0x9, v9;
	v23 =	vmul.u32 $0xA, v9;
	v13 =	vshra.s32 v13, $0x14  }
0xc7: {  	[tilespmem:v10+s19+$0x0] =	vst.idx.msk $0xffff, v4;
	v20 =	vshra.s32 v20, $0x14;
	v13 =	vmul.u32 v7, v13;
	v10 =	vshra.s32 v18, $0x14  }
0xc8: {  	v16 =	vshra.s32 v16, $0x14;
	v11 =	vadd.s32 v6, v11;
	v10 =	vmul.u32 v7, v10  }
0xc9: {  	v13 =	vadd.s32 v13, v11;
	v11 =	vadd.s32 v6, v11;
	[tilespmem:v12+s19+$0x0] =	vst.idx.msk vm2, v4;
	v12 =	vmul.u32 $0x5, v9  }
0xca: {  	v19 =	vshra.s32 v19, $0x14;
	v18 =	vmul.u32 v7, v20;
	v10 =	vadd.s32 v10, v11  }
0xcb: {  	v20 =	vshra.s32 v21, $0x14;
	v21 =	vshra.s32 v59, $0x14;
	v12 =	vshra.s32 v12, $0x14  }
0xcc: {  	v19 =	vmul.u32 v7, v19;
	v11 =	vadd.s32 v6, v11;
	v12 =	vmul.u32 v7, v12  }
0xcd: {  	v16 =	vmul.u32 v7, v16;
	v18 =	vadd.s32 v18, v11;
	v11 =	vadd.s32 v6, v11  }
0xce: {  	v23 =	vshra.s32 v23, $0x14;
	v21 =	vmul.u32 v7, v21;
	[tilespmem:v13+s19+$0x0] =	vst.idx.msk vm14, v4;
	v12 =	vadd.s32 v12, v11  }
0xcf: {  	v20 =	vmul.u32 v7, v20;
	[tilespmem:v10+s19+$0x0] =	vst.idx.msk vm1, v4;
	v10 =	vadd.s32 v6, v11;
	vm1 =	vgt.s32 v5, $0x5  }
0xd0: {  	v11 =	vshra.s32 v14, $0x14;
	v14 =	vadd.s32 v6, v10;
	v10 =	vadd.s32 v19, v10  }
0xd1: {  	v13 =	vmul.u32 v7, v23;
	v16 =	vadd.s32 v16, v14;
	v14 =	vadd.s32 v6, v14  }
0xd2: {  	v22 =	vmul.u32 $0xC, v9;
	[tilespmem:v18+s19+$0x0] =	vst.idx.msk vm0, v4;
	v20 =	vadd.s32 v20, v14;
	v14 =	vadd.s32 v6, v14  }
0xd3: {  	vm10 =	vgt.s32 v5, $0x9;
	[tilespmem:v12+s19+$0x0] =	vst.idx.msk vm15, v4;
	v12 =	vadd.s32 v21, v14;
	v14 =	vadd.s32 v6, v14  }
0xd4: {  	v17 =	vshra.s32 v17, $0x14;
	v22 =	vshra.s32 v22, $0x14;
	v13 =	vadd.s32 v13, v14  }
0xd5: {  	v17 =	vmul.u32 v7, v17;
	v22 =	vmul.u32 v7, v22;
	[tilespmem:v10+s19+$0x0] =	vst.idx.msk vm1, v4  }
0xd6: {  	v11 =	vmul.u32 v7, v11;
	v14 =	vadd.s32 v6, v14;
	[tilespmem:v16+s19+$0x0] =	vst.idx.msk vm13, v4  }
0xd7: {  	v10 =	vadd.s32 v17, v14;
	v14 =	vadd.s32 v6, v14;
	[tilespmem:v20+s19+$0x0] =	vst.idx.msk vm12, v4  }
0xd8: {  	v17 =	vadd.s32 v22, v14;
	v14 =	vadd.s32 v6, v14;
	[tilespmem:v12+s19+$0x0] =	vst.idx.msk vm11, v4  }
0xd9: {  	v11 =	vadd.s32 v11, v14;
	[tilespmem:v13+s19+$0x0] =	vst.idx.msk vm10, v4;
	v13 =	vadd.s32 v6, v14;
	v14 =	vld [tilespmem:$0x1FFC0];
	_ =	sdelay $0x4  }
0xda: {  	vm0 =	vnez.u8 v14  }
0xdb: {  	v60 =	vmul.u32 $0xE, v9;
	_ =	sdelay $0x1  }
0xdc: {  	v19 =	vshra.s32 v60, $0x14  }
0xdd: {  	v19 =	vmul.u32 v7, v19;
	_ =	sdelay $0x1  }
0xde: {  	v14 =	vadd.s32 v19, v13;
	[tilespmem:v10+s19+$0x0] =	vst.idx.msk vm0, v4;
	v10 =	vadd.s32 v6, v13;
	v13 =	vld [tilespmem:$0x1FFD0];
	_ =	sdelay $0x4  }
0xdf: {  	v15 =	vmul.u32 $0x11, v9;
	vm0 =	vnez.u8 v13  }
0xe0: {  	vm9 =	vgt.s32 v5, $0x16;
	vm6 =	vgt.s32 v5, $0x14;
	v13 =	vld [tilespmem:$0x1FFE0]  }
0xe1: {  	vm5 =	vgt.s32 v5, $0x15;
	vm4 =	vgt.s32 v5, $0xE;
	v15 =	vshra.s32 v15, $0x14  }
0xe2: {  	vm8 =	vgt.s32 v5, $0xF;
	v62 =	vmul.u32 v7, v15;
	v15 =	vmul.u32 $0x12, v9  }
0xe3: {  	vm7 =	vgt.s32 v5, $0x10;
	v8 =	vimm.f32 $0.0e+00;
	v18 =	vmul.u32 $0xF, v9  }
0xe4: {  	v61 =	vshll.u32 v9, $0x4;
	v63 =	vshra.s32 v15, $0x14;
	vm14 =	vmmov vm6  }
0xe5: {  	v18 =	vshra.s32 v18, $0x14;
	vm15 =	vmmov vm8;
	[tilespmem:v17+s19+$0x0] =	vst.idx.msk vm0, v4;
	vm0 =	vnez.u8 v13  }
0xe6: {  	p0 =	sne.s32 s7, $0x1F80;
	vm8 =	vmmov vm4;
	v12 =	vmul.u32 v7, v18;
	v18 =	vshra.s32 v61, $0x14  }
.Ltmp1:
0xe7: {  	vm4 =	vmmov vm5;
	v16 =	vmul.u32 $0x13, v9;
	v18 =	vmul.u32 v7, v18;
	(pc) =	sbr.rel @p0 .LBB2_4-.Ltmp1, $4  }
0xe8: {  	v20 =	vmul.u32 $0x14, v9;
	v15 =	vadd.s32 v12, v10;
	v10 =	vadd.s32 v6, v10  }
0xe9: {  	vm13 =	vmmov vm9;
	v16 =	vshra.s32 v16, $0x14;
	v12 =	vadd.s32 v18, v10  }
0xea: {  	v18 =	vadd.s32 v6, v10;
	v10 =	vmul.u32 v7, v63;
	v17 =	vshra.s32 v20, $0x14  }
0xeb: {  	s7 =	sadd.s32 $0x40, s7;
	v13 =	vadd.s32 v62, v18;
	[tilespmem:v11+s19+$0x0] =	vst.idx.msk vm0, v4;
	v11 =	vadd.s32 v6, v18;
	v18 =	vmul.u32 $0x15, v9  }
0xec: {  	v24 =	vld [tilespmem:$0x1FFF0];
	_ =	sdelay $0x3  }
0xed: {  	v16 =	vmul.u32 v7, v16  }
0xee: {  	v19 =	vmul.u32 $0x16, v9;
	v17 =	vmul.u32 v7, v17;
	vm0 =	vnez.u8 v24  }
0xef: {  	v20 =	vmul.u32 $0x17, v9;
	v21 =	vmul.u32 $0x18, v9;
	v22 =	vmul.u32 $0x19, v9  }
0xf0: {  	v23 =	vmul.u32 $0x1A, v9;
	v9 =	vmul.u32 $0x1B, v9;
	vm10 =	vgt.s32 v5, $0x11  }
0xf1: {  	v10 =	vadd.s32 v10, v11;
	v11 =	vadd.s32 v6, v11;
	v18 =	vshra.s32 v18, $0x14  }
0xf2: {  	v19 =	vshra.s32 v19, $0x14;
	v18 =	vmul.u32 v7, v18;
	v20 =	vshra.s32 v20, $0x14  }
0xf3: {  	v21 =	vshra.s32 v21, $0x14;
	v22 =	vshra.s32 v22, $0x14;
	v19 =	vmul.u32 v7, v19  }
0xf4: {  	v9 =	vshra.s32 v9, $0x14;
	v20 =	vmul.u32 v7, v20;
	v21 =	vmul.u32 v7, v21;
	[tilespmem:v14+s19+$0x0] =	vst.idx.msk vm0, v4  }
0xf5: {  	vm1 =	vgt.s32 v5, $0x12;
	v22 =	vmul.u32 v7, v22;
	v9 =	vmul.u32 v7, v9;
	[tilespmem:v15+s19+$0x0] =	vst.idx.msk vm8, v4  }
0xf6: {  	vm2 =	vgt.s32 v5, $0x13;
	v14 =	vadd.s32 v16, v11;
	v11 =	vadd.s32 v6, v11;
	[tilespmem:v12+s19+$0x0] =	vst.idx.msk vm15, v4  }
0xf7: {  	[tilespmem:v13+s19+$0x0] =	vst.idx.msk vm7, v4;
	v13 =	vadd.s32 v17, v11;
	v11 =	vadd.s32 v6, v11  }
0xf8: {  	v12 =	vshra.s32 v23, $0x14;
	v15 =	vadd.s32 v18, v11;
	v11 =	vadd.s32 v6, v11  }
0xf9: {  	v7 =	vmul.u32 v7, v12;
	v12 =	vadd.s32 v19, v11;
	v11 =	vadd.s32 v6, v11  }
0xfa: {  	vm11 =	vgt.s32 v5, $0x17;
	[tilespmem:v10+s19+$0x0] =	vst.idx.msk vm10, v4;
	v10 =	vadd.s32 v20, v11;
	v11 =	vadd.s32 v6, v11  }
0xfb: {  	vm12 =	vgt.s32 v5, $0x18;
	[tilespmem:v14+s19+$0x0] =	vst.idx.msk vm1, v4;
	v14 =	vadd.s32 v21, v11;
	v11 =	vadd.s32 v6, v11  }
0xfc: {  	vm15 =	vgt.s32 v5, $0x19;
	[tilespmem:v13+s19+$0x0] =	vst.idx.msk vm2, v4;
	v13 =	vadd.s32 v22, v11;
	v11 =	vadd.s32 v6, v11  }
0xfd: {  	vm3 =	vgt.s32 v5, $0x1A;
	v6 =	vadd.s32 v6, v9;
	[tilespmem:v15+s19+$0x0] =	vst.idx.msk vm14, v4;
	v7 =	vadd.s32 v7, v11  }
0xfe: {  	v5 =	vadd.s32 v11, v6;
	[tilespmem:v12+s19+$0x0] =	vst.idx.msk vm4, v4  }
0xff: {  	[tilespmem:v10+s19+$0x0] =	vst.idx.msk vm13, v4  }
0x100: {  	[tilespmem:v14+s19+$0x0] =	vst.idx.msk vm11, v4  }
0x101: {  	[tilespmem:v13+s19+$0x0] =	vst.idx.msk vm12, v4  }
0x102: {  	[tilespmem:v7+s19+$0x0] =	vst.idx.msk vm15, v4  }
0x103: {  	s7 =	simm.s32 $0x0;
	[tilespmem:v5+s19+$0x0] =	vst.idx.msk vm3, v4  }
0x104: {  	v7 =	vld [tilespmem:s7+$0xA200]  }
0x105: {  	v12 =	vld [tilespmem:s7+$0x4000]  }
0x106: {  	v6 =	vld [tilespmem:s7+$0xA210]  }
0x107: {  	v9 =	vld [tilespmem:s7+$0x4010]  }
0x108: {  	[tilespmem:s7+$0xA200] =	vst v8;
	v5 =	vld [tilespmem:s7+$0xA220]  }
0x109: {  	[tilespmem:s7+$0xA210] =	vst v8;
	v10 =	vld [tilespmem:s7+$0x4020];
	v11 =	vadd.f32 v7, v8  }
0x10a: {  	s17 =	simm.s32 $0x100;
	v14 =	vimm.f32 $0.0e+00;
	[tilespmem:s7+$0xA220] =	vst v8;
	v13 =	vmul.f32 v12, v7;
	v12 =	vadd.f32 v12, v8;
	v7 =	vld [tilespmem:s7+$0xA230]  }
.LBB2_6:
0x10b: {  	s8 =	sshra.s32 s17, $0x2;
	p0 =	sne.s32 s17, $0xC300;
	s17 =	sadd.s32 $0x100, s17;
	v11 =	vadd.f32 v6, v11;
	v15 =	vld [tilespmem:s7+$0x4030]  }
0x10c: {  	v16 =	vld [tilespmem:s8+$0xA200];
	v13 =	vadd.f32 v13, v14;
	v14 =	vmul.f32 v9, v6;
	v9 =	vadd.f32 v9, v12  }
0x10d: {  	[tilespmem:s8+$0xA200] =	vst v8;
	v12 =	vld [tilespmem:s8+$0x4000];
	v11 =	vadd.f32 v5, v11  }
.Ltmp2:
0x10e: {  	v6 =	vld [tilespmem:s8+$0xA210];
	v13 =	vadd.f32 v14, v13;
	v14 =	vmul.f32 v10, v5;
	v10 =	vadd.f32 v10, v9;
	(pc) =	sbr.rel @p0 .LBB2_6-.Ltmp2, $4  }
0x10f: {  	[tilespmem:s8+$0xA210] =	vst v8;
	v9 =	vld [tilespmem:s8+$0x4010];
	v11 =	vadd.f32 v7, v11  }
0x110: {  	v5 =	vld [tilespmem:s8+$0xA220];
	v14 =	vadd.f32 v14, v13;
	[tilespmem:s7+$0xA230] =	vst v8;
	v17 =	vmul.f32 v15, v7;
	v7 =	vadd.f32 v15, v10;
	s7 =	smov.u32 s8  }
0x111: {  	v11 =	vadd.f32 v16, v11;
	[tilespmem:s7+$0xA220] =	vst v8;
	v10 =	vld [tilespmem:s7+$0x4020]  }
0x112: {  	v13 =	vmul.f32 v12, v16;
	v12 =	vadd.f32 v12, v7;
	v7 =	vld [tilespmem:s7+$0xA230];
	v14 =	vadd.f32 v17, v14  }
0x113: {  	v15 =	vld [tilespmem:s7+$0x4030];
	[tilespmem:s7+$0xA230] =	vst v8;
	s8 =	simm.s32 $0x0  }
0x114: {  	v16 =	vld [tilespmem:s8+$0x0]  }
0x115: {  	v17 =	vld [tilespmem:s8+$0x2000]  }
0x116: {  	v13 =	vadd.f32 v13, v14;
	v14 =	vmul.f32 v9, v6;
	v18 =	vld [tilespmem:s8+$0x1000]  }
0x117: {  	v6 =	vadd.f32 v6, v11;
	v11 =	vadd.f32 v9, v12;
	v19 =	vld [tilespmem:s8+$0x3000]  }
0x118: {  	v9 =	vld [tilespmem:s8+$0x10];
	v12 =	vadd.f32 v14, v13;
	v13 =	vmul.f32 v10, v5  }
0x119: {  	v5 =	vadd.f32 v5, v6;
	v6 =	vadd.f32 v10, v11;
	v11 =	vld [tilespmem:s8+$0x2010]  }
0x11a: {  	v10 =	vld [tilespmem:s8+$0x1010];
	v12 =	vadd.f32 v13, v12;
	v14 =	vmul.f32 v15, v7;
	v16 =	vsub.f32 v16, v17  }
0x11b: {  	s7 =	simm.s32 $0x20;
	v7 =	vadd.f32 v7, v5;
	v6 =	vadd.f32 v15, v6;
	v13 =	vld [tilespmem:s8+$0x3010]  }
0x11c: {  	s17 =	simm.s32 $0x100;
	v15 =	vsub.f32 v18, v19;
	v5 =	vadd.f32 v14, v12;
	v12 =	vld [tilespmem:s7+$0x0];
	v14 =	vmul.f32 v16, v16  }
.LBB2_8:
0x11d: {  	p0 =	sne.s32 s17, $0x1F80;
	v16 =	vld [tilespmem:s7+$0x2000]  }
0x11e: {  	v17 =	vld [tilespmem:s7+$0x1000];
	v8 =	vadd.f32 v14, v8;
	v14 =	vmul.f32 v15, v15;
	v11 =	vsub.f32 v9, v11  }
0x11f: {  	v15 =	vld [tilespmem:s7+$0x3000]  }
.Ltmp3:
0x120: {  	v9 =	vld [tilespmem:s7+$0x10];
	v8 =	vadd.f32 v14, v8;
	v13 =	vsub.f32 v10, v13;
	v14 =	vmul.f32 v11, v11;
	(pc) =	sbr.rel @p0 .LBB2_8-.Ltmp3, $4  }
0x121: {  	v11 =	vld [tilespmem:s7+$0x2010]  }
0x122: {  	v16 =	vsub.f32 v12, v16;
	v10 =	vld [tilespmem:s7+$0x1010];
	v8 =	vadd.f32 v14, v8;
	v18 =	vmul.f32 v13, v13  }
0x123: {  	v13 =	vld [tilespmem:s7+$0x3010];
	s7 =	sshra.s32 s17, $0x2  }
0x124: {  	s17 =	sadd.s32 $0x80, s17;
	v12 =	vld [tilespmem:s7+$0x0];
	v15 =	vsub.f32 v17, v15;
	v14 =	vmul.f32 v16, v16;
	v8 =	vadd.f32 v18, v8  }
0x125: {  	v16 =	vld [tilespmem:s7+$0x2000]  }
0x126: {  	v17 =	vld [tilespmem:s7+$0x1000]  }
0x127: {  	v18 =	vld [tilespmem:s7+$0x3000]  }
0x128: {  	v19 =	vld [tilespmem:s7+$0x10]  }
0x129: {  	v20 =	vld [tilespmem:s7+$0x2010]  }
0x12a: {  	v21 =	vld [tilespmem:s7+$0x1010]  }
0x12b: {  	v22 =	vld [tilespmem:s7+$0x3010];
	_ =	swait.ge [sflag:s6], $0x800  }
0x12c: {  	[sflag:s6] =	ssyncset.done $0x0  }
0x12d: {  	[sflag:s6] =	ssyncadd.s32 $0xFFFFF800  }
0x12e: {  	_ =	swait.ge [sflag:s6], $0x800  }
0x12f: {  	[sflag:s6] =	ssyncset.done $0x0  }
0x130: {  	[sflag:s6] =	ssyncadd.s32 $0xFFFFF800  }
0x131: {  	_ =	swait.ge [sflag:s6], $0x800  }
0x132: {  	[sflag:s6] =	ssyncset.done $0x0  }
0x133: {  	[sflag:s6] =	ssyncadd.s32 $0xFFFFF800  }
0x134: {  	_ =	swait.ge [sflag:s6], $0x800  }
0x135: {  	[sflag:s6] =	ssyncset.done $0x0  }
0x136: {  	[sflag:s6] =	ssyncadd.s32 $0xFFFFF800  }
0x137: {  	_ =	swait.ge [sflag:s6], $0x3100  }
0x138: {  	[sflag:s6] =	ssyncset.done $0x0  }
0x139: {  	s8 =	simm.s32 $0x0;
	[sflag:s6] =	ssyncadd.s32 $0xFFFFCF00  }
0x13a: {  	[tilespmem:s8], [sflag:$0x1] =	stream.strided.gather [hbm4b:s9+s29], $0x800, s30, s29, $0x38;
	[tilespmem:$0xD400] =	vst v63  }
0x13b: {  	s17 =	simm.s32 $0x1000  }
0x13c: {  	[tilespmem:s17], [sflag:$0x1] =	stream.strided.gather [hbm4b:s10+s29], $0x800, s30, s29, $0x38;
	[tilespmem:$0xD400] =	vst v63  }
0x13d: {  	s8 =	simm.s32 $0x2000  }
0x13e: {  	[tilespmem:s8], [sflag:$0x1] =	stream.strided.gather [hbm4b:s11+s29], $0x800, s30, s29, $0x38;
	[tilespmem:$0xD400] =	vst v63  }
0x13f: {  	s17 =	simm.s32 $0x3000  }
0x140: {  	[tilespmem:s17], [sflag:$0x1] =	stream.strided.gather [hbm4b:s12+s29], $0x800, s30, s29, $0x38;
	[tilespmem:$0xD400] =	vst v63  }
0x141: {  	s8 =	simm.s32 $0x4000;
	s17 =	simm.s32 $0x0  }
0x142: {  	[tilespmem:s8], [sflag:$0x1] =	stream.strided.gather [hbm4b:s21+s29], $0x3100, s30, s29, $0x38;
	[tilespmem:$0xD400] =	vst v63  }
0x143: {  	v23 =	vld [tilespmem:s17+$0x1810]  }
0x144: {  	v24 =	vld [tilespmem:s17+$0x810]  }
0x145: {  	v9 =	vsub.f32 v9, v11;
	v11 =	vld [tilespmem:s17+$0x1800]  }
0x146: {  	v10 =	vsub.f32 v10, v13;
	v13 =	vld [tilespmem:s17+$0x800]  }
0x147: {  	v12 =	vsub.f32 v12, v16  }
0x148: {  	v15 =	vmul.f32 v15, v15;
	v8 =	vadd.f32 v14, v8;
	v9 =	vmul.f32 v9, v9  }
0x149: {  	v10 =	vmul.f32 v10, v10;
	v12 =	vmul.f32 v12, v12  }
0x14a: {  	v8 =	vadd.f32 v15, v8;
	v14 =	vmul.f32 $2.700000000e+01, v23;
	v16 =	vmul.f32 $2.700000000e+01, v24  }
0x14b: {  	v11 =	vmul.f32 $2.700000000e+01, v11;
	v13 =	vmul.f32 $2.700000000e+01, v13  }
0x14c: {  	v8 =	vadd.f32 v9, v8;
	v14 =	vtrunc.f32 v14;
	v15 =	vtrunc.f32 v16  }
0x14d: {  	v13 =	vtrunc.f32 v13;
	v11 =	vtrunc.f32 v11  }
0x14e: {  	v8 =	vadd.f32 v10, v8;
	v9 =	vcvt.f32.s32 v15;
	v14 =	vcvt.f32.s32 v14  }
0x14f: {  	v10 =	vcvt.f32.s32 v13;
	v11 =	vcvt.f32.s32 v11;
	v13 =	vsub.f32 v17, v18  }
0x150: {  	v8 =	vadd.f32 v12, v8  }
0x151: {  	v12 =	vsub.s32 v14, v11;
	v15 =	vsub.s32 v9, v10;
	v13 =	vmul.f32 v13, v13  }
0x152: {  	v18 =	vsub.f32 v19, v20;
	v16 =	vsub.s32 $0x0, v12;
	v17 =	vsub.s32 $0x0, v15  }
0x153: {  	v12 =	vmin.u32 v12, v16;
	v15 =	vmin.u32 v15, v17;
	v8 =	vadd.f32 v13, v8  }
0x154: {  	v13 =	vsub.f32 v21, v22;
	vm0 =	vgt.s32 v12, v15;
	v12 =	vmul.f32 v18, v18  }
0x155: {  	v15 =	vsel vm0, v11, v10;
	v16 =	vsel vm0, v14, v9;
	v10 =	vsel vm0, v10, v11  }
0x156: {  	vm1 =	vgt.s32 v15, v16;
	v17 =	vsub.s32 v16, v15;
	v18 =	vsub.s32 v15, v16  }
0x157: {  	v11 =	vsel vm0, v9, v14;
	v13 =	vmul.f32 v13, v13;
	v9 =	vsel vm1, v18, v17  }
0x158: {  	v8 =	vadd.f32 v12, v8;
	v14 =	vsel vm1, v16, v15;
	vm11 =	vgt.s32 v9, $0x1  }
0x159: {  	v15 =	vsel vm1, v11, v10;
	v10 =	vsel vm1, v10, v11;
	v12 =	vnsel vm11, $0x1, v9  }
0x15a: {  	v16 =	vsel vm0, v14, v15;
	v14 =	vsel vm0, v15, v14;
	v8 =	vadd.f32 v13, v8  }
0x15b: {  	vm1 =	vgt.s32 v10, v15;
	vm15 =	vgt.s32 v9, $0x14;
	v11 =	vmul.u32 $0x1C, v16  }
0x15c: {  	vm14 =	vgt.s32 v9, $0x15;
	vm7 =	vgt.s32 v9, $0x9;
	vm6 =	vgt.s32 v9, $0xF  }
0x15d: {  	vm4 =	vgt.s32 v9, $0x10;
	vm3 =	vgt.s32 v9, $0xC;
	v11 =	vadd.s32 v14, v11  }
0x15e: {  	vm2 =	vgt.s32 v9, $0xD;
	v16 =	vsub.s32 v10, v15;
	v10 =	vshll.u32 v11, $0x4;
	v11 =	vld.idx.msk [tilespmem:v12+s26+$0x0], $0xffff  }
0x15f: {  	vm5 =	vgt.s32 v9, $0xE;
	vm10 =	vgt.s32 v9, $0x8;
	vm9 =	vgt.s32 v9, $0xA  }
0x160: {  	vm8 =	vgt.s32 v9, $0xB;
	vm12 =	vgt.s32 v9, $0x4;
	vm13 =	vgt.s32 v9, $0x2  }
0x161: {  	v13 =	vsub.s32 $0x0, v16;
	v14 =	vor.u32 v1, v10;
	v10 =	vimm.s32 $0x0  }
0x162: {  	v15 =	vsel vm0, $0x10, v3;
	v13 =	vmin.u32 v16, v13;
	v10 =	vsel vm2, $0xFFFFFFFF, v10  }
0x163: {  	vm2 =	vgt.s32 v9, $0x6;
	[tilespmem:$0x1FFB0] =	vst v10;
	v10 =	vsel vm0, $0x1C0, v2;
	v12 =	vmul.u32 v11, v13  }
0x164: {  	vm0 =	vgt.s32 v9, $0x3;
	v11 =	vsub.s32 $0x0, v15;
	v13 =	vadd.s32 v10, v14  }
0x165: {  	v11 =	vsel vm1, v15, v11;
	vm1 =	vgt.s32 v9, $0x0;
	v15 =	vshra.s32 v12, $0x14  }
0x166: {  	v16 =	vshll.u32 v12, $0x1;
	v17 =	vmul.u32 $0xD, v12;
	v18 =	vmul.u32 $0x11, v12  }
0x167: {  	v19 =	vmul.u32 $0x7, v12;
	v20 =	vmul.u32 $0xB, v12;
	v21 =	vmul.u32 $0x3, v12  }
0x168: {  	v22 =	vmul.u32 $0x6, v12;
	v23 =	vshll.u32 v12, $0x2;
	v60 =	vshll.u32 v12, $0x3  }
0x169: {  	v25 =	vmul.u32 $0x5, v12;
	v26 =	vmul.u32 $0x9, v12;
	v27 =	vmul.u32 $0xC, v12  }
0x16a: {  	v28 =	vmul.u32 $0xA, v12;
	v15 =	vmul.u32 v11, v15;
	v16 =	vshra.s32 v16, $0x14  }
0x16b: {  	v23 =	vshra.s32 v23, $0x14;
	v24 =	vshra.s32 v60, $0x14;
	v16 =	vmul.u32 v11, v16  }
0x16c: {  	v20 =	vshra.s32 v20, $0x14;
	v19 =	vshra.s32 v19, $0x14;
	v22 =	vshra.s32 v22, $0x14  }
0x16d: {  	v21 =	vshra.s32 v21, $0x14;
	v23 =	vmul.u32 v11, v23;
	v25 =	vshra.s32 v25, $0x14  }
0x16e: {  	v26 =	vshra.s32 v26, $0x14;
	v28 =	vshra.s32 v28, $0x14;
	v24 =	vmul.u32 v11, v24  }
0x16f: {  	[tilespmem:v14+s19+$0x0] =	vst.idx.msk $0xffff, v4;
	v27 =	vshra.s32 v27, $0x14;
	v17 =	vshra.s32 v17, $0x14;
	v18 =	vshra.s32 v18, $0x14  }
0x170: {  	v15 =	vadd.s32 v15, v13;
	v13 =	vadd.s32 v10, v13;
	v20 =	vmul.u32 v11, v20  }
0x171: {  	v22 =	vmul.u32 v11, v22;
	v21 =	vmul.u32 v11, v21;
	v25 =	vmul.u32 v11, v25  }
0x172: {  	v19 =	vmul.u32 v11, v19;
	v16 =	vadd.s32 v16, v13;
	v13 =	vadd.s32 v10, v13  }
0x173: {  	v26 =	vmul.u32 v11, v26;
	v21 =	vadd.s32 v21, v13;
	v13 =	vadd.s32 v10, v13  }
0x174: {  	v28 =	vmul.u32 v11, v28;
	v23 =	vadd.s32 v23, v13;
	v13 =	vadd.s32 v10, v13  }
0x175: {  	v27 =	vmul.u32 v11, v27;
	v25 =	vadd.s32 v25, v13;
	v13 =	vadd.s32 v10, v13  }
0x176: {  	v62 =	vmul.u32 v11, v18;
	v14 =	vadd.s32 v10, v13;
	[tilespmem:v15+s19+$0x0] =	vst.idx.msk vm1, v4;
	vm1 =	vgt.s32 v9, $0x5  }
0x177: {  	v61 =	vshll.u32 v12, $0x4;
	v13 =	vadd.s32 v22, v13;
	[tilespmem:v16+s19+$0x0] =	vst.idx.msk vm11, v4;
	v16 =	vmul.u32 v11, v17  }
0x178: {  	vm11 =	vgt.s32 v9, $0x7;
	v19 =	vadd.s32 v19, v14;
	v14 =	vadd.s32 v10, v14  }
0x179: {  	v18 =	vmul.u32 $0x12, v12;
	[tilespmem:v21+s19+$0x0] =	vst.idx.msk vm13, v4;
	v21 =	vadd.s32 v24, v14;
	v14 =	vadd.s32 v10, v14  }
0x17a: {  	v15 =	vmul.u32 $0xE, v12;
	[tilespmem:v23+s19+$0x0] =	vst.idx.msk vm0, v4;
	v22 =	vadd.s32 v26, v14;
	v14 =	vadd.s32 v10, v14  }
0x17b: {  	v17 =	vmul.u32 $0xF, v12;
	[tilespmem:v25+s19+$0x0] =	vst.idx.msk vm12, v4;
	v23 =	vadd.s32 v28, v14;
	v14 =	vadd.s32 v10, v14  }
0x17c: {  	v15 =	vshra.s32 v15, $0x14;
	[tilespmem:v13+s19+$0x0] =	vst.idx.msk vm1, v4;
	v13 =	vadd.s32 v20, v14;
	v14 =	vadd.s32 v10, v14  }
0x17d: {  	v63 =	vshra.s32 v18, $0x14;
	v15 =	vmul.u32 v11, v15;
	[tilespmem:v19+s19+$0x0] =	vst.idx.msk vm2, v4;
	v20 =	vadd.s32 v27, v14  }
0x17e: {  	v17 =	vshra.s32 v17, $0x14;
	v14 =	vadd.s32 v10, v14;
	v19 =	vmul.u32 $0x13, v12;
	[tilespmem:v21+s19+$0x0] =	vst.idx.msk vm11, v4  }
0x17f: {  	[tilespmem:v22+s19+$0x0] =	vst.idx.msk vm10, v4;
	v22 =	vadd.s32 v16, v14;
	v16 =	vmul.u32 v11, v17;
	v17 =	vshra.s32 v61, $0x14  }
0x180: {  	v21 =	vmul.u32 $0x14, v12;
	v14 =	vadd.s32 v10, v14;
	[tilespmem:v23+s19+$0x0] =	vst.idx.msk vm7, v4;
	v23 =	vmul.u32 v11, v17  }
0x181: {  	v19 =	vshra.s32 v19, $0x14;
	v17 =	vadd.s32 v15, v14;
	[tilespmem:v13+s19+$0x0] =	vst.idx.msk vm9, v4;
	v13 =	vadd.s32 v10, v14  }
0x182: {  	[tilespmem:v20+s19+$0x0] =	vst.idx.msk vm8, v4;
	v18 =	vadd.s32 v16, v13;
	v13 =	vadd.s32 v10, v13;
	v20 =	vshra.s32 v21, $0x14  }
0x183: {  	v16 =	vadd.s32 v23, v13;
	v15 =	vadd.s32 v10, v13;
	v13 =	vmul.u32 v11, v63  }
0x184: {  	s7 =	simm.s32 $0x40;
	v21 =	vmul.u32 $0x15, v12;
	[tilespmem:v22+s19+$0x0] =	vst.idx.msk vm3, v4;
	v14 =	vadd.s32 v62, v15;
	v15 =	vadd.s32 v10, v15  }
.LBB2_10:
0x185: {  	v23 =	vld [tilespmem:$0x1FFB0];
	_ =	sdelay $0x4  }
0x186: {  	vm0 =	vnez.u8 v23;
	_ =	sdelay $0x2  }
0x187: {  	v19 =	vmul.u32 v11, v19;
	v20 =	vmul.u32 v11, v20;
	v22 =	vmul.u32 $0x16, v12  }
0x188: {  	vm11 =	vgt.s32 v9, $0x11;
	vm1 =	vgt.s32 v9, $0x12;
	vm2 =	vgt.s32 v9, $0x13  }
0x189: {  	vm3 =	vgt.s32 v9, $0x16;
	v13 =	vadd.s32 v13, v15;
	v15 =	vadd.s32 v10, v15  }
0x18a: {  	v19 =	vadd.s32 v19, v15;
	[tilespmem:v17+s19+$0x0] =	vst.idx.msk vm0, v4;
	v17 =	vshra.s32 v21, $0x14;
	v21 =	vmul.u32 $0x17, v12  }
0x18b: {  	v15 =	vadd.s32 v10, v15;
	v23 =	vmul.u32 $0x18, v12;
	[tilespmem:v18+s19+$0x0] =	vst.idx.msk vm5, v4;
	v18 =	vshra.s32 v22, $0x14  }
0x18c: {  	v22 =	vmul.u32 $0x19, v12;
	[tilespmem:v16+s19+$0x0] =	vst.idx.msk vm6, v4;
	v16 =	vmul.u32 v11, v18;
	v18 =	vshra.s32 v21, $0x14  }
0x18d: {  	v17 =	vmul.u32 v11, v17;
	v21 =	vshra.s32 v23, $0x14;
	[tilespmem:v14+s19+$0x0] =	vst.idx.msk vm4, v4;
	v14 =	vmul.u32 v11, v18  }
0x18e: {  	v18 =	vmul.u32 v11, v21;
	v21 =	vshra.s32 v22, $0x14;
	v22 =	vmul.u32 $0x1A, v12  }
0x18f: {  	v20 =	vadd.s32 v20, v15;
	v15 =	vadd.s32 v10, v15;
	v12 =	vmul.u32 $0x1B, v12  }
0x190: {  	v17 =	vadd.s32 v17, v15;
	v15 =	vadd.s32 v10, v15;
	v22 =	vshra.s32 v22, $0x14  }
0x191: {  	v21 =	vmul.u32 v11, v21;
	v12 =	vshra.s32 v12, $0x14;
	v22 =	vmul.u32 v11, v22  }
0x192: {  	v11 =	vmul.u32 v11, v12;
	v12 =	vadd.s32 v16, v15;
	v15 =	vadd.s32 v10, v15  }
0x193: {  	vm9 =	vgt.s32 v9, $0x17;
	[tilespmem:v13+s19+$0x0] =	vst.idx.msk vm11, v4;
	v13 =	vadd.s32 v14, v15;
	v14 =	vadd.s32 v10, v15  }
0x194: {  	vm10 =	vgt.s32 v9, $0x18;
	[tilespmem:v19+s19+$0x0] =	vst.idx.msk vm1, v4;
	v15 =	vadd.s32 v18, v14;
	v14 =	vadd.s32 v10, v14  }
0x195: {  	vm11 =	vgt.s32 v9, $0x19;
	[tilespmem:v20+s19+$0x0] =	vst.idx.msk vm2, v4;
	v16 =	vadd.s32 v21, v14;
	v14 =	vadd.s32 v10, v14  }
0x196: {  	vm4 =	vgt.s32 v9, $0x1A;
	[tilespmem:v17+s19+$0x0] =	vst.idx.msk vm15, v4;
	v9 =	vadd.s32 v10, v11;
	v17 =	vadd.s32 v22, v14  }
0x197: {  	v9 =	vadd.s32 v14, v9;
	[tilespmem:v12+s19+$0x0] =	vst.idx.msk vm14, v4  }
0x198: {  	[tilespmem:v13+s19+$0x0] =	vst.idx.msk vm3, v4  }
0x199: {  	[tilespmem:v15+s19+$0x0] =	vst.idx.msk vm9, v4  }
0x19a: {  	[tilespmem:v16+s19+$0x0] =	vst.idx.msk vm10, v4  }
0x19b: {  	s17 =	smov.u32 s7;
	[tilespmem:v17+s19+$0x0] =	vst.idx.msk vm11, v4  }
0x19c: {  	s8 =	sshra.s32 s17, $0x2;
	[tilespmem:v9+s19+$0x0] =	vst.idx.msk vm4, v4  }
0x19d: {  	v9 =	vld [tilespmem:s8+$0x1810]  }
0x19e: {  	v10 =	vld [tilespmem:s8+$0x810]  }
0x19f: {  	v11 =	vld [tilespmem:s8+$0x1800]  }
0x1a0: {  	v12 =	vld [tilespmem:s8+$0x800];
	_ =	sdelay $0x3  }
0x1a1: {  	v9 =	vmul.f32 $2.700000000e+01, v9;
	v10 =	vmul.f32 $2.700000000e+01, v10  }
0x1a2: {  	v11 =	vmul.f32 $2.700000000e+01, v11;
	v12 =	vmul.f32 $2.700000000e+01, v12  }
0x1a3: {  	v9 =	vtrunc.f32 v9;
	v10 =	vtrunc.f32 v10  }
0x1a4: {  	v12 =	vtrunc.f32 v12;
	v11 =	vtrunc.f32 v11  }
0x1a5: {  	v10 =	vcvt.f32.s32 v10;
	v9 =	vcvt.f32.s32 v9  }
0x1a6: {  	v12 =	vcvt.f32.s32 v12;
	v11 =	vcvt.f32.s32 v11;
	_ =	sdelay $0x1  }
0x1a7: {  	v13 =	vsub.s32 v9, v11;
	v14 =	vsub.s32 v10, v12  }
0x1a8: {  	v15 =	vsub.s32 $0x0, v13;
	v16 =	vsub.s32 $0x0, v14  }
0x1a9: {  	v13 =	vmin.u32 v13, v15;
	v14 =	vmin.u32 v14, v16  }
0x1aa: {  	vm1 =	vgt.s32 v13, v14  }
0x1ab: {  	v13 =	vsel vm1, v11, v12;
	v11 =	vsel vm1, v12, v11;
	v12 =	vsel vm1, v9, v10  }
0x1ac: {  	vm9 =	vgt.s32 v13, v12;
	v14 =	vsub.s32 v12, v13;
	v15 =	vsub.s32 v13, v12  }
0x1ad: {  	v10 =	vsel vm1, v10, v9;
	v9 =	vsel vm9, v15, v14  }
0x1ae: {  	vm13 =	vgt.s32 v9, $0x1  }
0x1af: {  	v14 =	vnsel vm13, $0x1, v9  }
0x1b0: {  	v12 =	vsel vm9, v12, v13;
	v13 =	vsel vm9, v10, v11  }
0x1b1: {  	v15 =	vsel vm1, v12, v13  }
0x1b2: {  	v15 =	vmul.u32 $0x1C, v15  }
0x1b3: {  	v10 =	vsel vm9, v11, v10;
	v12 =	vsel vm1, v13, v12  }
0x1b4: {  	v11 =	vsub.s32 v10, v13;
	vm2 =	vgt.s32 v10, v13;
	v10 =	vadd.s32 v12, v15;
	v12 =	vld.idx.msk [tilespmem:v14+s26+$0x0], $0xffff  }
0x1b5: {  	vm10 =	vgt.s32 v9, $0x9;
	v10 =	vshll.u32 v10, $0x4  }
0x1b6: {  	vm11 =	vgt.s32 v9, $0xC;
	v13 =	vor.u32 v1, v10;
	v10 =	vimm.s32 $0x0  }
0x1b7: {  	vm9 =	vgt.s32 v9, $0xD;
	v16 =	vsub.s32 $0x0, v11;
	v10 =	vsel vm10, $0xFFFFFFFF, v10  }
0x1b8: {  	vm14 =	vgt.s32 v9, $0x4;
	v11 =	vmin.u32 v11, v16;
	[tilespmem:$0x1FF90] =	vst v10;
	v10 =	vimm.s32 $0x0  }
0x1b9: {  	v14 =	vsel vm1, $0x10, v3;
	v10 =	vsel vm11, $0xFFFFFFFF, v10;
	v12 =	vmul.u32 v12, v11  }
0x1ba: {  	vm12 =	vgt.s32 v9, $0x6;
	[tilespmem:$0x1FFA0] =	vst v10;
	v10 =	vimm.s32 $0x0;
	v11 =	vsub.s32 $0x0, v14  }
0x1bb: {  	v10 =	vsel vm9, $0xFFFFFFFF, v10;
	v11 =	vsel vm2, v14, v11;
	v15 =	vshra.s32 v12, $0x14  }
0x1bc: {  	vm0 =	vgt.s32 v9, $0x2;
	[tilespmem:$0x1FFB0] =	vst v10;
	v10 =	vsel vm1, $0x1C0, v2;
	v15 =	vmul.u32 v11, v15  }
0x1bd: {  	vm15 =	vgt.s32 v9, $0x3;
	vm1 =	vgt.s32 v9, $0x0;
	v14 =	vadd.s32 v10, v13  }
0x1be: {  	vm11 =	vgt.s32 v9, $0x7;
	v16 =	vshll.u32 v12, $0x1;
	v15 =	vadd.s32 v15, v14  }
0x1bf: {  	v17 =	vmul.u32 $0xD, v12;
	v19 =	vmul.u32 $0x7, v12;
	v21 =	vmul.u32 $0x3, v12  }
0x1c0: {  	v22 =	vmul.u32 $0x6, v12;
	v23 =	vshll.u32 v12, $0x2;
	v16 =	vshra.s32 v16, $0x14  }
0x1c1: {  	[tilespmem:v13+s19+$0x0] =	vst.idx.msk $0xffff, v4;
	v24 =	vshll.u32 v12, $0x3;
	v16 =	vmul.u32 v11, v16;
	v13 =	vshra.s32 v21, $0x14  }
0x1c2: {  	v58 =	vmul.u32 $0x9, v12;
	v14 =	vadd.s32 v10, v14;
	v13 =	vmul.u32 v11, v13  }
0x1c3: {  	v16 =	vadd.s32 v16, v14;
	v14 =	vadd.s32 v10, v14;
	[tilespmem:v15+s19+$0x0] =	vst.idx.msk vm1, v4;
	v15 =	vmul.u32 $0x5, v12  }
0x1c4: {  	v23 =	vshra.s32 v23, $0x14;
	v19 =	vshra.s32 v19, $0x14;
	v13 =	vadd.s32 v13, v14  }
0x1c5: {  	v22 =	vshra.s32 v22, $0x14;
	v21 =	vmul.u32 v11, v23;
	v15 =	vshra.s32 v15, $0x14  }
0x1c6: {  	v23 =	vshra.s32 v24, $0x14;
	v14 =	vadd.s32 v10, v14;
	v15 =	vmul.u32 v11, v15  }
0x1c7: {  	v22 =	vmul.u32 v11, v22;
	v21 =	vadd.s32 v21, v14;
	v14 =	vadd.s32 v10, v14  }
0x1c8: {  	v24 =	vshra.s32 v58, $0x14;
	v19 =	vmul.u32 v11, v19;
	[tilespmem:v16+s19+$0x0] =	vst.idx.msk vm13, v4;
	v15 =	vadd.s32 v15, v14  }
0x1c9: {  	v23 =	vmul.u32 v11, v23;
	[tilespmem:v13+s19+$0x0] =	vst.idx.msk vm0, v4;
	v13 =	vadd.s32 v10, v14;
	vm0 =	vgt.s32 v9, $0x5  }
0x1ca: {  	v14 =	vshra.s32 v17, $0x14;
	v17 =	vadd.s32 v10, v13;
	v13 =	vadd.s32 v22, v13  }
0x1cb: {  	v24 =	vmul.u32 v11, v24;
	v19 =	vadd.s32 v19, v17;
	v17 =	vadd.s32 v10, v17  }
0x1cc: {  	vm10 =	vgt.s32 v9, $0x8;
	[tilespmem:v21+s19+$0x0] =	vst.idx.msk vm15, v4;
	v23 =	vadd.s32 v23, v17;
	v17 =	vadd.s32 v10, v17  }
0x1cd: {  	v62 =	vld [tilespmem:$0x1FF90];
	[tilespmem:v15+s19+$0x0] =	vst.idx.msk vm14, v4;
	v15 =	vadd.s32 v24, v17  }
0x1ce: {  	vm9 =	vgt.s32 v9, $0xA;
	v26 =	vmul.u32 $0xA, v12  }
0x1cf: {  	v18 =	vmul.u32 $0x11, v12;
	v20 =	vmul.u32 $0xB, v12;
	v25 =	vmul.u32 $0xC, v12;
	[tilespmem:v13+s19+$0x0] =	vst.idx.msk vm0, v4  }
0x1d0: {  	v59 =	vmul.u32 $0xE, v12;
	v60 =	vshll.u32 v12, $0x4;
	v26 =	vshra.s32 v26, $0x14;
	[tilespmem:v19+s19+$0x0] =	vst.idx.msk vm12, v4  }
0x1d1: {  	v20 =	vshra.s32 v20, $0x14;
	v25 =	vshra.s32 v25, $0x14;
	v16 =	vmul.u32 v11, v26;
	[tilespmem:v23+s19+$0x0] =	vst.idx.msk vm11, v4  }
0x1d2: {  	v20 =	vmul.u32 v11, v20;
	v17 =	vadd.s32 v10, v17;
	[tilespmem:v15+s19+$0x0] =	vst.idx.msk vm10, v4;
	vm10 =	vnez.u8 v62  }
0x1d3: {  	v18 =	vshra.s32 v18, $0x14;
	v16 =	vadd.s32 v16, v17;
	v17 =	vadd.s32 v10, v17  }
0x1d4: {  	v25 =	vmul.u32 v11, v25;
	v21 =	vmul.u32 $0xF, v12;
	v13 =	vadd.s32 v20, v17  }
0x1d5: {  	v61 =	vmul.u32 v11, v18;
	v18 =	vmul.u32 $0x12, v12;
	v22 =	vshra.s32 v59, $0x14  }
0x1d6: {  	v21 =	vshra.s32 v21, $0x14;
	v14 =	vmul.u32 v11, v14;
	v17 =	vadd.s32 v10, v17  }
0x1d7: {  	v22 =	vmul.u32 v11, v22;
	v20 =	vadd.s32 v25, v17;
	v17 =	vadd.s32 v10, v17  }
0x1d8: {  	v15 =	vmul.u32 v11, v21;
	v21 =	vshra.s32 v60, $0x14;
	[tilespmem:v16+s19+$0x0] =	vst.idx.msk vm10, v4;
	v16 =	vadd.s32 v10, v17  }
0x1d9: {  	v21 =	vmul.u32 v11, v21;
	[tilespmem:v13+s19+$0x0] =	vst.idx.msk vm9, v4;
	v13 =	vadd.s32 v10, v16  }
0x1da: {  	v63 =	vshra.s32 v18, $0x14;
	v18 =	vadd.s32 v15, v13;
	v13 =	vadd.s32 v10, v13  }
0x1db: {  	v14 =	vadd.s32 v14, v17;
	v17 =	vadd.s32 v22, v16;
	v16 =	vadd.s32 v21, v13;
	v21 =	vld [tilespmem:$0x1FFA0];
	_ =	sdelay $0x3  }
0x1dc: {  	vm8 =	vgt.s32 v9, $0xB  }
0x1dd: {  	vm11 =	vnez.u8 v21  }
0x1de: {  	p0 =	sne.s32 s7, $0x1F80;
	vm3 =	vgt.s32 v9, $0x14  }
.Ltmp4:
0x1df: {  	vm7 =	vgt.s32 v9, $0x15;
	vm6 =	vgt.s32 v9, $0xF;
	v19 =	vmul.u32 $0x13, v12;
	(pc) =	sbr.rel @p0 .LBB2_10-.Ltmp4, $4  }
0x1e0: {  	vm4 =	vgt.s32 v9, $0x10;
	vm5 =	vgt.s32 v9, $0xE;
	v23 =	vmul.u32 $0x14, v12  }
0x1e1: {  	vm15 =	vmmov vm3;
	vm14 =	vmmov vm7;
	v19 =	vshra.s32 v19, $0x14  }
0x1e2: {  	[tilespmem:v20+s19+$0x0] =	vst.idx.msk vm8, v4;
	v20 =	vshra.s32 v23, $0x14;
	v15 =	vadd.s32 v10, v13;
	v13 =	vmul.u32 v11, v63  }
0x1e3: {  	s7 =	sadd.s32 $0x40, s7;
	v21 =	vmul.u32 $0x15, v12;
	[tilespmem:v14+s19+$0x0] =	vst.idx.msk vm11, v4;
	v14 =	vadd.s32 v61, v15;
	v15 =	vadd.s32 v10, v15  }
0x1e4: {  	v27 =	vld [tilespmem:$0x1FFB0];
	_ =	sdelay $0x1  }
0x1e5: {  	v19 =	vmul.u32 v11, v19;
	v20 =	vmul.u32 v11, v20;
	v22 =	vmul.u32 $0x16, v12  }
0x1e6: {  	v23 =	vmul.u32 $0x17, v12;
	v24 =	vmul.u32 $0x18, v12;
	v25 =	vmul.u32 $0x19, v12  }
0x1e7: {  	v26 =	vmul.u32 $0x1A, v12;
	v12 =	vmul.u32 $0x1B, v12;
	vm10 =	vgt.s32 v9, $0x11  }
0x1e8: {  	vm1 =	vgt.s32 v9, $0x12;
	vm2 =	vgt.s32 v9, $0x13;
	vm0 =	vnez.u8 v27  }
0x1e9: {  	v13 =	vadd.s32 v13, v15;
	v15 =	vadd.s32 v10, v15;
	v21 =	vshra.s32 v21, $0x14  }
0x1ea: {  	v21 =	vmul.u32 v11, v21;
	v22 =	vshra.s32 v22, $0x14;
	v23 =	vshra.s32 v23, $0x14  }
0x1eb: {  	v24 =	vshra.s32 v24, $0x14;
	v25 =	vshra.s32 v25, $0x14;
	v59 =	vshra.s32 v26, $0x14  }
0x1ec: {  	v60 =	vadd.s32 v19, v15;
	v15 =	vadd.s32 v10, v15;
	v22 =	vmul.u32 v11, v22  }
0x1ed: {  	v23 =	vmul.u32 v11, v23;
	v24 =	vmul.u32 v11, v24;
	v25 =	vmul.u32 v11, v25  }
0x1ee: {  	v12 =	vshra.s32 v12, $0x14;
	v61 =	vadd.s32 v20, v15;
	v15 =	vadd.s32 v10, v15;
	[tilespmem:v17+s19+$0x0] =	vst.idx.msk vm0, v4  }
0x1ef: {  	v17 =	vmul.u32 v11, v59;
	v11 =	vmul.u32 v11, v12;
	[tilespmem:v18+s19+$0x0] =	vst.idx.msk vm5, v4  }
0x1f0: {  	v12 =	vadd.s32 v21, v15;
	v15 =	vadd.s32 v10, v15;
	[tilespmem:v16+s19+$0x0] =	vst.idx.msk vm6, v4  }
0x1f1: {  	vm3 =	vgt.s32 v9, $0x16;
	[tilespmem:v14+s19+$0x0] =	vst.idx.msk vm4, v4;
	v14 =	vadd.s32 v22, v15;
	v15 =	vadd.s32 v10, v15  }
0x1f2: {  	vm11 =	vgt.s32 v9, $0x17;
	[tilespmem:v13+s19+$0x0] =	vst.idx.msk vm10, v4;
	v13 =	vadd.s32 v23, v15;
	v15 =	vadd.s32 v10, v15  }
0x1f3: {  	vm12 =	vgt.s32 v9, $0x18;
	[tilespmem:v60+s19+$0x0] =	vst.idx.msk vm1, v4;
	v62 =	vadd.s32 v24, v15;
	v15 =	vadd.s32 v10, v15  }
0x1f4: {  	vm13 =	vgt.s32 v9, $0x19;
	[tilespmem:v61+s19+$0x0] =	vst.idx.msk vm2, v4;
	v63 =	vadd.s32 v25, v15;
	v15 =	vadd.s32 v10, v15  }
0x1f5: {  	[tilespmem:v12+s19+$0x0] =	vst.idx.msk vm15, v4;
	v12 =	vadd.s32 v17, v15;
	vm15 =	vgt.s32 v9, $0x1A;
	v9 =	vadd.s32 v10, v11  }
0x1f6: {  	[tilespmem:v14+s19+$0x0] =	vst.idx.msk vm14, v4;
	v9 =	vadd.s32 v15, v9  }
0x1f7: {  	[tilespmem:v13+s19+$0x0] =	vst.idx.msk vm3, v4  }
0x1f8: {  	[tilespmem:v62+s19+$0x0] =	vst.idx.msk vm11, v4  }
0x1f9: {  	[tilespmem:v63+s19+$0x0] =	vst.idx.msk vm12, v4  }
0x1fa: {  	[tilespmem:v12+s19+$0x0] =	vst.idx.msk vm13, v4  }
0x1fb: {  	s7 =	simm.s32 $0x0;
	[tilespmem:v9+s19+$0x0] =	vst.idx.msk vm15, v4  }
0x1fc: {  	v13 =	vld [tilespmem:s7+$0xA200]  }
0x1fd: {  	v15 =	vld [tilespmem:s7+$0x7100]  }
0x1fe: {  	v9 =	vld [tilespmem:s7+$0xA210]  }
0x1ff: {  	v11 =	vld [tilespmem:s7+$0x7110]  }
0x200: {  	[tilespmem:s7+$0xA200] =	vst v0;
	v10 =	vld [tilespmem:s7+$0xA220]  }
0x201: {  	[tilespmem:s7+$0xA210] =	vst v0;
	v12 =	vld [tilespmem:s7+$0x7120];
	v7 =	vadd.f32 v13, v7  }
0x202: {  	s17 =	simm.s32 $0x100;
	[tilespmem:s7+$0xA220] =	vst v0;
	v14 =	vmul.f32 v15, v13;
	v13 =	vadd.f32 v15, v6;
	v6 =	vld [tilespmem:s7+$0xA230]  }
.LBB2_12:
0x203: {  	s8 =	sshra.s32 s17, $0x2;
	p0 =	sne.s32 s17, $0xC300;
	s17 =	sadd.s32 $0x100, s17;
	v7 =	vadd.f32 v9, v7;
	v15 =	vld [tilespmem:s7+$0x7130]  }
0x204: {  	v16 =	vld [tilespmem:s8+$0xA200];
	v5 =	vadd.f32 v14, v5;
	v14 =	vmul.f32 v11, v9;
	v11 =	vadd.f32 v11, v13  }
0x205: {  	[tilespmem:s8+$0xA200] =	vst v0;
	v13 =	vld [tilespmem:s8+$0x7100];
	v7 =	vadd.f32 v10, v7  }
.Ltmp5:
0x206: {  	v9 =	vld [tilespmem:s8+$0xA210];
	v5 =	vadd.f32 v14, v5;
	v14 =	vmul.f32 v12, v10;
	v12 =	vadd.f32 v12, v11;
	(pc) =	sbr.rel @p0 .LBB2_12-.Ltmp5, $4  }
0x207: {  	[tilespmem:s8+$0xA210] =	vst v0;
	v11 =	vld [tilespmem:s8+$0x7110];
	v7 =	vadd.f32 v6, v7  }
0x208: {  	v10 =	vld [tilespmem:s8+$0xA220];
	v5 =	vadd.f32 v14, v5;
	[tilespmem:s7+$0xA230] =	vst v0;
	v17 =	vmul.f32 v15, v6;
	v6 =	vadd.f32 v15, v12;
	s7 =	smov.u32 s8  }
0x209: {  	v7 =	vadd.f32 v16, v7;
	[tilespmem:s7+$0xA220] =	vst v0;
	v12 =	vld [tilespmem:s7+$0x7120]  }
0x20a: {  	v14 =	vmul.f32 v13, v16;
	v13 =	vadd.f32 v13, v6;
	v6 =	vld [tilespmem:s7+$0xA230];
	v5 =	vadd.f32 v17, v5  }
0x20b: {  	v15 =	vld [tilespmem:s7+$0x7130];
	[tilespmem:s7+$0xA230] =	vst v0;
	s8 =	simm.s32 $0x0  }
0x20c: {  	v16 =	vld [tilespmem:s8+$0x800]  }
0x20d: {  	v17 =	vld [tilespmem:s8+$0x2800]  }
0x20e: {  	v5 =	vadd.f32 v14, v5;
	v14 =	vmul.f32 v11, v9;
	v18 =	vld [tilespmem:s8+$0x1800]  }
0x20f: {  	v7 =	vadd.f32 v9, v7;
	v11 =	vadd.f32 v11, v13;
	v19 =	vld [tilespmem:s8+$0x3800]  }
0x210: {  	v9 =	vld [tilespmem:s8+$0x810];
	v5 =	vadd.f32 v14, v5;
	v13 =	vmul.f32 v12, v10  }
0x211: {  	v7 =	vadd.f32 v10, v7;
	v12 =	vadd.f32 v12, v11;
	v11 =	vld [tilespmem:s8+$0x2810]  }
0x212: {  	v10 =	vld [tilespmem:s8+$0x1810];
	v5 =	vadd.f32 v13, v5;
	v14 =	vmul.f32 v15, v6;
	v16 =	vsub.f32 v16, v17  }
0x213: {  	s7 =	simm.s32 $0x20;
	v7 =	vadd.f32 v6, v7;
	v6 =	vadd.f32 v15, v12;
	v13 =	vld [tilespmem:s8+$0x3810]  }
0x214: {  	s17 =	simm.s32 $0x100;
	v12 =	vld [tilespmem:s7+$0x800];
	v15 =	vsub.f32 v18, v19;
	v5 =	vadd.f32 v14, v5;
	v14 =	vmul.f32 v16, v16  }
.LBB2_14:
0x215: {  	p0 =	sne.s32 s17, $0x1F80;
	v16 =	vld [tilespmem:s7+$0x2800]  }
0x216: {  	v17 =	vld [tilespmem:s7+$0x1800];
	v8 =	vadd.f32 v14, v8;
	v14 =	vmul.f32 v15, v15;
	v11 =	vsub.f32 v9, v11  }
0x217: {  	v15 =	vld [tilespmem:s7+$0x3800]  }
.Ltmp6:
0x218: {  	v9 =	vld [tilespmem:s7+$0x810];
	v8 =	vadd.f32 v14, v8;
	v13 =	vsub.f32 v10, v13;
	v14 =	vmul.f32 v11, v11;
	(pc) =	sbr.rel @p0 .LBB2_14-.Ltmp6, $4  }
0x219: {  	v11 =	vld [tilespmem:s7+$0x2810]  }
0x21a: {  	v16 =	vsub.f32 v12, v16;
	v10 =	vld [tilespmem:s7+$0x1810];
	v8 =	vadd.f32 v14, v8;
	v18 =	vmul.f32 v13, v13  }
0x21b: {  	v13 =	vld [tilespmem:s7+$0x3810];
	s7 =	sshra.s32 s17, $0x2  }
0x21c: {  	s17 =	sadd.s32 $0x80, s17;
	v12 =	vld [tilespmem:s7+$0x800];
	v15 =	vsub.f32 v17, v15;
	v14 =	vmul.f32 v16, v16;
	v8 =	vadd.f32 v18, v8  }
0x21d: {  	v16 =	vld [tilespmem:s7+$0x2800]  }
0x21e: {  	v17 =	vld [tilespmem:s7+$0x1800]  }
0x21f: {  	v18 =	vld [tilespmem:s7+$0x3800]  }
0x220: {  	v19 =	vld [tilespmem:s7+$0x810]  }
0x221: {  	v20 =	vld [tilespmem:s7+$0x2810]  }
0x222: {  	v21 =	vld [tilespmem:s7+$0x1810]  }
0x223: {  	v22 =	vld [tilespmem:s7+$0x3810];
	_ =	swait.ge [sflag:s1], $0x800  }
0x224: {  	[sflag:s1] =	ssyncset.done $0x0  }
0x225: {  	[sflag:s1] =	ssyncadd.s32 $0xFFFFF800  }
0x226: {  	_ =	swait.ge [sflag:s1], $0x800  }
0x227: {  	[sflag:s1] =	ssyncset.done $0x0  }
0x228: {  	[sflag:s1] =	ssyncadd.s32 $0xFFFFF800  }
0x229: {  	_ =	swait.ge [sflag:s1], $0x800  }
0x22a: {  	[sflag:s1] =	ssyncset.done $0x0  }
0x22b: {  	[sflag:s1] =	ssyncadd.s32 $0xFFFFF800  }
0x22c: {  	_ =	swait.ge [sflag:s1], $0x800  }
0x22d: {  	[sflag:s1] =	ssyncset.done $0x0  }
0x22e: {  	[sflag:s1] =	ssyncadd.s32 $0xFFFFF800  }
0x22f: {  	_ =	swait.ge [sflag:s1], $0x3100  }
0x230: {  	[sflag:s1] =	ssyncset.done $0x0  }
0x231: {  	[sflag:s1] =	ssyncadd.s32 $0xFFFFCF00  }
0x232: {  	[tilespmem:s2], [sflag:$0x2] =	stream.strided.gather [hbm4b:s13+s29], $0x800, s30, s29, $0x38;
	[tilespmem:$0xD400] =	vst v63  }
0x233: {  	_ = 	snop  }
0x234: {  	[tilespmem:s3], [sflag:$0x2] =	stream.strided.gather [hbm4b:s14+s29], $0x800, s30, s29, $0x38;
	[tilespmem:$0xD400] =	vst v63  }
0x235: {  	_ = 	snop  }
0x236: {  	[tilespmem:s4], [sflag:$0x2] =	stream.strided.gather [hbm4b:s15+s29], $0x800, s30, s29, $0x38;
	[tilespmem:$0xD400] =	vst v63  }
0x237: {  	_ = 	snop  }
0x238: {  	[tilespmem:s5], [sflag:$0x2] =	stream.strided.gather [hbm4b:s16+s29], $0x800, s30, s29, $0x38;
	[tilespmem:$0xD400] =	vst v63  }
0x239: {  	s17 =	simm.s32 $0x0  }
0x23a: {  	[tilespmem:s31], [sflag:$0x2] =	stream.strided.gather [hbm4b:s23+s29], $0x3100, s30, s29, $0x38;
	[tilespmem:$0xD400] =	vst v63  }
0x23b: {  	v23 =	vld [tilespmem:s17+$0x1010]  }
0x23c: {  	v24 =	vld [tilespmem:s17+$0x10]  }
0x23d: {  	v9 =	vsub.f32 v9, v11;
	v11 =	vld [tilespmem:s17+$0x1000]  }
0x23e: {  	v10 =	vsub.f32 v10, v13;
	v13 =	vld [tilespmem:s17+$0x0]  }
0x23f: {  	v12 =	vsub.f32 v12, v16  }
0x240: {  	v15 =	vmul.f32 v15, v15;
	v8 =	vadd.f32 v14, v8;
	v9 =	vmul.f32 v9, v9  }
0x241: {  	v10 =	vmul.f32 v10, v10;
	v12 =	vmul.f32 v12, v12  }
0x242: {  	v8 =	vadd.f32 v15, v8;
	v14 =	vmul.f32 $2.700000000e+01, v23;
	v16 =	vmul.f32 $2.700000000e+01, v24  }
0x243: {  	v11 =	vmul.f32 $2.700000000e+01, v11;
	v13 =	vmul.f32 $2.700000000e+01, v13  }
0x244: {  	v8 =	vadd.f32 v9, v8;
	v14 =	vtrunc.f32 v14;
	v15 =	vtrunc.f32 v16  }
0x245: {  	v13 =	vtrunc.f32 v13;
	v11 =	vtrunc.f32 v11  }
0x246: {  	v8 =	vadd.f32 v10, v8;
	v9 =	vcvt.f32.s32 v15;
	v14 =	vcvt.f32.s32 v14  }
0x247: {  	v10 =	vcvt.f32.s32 v13;
	v11 =	vcvt.f32.s32 v11;
	v13 =	vsub.f32 v17, v18  }
0x248: {  	v8 =	vadd.f32 v12, v8  }
0x249: {  	v12 =	vsub.s32 v14, v11;
	v15 =	vsub.s32 v9, v10;
	v13 =	vmul.f32 v13, v13  }
0x24a: {  	v18 =	vsub.f32 v19, v20;
	v16 =	vsub.s32 $0x0, v12;
	v17 =	vsub.s32 $0x0, v15  }
0x24b: {  	v12 =	vmin.u32 v12, v16;
	v15 =	vmin.u32 v15, v17;
	v8 =	vadd.f32 v13, v8  }
0x24c: {  	v13 =	vsub.f32 v21, v22;
	vm0 =	vgt.s32 v12, v15;
	v12 =	vmul.f32 v18, v18  }
0x24d: {  	v15 =	vsel vm0, v11, v10;
	v16 =	vsel vm0, v14, v9;
	v10 =	vsel vm0, v10, v11  }
0x24e: {  	vm1 =	vgt.s32 v15, v16;
	v17 =	vsub.s32 v16, v15;
	v18 =	vsub.s32 v15, v16  }
0x24f: {  	v11 =	vsel vm0, v9, v14;
	v13 =	vmul.f32 v13, v13;
	v9 =	vsel vm1, v18, v17  }
0x250: {  	v8 =	vadd.f32 v12, v8;
	v14 =	vsel vm1, v16, v15;
	vm11 =	vgt.s32 v9, $0x1  }
0x251: {  	v15 =	vsel vm1, v11, v10;
	v10 =	vsel vm1, v10, v11;
	v12 =	vnsel vm11, $0x1, v9  }
0x252: {  	v16 =	vsel vm0, v14, v15;
	v14 =	vsel vm0, v15, v14;
	v8 =	vadd.f32 v13, v8  }
0x253: {  	vm1 =	vgt.s32 v10, v15;
	vm15 =	vgt.s32 v9, $0x14;
	v11 =	vmul.u32 $0x1C, v16  }
0x254: {  	vm14 =	vgt.s32 v9, $0x15;
	vm7 =	vgt.s32 v9, $0x9;
	vm6 =	vgt.s32 v9, $0xF  }
0x255: {  	vm4 =	vgt.s32 v9, $0x10;
	vm3 =	vgt.s32 v9, $0xC;
	v11 =	vadd.s32 v14, v11  }
0x256: {  	vm2 =	vgt.s32 v9, $0xD;
	v16 =	vsub.s32 v10, v15;
	v10 =	vshll.u32 v11, $0x4;
	v11 =	vld.idx.msk [tilespmem:v12+s26+$0x0], $0xffff  }
0x257: {  	vm5 =	vgt.s32 v9, $0xE;
	vm10 =	vgt.s32 v9, $0x8;
	vm9 =	vgt.s32 v9, $0xA  }
0x258: {  	vm8 =	vgt.s32 v9, $0xB;
	vm12 =	vgt.s32 v9, $0x4;
	vm13 =	vgt.s32 v9, $0x2  }
0x259: {  	v13 =	vsub.s32 $0x0, v16;
	v14 =	vor.u32 v1, v10;
	v10 =	vimm.s32 $0x0  }
0x25a: {  	v15 =	vsel vm0, $0x10, v3;
	v13 =	vmin.u32 v16, v13;
	v10 =	vsel vm2, $0xFFFFFFFF, v10  }
0x25b: {  	vm2 =	vgt.s32 v9, $0x6;
	[tilespmem:$0x1FF80] =	vst v10;
	v10 =	vsel vm0, $0x1C0, v2;
	v12 =	vmul.u32 v11, v13  }
0x25c: {  	vm0 =	vgt.s32 v9, $0x3;
	v11 =	vsub.s32 $0x0, v15;
	v13 =	vadd.s32 v10, v14  }
0x25d: {  	v11 =	vsel vm1, v15, v11;
	vm1 =	vgt.s32 v9, $0x0;
	v15 =	vshra.s32 v12, $0x14  }
0x25e: {  	v16 =	vshll.u32 v12, $0x1;
	v17 =	vmul.u32 $0xD, v12;
	v18 =	vmul.u32 $0x11, v12  }
0x25f: {  	v19 =	vmul.u32 $0x7, v12;
	v20 =	vmul.u32 $0xB, v12;
	v21 =	vmul.u32 $0x3, v12  }
0x260: {  	v22 =	vmul.u32 $0x6, v12;
	v23 =	vshll.u32 v12, $0x2;
	v60 =	vshll.u32 v12, $0x3  }
0x261: {  	v25 =	vmul.u32 $0x5, v12;
	v26 =	vmul.u32 $0x9, v12;
	v27 =	vmul.u32 $0xC, v12  }
0x262: {  	v28 =	vmul.u32 $0xA, v12;
	v15 =	vmul.u32 v11, v15;
	v16 =	vshra.s32 v16, $0x14  }
0x263: {  	v23 =	vshra.s32 v23, $0x14;
	v24 =	vshra.s32 v60, $0x14;
	v16 =	vmul.u32 v11, v16  }
0x264: {  	v20 =	vshra.s32 v20, $0x14;
	v19 =	vshra.s32 v19, $0x14;
	v22 =	vshra.s32 v22, $0x14  }
0x265: {  	v21 =	vshra.s32 v21, $0x14;
	v23 =	vmul.u32 v11, v23;
	v25 =	vshra.s32 v25, $0x14  }
0x266: {  	v26 =	vshra.s32 v26, $0x14;
	v28 =	vshra.s32 v28, $0x14;
	v24 =	vmul.u32 v11, v24  }
0x267: {  	[tilespmem:v14+s19+$0x0] =	vst.idx.msk $0xffff, v4;
	v27 =	vshra.s32 v27, $0x14;
	v17 =	vshra.s32 v17, $0x14;
	v18 =	vshra.s32 v18, $0x14  }
0x268: {  	v15 =	vadd.s32 v15, v13;
	v13 =	vadd.s32 v10, v13;
	v20 =	vmul.u32 v11, v20  }
0x269: {  	v22 =	vmul.u32 v11, v22;
	v21 =	vmul.u32 v11, v21;
	v25 =	vmul.u32 v11, v25  }
0x26a: {  	v19 =	vmul.u32 v11, v19;
	v16 =	vadd.s32 v16, v13;
	v13 =	vadd.s32 v10, v13  }
0x26b: {  	v26 =	vmul.u32 v11, v26;
	v21 =	vadd.s32 v21, v13;
	v13 =	vadd.s32 v10, v13  }
0x26c: {  	v28 =	vmul.u32 v11, v28;
	v23 =	vadd.s32 v23, v13;
	v13 =	vadd.s32 v10, v13  }
0x26d: {  	v27 =	vmul.u32 v11, v27;
	v25 =	vadd.s32 v25, v13;
	v13 =	vadd.s32 v10, v13  }
0x26e: {  	v62 =	vmul.u32 v11, v18;
	v14 =	vadd.s32 v10, v13;
	[tilespmem:v15+s19+$0x0] =	vst.idx.msk vm1, v4;
	vm1 =	vgt.s32 v9, $0x5  }
0x26f: {  	v61 =	vshll.u32 v12, $0x4;
	v13 =	vadd.s32 v22, v13;
	[tilespmem:v16+s19+$0x0] =	vst.idx.msk vm11, v4;
	v16 =	vmul.u32 v11, v17  }
0x270: {  	vm11 =	vgt.s32 v9, $0x7;
	v19 =	vadd.s32 v19, v14;
	v14 =	vadd.s32 v10, v14  }
0x271: {  	v18 =	vmul.u32 $0x12, v12;
	[tilespmem:v21+s19+$0x0] =	vst.idx.msk vm13, v4;
	v21 =	vadd.s32 v24, v14;
	v14 =	vadd.s32 v10, v14  }
0x272: {  	v15 =	vmul.u32 $0xE, v12;
	[tilespmem:v23+s19+$0x0] =	vst.idx.msk vm0, v4;
	v22 =	vadd.s32 v26, v14;
	v14 =	vadd.s32 v10, v14  }
0x273: {  	v17 =	vmul.u32 $0xF, v12;
	[tilespmem:v25+s19+$0x0] =	vst.idx.msk vm12, v4;
	v23 =	vadd.s32 v28, v14;
	v14 =	vadd.s32 v10, v14  }
0x274: {  	v15 =	vshra.s32 v15, $0x14;
	[tilespmem:v13+s19+$0x0] =	vst.idx.msk vm1, v4;
	v13 =	vadd.s32 v20, v14;
	v14 =	vadd.s32 v10, v14  }
0x275: {  	v63 =	vshra.s32 v18, $0x14;
	v15 =	vmul.u32 v11, v15;
	[tilespmem:v19+s19+$0x0] =	vst.idx.msk vm2, v4;
	v20 =	vadd.s32 v27, v14  }
0x276: {  	v17 =	vshra.s32 v17, $0x14;
	v14 =	vadd.s32 v10, v14;
	v19 =	vmul.u32 $0x13, v12;
	[tilespmem:v21+s19+$0x0] =	vst.idx.msk vm11, v4  }
0x277: {  	[tilespmem:v22+s19+$0x0] =	vst.idx.msk vm10, v4;
	v22 =	vadd.s32 v16, v14;
	v16 =	vmul.u32 v11, v17;
	v17 =	vshra.s32 v61, $0x14  }
0x278: {  	v21 =	vmul.u32 $0x14, v12;
	v14 =	vadd.s32 v10, v14;
	[tilespmem:v23+s19+$0x0] =	vst.idx.msk vm7, v4;
	v23 =	vmul.u32 v11, v17  }
0x279: {  	v19 =	vshra.s32 v19, $0x14;
	v17 =	vadd.s32 v15, v14;
	[tilespmem:v13+s19+$0x0] =	vst.idx.msk vm9, v4;
	v13 =	vadd.s32 v10, v14  }
0x27a: {  	[tilespmem:v20+s19+$0x0] =	vst.idx.msk vm8, v4;
	v18 =	vadd.s32 v16, v13;
	v13 =	vadd.s32 v10, v13;
	v20 =	vshra.s32 v21, $0x14  }
0x27b: {  	v16 =	vadd.s32 v23, v13;
	v15 =	vadd.s32 v10, v13;
	v13 =	vmul.u32 v11, v63  }
0x27c: {  	s7 =	simm.s32 $0x40;
	v21 =	vmul.u32 $0x15, v12;
	[tilespmem:v22+s19+$0x0] =	vst.idx.msk vm3, v4;
	v14 =	vadd.s32 v62, v15;
	v15 =	vadd.s32 v10, v15  }
.LBB2_16:
0x27d: {  	v23 =	vld [tilespmem:$0x1FF80];
	_ =	sdelay $0x4  }
0x27e: {  	vm0 =	vnez.u8 v23;
	_ =	sdelay $0x2  }
0x27f: {  	v19 =	vmul.u32 v11, v19;
	v20 =	vmul.u32 v11, v20;
	v22 =	vmul.u32 $0x16, v12  }
0x280: {  	vm11 =	vgt.s32 v9, $0x11;
	vm1 =	vgt.s32 v9, $0x12;
	vm2 =	vgt.s32 v9, $0x13  }
0x281: {  	vm3 =	vgt.s32 v9, $0x16;
	v13 =	vadd.s32 v13, v15;
	v15 =	vadd.s32 v10, v15  }
0x282: {  	v19 =	vadd.s32 v19, v15;
	[tilespmem:v17+s19+$0x0] =	vst.idx.msk vm0, v4;
	v17 =	vshra.s32 v21, $0x14;
	v21 =	vmul.u32 $0x17, v12  }
0x283: {  	v15 =	vadd.s32 v10, v15;
	v23 =	vmul.u32 $0x18, v12;
	[tilespmem:v18+s19+$0x0] =	vst.idx.msk vm5, v4;
	v18 =	vshra.s32 v22, $0x14  }
0x284: {  	v22 =	vmul.u32 $0x19, v12;
	[tilespmem:v16+s19+$0x0] =	vst.idx.msk vm6, v4;
	v16 =	vmul.u32 v11, v18;
	v18 =	vshra.s32 v21, $0x14  }
0x285: {  	v17 =	vmul.u32 v11, v17;
	v21 =	vshra.s32 v23, $0x14;
	[tilespmem:v14+s19+$0x0] =	vst.idx.msk vm4, v4;
	v14 =	vmul.u32 v11, v18  }
0x286: {  	v18 =	vmul.u32 v11, v21;
	v21 =	vshra.s32 v22, $0x14;
	v22 =	vmul.u32 $0x1A, v12  }
0x287: {  	v20 =	vadd.s32 v20, v15;
	v15 =	vadd.s32 v10, v15;
	v12 =	vmul.u32 $0x1B, v12  }
0x288: {  	v17 =	vadd.s32 v17, v15;
	v15 =	vadd.s32 v10, v15;
	v22 =	vshra.s32 v22, $0x14  }
0x289: {  	v21 =	vmul.u32 v11, v21;
	v12 =	vshra.s32 v12, $0x14;
	v22 =	vmul.u32 v11, v22  }
0x28a: {  	v11 =	vmul.u32 v11, v12;
	v12 =	vadd.s32 v16, v15;
	v15 =	vadd.s32 v10, v15  }
0x28b: {  	vm9 =	vgt.s32 v9, $0x17;
	[tilespmem:v13+s19+$0x0] =	vst.idx.msk vm11, v4;
	v13 =	vadd.s32 v14, v15;
	v14 =	vadd.s32 v10, v15  }
0x28c: {  	vm10 =	vgt.s32 v9, $0x18;
	[tilespmem:v19+s19+$0x0] =	vst.idx.msk vm1, v4;
	v15 =	vadd.s32 v18, v14;
	v14 =	vadd.s32 v10, v14  }
0x28d: {  	vm11 =	vgt.s32 v9, $0x19;
	[tilespmem:v20+s19+$0x0] =	vst.idx.msk vm2, v4;
	v16 =	vadd.s32 v21, v14;
	v14 =	vadd.s32 v10, v14  }
0x28e: {  	vm4 =	vgt.s32 v9, $0x1A;
	[tilespmem:v17+s19+$0x0] =	vst.idx.msk vm15, v4;
	v9 =	vadd.s32 v10, v11;
	v17 =	vadd.s32 v22, v14  }
0x28f: {  	v9 =	vadd.s32 v14, v9;
	[tilespmem:v12+s19+$0x0] =	vst.idx.msk vm14, v4  }
0x290: {  	[tilespmem:v13+s19+$0x0] =	vst.idx.msk vm3, v4  }
0x291: {  	[tilespmem:v15+s19+$0x0] =	vst.idx.msk vm9, v4  }
0x292: {  	[tilespmem:v16+s19+$0x0] =	vst.idx.msk vm10, v4  }
0x293: {  	s17 =	smov.u32 s7;
	[tilespmem:v17+s19+$0x0] =	vst.idx.msk vm11, v4  }
0x294: {  	s8 =	sshra.s32 s17, $0x2;
	[tilespmem:v9+s19+$0x0] =	vst.idx.msk vm4, v4  }
0x295: {  	v9 =	vld [tilespmem:s8+$0x1010]  }
0x296: {  	v10 =	vld [tilespmem:s8+$0x10]  }
0x297: {  	v11 =	vld [tilespmem:s8+$0x1000]  }
0x298: {  	v12 =	vld [tilespmem:s8+$0x0];
	_ =	sdelay $0x3  }
0x299: {  	v9 =	vmul.f32 $2.700000000e+01, v9;
	v10 =	vmul.f32 $2.700000000e+01, v10  }
0x29a: {  	v11 =	vmul.f32 $2.700000000e+01, v11;
	v12 =	vmul.f32 $2.700000000e+01, v12  }
0x29b: {  	v9 =	vtrunc.f32 v9;
	v10 =	vtrunc.f32 v10  }
0x29c: {  	v12 =	vtrunc.f32 v12;
	v11 =	vtrunc.f32 v11  }
0x29d: {  	v10 =	vcvt.f32.s32 v10;
	v9 =	vcvt.f32.s32 v9  }
0x29e: {  	v12 =	vcvt.f32.s32 v12;
	v11 =	vcvt.f32.s32 v11;
	_ =	sdelay $0x1  }
0x29f: {  	v13 =	vsub.s32 v9, v11;
	v14 =	vsub.s32 v10, v12  }
0x2a0: {  	v15 =	vsub.s32 $0x0, v13;
	v16 =	vsub.s32 $0x0, v14  }
0x2a1: {  	v13 =	vmin.u32 v13, v15;
	v14 =	vmin.u32 v14, v16  }
0x2a2: {  	vm1 =	vgt.s32 v13, v14  }
0x2a3: {  	v13 =	vsel vm1, v11, v12;
	v11 =	vsel vm1, v12, v11;
	v12 =	vsel vm1, v9, v10  }
0x2a4: {  	vm9 =	vgt.s32 v13, v12;
	v14 =	vsub.s32 v12, v13;
	v15 =	vsub.s32 v13, v12  }
0x2a5: {  	v10 =	vsel vm1, v10, v9;
	v9 =	vsel vm9, v15, v14  }
0x2a6: {  	vm13 =	vgt.s32 v9, $0x1  }
0x2a7: {  	v14 =	vnsel vm13, $0x1, v9  }
0x2a8: {  	v12 =	vsel vm9, v12, v13;
	v13 =	vsel vm9, v10, v11  }
0x2a9: {  	v15 =	vsel vm1, v12, v13  }
0x2aa: {  	v15 =	vmul.u32 $0x1C, v15  }
0x2ab: {  	v10 =	vsel vm9, v11, v10;
	v12 =	vsel vm1, v13, v12  }
0x2ac: {  	v11 =	vsub.s32 v10, v13;
	vm2 =	vgt.s32 v10, v13;
	v10 =	vadd.s32 v12, v15;
	v12 =	vld.idx.msk [tilespmem:v14+s26+$0x0], $0xffff  }
0x2ad: {  	vm10 =	vgt.s32 v9, $0x9;
	v10 =	vshll.u32 v10, $0x4  }
0x2ae: {  	vm11 =	vgt.s32 v9, $0xC;
	v13 =	vor.u32 v1, v10;
	v10 =	vimm.s32 $0x0  }
0x2af: {  	vm9 =	vgt.s32 v9, $0xD;
	v16 =	vsub.s32 $0x0, v11;
	v10 =	vsel vm10, $0xFFFFFFFF, v10  }
0x2b0: {  	vm14 =	vgt.s32 v9, $0x4;
	v11 =	vmin.u32 v11, v16;
	[tilespmem:$0x1FF60] =	vst v10;
	v10 =	vimm.s32 $0x0  }
0x2b1: {  	v14 =	vsel vm1, $0x10, v3;
	v10 =	vsel vm11, $0xFFFFFFFF, v10;
	v12 =	vmul.u32 v12, v11  }
0x2b2: {  	vm12 =	vgt.s32 v9, $0x6;
	[tilespmem:$0x1FF70] =	vst v10;
	v10 =	vimm.s32 $0x0;
	v11 =	vsub.s32 $0x0, v14  }
0x2b3: {  	v10 =	vsel vm9, $0xFFFFFFFF, v10;
	v11 =	vsel vm2, v14, v11;
	v15 =	vshra.s32 v12, $0x14  }
0x2b4: {  	vm0 =	vgt.s32 v9, $0x2;
	[tilespmem:$0x1FF80] =	vst v10;
	v10 =	vsel vm1, $0x1C0, v2;
	v15 =	vmul.u32 v11, v15  }
0x2b5: {  	vm15 =	vgt.s32 v9, $0x3;
	vm1 =	vgt.s32 v9, $0x0;
	v14 =	vadd.s32 v10, v13  }
0x2b6: {  	vm11 =	vgt.s32 v9, $0x7;
	v16 =	vshll.u32 v12, $0x1;
	v15 =	vadd.s32 v15, v14  }
0x2b7: {  	v17 =	vmul.u32 $0xD, v12;
	v19 =	vmul.u32 $0x7, v12;
	v21 =	vmul.u32 $0x3, v12  }
0x2b8: {  	v22 =	vmul.u32 $0x6, v12;
	v23 =	vshll.u32 v12, $0x2;
	v16 =	vshra.s32 v16, $0x14  }
0x2b9: {  	[tilespmem:v13+s19+$0x0] =	vst.idx.msk $0xffff, v4;
	v24 =	vshll.u32 v12, $0x3;
	v16 =	vmul.u32 v11, v16;
	v13 =	vshra.s32 v21, $0x14  }
0x2ba: {  	v58 =	vmul.u32 $0x9, v12;
	v14 =	vadd.s32 v10, v14;
	v13 =	vmul.u32 v11, v13  }
0x2bb: {  	v16 =	vadd.s32 v16, v14;
	v14 =	vadd.s32 v10, v14;
	[tilespmem:v15+s19+$0x0] =	vst.idx.msk vm1, v4;
	v15 =	vmul.u32 $0x5, v12  }
0x2bc: {  	v23 =	vshra.s32 v23, $0x14;
	v19 =	vshra.s32 v19, $0x14;
	v13 =	vadd.s32 v13, v14  }
0x2bd: {  	v22 =	vshra.s32 v22, $0x14;
	v21 =	vmul.u32 v11, v23;
	v15 =	vshra.s32 v15, $0x14  }
0x2be: {  	v23 =	vshra.s32 v24, $0x14;
	v14 =	vadd.s32 v10, v14;
	v15 =	vmul.u32 v11, v15  }
0x2bf: {  	v22 =	vmul.u32 v11, v22;
	v21 =	vadd.s32 v21, v14;
	v14 =	vadd.s32 v10, v14  }
0x2c0: {  	v24 =	vshra.s32 v58, $0x14;
	v19 =	vmul.u32 v11, v19;
	[tilespmem:v16+s19+$0x0] =	vst.idx.msk vm13, v4;
	v15 =	vadd.s32 v15, v14  }
0x2c1: {  	v23 =	vmul.u32 v11, v23;
	[tilespmem:v13+s19+$0x0] =	vst.idx.msk vm0, v4;
	v13 =	vadd.s32 v10, v14;
	vm0 =	vgt.s32 v9, $0x5  }
0x2c2: {  	v14 =	vshra.s32 v17, $0x14;
	v17 =	vadd.s32 v10, v13;
	v13 =	vadd.s32 v22, v13  }
0x2c3: {  	v24 =	vmul.u32 v11, v24;
	v19 =	vadd.s32 v19, v17;
	v17 =	vadd.s32 v10, v17  }
0x2c4: {  	vm10 =	vgt.s32 v9, $0x8;
	[tilespmem:v21+s19+$0x0] =	vst.idx.msk vm15, v4;
	v23 =	vadd.s32 v23, v17;
	v17 =	vadd.s32 v10, v17  }
0x2c5: {  	v62 =	vld [tilespmem:$0x1FF60];
	[tilespmem:v15+s19+$0x0] =	vst.idx.msk vm14, v4;
	v15 =	vadd.s32 v24, v17  }
0x2c6: {  	vm9 =	vgt.s32 v9, $0xA;
	v26 =	vmul.u32 $0xA, v12  }
0x2c7: {  	v18 =	vmul.u32 $0x11, v12;
	v20 =	vmul.u32 $0xB, v12;
	v25 =	vmul.u32 $0xC, v12;
	[tilespmem:v13+s19+$0x0] =	vst.idx.msk vm0, v4  }
0x2c8: {  	v59 =	vmul.u32 $0xE, v12;
	v60 =	vshll.u32 v12, $0x4;
	v26 =	vshra.s32 v26, $0x14;
	[tilespmem:v19+s19+$0x0] =	vst.idx.msk vm12, v4  }
0x2c9: {  	v20 =	vshra.s32 v20, $0x14;
	v25 =	vshra.s32 v25, $0x14;
	v16 =	vmul.u32 v11, v26;
	[tilespmem:v23+s19+$0x0] =	vst.idx.msk vm11, v4  }
0x2ca: {  	v20 =	vmul.u32 v11, v20;
	v17 =	vadd.s32 v10, v17;
	[tilespmem:v15+s19+$0x0] =	vst.idx.msk vm10, v4;
	vm10 =	vnez.u8 v62  }
0x2cb: {  	v18 =	vshra.s32 v18, $0x14;
	v16 =	vadd.s32 v16, v17;
	v17 =	vadd.s32 v10, v17  }
0x2cc: {  	v25 =	vmul.u32 v11, v25;
	v21 =	vmul.u32 $0xF, v12;
	v13 =	vadd.s32 v20, v17  }
0x2cd: {  	v61 =	vmul.u32 v11, v18;
	v18 =	vmul.u32 $0x12, v12;
	v22 =	vshra.s32 v59, $0x14  }
0x2ce: {  	v21 =	vshra.s32 v21, $0x14;
	v14 =	vmul.u32 v11, v14;
	v17 =	vadd.s32 v10, v17  }
0x2cf: {  	v22 =	vmul.u32 v11, v22;
	v20 =	vadd.s32 v25, v17;
	v17 =	vadd.s32 v10, v17  }
0x2d0: {  	v15 =	vmul.u32 v11, v21;
	v21 =	vshra.s32 v60, $0x14;
	[tilespmem:v16+s19+$0x0] =	vst.idx.msk vm10, v4;
	v16 =	vadd.s32 v10, v17  }
0x2d1: {  	v21 =	vmul.u32 v11, v21;
	[tilespmem:v13+s19+$0x0] =	vst.idx.msk vm9, v4;
	v13 =	vadd.s32 v10, v16  }
0x2d2: {  	v63 =	vshra.s32 v18, $0x14;
	v18 =	vadd.s32 v15, v13;
	v13 =	vadd.s32 v10, v13  }
0x2d3: {  	v14 =	vadd.s32 v14, v17;
	v17 =	vadd.s32 v22, v16;
	v16 =	vadd.s32 v21, v13;
	v21 =	vld [tilespmem:$0x1FF70];
	_ =	sdelay $0x3  }
0x2d4: {  	vm8 =	vgt.s32 v9, $0xB  }
0x2d5: {  	vm11 =	vnez.u8 v21  }
0x2d6: {  	p0 =	sne.s32 s7, $0x1F80;
	vm3 =	vgt.s32 v9, $0x14  }
.Ltmp7:
0x2d7: {  	vm7 =	vgt.s32 v9, $0x15;
	vm6 =	vgt.s32 v9, $0xF;
	v19 =	vmul.u32 $0x13, v12;
	(pc) =	sbr.rel @p0 .LBB2_16-.Ltmp7, $4  }
0x2d8: {  	vm4 =	vgt.s32 v9, $0x10;
	vm5 =	vgt.s32 v9, $0xE;
	v23 =	vmul.u32 $0x14, v12  }
0x2d9: {  	vm15 =	vmmov vm3;
	vm14 =	vmmov vm7;
	v19 =	vshra.s32 v19, $0x14  }
0x2da: {  	[tilespmem:v20+s19+$0x0] =	vst.idx.msk vm8, v4;
	v20 =	vshra.s32 v23, $0x14;
	v15 =	vadd.s32 v10, v13;
	v13 =	vmul.u32 v11, v63  }
0x2db: {  	s7 =	sadd.s32 $0x40, s7;
	v21 =	vmul.u32 $0x15, v12;
	[tilespmem:v14+s19+$0x0] =	vst.idx.msk vm11, v4;
	v14 =	vadd.s32 v61, v15;
	v15 =	vadd.s32 v10, v15  }
0x2dc: {  	v27 =	vld [tilespmem:$0x1FF80];
	_ =	sdelay $0x1  }
0x2dd: {  	v19 =	vmul.u32 v11, v19;
	v20 =	vmul.u32 v11, v20;
	v22 =	vmul.u32 $0x16, v12  }
0x2de: {  	v23 =	vmul.u32 $0x17, v12;
	v24 =	vmul.u32 $0x18, v12;
	v25 =	vmul.u32 $0x19, v12  }
0x2df: {  	v26 =	vmul.u32 $0x1A, v12;
	v12 =	vmul.u32 $0x1B, v12;
	vm10 =	vgt.s32 v9, $0x11  }
0x2e0: {  	vm1 =	vgt.s32 v9, $0x12;
	vm2 =	vgt.s32 v9, $0x13;
	vm0 =	vnez.u8 v27  }
0x2e1: {  	v13 =	vadd.s32 v13, v15;
	v15 =	vadd.s32 v10, v15;
	v21 =	vshra.s32 v21, $0x14  }
0x2e2: {  	v21 =	vmul.u32 v11, v21;
	v22 =	vshra.s32 v22, $0x14;
	v23 =	vshra.s32 v23, $0x14  }
0x2e3: {  	v24 =	vshra.s32 v24, $0x14;
	v25 =	vshra.s32 v25, $0x14;
	v59 =	vshra.s32 v26, $0x14  }
0x2e4: {  	v60 =	vadd.s32 v19, v15;
	v15 =	vadd.s32 v10, v15;
	v22 =	vmul.u32 v11, v22  }
0x2e5: {  	v23 =	vmul.u32 v11, v23;
	v24 =	vmul.u32 v11, v24;
	v25 =	vmul.u32 v11, v25  }
0x2e6: {  	v12 =	vshra.s32 v12, $0x14;
	v61 =	vadd.s32 v20, v15;
	v15 =	vadd.s32 v10, v15;
	[tilespmem:v17+s19+$0x0] =	vst.idx.msk vm0, v4  }
0x2e7: {  	v17 =	vmul.u32 v11, v59;
	v11 =	vmul.u32 v11, v12;
	[tilespmem:v18+s19+$0x0] =	vst.idx.msk vm5, v4  }
0x2e8: {  	v12 =	vadd.s32 v21, v15;
	v15 =	vadd.s32 v10, v15;
	[tilespmem:v16+s19+$0x0] =	vst.idx.msk vm6, v4  }
0x2e9: {  	vm3 =	vgt.s32 v9, $0x16;
	[tilespmem:v14+s19+$0x0] =	vst.idx.msk vm4, v4;
	v14 =	vadd.s32 v22, v15;
	v15 =	vadd.s32 v10, v15  }
0x2ea: {  	vm11 =	vgt.s32 v9, $0x17;
	[tilespmem:v13+s19+$0x0] =	vst.idx.msk vm10, v4;
	v13 =	vadd.s32 v23, v15;
	v15 =	vadd.s32 v10, v15  }
0x2eb: {  	vm12 =	vgt.s32 v9, $0x18;
	[tilespmem:v60+s19+$0x0] =	vst.idx.msk vm1, v4;
	v62 =	vadd.s32 v24, v15;
	v15 =	vadd.s32 v10, v15  }
0x2ec: {  	vm13 =	vgt.s32 v9, $0x19;
	[tilespmem:v61+s19+$0x0] =	vst.idx.msk vm2, v4;
	v63 =	vadd.s32 v25, v15;
	v15 =	vadd.s32 v10, v15  }
0x2ed: {  	[tilespmem:v12+s19+$0x0] =	vst.idx.msk vm15, v4;
	v12 =	vadd.s32 v17, v15;
	vm15 =	vgt.s32 v9, $0x1A;
	v9 =	vadd.s32 v10, v11  }
0x2ee: {  	[tilespmem:v14+s19+$0x0] =	vst.idx.msk vm14, v4;
	v9 =	vadd.s32 v15, v9  }
0x2ef: {  	[tilespmem:v13+s19+$0x0] =	vst.idx.msk vm3, v4  }
0x2f0: {  	[tilespmem:v62+s19+$0x0] =	vst.idx.msk vm11, v4  }
0x2f1: {  	[tilespmem:v63+s19+$0x0] =	vst.idx.msk vm12, v4  }
0x2f2: {  	[tilespmem:v12+s19+$0x0] =	vst.idx.msk vm13, v4  }
0x2f3: {  	s7 =	simm.s32 $0x0;
	[tilespmem:v9+s19+$0x0] =	vst.idx.msk vm15, v4  }
0x2f4: {  	v13 =	vld [tilespmem:s7+$0xA200]  }
0x2f5: {  	v15 =	vld [tilespmem:s7+$0x4000]  }
0x2f6: {  	v9 =	vld [tilespmem:s7+$0xA210]  }
0x2f7: {  	v11 =	vld [tilespmem:s7+$0x4010]  }
0x2f8: {  	[tilespmem:s7+$0xA200] =	vst v0;
	v10 =	vld [tilespmem:s7+$0xA220]  }
0x2f9: {  	[tilespmem:s7+$0xA210] =	vst v0;
	v12 =	vld [tilespmem:s7+$0x4020];
	v7 =	vadd.f32 v13, v7  }
0x2fa: {  	s17 =	simm.s32 $0x100;
	[tilespmem:s7+$0xA220] =	vst v0;
	v14 =	vmul.f32 v15, v13;
	v13 =	vadd.f32 v15, v6;
	v6 =	vld [tilespmem:s7+$0xA230]  }
.LBB2_18:
0x2fb: {  	s8 =	sshra.s32 s17, $0x2;
	p0 =	sne.s32 s17, $0xC300;
	s17 =	sadd.s32 $0x100, s17;
	v7 =	vadd.f32 v9, v7;
	v15 =	vld [tilespmem:s7+$0x4030]  }
0x2fc: {  	v16 =	vld [tilespmem:s8+$0xA200];
	v5 =	vadd.f32 v14, v5;
	v14 =	vmul.f32 v11, v9;
	v11 =	vadd.f32 v11, v13  }
0x2fd: {  	[tilespmem:s8+$0xA200] =	vst v0;
	v13 =	vld [tilespmem:s8+$0x4000];
	v7 =	vadd.f32 v10, v7  }
.Ltmp8:
0x2fe: {  	v9 =	vld [tilespmem:s8+$0xA210];
	v5 =	vadd.f32 v14, v5;
	v14 =	vmul.f32 v12, v10;
	v12 =	vadd.f32 v12, v11;
	(pc) =	sbr.rel @p0 .LBB2_18-.Ltmp8, $4  }
0x2ff: {  	[tilespmem:s8+$0xA210] =	vst v0;
	v11 =	vld [tilespmem:s8+$0x4010];
	v7 =	vadd.f32 v6, v7  }
0x300: {  	v10 =	vld [tilespmem:s8+$0xA220];
	v5 =	vadd.f32 v14, v5;
	[tilespmem:s7+$0xA230] =	vst v0;
	v17 =	vmul.f32 v15, v6;
	v6 =	vadd.f32 v15, v12;
	s7 =	smov.u32 s8  }
0x301: {  	v7 =	vadd.f32 v16, v7;
	[tilespmem:s7+$0xA220] =	vst v0;
	v12 =	vld [tilespmem:s7+$0x4020]  }
0x302: {  	v14 =	vmul.f32 v13, v16;
	v13 =	vadd.f32 v13, v6;
	v6 =	vld [tilespmem:s7+$0xA230];
	v5 =	vadd.f32 v17, v5  }
0x303: {  	v15 =	vld [tilespmem:s7+$0x4030];
	[tilespmem:s7+$0xA230] =	vst v0;
	s8 =	simm.s32 $0x0  }
0x304: {  	v16 =	vld [tilespmem:s8+$0x0]  }
0x305: {  	v17 =	vld [tilespmem:s8+$0x2000]  }
0x306: {  	v5 =	vadd.f32 v14, v5;
	v14 =	vmul.f32 v11, v9;
	v18 =	vld [tilespmem:s8+$0x1000]  }
0x307: {  	v7 =	vadd.f32 v9, v7;
	v11 =	vadd.f32 v11, v13;
	v19 =	vld [tilespmem:s8+$0x3000]  }
0x308: {  	v9 =	vld [tilespmem:s8+$0x10];
	v5 =	vadd.f32 v14, v5;
	v13 =	vmul.f32 v12, v10  }
0x309: {  	v7 =	vadd.f32 v10, v7;
	v12 =	vadd.f32 v12, v11;
	v11 =	vld [tilespmem:s8+$0x2010]  }
0x30a: {  	v10 =	vld [tilespmem:s8+$0x1010];
	v5 =	vadd.f32 v13, v5;
	v14 =	vmul.f32 v15, v6;
	v16 =	vsub.f32 v16, v17  }
0x30b: {  	s7 =	simm.s32 $0x20;
	v7 =	vadd.f32 v6, v7;
	v6 =	vadd.f32 v15, v12;
	v13 =	vld [tilespmem:s8+$0x3010]  }
0x30c: {  	s17 =	simm.s32 $0x100;
	v12 =	vld [tilespmem:s7+$0x0];
	v15 =	vsub.f32 v18, v19;
	v5 =	vadd.f32 v14, v5;
	v14 =	vmul.f32 v16, v16  }
.LBB2_20:
0x30d: {  	p0 =	sne.s32 s17, $0x1F80;
	v16 =	vld [tilespmem:s7+$0x2000]  }
0x30e: {  	v17 =	vld [tilespmem:s7+$0x1000];
	v8 =	vadd.f32 v14, v8;
	v14 =	vmul.f32 v15, v15;
	v11 =	vsub.f32 v9, v11  }
0x30f: {  	v15 =	vld [tilespmem:s7+$0x3000]  }
.Ltmp9:
0x310: {  	v9 =	vld [tilespmem:s7+$0x10];
	v8 =	vadd.f32 v14, v8;
	v13 =	vsub.f32 v10, v13;
	v14 =	vmul.f32 v11, v11;
	(pc) =	sbr.rel @p0 .LBB2_20-.Ltmp9, $4  }
0x311: {  	v11 =	vld [tilespmem:s7+$0x2010]  }
0x312: {  	v16 =	vsub.f32 v12, v16;
	v10 =	vld [tilespmem:s7+$0x1010];
	v8 =	vadd.f32 v14, v8;
	v18 =	vmul.f32 v13, v13  }
0x313: {  	v13 =	vld [tilespmem:s7+$0x3010];
	s7 =	sshra.s32 s17, $0x2  }
0x314: {  	s17 =	sadd.s32 $0x80, s17;
	v12 =	vld [tilespmem:s7+$0x0];
	v15 =	vsub.f32 v17, v15;
	v14 =	vmul.f32 v16, v16;
	v8 =	vadd.f32 v18, v8  }
0x315: {  	v16 =	vld [tilespmem:s7+$0x2000]  }
0x316: {  	v17 =	vld [tilespmem:s7+$0x1000]  }
0x317: {  	v18 =	vld [tilespmem:s7+$0x3000]  }
0x318: {  	v19 =	vld [tilespmem:s7+$0x10]  }
0x319: {  	v20 =	vld [tilespmem:s7+$0x2010]  }
0x31a: {  	v21 =	vld [tilespmem:s7+$0x1010]  }
0x31b: {  	v22 =	vld [tilespmem:s7+$0x3010];
	_ =	swait.ge [sflag:s6], $0x800  }
0x31c: {  	[sflag:s6] =	ssyncset.done $0x0  }
0x31d: {  	[sflag:s6] =	ssyncadd.s32 $0xFFFFF800  }
0x31e: {  	_ =	swait.ge [sflag:s6], $0x800  }
0x31f: {  	[sflag:s6] =	ssyncset.done $0x0  }
0x320: {  	[sflag:s6] =	ssyncadd.s32 $0xFFFFF800  }
0x321: {  	_ =	swait.ge [sflag:s6], $0x800  }
0x322: {  	[sflag:s6] =	ssyncset.done $0x0  }
0x323: {  	[sflag:s6] =	ssyncadd.s32 $0xFFFFF800  }
0x324: {  	_ =	swait.ge [sflag:s6], $0x800  }
0x325: {  	[sflag:s6] =	ssyncset.done $0x0  }
0x326: {  	[sflag:s6] =	ssyncadd.s32 $0xFFFFF800  }
0x327: {  	_ =	swait.ge [sflag:s6], $0x3100  }
0x328: {  	[sflag:s6] =	ssyncset.done $0x0  }
0x329: {  	s17 =	simm.s32 $0x0;
	[sflag:s6] =	ssyncadd.s32 $0xFFFFCF00  }
0x32a: {  	v23 =	vld [tilespmem:s17+$0x1810]  }
0x32b: {  	v24 =	vld [tilespmem:s17+$0x810]  }
0x32c: {  	v9 =	vsub.f32 v9, v11;
	v11 =	vld [tilespmem:s17+$0x1800]  }
0x32d: {  	v10 =	vsub.f32 v10, v13;
	v13 =	vld [tilespmem:s17+$0x800]  }
0x32e: {  	v12 =	vsub.f32 v12, v16  }
0x32f: {  	v15 =	vmul.f32 v15, v15;
	v8 =	vadd.f32 v14, v8;
	v9 =	vmul.f32 v9, v9  }
0x330: {  	v10 =	vmul.f32 v10, v10;
	v12 =	vmul.f32 v12, v12  }
0x331: {  	v8 =	vadd.f32 v15, v8;
	v14 =	vmul.f32 $2.700000000e+01, v23;
	v16 =	vmul.f32 $2.700000000e+01, v24  }
0x332: {  	v11 =	vmul.f32 $2.700000000e+01, v11;
	v13 =	vmul.f32 $2.700000000e+01, v13  }
0x333: {  	v8 =	vadd.f32 v9, v8;
	v14 =	vtrunc.f32 v14;
	v15 =	vtrunc.f32 v16  }
0x334: {  	v13 =	vtrunc.f32 v13;
	v11 =	vtrunc.f32 v11  }
0x335: {  	v8 =	vadd.f32 v10, v8;
	v9 =	vcvt.f32.s32 v15;
	v14 =	vcvt.f32.s32 v14  }
0x336: {  	v10 =	vcvt.f32.s32 v13;
	v11 =	vcvt.f32.s32 v11;
	v13 =	vsub.f32 v17, v18  }
0x337: {  	v8 =	vadd.f32 v12, v8  }
0x338: {  	v12 =	vsub.s32 v14, v11;
	v15 =	vsub.s32 v9, v10;
	v13 =	vmul.f32 v13, v13  }
0x339: {  	v18 =	vsub.f32 v19, v20;
	v16 =	vsub.s32 $0x0, v12;
	v17 =	vsub.s32 $0x0, v15  }
0x33a: {  	v12 =	vmin.u32 v12, v16;
	v15 =	vmin.u32 v15, v17;
	v8 =	vadd.f32 v13, v8  }
0x33b: {  	v13 =	vsub.f32 v21, v22;
	vm0 =	vgt.s32 v12, v15;
	v12 =	vmul.f32 v18, v18  }
0x33c: {  	v15 =	vsel vm0, v11, v10;
	v16 =	vsel vm0, v14, v9;
	v10 =	vsel vm0, v10, v11  }
0x33d: {  	vm1 =	vgt.s32 v15, v16;
	v17 =	vsub.s32 v16, v15;
	v18 =	vsub.s32 v15, v16  }
0x33e: {  	v11 =	vsel vm0, v9, v14;
	v13 =	vmul.f32 v13, v13;
	v9 =	vsel vm1, v18, v17  }
0x33f: {  	v8 =	vadd.f32 v12, v8;
	v14 =	vsel vm1, v16, v15;
	vm11 =	vgt.s32 v9, $0x1  }
0x340: {  	v15 =	vsel vm1, v11, v10;
	v10 =	vsel vm1, v10, v11;
	v12 =	vnsel vm11, $0x1, v9  }
0x341: {  	v16 =	vsel vm0, v14, v15;
	v14 =	vsel vm0, v15, v14;
	v8 =	vadd.f32 v13, v8  }
0x342: {  	vm1 =	vgt.s32 v10, v15;
	vm15 =	vgt.s32 v9, $0x14;
	v11 =	vmul.u32 $0x1C, v16  }
0x343: {  	vm14 =	vgt.s32 v9, $0x15;
	vm7 =	vgt.s32 v9, $0x9;
	vm6 =	vgt.s32 v9, $0xF  }
0x344: {  	vm4 =	vgt.s32 v9, $0x10;
	vm3 =	vgt.s32 v9, $0xC;
	v11 =	vadd.s32 v14, v11  }
0x345: {  	vm2 =	vgt.s32 v9, $0xD;
	v16 =	vsub.s32 v10, v15;
	v10 =	vshll.u32 v11, $0x4;
	v11 =	vld.idx.msk [tilespmem:v12+s26+$0x0], $0xffff  }
0x346: {  	vm5 =	vgt.s32 v9, $0xE;
	vm10 =	vgt.s32 v9, $0x8;
	vm9 =	vgt.s32 v9, $0xA  }
0x347: {  	vm8 =	vgt.s32 v9, $0xB;
	vm12 =	vgt.s32 v9, $0x4;
	vm13 =	vgt.s32 v9, $0x2  }
0x348: {  	v13 =	vsub.s32 $0x0, v16;
	v14 =	vor.u32 v1, v10;
	v10 =	vimm.s32 $0x0  }
0x349: {  	v15 =	vsel vm0, $0x10, v3;
	v13 =	vmin.u32 v16, v13;
	v10 =	vsel vm2, $0xFFFFFFFF, v10  }
0x34a: {  	vm2 =	vgt.s32 v9, $0x6;
	[tilespmem:$0x1FF50] =	vst v10;
	v10 =	vsel vm0, $0x1C0, v2;
	v12 =	vmul.u32 v11, v13  }
0x34b: {  	vm0 =	vgt.s32 v9, $0x3;
	v11 =	vsub.s32 $0x0, v15;
	v13 =	vadd.s32 v10, v14  }
0x34c: {  	v11 =	vsel vm1, v15, v11;
	vm1 =	vgt.s32 v9, $0x0;
	v15 =	vshra.s32 v12, $0x14  }
0x34d: {  	v16 =	vshll.u32 v12, $0x1;
	v17 =	vmul.u32 $0xD, v12;
	v18 =	vmul.u32 $0x11, v12  }
0x34e: {  	v19 =	vmul.u32 $0x7, v12;
	v20 =	vmul.u32 $0xB, v12;
	v21 =	vmul.u32 $0x3, v12  }
0x34f: {  	v22 =	vmul.u32 $0x6, v12;
	v23 =	vshll.u32 v12, $0x2;
	v60 =	vshll.u32 v12, $0x3  }
0x350: {  	v25 =	vmul.u32 $0x5, v12;
	v26 =	vmul.u32 $0x9, v12;
	v27 =	vmul.u32 $0xC, v12  }
0x351: {  	v28 =	vmul.u32 $0xA, v12;
	v15 =	vmul.u32 v11, v15;
	v16 =	vshra.s32 v16, $0x14  }
0x352: {  	v23 =	vshra.s32 v23, $0x14;
	v24 =	vshra.s32 v60, $0x14;
	v16 =	vmul.u32 v11, v16  }
0x353: {  	v20 =	vshra.s32 v20, $0x14;
	v19 =	vshra.s32 v19, $0x14;
	v22 =	vshra.s32 v22, $0x14  }
0x354: {  	v21 =	vshra.s32 v21, $0x14;
	v23 =	vmul.u32 v11, v23;
	v25 =	vshra.s32 v25, $0x14  }
0x355: {  	v26 =	vshra.s32 v26, $0x14;
	v28 =	vshra.s32 v28, $0x14;
	v24 =	vmul.u32 v11, v24  }
0x356: {  	[tilespmem:v14+s19+$0x0] =	vst.idx.msk $0xffff, v4;
	v27 =	vshra.s32 v27, $0x14;
	v17 =	vshra.s32 v17, $0x14;
	v18 =	vshra.s32 v18, $0x14  }
0x357: {  	v15 =	vadd.s32 v15, v13;
	v13 =	vadd.s32 v10, v13;
	v20 =	vmul.u32 v11, v20  }
0x358: {  	v22 =	vmul.u32 v11, v22;
	v21 =	vmul.u32 v11, v21;
	v25 =	vmul.u32 v11, v25  }
0x359: {  	v19 =	vmul.u32 v11, v19;
	v16 =	vadd.s32 v16, v13;
	v13 =	vadd.s32 v10, v13  }
0x35a: {  	v26 =	vmul.u32 v11, v26;
	v21 =	vadd.s32 v21, v13;
	v13 =	vadd.s32 v10, v13  }
0x35b: {  	v28 =	vmul.u32 v11, v28;
	v23 =	vadd.s32 v23, v13;
	v13 =	vadd.s32 v10, v13  }
0x35c: {  	v27 =	vmul.u32 v11, v27;
	v25 =	vadd.s32 v25, v13;
	v13 =	vadd.s32 v10, v13  }
0x35d: {  	v62 =	vmul.u32 v11, v18;
	v14 =	vadd.s32 v10, v13;
	[tilespmem:v15+s19+$0x0] =	vst.idx.msk vm1, v4;
	vm1 =	vgt.s32 v9, $0x5  }
0x35e: {  	v61 =	vshll.u32 v12, $0x4;
	v13 =	vadd.s32 v22, v13;
	[tilespmem:v16+s19+$0x0] =	vst.idx.msk vm11, v4;
	v16 =	vmul.u32 v11, v17  }
0x35f: {  	vm11 =	vgt.s32 v9, $0x7;
	v19 =	vadd.s32 v19, v14;
	v14 =	vadd.s32 v10, v14  }
0x360: {  	v18 =	vmul.u32 $0x12, v12;
	[tilespmem:v21+s19+$0x0] =	vst.idx.msk vm13, v4;
	v21 =	vadd.s32 v24, v14;
	v14 =	vadd.s32 v10, v14  }
0x361: {  	v15 =	vmul.u32 $0xE, v12;
	[tilespmem:v23+s19+$0x0] =	vst.idx.msk vm0, v4;
	v22 =	vadd.s32 v26, v14;
	v14 =	vadd.s32 v10, v14  }
0x362: {  	v17 =	vmul.u32 $0xF, v12;
	[tilespmem:v25+s19+$0x0] =	vst.idx.msk vm12, v4;
	v23 =	vadd.s32 v28, v14;
	v14 =	vadd.s32 v10, v14  }
0x363: {  	v15 =	vshra.s32 v15, $0x14;
	[tilespmem:v13+s19+$0x0] =	vst.idx.msk vm1, v4;
	v13 =	vadd.s32 v20, v14;
	v14 =	vadd.s32 v10, v14  }
0x364: {  	v63 =	vshra.s32 v18, $0x14;
	v15 =	vmul.u32 v11, v15;
	[tilespmem:v19+s19+$0x0] =	vst.idx.msk vm2, v4;
	v20 =	vadd.s32 v27, v14  }
0x365: {  	v17 =	vshra.s32 v17, $0x14;
	v14 =	vadd.s32 v10, v14;
	v19 =	vmul.u32 $0x13, v12;
	[tilespmem:v21+s19+$0x0] =	vst.idx.msk vm11, v4  }
0x366: {  	[tilespmem:v22+s19+$0x0] =	vst.idx.msk vm10, v4;
	v22 =	vadd.s32 v16, v14;
	v16 =	vmul.u32 v11, v17;
	v17 =	vshra.s32 v61, $0x14  }
0x367: {  	v21 =	vmul.u32 $0x14, v12;
	v14 =	vadd.s32 v10, v14;
	[tilespmem:v23+s19+$0x0] =	vst.idx.msk vm7, v4;
	v23 =	vmul.u32 v11, v17  }
0x368: {  	v19 =	vshra.s32 v19, $0x14;
	v17 =	vadd.s32 v15, v14;
	[tilespmem:v13+s19+$0x0] =	vst.idx.msk vm9, v4;
	v13 =	vadd.s32 v10, v14  }
0x369: {  	[tilespmem:v20+s19+$0x0] =	vst.idx.msk vm8, v4;
	v18 =	vadd.s32 v16, v13;
	v13 =	vadd.s32 v10, v13;
	v20 =	vshra.s32 v21, $0x14  }
0x36a: {  	v16 =	vadd.s32 v23, v13;
	v15 =	vadd.s32 v10, v13;
	v13 =	vmul.u32 v11, v63  }
0x36b: {  	s7 =	simm.s32 $0x40;
	v21 =	vmul.u32 $0x15, v12;
	[tilespmem:v22+s19+$0x0] =	vst.idx.msk vm3, v4;
	v14 =	vadd.s32 v62, v15;
	v15 =	vadd.s32 v10, v15  }
.LBB2_22:
0x36c: {  	v23 =	vld [tilespmem:$0x1FF50];
	_ =	sdelay $0x4  }
0x36d: {  	vm0 =	vnez.u8 v23;
	_ =	sdelay $0x2  }
0x36e: {  	v19 =	vmul.u32 v11, v19;
	v20 =	vmul.u32 v11, v20;
	v22 =	vmul.u32 $0x16, v12  }
0x36f: {  	vm11 =	vgt.s32 v9, $0x11;
	vm1 =	vgt.s32 v9, $0x12;
	vm2 =	vgt.s32 v9, $0x13  }
0x370: {  	vm3 =	vgt.s32 v9, $0x16;
	v13 =	vadd.s32 v13, v15;
	v15 =	vadd.s32 v10, v15  }
0x371: {  	v19 =	vadd.s32 v19, v15;
	[tilespmem:v17+s19+$0x0] =	vst.idx.msk vm0, v4;
	v17 =	vshra.s32 v21, $0x14;
	v21 =	vmul.u32 $0x17, v12  }
0x372: {  	v15 =	vadd.s32 v10, v15;
	v23 =	vmul.u32 $0x18, v12;
	[tilespmem:v18+s19+$0x0] =	vst.idx.msk vm5, v4;
	v18 =	vshra.s32 v22, $0x14  }
0x373: {  	v22 =	vmul.u32 $0x19, v12;
	[tilespmem:v16+s19+$0x0] =	vst.idx.msk vm6, v4;
	v16 =	vmul.u32 v11, v18;
	v18 =	vshra.s32 v21, $0x14  }
0x374: {  	v17 =	vmul.u32 v11, v17;
	v21 =	vshra.s32 v23, $0x14;
	[tilespmem:v14+s19+$0x0] =	vst.idx.msk vm4, v4;
	v14 =	vmul.u32 v11, v18  }
0x375: {  	v18 =	vmul.u32 v11, v21;
	v21 =	vshra.s32 v22, $0x14;
	v22 =	vmul.u32 $0x1A, v12  }
0x376: {  	v20 =	vadd.s32 v20, v15;
	v15 =	vadd.s32 v10, v15;
	v12 =	vmul.u32 $0x1B, v12  }
0x377: {  	v17 =	vadd.s32 v17, v15;
	v15 =	vadd.s32 v10, v15;
	v22 =	vshra.s32 v22, $0x14  }
0x378: {  	v21 =	vmul.u32 v11, v21;
	v12 =	vshra.s32 v12, $0x14;
	v22 =	vmul.u32 v11, v22  }
0x379: {  	v11 =	vmul.u32 v11, v12;
	v12 =	vadd.s32 v16, v15;
	v15 =	vadd.s32 v10, v15  }
0x37a: {  	vm9 =	vgt.s32 v9, $0x17;
	[tilespmem:v13+s19+$0x0] =	vst.idx.msk vm11, v4;
	v13 =	vadd.s32 v14, v15;
	v14 =	vadd.s32 v10, v15  }
0x37b: {  	vm10 =	vgt.s32 v9, $0x18;
	[tilespmem:v19+s19+$0x0] =	vst.idx.msk vm1, v4;
	v15 =	vadd.s32 v18, v14;
	v14 =	vadd.s32 v10, v14  }
0x37c: {  	vm11 =	vgt.s32 v9, $0x19;
	[tilespmem:v20+s19+$0x0] =	vst.idx.msk vm2, v4;
	v16 =	vadd.s32 v21, v14;
	v14 =	vadd.s32 v10, v14  }
0x37d: {  	vm4 =	vgt.s32 v9, $0x1A;
	[tilespmem:v17+s19+$0x0] =	vst.idx.msk vm15, v4;
	v9 =	vadd.s32 v10, v11;
	v17 =	vadd.s32 v22, v14  }
0x37e: {  	v9 =	vadd.s32 v14, v9;
	[tilespmem:v12+s19+$0x0] =	vst.idx.msk vm14, v4  }
0x37f: {  	[tilespmem:v13+s19+$0x0] =	vst.idx.msk vm3, v4  }
0x380: {  	[tilespmem:v15+s19+$0x0] =	vst.idx.msk vm9, v4  }
0x381: {  	[tilespmem:v16+s19+$0x0] =	vst.idx.msk vm10, v4  }
0x382: {  	s17 =	smov.u32 s7;
	[tilespmem:v17+s19+$0x0] =	vst.idx.msk vm11, v4  }
0x383: {  	s8 =	sshra.s32 s17, $0x2;
	[tilespmem:v9+s19+$0x0] =	vst.idx.msk vm4, v4  }
0x384: {  	v9 =	vld [tilespmem:s8+$0x1810]  }
0x385: {  	v10 =	vld [tilespmem:s8+$0x810]  }
0x386: {  	v11 =	vld [tilespmem:s8+$0x1800]  }
0x387: {  	v12 =	vld [tilespmem:s8+$0x800];
	_ =	sdelay $0x3  }
0x388: {  	v9 =	vmul.f32 $2.700000000e+01, v9;
	v10 =	vmul.f32 $2.700000000e+01, v10  }
0x389: {  	v11 =	vmul.f32 $2.700000000e+01, v11;
	v12 =	vmul.f32 $2.700000000e+01, v12  }
0x38a: {  	v9 =	vtrunc.f32 v9;
	v10 =	vtrunc.f32 v10  }
0x38b: {  	v12 =	vtrunc.f32 v12;
	v11 =	vtrunc.f32 v11  }
0x38c: {  	v10 =	vcvt.f32.s32 v10;
	v9 =	vcvt.f32.s32 v9  }
0x38d: {  	v12 =	vcvt.f32.s32 v12;
	v11 =	vcvt.f32.s32 v11;
	_ =	sdelay $0x1  }
0x38e: {  	v13 =	vsub.s32 v9, v11;
	v14 =	vsub.s32 v10, v12  }
0x38f: {  	v15 =	vsub.s32 $0x0, v13;
	v16 =	vsub.s32 $0x0, v14  }
0x390: {  	v13 =	vmin.u32 v13, v15;
	v14 =	vmin.u32 v14, v16  }
0x391: {  	vm1 =	vgt.s32 v13, v14  }
0x392: {  	v13 =	vsel vm1, v11, v12;
	v11 =	vsel vm1, v12, v11;
	v12 =	vsel vm1, v9, v10  }
0x393: {  	vm9 =	vgt.s32 v13, v12;
	v14 =	vsub.s32 v12, v13;
	v15 =	vsub.s32 v13, v12  }
0x394: {  	v10 =	vsel vm1, v10, v9;
	v9 =	vsel vm9, v15, v14  }
0x395: {  	vm13 =	vgt.s32 v9, $0x1  }
0x396: {  	v14 =	vnsel vm13, $0x1, v9  }
0x397: {  	v12 =	vsel vm9, v12, v13;
	v13 =	vsel vm9, v10, v11  }
0x398: {  	v15 =	vsel vm1, v12, v13  }
0x399: {  	v15 =	vmul.u32 $0x1C, v15  }
0x39a: {  	v10 =	vsel vm9, v11, v10;
	v12 =	vsel vm1, v13, v12  }
0x39b: {  	v11 =	vsub.s32 v10, v13;
	vm2 =	vgt.s32 v10, v13;
	v10 =	vadd.s32 v12, v15;
	v12 =	vld.idx.msk [tilespmem:v14+s26+$0x0], $0xffff  }
0x39c: {  	vm10 =	vgt.s32 v9, $0x9;
	v10 =	vshll.u32 v10, $0x4  }
0x39d: {  	vm11 =	vgt.s32 v9, $0xC;
	v13 =	vor.u32 v1, v10;
	v10 =	vimm.s32 $0x0  }
0x39e: {  	vm9 =	vgt.s32 v9, $0xD;
	v16 =	vsub.s32 $0x0, v11;
	v10 =	vsel vm10, $0xFFFFFFFF, v10  }
0x39f: {  	vm14 =	vgt.s32 v9, $0x4;
	v11 =	vmin.u32 v11, v16;
	[tilespmem:$0x1FF30] =	vst v10;
	v10 =	vimm.s32 $0x0  }
0x3a0: {  	v14 =	vsel vm1, $0x10, v3;
	v10 =	vsel vm11, $0xFFFFFFFF, v10;
	v12 =	vmul.u32 v12, v11  }
0x3a1: {  	vm12 =	vgt.s32 v9, $0x6;
	[tilespmem:$0x1FF40] =	vst v10;
	v10 =	vimm.s32 $0x0;
	v11 =	vsub.s32 $0x0, v14  }
0x3a2: {  	v10 =	vsel vm9, $0xFFFFFFFF, v10;
	v11 =	vsel vm2, v14, v11;
	v15 =	vshra.s32 v12, $0x14  }
0x3a3: {  	vm0 =	vgt.s32 v9, $0x2;
	[tilespmem:$0x1FF50] =	vst v10;
	v10 =	vsel vm1, $0x1C0, v2;
	v15 =	vmul.u32 v11, v15  }
0x3a4: {  	vm15 =	vgt.s32 v9, $0x3;
	vm1 =	vgt.s32 v9, $0x0;
	v14 =	vadd.s32 v10, v13  }
0x3a5: {  	vm11 =	vgt.s32 v9, $0x7;
	v16 =	vshll.u32 v12, $0x1;
	v15 =	vadd.s32 v15, v14  }
0x3a6: {  	v17 =	vmul.u32 $0xD, v12;
	v19 =	vmul.u32 $0x7, v12;
	v21 =	vmul.u32 $0x3, v12  }
0x3a7: {  	v22 =	vmul.u32 $0x6, v12;
	v23 =	vshll.u32 v12, $0x2;
	v16 =	vshra.s32 v16, $0x14  }
0x3a8: {  	[tilespmem:v13+s19+$0x0] =	vst.idx.msk $0xffff, v4;
	v24 =	vshll.u32 v12, $0x3;
	v16 =	vmul.u32 v11, v16;
	v13 =	vshra.s32 v21, $0x14  }
0x3a9: {  	v58 =	vmul.u32 $0x9, v12;
	v14 =	vadd.s32 v10, v14;
	v13 =	vmul.u32 v11, v13  }
0x3aa: {  	v16 =	vadd.s32 v16, v14;
	v14 =	vadd.s32 v10, v14;
	[tilespmem:v15+s19+$0x0] =	vst.idx.msk vm1, v4;
	v15 =	vmul.u32 $0x5, v12  }
0x3ab: {  	v23 =	vshra.s32 v23, $0x14;
	v19 =	vshra.s32 v19, $0x14;
	v13 =	vadd.s32 v13, v14  }
0x3ac: {  	v22 =	vshra.s32 v22, $0x14;
	v21 =	vmul.u32 v11, v23;
	v15 =	vshra.s32 v15, $0x14  }
0x3ad: {  	v23 =	vshra.s32 v24, $0x14;
	v14 =	vadd.s32 v10, v14;
	v15 =	vmul.u32 v11, v15  }
0x3ae: {  	v22 =	vmul.u32 v11, v22;
	v21 =	vadd.s32 v21, v14;
	v14 =	vadd.s32 v10, v14  }
0x3af: {  	v24 =	vshra.s32 v58, $0x14;
	v19 =	vmul.u32 v11, v19;
	[tilespmem:v16+s19+$0x0] =	vst.idx.msk vm13, v4;
	v15 =	vadd.s32 v15, v14  }
0x3b0: {  	v23 =	vmul.u32 v11, v23;
	[tilespmem:v13+s19+$0x0] =	vst.idx.msk vm0, v4;
	v13 =	vadd.s32 v10, v14;
	vm0 =	vgt.s32 v9, $0x5  }
0x3b1: {  	v14 =	vshra.s32 v17, $0x14;
	v17 =	vadd.s32 v10, v13;
	v13 =	vadd.s32 v22, v13  }
0x3b2: {  	v24 =	vmul.u32 v11, v24;
	v19 =	vadd.s32 v19, v17;
	v17 =	vadd.s32 v10, v17  }
0x3b3: {  	vm10 =	vgt.s32 v9, $0x8;
	[tilespmem:v21+s19+$0x0] =	vst.idx.msk vm15, v4;
	v23 =	vadd.s32 v23, v17;
	v17 =	vadd.s32 v10, v17  }
0x3b4: {  	v62 =	vld [tilespmem:$0x1FF30];
	[tilespmem:v15+s19+$0x0] =	vst.idx.msk vm14, v4;
	v15 =	vadd.s32 v24, v17  }
0x3b5: {  	vm9 =	vgt.s32 v9, $0xA;
	v26 =	vmul.u32 $0xA, v12  }
0x3b6: {  	v18 =	vmul.u32 $0x11, v12;
	v20 =	vmul.u32 $0xB, v12;
	v25 =	vmul.u32 $0xC, v12;
	[tilespmem:v13+s19+$0x0] =	vst.idx.msk vm0, v4  }
0x3b7: {  	v59 =	vmul.u32 $0xE, v12;
	v60 =	vshll.u32 v12, $0x4;
	v26 =	vshra.s32 v26, $0x14;
	[tilespmem:v19+s19+$0x0] =	vst.idx.msk vm12, v4  }
0x3b8: {  	v20 =	vshra.s32 v20, $0x14;
	v25 =	vshra.s32 v25, $0x14;
	v16 =	vmul.u32 v11, v26;
	[tilespmem:v23+s19+$0x0] =	vst.idx.msk vm11, v4  }
0x3b9: {  	v20 =	vmul.u32 v11, v20;
	v17 =	vadd.s32 v10, v17;
	[tilespmem:v15+s19+$0x0] =	vst.idx.msk vm10, v4;
	vm10 =	vnez.u8 v62  }
0x3ba: {  	v18 =	vshra.s32 v18, $0x14;
	v16 =	vadd.s32 v16, v17;
	v17 =	vadd.s32 v10, v17  }
0x3bb: {  	v25 =	vmul.u32 v11, v25;
	v21 =	vmul.u32 $0xF, v12;
	v13 =	vadd.s32 v20, v17  }
0x3bc: {  	v61 =	vmul.u32 v11, v18;
	v18 =	vmul.u32 $0x12, v12;
	v22 =	vshra.s32 v59, $0x14  }
0x3bd: {  	v21 =	vshra.s32 v21, $0x14;
	v14 =	vmul.u32 v11, v14;
	v17 =	vadd.s32 v10, v17  }
0x3be: {  	v22 =	vmul.u32 v11, v22;
	v20 =	vadd.s32 v25, v17;
	v17 =	vadd.s32 v10, v17  }
0x3bf: {  	v15 =	vmul.u32 v11, v21;
	v21 =	vshra.s32 v60, $0x14;
	[tilespmem:v16+s19+$0x0] =	vst.idx.msk vm10, v4;
	v16 =	vadd.s32 v10, v17  }
0x3c0: {  	v21 =	vmul.u32 v11, v21;
	[tilespmem:v13+s19+$0x0] =	vst.idx.msk vm9, v4;
	v13 =	vadd.s32 v10, v16  }
0x3c1: {  	v63 =	vshra.s32 v18, $0x14;
	v18 =	vadd.s32 v15, v13;
	v13 =	vadd.s32 v10, v13  }
0x3c2: {  	v14 =	vadd.s32 v14, v17;
	v17 =	vadd.s32 v22, v16;
	v16 =	vadd.s32 v21, v13;
	v21 =	vld [tilespmem:$0x1FF40];
	_ =	sdelay $0x3  }
0x3c3: {  	vm8 =	vgt.s32 v9, $0xB  }
0x3c4: {  	vm11 =	vnez.u8 v21  }
0x3c5: {  	p0 =	sne.s32 s7, $0x1F80;
	vm3 =	vgt.s32 v9, $0x14  }
.Ltmp10:
0x3c6: {  	vm7 =	vgt.s32 v9, $0x15;
	vm6 =	vgt.s32 v9, $0xF;
	v19 =	vmul.u32 $0x13, v12;
	(pc) =	sbr.rel @p0 .LBB2_22-.Ltmp10, $4  }
0x3c7: {  	vm4 =	vgt.s32 v9, $0x10;
	vm5 =	vgt.s32 v9, $0xE;
	v23 =	vmul.u32 $0x14, v12  }
0x3c8: {  	vm15 =	vmmov vm3;
	vm14 =	vmmov vm7;
	v19 =	vshra.s32 v19, $0x14  }
0x3c9: {  	[tilespmem:v20+s19+$0x0] =	vst.idx.msk vm8, v4;
	v20 =	vshra.s32 v23, $0x14;
	v15 =	vadd.s32 v10, v13;
	v13 =	vmul.u32 v11, v63  }
0x3ca: {  	s7 =	sadd.s32 $0x40, s7;
	v21 =	vmul.u32 $0x15, v12;
	[tilespmem:v14+s19+$0x0] =	vst.idx.msk vm11, v4;
	v14 =	vadd.s32 v61, v15;
	v15 =	vadd.s32 v10, v15  }
0x3cb: {  	v27 =	vld [tilespmem:$0x1FF50];
	_ =	sdelay $0x1  }
0x3cc: {  	v19 =	vmul.u32 v11, v19;
	v20 =	vmul.u32 v11, v20;
	v22 =	vmul.u32 $0x16, v12  }
0x3cd: {  	v23 =	vmul.u32 $0x17, v12;
	v24 =	vmul.u32 $0x18, v12;
	v25 =	vmul.u32 $0x19, v12  }
0x3ce: {  	v26 =	vmul.u32 $0x1A, v12;
	v12 =	vmul.u32 $0x1B, v12;
	vm10 =	vgt.s32 v9, $0x11  }
0x3cf: {  	vm1 =	vgt.s32 v9, $0x12;
	vm2 =	vgt.s32 v9, $0x13;
	vm0 =	vnez.u8 v27  }
0x3d0: {  	v13 =	vadd.s32 v13, v15;
	v15 =	vadd.s32 v10, v15;
	v21 =	vshra.s32 v21, $0x14  }
0x3d1: {  	v21 =	vmul.u32 v11, v21;
	v22 =	vshra.s32 v22, $0x14;
	v23 =	vshra.s32 v23, $0x14  }
0x3d2: {  	v24 =	vshra.s32 v24, $0x14;
	v25 =	vshra.s32 v25, $0x14;
	v59 =	vshra.s32 v26, $0x14  }
0x3d3: {  	v60 =	vadd.s32 v19, v15;
	v15 =	vadd.s32 v10, v15;
	v22 =	vmul.u32 v11, v22  }
0x3d4: {  	v23 =	vmul.u32 v11, v23;
	v24 =	vmul.u32 v11, v24;
	v25 =	vmul.u32 v11, v25  }
0x3d5: {  	v12 =	vshra.s32 v12, $0x14;
	v61 =	vadd.s32 v20, v15;
	v15 =	vadd.s32 v10, v15;
	[tilespmem:v17+s19+$0x0] =	vst.idx.msk vm0, v4  }
0x3d6: {  	v17 =	vmul.u32 v11, v59;
	v11 =	vmul.u32 v11, v12;
	[tilespmem:v18+s19+$0x0] =	vst.idx.msk vm5, v4  }
0x3d7: {  	v12 =	vadd.s32 v21, v15;
	v15 =	vadd.s32 v10, v15;
	[tilespmem:v16+s19+$0x0] =	vst.idx.msk vm6, v4  }
0x3d8: {  	vm3 =	vgt.s32 v9, $0x16;
	[tilespmem:v14+s19+$0x0] =	vst.idx.msk vm4, v4;
	v14 =	vadd.s32 v22, v15;
	v15 =	vadd.s32 v10, v15  }
0x3d9: {  	vm11 =	vgt.s32 v9, $0x17;
	[tilespmem:v13+s19+$0x0] =	vst.idx.msk vm10, v4;
	v13 =	vadd.s32 v23, v15;
	v15 =	vadd.s32 v10, v15  }
0x3da: {  	vm12 =	vgt.s32 v9, $0x18;
	[tilespmem:v60+s19+$0x0] =	vst.idx.msk vm1, v4;
	v62 =	vadd.s32 v24, v15;
	v15 =	vadd.s32 v10, v15  }
0x3db: {  	vm13 =	vgt.s32 v9, $0x19;
	[tilespmem:v61+s19+$0x0] =	vst.idx.msk vm2, v4;
	v63 =	vadd.s32 v25, v15;
	v15 =	vadd.s32 v10, v15  }
0x3dc: {  	[tilespmem:v12+s19+$0x0] =	vst.idx.msk vm15, v4;
	v12 =	vadd.s32 v17, v15;
	vm15 =	vgt.s32 v9, $0x1A;
	v9 =	vadd.s32 v10, v11  }
0x3dd: {  	[tilespmem:v14+s19+$0x0] =	vst.idx.msk vm14, v4;
	v9 =	vadd.s32 v15, v9  }
0x3de: {  	[tilespmem:v13+s19+$0x0] =	vst.idx.msk vm3, v4  }
0x3df: {  	[tilespmem:v62+s19+$0x0] =	vst.idx.msk vm11, v4  }
0x3e0: {  	[tilespmem:v63+s19+$0x0] =	vst.idx.msk vm12, v4  }
0x3e1: {  	[tilespmem:v12+s19+$0x0] =	vst.idx.msk vm13, v4  }
0x3e2: {  	s7 =	simm.s32 $0x0;
	[tilespmem:v9+s19+$0x0] =	vst.idx.msk vm15, v4  }
0x3e3: {  	v13 =	vld [tilespmem:s7+$0xA200]  }
0x3e4: {  	v15 =	vld [tilespmem:s7+$0x7100]  }
0x3e5: {  	v10 =	vld [tilespmem:s7+$0xA210]  }
0x3e6: {  	v11 =	vld [tilespmem:s7+$0x7110]  }
0x3e7: {  	[tilespmem:s7+$0xA200] =	vst v0;
	v9 =	vld [tilespmem:s7+$0xA220]  }
0x3e8: {  	[tilespmem:s7+$0xA210] =	vst v0;
	v12 =	vld [tilespmem:s7+$0x7120];
	v7 =	vadd.f32 v13, v7  }
0x3e9: {  	s17 =	simm.s32 $0x100;
	[tilespmem:s7+$0xA220] =	vst v0;
	v14 =	vmul.f32 v15, v13;
	v13 =	vadd.f32 v15, v6;
	v6 =	vld [tilespmem:s7+$0xA230]  }
.LBB2_24:
0x3ea: {  	s8 =	sshra.s32 s17, $0x2;
	p0 =	sne.s32 s17, $0xC300;
	s17 =	sadd.s32 $0x100, s17;
	v7 =	vadd.f32 v10, v7;
	v15 =	vld [tilespmem:s7+$0x7130]  }
0x3eb: {  	v16 =	vld [tilespmem:s8+$0xA200];
	v5 =	vadd.f32 v14, v5;
	v14 =	vmul.f32 v11, v10;
	v11 =	vadd.f32 v11, v13  }
0x3ec: {  	[tilespmem:s8+$0xA200] =	vst v0;
	v13 =	vld [tilespmem:s8+$0x7100];
	v7 =	vadd.f32 v9, v7  }
.Ltmp11:
0x3ed: {  	v10 =	vld [tilespmem:s8+$0xA210];
	v5 =	vadd.f32 v14, v5;
	v14 =	vmul.f32 v12, v9;
	v12 =	vadd.f32 v12, v11;
	(pc) =	sbr.rel @p0 .LBB2_24-.Ltmp11, $4  }
0x3ee: {  	[tilespmem:s8+$0xA210] =	vst v0;
	v11 =	vld [tilespmem:s8+$0x7110];
	v7 =	vadd.f32 v6, v7  }
0x3ef: {  	v9 =	vld [tilespmem:s8+$0xA220];
	v5 =	vadd.f32 v14, v5;
	[tilespmem:s7+$0xA230] =	vst v0;
	v17 =	vmul.f32 v15, v6;
	v6 =	vadd.f32 v15, v12;
	s7 =	smov.u32 s8  }
0x3f0: {  	v7 =	vadd.f32 v16, v7;
	[tilespmem:s7+$0xA220] =	vst v0;
	v12 =	vld [tilespmem:s7+$0x7120]  }
0x3f1: {  	v14 =	vmul.f32 v13, v16;
	v13 =	vadd.f32 v13, v6;
	v6 =	vld [tilespmem:s7+$0xA230];
	v5 =	vadd.f32 v17, v5  }
0x3f2: {  	v15 =	vld [tilespmem:s7+$0x7130];
	[tilespmem:s7+$0xA230] =	vst v0;
	s8 =	simm.s32 $0x0  }
0x3f3: {  	v16 =	vld [tilespmem:s8+$0x800]  }
0x3f4: {  	v17 =	vld [tilespmem:s8+$0x2800]  }
0x3f5: {  	v5 =	vadd.f32 v14, v5;
	v14 =	vmul.f32 v11, v10;
	v18 =	vld [tilespmem:s8+$0x1800]  }
0x3f6: {  	v7 =	vadd.f32 v10, v7;
	v11 =	vadd.f32 v11, v13;
	v19 =	vld [tilespmem:s8+$0x3800]  }
0x3f7: {  	v10 =	vld [tilespmem:s8+$0x810];
	v5 =	vadd.f32 v14, v5;
	v13 =	vmul.f32 v12, v9  }
0x3f8: {  	v7 =	vadd.f32 v9, v7;
	v12 =	vadd.f32 v12, v11;
	v11 =	vld [tilespmem:s8+$0x2810]  }
0x3f9: {  	v9 =	vld [tilespmem:s8+$0x1810];
	v14 =	vadd.f32 v13, v5;
	v20 =	vmul.f32 v15, v6;
	v16 =	vsub.f32 v16, v17  }
0x3fa: {  	s7 =	simm.s32 $0x20;
	v6 =	vadd.f32 v6, v7;
	v5 =	vadd.f32 v15, v12;
	v13 =	vld [tilespmem:s8+$0x3810]  }
0x3fb: {  	s17 =	simm.s32 $0x100;
	v12 =	vld [tilespmem:s7+$0x800];
	v7 =	vadd.f32 v20, v14;
	v14 =	vsub.f32 v18, v19;
	v15 =	vmul.f32 v16, v16  }
.LBB2_26:
0x3fc: {  	p0 =	sne.s32 s17, $0x1F80;
	v16 =	vld [tilespmem:s7+$0x2800]  }
0x3fd: {  	v17 =	vld [tilespmem:s7+$0x1800];
	v8 =	vadd.f32 v15, v8;
	v14 =	vmul.f32 v14, v14;
	v11 =	vsub.f32 v10, v11  }
0x3fe: {  	v15 =	vld [tilespmem:s7+$0x3800]  }
.Ltmp12:
0x3ff: {  	v10 =	vld [tilespmem:s7+$0x810];
	v8 =	vadd.f32 v14, v8;
	v13 =	vsub.f32 v9, v13;
	v14 =	vmul.f32 v11, v11;
	(pc) =	sbr.rel @p0 .LBB2_26-.Ltmp12, $4  }
0x400: {  	v11 =	vld [tilespmem:s7+$0x2810]  }
0x401: {  	v16 =	vsub.f32 v12, v16;
	v9 =	vld [tilespmem:s7+$0x1810];
	v8 =	vadd.f32 v14, v8;
	v18 =	vmul.f32 v13, v13  }
0x402: {  	v13 =	vld [tilespmem:s7+$0x3810];
	s7 =	sshra.s32 s17, $0x2  }
0x403: {  	s17 =	sadd.s32 $0x80, s17;
	v12 =	vld [tilespmem:s7+$0x800];
	v14 =	vsub.f32 v17, v15;
	v15 =	vmul.f32 v16, v16;
	v8 =	vadd.f32 v18, v8  }
0x404: {  	v16 =	vld [tilespmem:s7+$0x2800]  }
0x405: {  	v17 =	vld [tilespmem:s7+$0x1800];
	v8 =	vadd.f32 v15, v8;
	v14 =	vmul.f32 v14, v14;
	v10 =	vsub.f32 v10, v11  }
0x406: {  	v55 =	vld [tilespmem:s7+$0x3800]  }
0x407: {  	v56 =	vld [tilespmem:s7+$0x810];
	v8 =	vadd.f32 v14, v8;
	v9 =	vsub.f32 v9, v13;
	v10 =	vmul.f32 v10, v10  }
0x408: {  	v57 =	vld [tilespmem:s7+$0x2810]  }
0x409: {  	v58 =	vld [tilespmem:s7+$0x1810];
	v12 =	vsub.f32 v12, v16;
	v8 =	vadd.f32 v10, v8;
	v9 =	vmul.f32 v9, v9  }
0x40a: {  	v59 =	vld [tilespmem:s7+$0x3810]  }
0x40b: {  	v11 =	vsub.f32 v17, v55;
	v12 =	vmul.f32 v12, v12;
	v8 =	vadd.f32 v9, v8;
	_ =	sdelay $0x1  }
0x40c: {  	v61 =	vsub.f32 v56, v57;
	v60 =	vmul.f32 v11, v11;
	v8 =	vadd.f32 v12, v8;
	_ =	sdelay $0x1  }
0x40d: {  	v62 =	vsub.f32 v58, v59;
	v63 =	vmul.f32 v61, v61;
	v8 =	vadd.f32 v60, v8;
	_ =	sdelay $0x1  }
0x40e: {  	v9 =	vmul.f32 v62, v62;
	v8 =	vadd.f32 v63, v8  }
0x40f: {  	[tilespmem:$0xD300] =	vst v6  }
0x410: {  	[tilespmem:$0xD310] =	vst v7;
	s0 =	sadd.s32 $0x1, s0;
	v6 =	vadd.f32 v9, v8  }
0x411: {  	[tilespmem:$0xD320] =	vst v5;
	p0 =	sne.s32 s0, s25  }
.Ltmp13:
0x412: {  	s17 =	simm.s32 $0xD300;
	[tilespmem:$0xD330] =	vst v6;
	(pc) =	sbr.rel @p0 .LBB2_1-.Ltmp13, $4  }
0x413: {  	[hbm4b:s24+s22] =	stream.linear.scatter [tilespmem:s17], [sflag:$0x3], $0x80, $0x38;
	[tilespmem:$0xD400] =	vst v63  }
0x414: {  	_ =	swait.ge [sflag:s28], $0x80  }
0x415: {  	[sflag:s28] =	ssyncset.done $0x0  }
0x416: {  	[sflag:s28] =	ssyncadd.s32 $0xFFFFFF80  }
0x417: {  	_ =	sfence.sel $0x180000  }
0x418: {  	[bflag:$0x0] =	sbarrier.arrive $0xFFFF  }
0x419: {  	_ =	strace $0x90000047  }
0x41a: {  	s0 =	stileid.u32;
	[bflag:$0x2] =	sbarrier.arrive $0xFFFF  }
0x41b: {  	p0 =	sne.s32 s0, $0x0;
	s0 =	rddreg [dreg:$0x2]  }
0x41c: {  	s0 =	sadd.s32 @!p0 $0x100000, s0  }
0x41d: {  	[sflag:s0] =	ssyncadd.tile.s32 @!p0 $0x1;
	_ =	shalt  }
.Lfunc_end2:
_tile_overlayer_lowered:
.L_overlay_start_2:
0x41e: {  	(tag) =	ssettag $0x2  }
0x41f: {  	s0 =	rddreg [dreg:$0x0];
	s2 =	stileid.u32  }
0x420: {  	s1 =	rddreg [dreg:$0x1];
	p0 =	sne.s32 s2, $0x0  }
0x421: {  	s3 =	rddreg [dreg:$0x2];
	[bflag:$0x3] =	sbarrier.arrive $0xFFFF;
	s2 =	simm.s32 @!p0 $0x1C03  }
0x422: {  	[timem:s3], [sflag:s2] =	dma.local @!p0 [hbm:s0], s1  }
0x423: {  	s0 =	simm.s32 @!p0 $0x3  }
0x424: {  	_ =	swait.ge @!p0 [sflag:s0], s1  }
0x425: {  	s1 =	ssub.s32 @!p0 $0x0, s1;
	[sflag:s0] =	ssyncset.done @!p0 $0x0  }
0x426: {  	[sflag:s0] =	ssyncadd.s32 @!p0 s1  }
0x427: {  	[bflag:$0x3] =	sbarrier.arrive $0xFFFF  }
0x428: {  	_ =	shalt  }

</sc_bundles>
